<compile_context>
chip_gen: v7x
topology: tpu7x:2x2x1
jax: 0.10.2.dev20260603
libtpu: 0.0.44.dev20260713+nightly
codegen_flags: <defaults>
</compile_context>

<pallas_src>
import jax
import jax.numpy as jnp
from jax import lax
from jax.experimental import pallas as pl
from jax.experimental.pallas import tpu as pltpu
from jax.experimental.pallas import tpu_sc as plsc

ROWS = 4096
D_IN = 4096

NC = 2
NS = 16
BLK = 256
NBLK_PER_SC = D_IN // NC // BLK
BLK_FLOATS = BLK * ROWS
TILE_SLICE = BLK_FLOATS // NS
ZCHUNK = 16384
DUMP = 2048
ROWLEN = 128


def _build_scatter(ch_per_tile):
    nrows = ch_per_tile // ROWLEN

    def body(gflat_hbm, val_hbm, wt_hbm,
             gflat_v, val_v, fidx_v, mval_v,
             zeros_v, flush_v, shared_v, sem):
        c = lax.axis_index("c")
        s = lax.axis_index("s")
        pltpu.sync_copy(gflat_hbm.at[s], gflat_v)
        pltpu.sync_copy(val_hbm.at[s], val_v)

        def zinit(i, carry):
            zeros_v[pl.ds(i * 16, 16)] = jnp.zeros((16,), jnp.float32)
            return carry
        lax.fori_loop(0, ZCHUNK // 16, zinit, 0)

        for b in range(NBLK_PER_SC):
            gblk = c * NBLK_PER_SC + b
            lo = gblk * BLK_FLOATS
            for z in range(TILE_SLICE // ZCHUNK):
                pltpu.sync_copy(
                    zeros_v,
                    shared_v.at[pl.ds(s * TILE_SLICE + z * ZCHUNK, ZCHUNK)])
            plsc.subcore_barrier()

            def row_loop(j, carry):
                dbase = BLK_FLOATS + ((j * ROWLEN) & (DUMP - 1))
                for u in range(ROWLEN // 16):
                    col = pl.ds(u * 16, 16)
                    rel = gflat_v[j, col] - lo
                    inb = (rel >= 0) & (rel < BLK_FLOATS)
                    dump = dbase + u * 16 + lax.iota(jnp.int32, 16)
                    fidx_v[j, col] = jnp.where(inb, rel, dump)
                    mval_v[j, col] = jnp.where(inb, val_v[j, col], 0.0)
                pltpu.async_copy(mval_v.at[j], shared_v.at[fidx_v.at[j]],
                                 sem, add=True)
                return carry
            lax.fori_loop(0, nrows, row_loop, 0)
            pltpu.make_async_copy(val_hbm.at[s], mval_v, sem).wait()
            pltpu.sync_copy(shared_v.at[fidx_v.at[nrows - 1]], flush_v)
            pltpu.sync_copy(shared_v.at[fidx_v.at[nrows - 2]], flush_v)
            pltpu.sync_copy(shared_v.at[fidx_v.at[nrows - 3]], flush_v)
            plsc.subcore_barrier()
            pltpu.sync_copy(
                shared_v.at[pl.ds(s * TILE_SLICE, TILE_SLICE)],
                wt_hbm.at[pl.ds(gblk * BLK_FLOATS + s * TILE_SLICE,
                                TILE_SLICE)])
            plsc.subcore_barrier()

    return pl.kernel(
        body,
        out_type=jax.ShapeDtypeStruct((D_IN * ROWS,), jnp.float32),
        mesh=plsc.VectorSubcoreMesh(core_axis_name="c", subcore_axis_name="s"),
        scratch_types=[
            pltpu.VMEM((nrows, ROWLEN), jnp.int32),
            pltpu.VMEM((nrows, ROWLEN), jnp.float32),
            pltpu.VMEM((nrows, ROWLEN), jnp.int32),
            pltpu.VMEM((nrows, ROWLEN), jnp.float32),
            pltpu.VMEM((ZCHUNK,), jnp.float32),
            pltpu.VMEM((ROWLEN,), jnp.float32),
            pltpu.VMEM_SHARED((BLK_FLOATS + DUMP,), jnp.float32),
            pltpu.SemaphoreType.DMA,
        ],
    )


def _mm_body(x_ref, w_ref, o_ref):
    j = pl.program_id(0)

    @pl.when(j < 8)
    def _copy():
        o_ref[...] = x_ref[:, pl.ds(j * 512, 512)]

    @pl.when(j >= 8)
    def _mm():
        o_ref[...] = jnp.maximum(
            jnp.dot(x_ref[...], w_ref[...],
                    preferred_element_type=jnp.float32),
            0.0)


def _matmul_relu_concat(x, wt):
    batch = x.shape[0]
    bn = 512
    return pl.pallas_call(
        _mm_body,
        grid=(16,),
        in_specs=[
            pl.BlockSpec((batch, D_IN), lambda j: (0, 0)),
            pl.BlockSpec((D_IN, bn), lambda j: (0, jnp.maximum(j - 8, 0))),
        ],
        out_specs=pl.BlockSpec((batch, bn), lambda j: (0, j)),
        out_shape=jax.ShapeDtypeStruct((batch, 2 * ROWS), jnp.float32),
    )(x, wt)


def kernel(input, weight_indices, weight_values):
    child = weight_indices[0].astype(jnp.int32)
    parent = weight_indices[1].astype(jnp.int32)
    vals = weight_values.astype(jnp.float32)
    nnz = vals.shape[0]

    ch_per_tile = -(-nnz // NS)
    ch_per_tile = -(-ch_per_tile // ROWLEN) * ROWLEN
    pad = ch_per_tile * NS - nnz
    nrows = ch_per_tile // ROWLEN
    shape3 = (NS, nrows, ROWLEN)
    gflat = parent * ROWS + child
    gflat = jnp.concatenate([gflat, jnp.zeros((pad,), jnp.int32)]).reshape(shape3)
    vals = jnp.concatenate([vals, jnp.zeros((pad,), jnp.float32)]).reshape(shape3)

    wt_flat = _build_scatter(ch_per_tile)(gflat, vals)
    wt = wt_flat.reshape(D_IN, ROWS)
    return _matmul_relu_concat(input, wt)

# --- scband reference (transcript-rebuilt; emitter-appended) ---
"""Pipeline reference for scband-embed-linear-59004260712485 (READ-ONLY COPY).

The authoritative reference and input builder live on the scoring server;
editing this copy changes nothing except your own understanding.
"""

import jax, jax.numpy as jnp
import numpy as np

ROWS = 4096   # weight_size[0] after `replace` has been called ROWS times
D_IN = 4096   # weight_size constructor arg
NNZ = 167772  # number of edges added (density ~= 0.01)
BATCH = 1024


def setup_inputs(seed: int = 0) -> dict:
    key = jax.random.key(seed)
    k_in, k_child, k_parent, k_val = jax.random.split(key, 4)
    inp = jax.random.normal(k_in, (BATCH, D_IN), dtype=jnp.float32)
    child = jax.random.randint(k_child, (NNZ,), 0, ROWS, dtype=jnp.int64)
    parent = jax.random.randint(k_parent, (NNZ,), 0, D_IN, dtype=jnp.int64)
    weight_indices = jnp.stack([child, parent], axis=0)
    weight_values = jax.random.normal(k_val, (NNZ,), dtype=jnp.float32)
    return {"input": inp, "weight_indices": weight_indices, "weight_values": weight_values}


def reference(input, weight_indices, weight_values):
    # EmbedLinear.forward:
    #   W_sparse = sparse_coo_tensor(weight_indices, weight_values, [ROWS, D_IN])
    #   out = torch.sparse.mm(W_sparse, input.t()).t()   == input @ W.T
    #   return cat([input, relu(out)], dim=1)
    # Duplicate (child, parent) indices in a COO tensor are summed on coalesce,
    # which scatter-add reproduces exactly.
    child = weight_indices[0]
    parent = weight_indices[1]
    W = jnp.zeros((ROWS, input.shape[1]), dtype=input.dtype).at[child, parent].add(weight_values)
    out = input @ W.T  # [BATCH, ROWS]
    return jnp.concatenate([input, jax.nn.relu(out)], axis=1)

if __name__ == "__main__":
    import jax
    _d = setup_inputs()
    print(jax.jit(kernel)(*tuple(_d.values())))

</pallas_src>

<mosaic_0001>
#map = affine_map<(d0, d1) -> (0, 0, 0)>
#map1 = affine_map<(d0, d1) -> (0)>
module attributes {stable_mosaic.version = 14 : i64} {
  func.func @body(%arg0: i32, %arg1: i32, %arg2: memref<16x82x128xi32, #tpu.memory_space<hbm>>, %arg3: memref<16x82x128xf32, #tpu.memory_space<hbm>>, %arg4: memref<16777216xf32, #tpu.memory_space<hbm>>, %arg5: memref<82x128xi32, #tpu.memory_space<vmem>>, %arg6: memref<82x128xf32, #tpu.memory_space<vmem>>, %arg7: memref<82x128xi32, #tpu.memory_space<vmem>>, %arg8: memref<82x128xf32, #tpu.memory_space<vmem>>, %arg9: memref<16384xf32, #tpu.memory_space<vmem>>, %arg10: memref<128xf32, #tpu.memory_space<vmem>>, %arg11: memref<1050624xf32, #tpu.memory_space<vmem_shared>>, %arg12: memref<!tpu.dma_semaphore, #tpu.memory_space<semaphore_mem>>) attributes {dimension_semantics = [#tpu.dimension_semantics<core_parallel>, #tpu.dimension_semantics<subcore_parallel>], iteration_bounds = array<i64: 2, 16>, scalar_prefetch = 0 : i64, scratch_operands = 8 : i64, tpu.core_type = #tpu.core_type<sc_vector_subcore>, window_params = [{transform_indices = #map}, {transform_indices = #map}, {transform_indices = #map1}]} {
    "tpu.region"() ({
      %run_scoped3A_392 = tpu.sem_alloc : memref<!tpu.dma_semaphore, #tpu.memory_space<semaphore_mem>>
      %dma_start3A = arith.constant 0 : i32
      %dma_start3A_393 = arith.constant 0 : i32
      %dma_start3A_394 = tpu.memref_slice %arg2[%arg1, %dma_start3A, %dma_start3A_393] : memref<16x82x128xi32, #tpu.memory_space<hbm>> -> memref<1x82x128xi32, #tpu.memory_space<hbm>>
      %dma_start3A_395 = tpu.memref_squeeze %dma_start3A_394 : memref<1x82x128xi32, #tpu.memory_space<hbm>> -> memref<82x128xi32, #tpu.memory_space<hbm>>
      %dma_start3A_396 = arith.constant 0 : i32
      %dma_start3A_397 = arith.constant 0 : i32
      %dma_start3A_398 = tpu.memref_slice %arg2[%arg1, %dma_start3A_396, %dma_start3A_397] : memref<16x82x128xi32, #tpu.memory_space<hbm>> -> memref<1x82x128xi32, #tpu.memory_space<hbm>>
      %dma_start3A_399 = tpu.memref_squeeze %dma_start3A_398 : memref<1x82x128xi32, #tpu.memory_space<hbm>> -> memref<82x128xi32, #tpu.memory_space<hbm>>
      tpu.enqueue_dma source(%dma_start3A_399 : memref<82x128xi32, #tpu.memory_space<hbm>>) target(%arg5 : memref<82x128xi32, #tpu.memory_space<vmem>>) target_semaphore(%run_scoped3A_392 : memref<!tpu.dma_semaphore, #tpu.memory_space<semaphore_mem>>)
      %dma_wait3A_400 = arith.constant 0 : i32
      %dma_wait3A_401 = arith.constant 0 : i32
      %dma_wait3A_402 = tpu.memref_slice %arg2[%arg1, %dma_wait3A_400, %dma_wait3A_401] : memref<16x82x128xi32, #tpu.memory_space<hbm>> -> memref<1x82x128xi32, #tpu.memory_space<hbm>>
      %dma_wait3A_403 = tpu.memref_squeeze %dma_wait3A_402 : memref<1x82x128xi32, #tpu.memory_space<hbm>> -> memref<82x128xi32, #tpu.memory_space<hbm>>
      %dma_wait3A_404 = arith.constant 0 : i32
      %dma_wait3A_405 = arith.constant 0 : i32
      %dma_wait3A_406 = tpu.memref_slice %arg2[%arg1, %dma_wait3A_404, %dma_wait3A_405] : memref<16x82x128xi32, #tpu.memory_space<hbm>> -> memref<1x82x128xi32, #tpu.memory_space<hbm>>
      %dma_wait3A_407 = tpu.memref_squeeze %dma_wait3A_406 : memref<1x82x128xi32, #tpu.memory_space<hbm>> -> memref<82x128xi32, #tpu.memory_space<hbm>>
      tpu.wait_dma2 semaphore(%run_scoped3A_392 : memref<!tpu.dma_semaphore, #tpu.memory_space<semaphore_mem>>) src(%dma_wait3A_407 : memref<82x128xi32, #tpu.memory_space<hbm>>) dst(%arg5 : memref<82x128xi32, #tpu.memory_space<vmem>>)
      tpu.yield
    }) : () -> ()
    "tpu.region"() ({
      %run_scoped3A_392 = tpu.sem_alloc : memref<!tpu.dma_semaphore, #tpu.memory_space<semaphore_mem>>
      %dma_start3A = arith.constant 0 : i32
      %dma_start3A_393 = arith.constant 0 : i32
      %dma_start3A_394 = tpu.memref_slice %arg3[%arg1, %dma_start3A, %dma_start3A_393] : memref<16x82x128xf32, #tpu.memory_space<hbm>> -> memref<1x82x128xf32, #tpu.memory_space<hbm>>
      %dma_start3A_395 = tpu.memref_squeeze %dma_start3A_394 : memref<1x82x128xf32, #tpu.memory_space<hbm>> -> memref<82x128xf32, #tpu.memory_space<hbm>>
      %dma_start3A_396 = arith.constant 0 : i32
      %dma_start3A_397 = arith.constant 0 : i32
      %dma_start3A_398 = tpu.memref_slice %arg3[%arg1, %dma_start3A_396, %dma_start3A_397] : memref<16x82x128xf32, #tpu.memory_space<hbm>> -> memref<1x82x128xf32, #tpu.memory_space<hbm>>
      %dma_start3A_399 = tpu.memref_squeeze %dma_start3A_398 : memref<1x82x128xf32, #tpu.memory_space<hbm>> -> memref<82x128xf32, #tpu.memory_space<hbm>>
      tpu.enqueue_dma source(%dma_start3A_399 : memref<82x128xf32, #tpu.memory_space<hbm>>) target(%arg6 : memref<82x128xf32, #tpu.memory_space<vmem>>) target_semaphore(%run_scoped3A_392 : memref<!tpu.dma_semaphore, #tpu.memory_space<semaphore_mem>>)
      %dma_wait3A_400 = arith.constant 0 : i32
      %dma_wait3A_401 = arith.constant 0 : i32
      %dma_wait3A_402 = tpu.memref_slice %arg3[%arg1, %dma_wait3A_400, %dma_wait3A_401] : memref<16x82x128xf32, #tpu.memory_space<hbm>> -> memref<1x82x128xf32, #tpu.memory_space<hbm>>
      %dma_wait3A_403 = tpu.memref_squeeze %dma_wait3A_402 : memref<1x82x128xf32, #tpu.memory_space<hbm>> -> memref<82x128xf32, #tpu.memory_space<hbm>>
      %dma_wait3A_404 = arith.constant 0 : i32
      %dma_wait3A_405 = arith.constant 0 : i32
      %dma_wait3A_406 = tpu.memref_slice %arg3[%arg1, %dma_wait3A_404, %dma_wait3A_405] : memref<16x82x128xf32, #tpu.memory_space<hbm>> -> memref<1x82x128xf32, #tpu.memory_space<hbm>>
      %dma_wait3A_407 = tpu.memref_squeeze %dma_wait3A_406 : memref<1x82x128xf32, #tpu.memory_space<hbm>> -> memref<82x128xf32, #tpu.memory_space<hbm>>
      tpu.wait_dma2 semaphore(%run_scoped3A_392 : memref<!tpu.dma_semaphore, #tpu.memory_space<semaphore_mem>>) src(%dma_wait3A_407 : memref<82x128xf32, #tpu.memory_space<hbm>>) dst(%arg6 : memref<82x128xf32, #tpu.memory_space<vmem>>)
      tpu.yield
    }) : () -> ()
    %scan3A = arith.constant 0 : i32
    %scan3A_0 = arith.constant 0 : i32
    %scan3A_1 = arith.constant 1024 : i32
    %scan3A_2 = arith.addi %scan3A_0, %scan3A_1 : i32
    %scan3A_3 = arith.constant 1 : i32
    scf.for %scan3A_392 = %scan3A_0 to %scan3A_2 step %scan3A_3  : i32 {
      %broadcast_in_dim3A = arith.constant 0.000000e+00 : f32
      %broadcast_in_dim3A_393 = vector.broadcast %broadcast_in_dim3A : f32 to vector<16xf32>
      %mul3A_394 = arith.constant 16 : i32
      %mul3A_395 = arith.muli %scan3A_392, %mul3A_394 : i32
      %swap3A = arith.index_cast %mul3A_395 : i32 to index
      %swap3A_396 = tpu.vector_load %arg9[%swap3A] {strides = array<i32>} : memref<16384xf32, #tpu.memory_space<vmem>>, vector<16xf32>,
      %swap3A_397 = vector.shape_cast %swap3A_396 : vector<16xf32> to vector<16xf32>
      %swap3A_398 = vector.shape_cast %broadcast_in_dim3A_393 : vector<16xf32> to vector<16xf32>
      tpu.vector_store %arg9[%swap3A], %swap3A_398 {strides = array<i32>} : memref<16384xf32, #tpu.memory_space<vmem>>, vector<16xf32>,
    }
    %scan3A_4 = arith.constant 1024 : i32
    %mul3A = arith.constant 8 : i32
    %mul3A_5 = arith.muli %arg0, %mul3A : i32
    %add3A = arith.constant 0 : i32
    %add3A_6 = arith.addi %mul3A_5, %add3A : i32
    %mul3A_7 = arith.constant 1048576 : i32
    %mul3A_8 = arith.muli %add3A_6, %mul3A_7 : i32
    %mul3A_9 = arith.constant 65536 : i32
    %mul3A_10 = arith.muli %arg1, %mul3A_9 : i32
    %add3A_11 = arith.constant 0 : i32
    %add3A_12 = arith.addi %mul3A_10, %add3A_11 : i32
    "tpu.region"() ({
      %run_scoped3A_392 = tpu.sem_alloc : memref<!tpu.dma_semaphore, #tpu.memory_space<semaphore_mem>>
      %dma_start3A = tpu.memref_slice %arg11[%add3A_12] : memref<1050624xf32, #tpu.memory_space<vmem_shared>> -> memref<16384xf32, #tpu.memory_space<vmem_shared>>
      %dma_start3A_393 = tpu.memref_slice %arg11[%add3A_12] : memref<1050624xf32, #tpu.memory_space<vmem_shared>> -> memref<16384xf32, #tpu.memory_space<vmem_shared>>
      tpu.enqueue_dma source(%arg9 : memref<16384xf32, #tpu.memory_space<vmem>>) target(%dma_start3A_393 : memref<16384xf32, #tpu.memory_space<vmem_shared>>) target_semaphore(%run_scoped3A_392 : memref<!tpu.dma_semaphore, #tpu.memory_space<semaphore_mem>>)
      %dma_wait3A_394 = tpu.memref_slice %arg11[%add3A_12] : memref<1050624xf32, #tpu.memory_space<vmem_shared>> -> memref<16384xf32, #tpu.memory_space<vmem_shared>>
      %dma_wait3A_395 = tpu.memref_slice %arg11[%add3A_12] : memref<1050624xf32, #tpu.memory_space<vmem_shared>> -> memref<16384xf32, #tpu.memory_space<vmem_shared>>
      tpu.wait_dma2 semaphore(%run_scoped3A_392 : memref<!tpu.dma_semaphore, #tpu.memory_space<semaphore_mem>>) src(%arg9 : memref<16384xf32, #tpu.memory_space<vmem>>) dst(%dma_wait3A_395 : memref<16384xf32, #tpu.memory_space<vmem_shared>>)
      tpu.yield
    }) : () -> ()
    %mul3A_13 = arith.constant 65536 : i32
    %mul3A_14 = arith.muli %arg1, %mul3A_13 : i32
    %add3A_15 = arith.constant 16384 : i32
    %add3A_16 = arith.addi %mul3A_14, %add3A_15 : i32
    "tpu.region"() ({
      %run_scoped3A_392 = tpu.sem_alloc : memref<!tpu.dma_semaphore, #tpu.memory_space<semaphore_mem>>
      %dma_start3A = tpu.memref_slice %arg11[%add3A_16] : memref<1050624xf32, #tpu.memory_space<vmem_shared>> -> memref<16384xf32, #tpu.memory_space<vmem_shared>>
      %dma_start3A_393 = tpu.memref_slice %arg11[%add3A_16] : memref<1050624xf32, #tpu.memory_space<vmem_shared>> -> memref<16384xf32, #tpu.memory_space<vmem_shared>>
      tpu.enqueue_dma source(%arg9 : memref<16384xf32, #tpu.memory_space<vmem>>) target(%dma_start3A_393 : memref<16384xf32, #tpu.memory_space<vmem_shared>>) target_semaphore(%run_scoped3A_392 : memref<!tpu.dma_semaphore, #tpu.memory_space<semaphore_mem>>)
      %dma_wait3A_394 = tpu.memref_slice %arg11[%add3A_16] : memref<1050624xf32, #tpu.memory_space<vmem_shared>> -> memref<16384xf32, #tpu.memory_space<vmem_shared>>
      %dma_wait3A_395 = tpu.memref_slice %arg11[%add3A_16] : memref<1050624xf32, #tpu.memory_space<vmem_shared>> -> memref<16384xf32, #tpu.memory_space<vmem_shared>>
      tpu.wait_dma2 semaphore(%run_scoped3A_392 : memref<!tpu.dma_semaphore, #tpu.memory_space<semaphore_mem>>) src(%arg9 : memref<16384xf32, #tpu.memory_space<vmem>>) dst(%dma_wait3A_395 : memref<16384xf32, #tpu.memory_space<vmem_shared>>)
      tpu.yield
    }) : () -> ()
    %mul3A_17 = arith.constant 65536 : i32
    %mul3A_18 = arith.muli %arg1, %mul3A_17 : i32
    %add3A_19 = arith.constant 32768 : i32
    %add3A_20 = arith.addi %mul3A_18, %add3A_19 : i32
    "tpu.region"() ({
      %run_scoped3A_392 = tpu.sem_alloc : memref<!tpu.dma_semaphore, #tpu.memory_space<semaphore_mem>>
      %dma_start3A = tpu.memref_slice %arg11[%add3A_20] : memref<1050624xf32, #tpu.memory_space<vmem_shared>> -> memref<16384xf32, #tpu.memory_space<vmem_shared>>
      %dma_start3A_393 = tpu.memref_slice %arg11[%add3A_20] : memref<1050624xf32, #tpu.memory_space<vmem_shared>> -> memref<16384xf32, #tpu.memory_space<vmem_shared>>
      tpu.enqueue_dma source(%arg9 : memref<16384xf32, #tpu.memory_space<vmem>>) target(%dma_start3A_393 : memref<16384xf32, #tpu.memory_space<vmem_shared>>) target_semaphore(%run_scoped3A_392 : memref<!tpu.dma_semaphore, #tpu.memory_space<semaphore_mem>>)
      %dma_wait3A_394 = tpu.memref_slice %arg11[%add3A_20] : memref<1050624xf32, #tpu.memory_space<vmem_shared>> -> memref<16384xf32, #tpu.memory_space<vmem_shared>>
      %dma_wait3A_395 = tpu.memref_slice %arg11[%add3A_20] : memref<1050624xf32, #tpu.memory_space<vmem_shared>> -> memref<16384xf32, #tpu.memory_space<vmem_shared>>
      tpu.wait_dma2 semaphore(%run_scoped3A_392 : memref<!tpu.dma_semaphore, #tpu.memory_space<semaphore_mem>>) src(%arg9 : memref<16384xf32, #tpu.memory_space<vmem>>) dst(%dma_wait3A_395 : memref<16384xf32, #tpu.memory_space<vmem_shared>>)
      tpu.yield
    }) : () -> ()
    %mul3A_21 = arith.constant 65536 : i32
    %mul3A_22 = arith.muli %arg1, %mul3A_21 : i32
    %add3A_23 = arith.constant 49152 : i32
    %add3A_24 = arith.addi %mul3A_22, %add3A_23 : i32
    "tpu.region"() ({
      %run_scoped3A_392 = tpu.sem_alloc : memref<!tpu.dma_semaphore, #tpu.memory_space<semaphore_mem>>
      %dma_start3A = tpu.memref_slice %arg11[%add3A_24] : memref<1050624xf32, #tpu.memory_space<vmem_shared>> -> memref<16384xf32, #tpu.memory_space<vmem_shared>>
      %dma_start3A_393 = tpu.memref_slice %arg11[%add3A_24] : memref<1050624xf32, #tpu.memory_space<vmem_shared>> -> memref<16384xf32, #tpu.memory_space<vmem_shared>>
      tpu.enqueue_dma source(%arg9 : memref<16384xf32, #tpu.memory_space<vmem>>) target(%dma_start3A_393 : memref<16384xf32, #tpu.memory_space<vmem_shared>>) target_semaphore(%run_scoped3A_392 : memref<!tpu.dma_semaphore, #tpu.memory_space<semaphore_mem>>)
      %dma_wait3A_394 = tpu.memref_slice %arg11[%add3A_24] : memref<1050624xf32, #tpu.memory_space<vmem_shared>> -> memref<16384xf32, #tpu.memory_space<vmem_shared>>
      %dma_wait3A_395 = tpu.memref_slice %arg11[%add3A_24] : memref<1050624xf32, #tpu.memory_space<vmem_shared>> -> memref<16384xf32, #tpu.memory_space<vmem_shared>>
      tpu.wait_dma2 semaphore(%run_scoped3A_392 : memref<!tpu.dma_semaphore, #tpu.memory_space<semaphore_mem>>) src(%arg9 : memref<16384xf32, #tpu.memory_space<vmem>>) dst(%dma_wait3A_395 : memref<16384xf32, #tpu.memory_space<vmem_shared>>)
      tpu.yield
    }) : () -> ()
    %barrier3A = arith.constant 0 : index
    tpu.barrier barrier_id(%barrier3A)
    %scan3A_25 = arith.constant 0 : i32
    %scan3A_26 = arith.constant 0 : i32
    %scan3A_27 = arith.constant 82 : i32
    %scan3A_28 = arith.addi %scan3A_26, %scan3A_27 : i32
    %scan3A_29 = arith.constant 1 : i32
    scf.for %scan3A_392 = %scan3A_26 to %scan3A_28 step %scan3A_29  : i32 {
      %mul3A_393 = arith.constant 128 : i32
      %mul3A_394 = arith.muli %scan3A_392, %mul3A_393 : i32
      %and3A = arith.constant 2047 : i32
      %and3A_395 = arith.andi %mul3A_394, %and3A : i32
      %add3A_396 = arith.constant 1048576 : i32
      %add3A_397 = arith.addi %add3A_396, %and3A_395 : i32
      %get3A = arith.index_cast %scan3A_392 : i32 to index
      %get3A_398 = arith.constant 0 : index
      %get3A_399 = tpu.vector_load %arg5[%get3A, %get3A_398] {strides = array<i32>} : memref<82x128xi32, #tpu.memory_space<vmem>>, vector<1x16xi32>,
      %get3A_400 = vector.shape_cast %get3A_399 : vector<1x16xi32> to vector<16xi32>
      %sub3A = vector.broadcast %mul3A_8 : i32 to vector<16xi32>
      %sub3A_401 = arith.subi %get3A_400, %sub3A : vector<16xi32>
      %ge3A = arith.constant 0 : i32
      %ge3A_402 = vector.broadcast %ge3A : i32 to vector<16xi32>
      %ge3A_403 = arith.cmpi sge, %sub3A_401, %ge3A_402 : vector<16xi32>
      %lt3A = arith.constant 1048576 : i32
      %lt3A_404 = vector.broadcast %lt3A : i32 to vector<16xi32>
      %lt3A_405 = arith.cmpi slt, %sub3A_401, %lt3A_404 : vector<16xi32>
      %and3A_406 = arith.andi %ge3A_403, %lt3A_405 : vector<16xi1>
      %add3A_407 = arith.constant 0 : i32
      %add3A_408 = arith.addi %add3A_397, %add3A_407 : i32
      %iota3A = tpu.iota {dimensions = array<i32: 0>} : vector<16xi32>
      %add3A_409 = vector.broadcast %add3A_408 : i32 to vector<16xi32>
      %add3A_410 = arith.addi %add3A_409, %iota3A : vector<16xi32>
      %select_n3A = arith.select %and3A_406, %sub3A_401, %add3A_410 : vector<16xi1>, vector<16xi32>
      %swap3A = arith.index_cast %scan3A_392 : i32 to index
      %swap3A_411 = arith.constant 0 : index
      %swap3A_412 = tpu.vector_load %arg7[%swap3A, %swap3A_411] {strides = array<i32>} : memref<82x128xi32, #tpu.memory_space<vmem>>, vector<1x16xi32>,
      %swap3A_413 = vector.shape_cast %swap3A_412 : vector<1x16xi32> to vector<16xi32>
      %swap3A_414 = vector.shape_cast %select_n3A : vector<16xi32> to vector<1x16xi32>
      tpu.vector_store %arg7[%swap3A, %swap3A_411], %swap3A_414 {strides = array<i32>} : memref<82x128xi32, #tpu.memory_space<vmem>>, vector<1x16xi32>,
      %get3A_415 = arith.index_cast %scan3A_392 : i32 to index
      %get3A_416 = arith.constant 0 : index
      %get3A_417 = tpu.vector_load %arg6[%get3A_415, %get3A_416] {strides = array<i32>} : memref<82x128xf32, #tpu.memory_space<vmem>>, vector<1x16xf32>,
      %get3A_418 = vector.shape_cast %get3A_417 : vector<1x16xf32> to vector<16xf32>
      %jit3A = arith.constant 0.000000e+00 : f32
      %broadcast_in_dim3A = vector.broadcast %jit3A : f32 to vector<16xf32>
      %select_n3A_419 = arith.select %and3A_406, %get3A_418, %broadcast_in_dim3A : vector<16xi1>, vector<16xf32>
      %swap3A_420 = arith.index_cast %scan3A_392 : i32 to index
      %swap3A_421 = arith.constant 0 : index
      %swap3A_422 = tpu.vector_load %arg8[%swap3A_420, %swap3A_421] {strides = array<i32>} : memref<82x128xf32, #tpu.memory_space<vmem>>, vector<1x16xf32>,
      %swap3A_423 = vector.shape_cast %swap3A_422 : vector<1x16xf32> to vector<16xf32>
      %swap3A_424 = vector.shape_cast %select_n3A_419 : vector<16xf32> to vector<1x16xf32>
      tpu.vector_store %arg8[%swap3A_420, %swap3A_421], %swap3A_424 {strides = array<i32>} : memref<82x128xf32, #tpu.memory_space<vmem>>, vector<1x16xf32>,
      %get3A_425 = arith.index_cast %scan3A_392 : i32 to index
      %get3A_426 = arith.constant 16 : index
      %get3A_427 = tpu.vector_load %arg5[%get3A_425, %get3A_426] {strides = array<i32>} : memref<82x128xi32, #tpu.memory_space<vmem>>, vector<1x16xi32>,
      %get3A_428 = vector.shape_cast %get3A_427 : vector<1x16xi32> to vector<16xi32>
      %sub3A_429 = vector.broadcast %mul3A_8 : i32 to vector<16xi32>
      %sub3A_430 = arith.subi %get3A_428, %sub3A_429 : vector<16xi32>
      %ge3A_431 = arith.constant 0 : i32
      %ge3A_432 = vector.broadcast %ge3A_431 : i32 to vector<16xi32>
      %ge3A_433 = arith.cmpi sge, %sub3A_430, %ge3A_432 : vector<16xi32>
      %lt3A_434 = arith.constant 1048576 : i32
      %lt3A_435 = vector.broadcast %lt3A_434 : i32 to vector<16xi32>
      %lt3A_436 = arith.cmpi slt, %sub3A_430, %lt3A_435 : vector<16xi32>
      %and3A_437 = arith.andi %ge3A_433, %lt3A_436 : vector<16xi1>
      %add3A_438 = arith.constant 16 : i32
      %add3A_439 = arith.addi %add3A_397, %add3A_438 : i32
      %iota3A_440 = tpu.iota {dimensions = array<i32: 0>} : vector<16xi32>
      %add3A_441 = vector.broadcast %add3A_439 : i32 to vector<16xi32>
      %add3A_442 = arith.addi %add3A_441, %iota3A_440 : vector<16xi32>
      %select_n3A_443 = arith.select %and3A_437, %sub3A_430, %add3A_442 : vector<16xi1>, vector<16xi32>
      %swap3A_444 = arith.index_cast %scan3A_392 : i32 to index
      %swap3A_445 = arith.constant 16 : index
      %swap3A_446 = tpu.vector_load %arg7[%swap3A_444, %swap3A_445] {strides = array<i32>} : memref<82x128xi32, #tpu.memory_space<vmem>>, vector<1x16xi32>,
      %swap3A_447 = vector.shape_cast %swap3A_446 : vector<1x16xi32> to vector<16xi32>
      %swap3A_448 = vector.shape_cast %select_n3A_443 : vector<16xi32> to vector<1x16xi32>
      tpu.vector_store %arg7[%swap3A_444, %swap3A_445], %swap3A_448 {strides = array<i32>} : memref<82x128xi32, #tpu.memory_space<vmem>>, vector<1x16xi32>,
      %get3A_449 = arith.index_cast %scan3A_392 : i32 to index
      %get3A_450 = arith.constant 16 : index
      %get3A_451 = tpu.vector_load %arg6[%get3A_449, %get3A_450] {strides = array<i32>} : memref<82x128xf32, #tpu.memory_space<vmem>>, vector<1x16xf32>,
      %get3A_452 = vector.shape_cast %get3A_451 : vector<1x16xf32> to vector<16xf32>
      %jit3A_453 = arith.constant 0.000000e+00 : f32
      %broadcast_in_dim3A_454 = vector.broadcast %jit3A_453 : f32 to vector<16xf32>
      %select_n3A_455 = arith.select %and3A_437, %get3A_452, %broadcast_in_dim3A_454 : vector<16xi1>, vector<16xf32>
      %swap3A_456 = arith.index_cast %scan3A_392 : i32 to index
      %swap3A_457 = arith.constant 16 : index
      %swap3A_458 = tpu.vector_load %arg8[%swap3A_456, %swap3A_457] {strides = array<i32>} : memref<82x128xf32, #tpu.memory_space<vmem>>, vector<1x16xf32>,
      %swap3A_459 = vector.shape_cast %swap3A_458 : vector<1x16xf32> to vector<16xf32>
      %swap3A_460 = vector.shape_cast %select_n3A_455 : vector<16xf32> to vector<1x16xf32>
      tpu.vector_store %arg8[%swap3A_456, %swap3A_457], %swap3A_460 {strides = array<i32>} : memref<82x128xf32, #tpu.memory_space<vmem>>, vector<1x16xf32>,
      %get3A_461 = arith.index_cast %scan3A_392 : i32 to index
      %get3A_462 = arith.constant 32 : index
      %get3A_463 = tpu.vector_load %arg5[%get3A_461, %get3A_462] {strides = array<i32>} : memref<82x128xi32, #tpu.memory_space<vmem>>, vector<1x16xi32>,
      %get3A_464 = vector.shape_cast %get3A_463 : vector<1x16xi32> to vector<16xi32>
      %sub3A_465 = vector.broadcast %mul3A_8 : i32 to vector<16xi32>
      %sub3A_466 = arith.subi %get3A_464, %sub3A_465 : vector<16xi32>
      %ge3A_467 = arith.constant 0 : i32
      %ge3A_468 = vector.broadcast %ge3A_467 : i32 to vector<16xi32>
      %ge3A_469 = arith.cmpi sge, %sub3A_466, %ge3A_468 : vector<16xi32>
      %lt3A_470 = arith.constant 1048576 : i32
      %lt3A_471 = vector.broadcast %lt3A_470 : i32 to vector<16xi32>
      %lt3A_472 = arith.cmpi slt, %sub3A_466, %lt3A_471 : vector<16xi32>
      %and3A_473 = arith.andi %ge3A_469, %lt3A_472 : vector<16xi1>
      %add3A_474 = arith.constant 32 : i32
      %add3A_475 = arith.addi %add3A_397, %add3A_474 : i32
      %iota3A_476 = tpu.iota {dimensions = array<i32: 0>} : vector<16xi32>
      %add3A_477 = vector.broadcast %add3A_475 : i32 to vector<16xi32>
      %add3A_478 = arith.addi %add3A_477, %iota3A_476 : vector<16xi32>
      %select_n3A_479 = arith.select %and3A_473, %sub3A_466, %add3A_478 : vector<16xi1>, vector<16xi32>
      %swap3A_480 = arith.index_cast %scan3A_392 : i32 to index
      %swap3A_481 = arith.constant 32 : index
      %swap3A_482 = tpu.vector_load %arg7[%swap3A_480, %swap3A_481] {strides = array<i32>} : memref<82x128xi32, #tpu.memory_space<vmem>>, vector<1x16xi32>,
      %swap3A_483 = vector.shape_cast %swap3A_482 : vector<1x16xi32> to vector<16xi32>
      %swap3A_484 = vector.shape_cast %select_n3A_479 : vector<16xi32> to vector<1x16xi32>
      tpu.vector_store %arg7[%swap3A_480, %swap3A_481], %swap3A_484 {strides = array<i32>} : memref<82x128xi32, #tpu.memory_space<vmem>>, vector<1x16xi32>,
      %get3A_485 = arith.index_cast %scan3A_392 : i32 to index
      %get3A_486 = arith.constant 32 : index
      %get3A_487 = tpu.vector_load %arg6[%get3A_485, %get3A_486] {strides = array<i32>} : memref<82x128xf32, #tpu.memory_space<vmem>>, vector<1x16xf32>,
      %get3A_488 = vector.shape_cast %get3A_487 : vector<1x16xf32> to vector<16xf32>
      %jit3A_489 = arith.constant 0.000000e+00 : f32
      %broadcast_in_dim3A_490 = vector.broadcast %jit3A_489 : f32 to vector<16xf32>
      %select_n3A_491 = arith.select %and3A_473, %get3A_488, %broadcast_in_dim3A_490 : vector<16xi1>, vector<16xf32>
      %swap3A_492 = arith.index_cast %scan3A_392 : i32 to index
      %swap3A_493 = arith.constant 32 : index
      %swap3A_494 = tpu.vector_load %arg8[%swap3A_492, %swap3A_493] {strides = array<i32>} : memref<82x128xf32, #tpu.memory_space<vmem>>, vector<1x16xf32>,
      %swap3A_495 = vector.shape_cast %swap3A_494 : vector<1x16xf32> to vector<16xf32>
      %swap3A_496 = vector.shape_cast %select_n3A_491 : vector<16xf32> to vector<1x16xf32>
      tpu.vector_store %arg8[%swap3A_492, %swap3A_493], %swap3A_496 {strides = array<i32>} : memref<82x128xf32, #tpu.memory_space<vmem>>, vector<1x16xf32>,
      %get3A_497 = arith.index_cast %scan3A_392 : i32 to index
      %get3A_498 = arith.constant 48 : index
      %get3A_499 = tpu.vector_load %arg5[%get3A_497, %get3A_498] {strides = array<i32>} : memref<82x128xi32, #tpu.memory_space<vmem>>, vector<1x16xi32>,
      %get3A_500 = vector.shape_cast %get3A_499 : vector<1x16xi32> to vector<16xi32>
      %sub3A_501 = vector.broadcast %mul3A_8 : i32 to vector<16xi32>
      %sub3A_502 = arith.subi %get3A_500, %sub3A_501 : vector<16xi32>
      %ge3A_503 = arith.constant 0 : i32
      %ge3A_504 = vector.broadcast %ge3A_503 : i32 to vector<16xi32>
      %ge3A_505 = arith.cmpi sge, %sub3A_502, %ge3A_504 : vector<16xi32>
      %lt3A_506 = arith.constant 1048576 : i32
      %lt3A_507 = vector.broadcast %lt3A_506 : i32 to vector<16xi32>
      %lt3A_508 = arith.cmpi slt, %sub3A_502, %lt3A_507 : vector<16xi32>
      %and3A_509 = arith.andi %ge3A_505, %lt3A_508 : vector<16xi1>
      %add3A_510 = arith.constant 48 : i32
      %add3A_511 = arith.addi %add3A_397, %add3A_510 : i32
      %iota3A_512 = tpu.iota {dimensions = array<i32: 0>} : vector<16xi32>
      %add3A_513 = vector.broadcast %add3A_511 : i32 to vector<16xi32>
      %add3A_514 = arith.addi %add3A_513, %iota3A_512 : vector<16xi32>
      %select_n3A_515 = arith.select %and3A_509, %sub3A_502, %add3A_514 : vector<16xi1>, vector<16xi32>
      %swap3A_516 = arith.index_cast %scan3A_392 : i32 to index
      %swap3A_517 = arith.constant 48 : index
      %swap3A_518 = tpu.vector_load %arg7[%swap3A_516, %swap3A_517] {strides = array<i32>} : memref<82x128xi32, #tpu.memory_space<vmem>>, vector<1x16xi32>,
      %swap3A_519 = vector.shape_cast %swap3A_518 : vector<1x16xi32> to vector<16xi32>
      %swap3A_520 = vector.shape_cast %select_n3A_515 : vector<16xi32> to vector<1x16xi32>
      tpu.vector_store %arg7[%swap3A_516, %swap3A_517], %swap3A_520 {strides = array<i32>} : memref<82x128xi32, #tpu.memory_space<vmem>>, vector<1x16xi32>,
      %get3A_521 = arith.index_cast %scan3A_392 : i32 to index
      %get3A_522 = arith.constant 48 : index
      %get3A_523 = tpu.vector_load %arg6[%get3A_521, %get3A_522] {strides = array<i32>} : memref<82x128xf32, #tpu.memory_space<vmem>>, vector<1x16xf32>,
      %get3A_524 = vector.shape_cast %get3A_523 : vector<1x16xf32> to vector<16xf32>
      %jit3A_525 = arith.constant 0.000000e+00 : f32
      %broadcast_in_dim3A_526 = vector.broadcast %jit3A_525 : f32 to vector<16xf32>
      %select_n3A_527 = arith.select %and3A_509, %get3A_524, %broadcast_in_dim3A_526 : vector<16xi1>, vector<16xf32>
      %swap3A_528 = arith.index_cast %scan3A_392 : i32 to index
      %swap3A_529 = arith.constant 48 : index
      %swap3A_530 = tpu.vector_load %arg8[%swap3A_528, %swap3A_529] {strides = array<i32>} : memref<82x128xf32, #tpu.memory_space<vmem>>, vector<1x16xf32>,
      %swap3A_531 = vector.shape_cast %swap3A_530 : vector<1x16xf32> to vector<16xf32>
      %swap3A_532 = vector.shape_cast %select_n3A_527 : vector<16xf32> to vector<1x16xf32>
      tpu.vector_store %arg8[%swap3A_528, %swap3A_529], %swap3A_532 {strides = array<i32>} : memref<82x128xf32, #tpu.memory_space<vmem>>, vector<1x16xf32>,
      %get3A_533 = arith.index_cast %scan3A_392 : i32 to index
      %get3A_534 = arith.constant 64 : index
      %get3A_535 = tpu.vector_load %arg5[%get3A_533, %get3A_534] {strides = array<i32>} : memref<82x128xi32, #tpu.memory_space<vmem>>, vector<1x16xi32>,
      %get3A_536 = vector.shape_cast %get3A_535 : vector<1x16xi32> to vector<16xi32>
      %sub3A_537 = vector.broadcast %mul3A_8 : i32 to vector<16xi32>
      %sub3A_538 = arith.subi %get3A_536, %sub3A_537 : vector<16xi32>
      %ge3A_539 = arith.constant 0 : i32
      %ge3A_540 = vector.broadcast %ge3A_539 : i32 to vector<16xi32>
      %ge3A_541 = arith.cmpi sge, %sub3A_538, %ge3A_540 : vector<16xi32>
      %lt3A_542 = arith.constant 1048576 : i32
      %lt3A_543 = vector.broadcast %lt3A_542 : i32 to vector<16xi32>
      %lt3A_544 = arith.cmpi slt, %sub3A_538, %lt3A_543 : vector<16xi32>
      %and3A_545 = arith.andi %ge3A_541, %lt3A_544 : vector<16xi1>
      %add3A_546 = arith.constant 64 : i32
      %add3A_547 = arith.addi %add3A_397, %add3A_546 : i32
      %iota3A_548 = tpu.iota {dimensions = array<i32: 0>} : vector<16xi32>
      %add3A_549 = vector.broadcast %add3A_547 : i32 to vector<16xi32>
      %add3A_550 = arith.addi %add3A_549, %iota3A_548 : vector<16xi32>
      %select_n3A_551 = arith.select %and3A_545, %sub3A_538, %add3A_550 : vector<16xi1>, vector<16xi32>
      %swap3A_552 = arith.index_cast %scan3A_392 : i32 to index
      %swap3A_553 = arith.constant 64 : index
      %swap3A_554 = tpu.vector_load %arg7[%swap3A_552, %swap3A_553] {strides = array<i32>} : memref<82x128xi32, #tpu.memory_space<vmem>>, vector<1x16xi32>,
      %swap3A_555 = vector.shape_cast %swap3A_554 : vector<1x16xi32> to vector<16xi32>
      %swap3A_556 = vector.shape_cast %select_n3A_551 : vector<16xi32> to vector<1x16xi32>
      tpu.vector_store %arg7[%swap3A_552, %swap3A_553], %swap3A_556 {strides = array<i32>} : memref<82x128xi32, #tpu.memory_space<vmem>>, vector<1x16xi32>,
      %get3A_557 = arith.index_cast %scan3A_392 : i32 to index
      %get3A_558 = arith.constant 64 : index
      %get3A_559 = tpu.vector_load %arg6[%get3A_557, %get3A_558] {strides = array<i32>} : memref<82x128xf32, #tpu.memory_space<vmem>>, vector<1x16xf32>,
      %get3A_560 = vector.shape_cast %get3A_559 : vector<1x16xf32> to vector<16xf32>
      %jit3A_561 = arith.constant 0.000000e+00 : f32
      %broadcast_in_dim3A_562 = vector.broadcast %jit3A_561 : f32 to vector<16xf32>
      %select_n3A_563 = arith.select %and3A_545, %get3A_560, %broadcast_in_dim3A_562 : vector<16xi1>, vector<16xf32>
      %swap3A_564 = arith.index_cast %scan3A_392 : i32 to index
      %swap3A_565 = arith.constant 64 : index
      %swap3A_566 = tpu.vector_load %arg8[%swap3A_564, %swap3A_565] {strides = array<i32>} : memref<82x128xf32, #tpu.memory_space<vmem>>, vector<1x16xf32>,
      %swap3A_567 = vector.shape_cast %swap3A_566 : vector<1x16xf32> to vector<16xf32>
      %swap3A_568 = vector.shape_cast %select_n3A_563 : vector<16xf32> to vector<1x16xf32>
      tpu.vector_store %arg8[%swap3A_564, %swap3A_565], %swap3A_568 {strides = array<i32>} : memref<82x128xf32, #tpu.memory_space<vmem>>, vector<1x16xf32>,
      %get3A_569 = arith.index_cast %scan3A_392 : i32 to index
      %get3A_570 = arith.constant 80 : index
      %get3A_571 = tpu.vector_load %arg5[%get3A_569, %get3A_570] {strides = array<i32>} : memref<82x128xi32, #tpu.memory_space<vmem>>, vector<1x16xi32>,
      %get3A_572 = vector.shape_cast %get3A_571 : vector<1x16xi32> to vector<16xi32>
      %sub3A_573 = vector.broadcast %mul3A_8 : i32 to vector<16xi32>
      %sub3A_574 = arith.subi %get3A_572, %sub3A_573 : vector<16xi32>
      %ge3A_575 = arith.constant 0 : i32
      %ge3A_576 = vector.broadcast %ge3A_575 : i32 to vector<16xi32>
      %ge3A_577 = arith.cmpi sge, %sub3A_574, %ge3A_576 : vector<16xi32>
      %lt3A_578 = arith.constant 1048576 : i32
      %lt3A_579 = vector.broadcast %lt3A_578 : i32 to vector<16xi32>
      %lt3A_580 = arith.cmpi slt, %sub3A_574, %lt3A_579 : vector<16xi32>
      %and3A_581 = arith.andi %ge3A_577, %lt3A_580 : vector<16xi1>
      %add3A_582 = arith.constant 80 : i32
      %add3A_583 = arith.addi %add3A_397, %add3A_582 : i32
      %iota3A_584 = tpu.iota {dimensions = array<i32: 0>} : vector<16xi32>
      %add3A_585 = vector.broadcast %add3A_583 : i32 to vector<16xi32>
      %add3A_586 = arith.addi %add3A_585, %iota3A_584 : vector<16xi32>
      %select_n3A_587 = arith.select %and3A_581, %sub3A_574, %add3A_586 : vector<16xi1>, vector<16xi32>
      %swap3A_588 = arith.index_cast %scan3A_392 : i32 to index
      %swap3A_589 = arith.constant 80 : index
      %swap3A_590 = tpu.vector_load %arg7[%swap3A_588, %swap3A_589] {strides = array<i32>} : memref<82x128xi32, #tpu.memory_space<vmem>>, vector<1x16xi32>,
      %swap3A_591 = vector.shape_cast %swap3A_590 : vector<1x16xi32> to vector<16xi32>
      %swap3A_592 = vector.shape_cast %select_n3A_587 : vector<16xi32> to vector<1x16xi32>
      tpu.vector_store %arg7[%swap3A_588, %swap3A_589], %swap3A_592 {strides = array<i32>} : memref<82x128xi32, #tpu.memory_space<vmem>>, vector<1x16xi32>,
      %get3A_593 = arith.index_cast %scan3A_392 : i32 to index
      %get3A_594 = arith.constant 80 : index
      %get3A_595 = tpu.vector_load %arg6[%get3A_593, %get3A_594] {strides = array<i32>} : memref<82x128xf32, #tpu.memory_space<vmem>>, vector<1x16xf32>,
      %get3A_596 = vector.shape_cast %get3A_595 : vector<1x16xf32> to vector<16xf32>
      %jit3A_597 = arith.constant 0.000000e+00 : f32
      %broadcast_in_dim3A_598 = vector.broadcast %jit3A_597 : f32 to vector<16xf32>
      %select_n3A_599 = arith.select %and3A_581, %get3A_596, %broadcast_in_dim3A_598 : vector<16xi1>, vector<16xf32>
      %swap3A_600 = arith.index_cast %scan3A_392 : i32 to index
      %swap3A_601 = arith.constant 80 : index
      %swap3A_602 = tpu.vector_load %arg8[%swap3A_600, %swap3A_601] {strides = array<i32>} : memref<82x128xf32, #tpu.memory_space<vmem>>, vector<1x16xf32>,
      %swap3A_603 = vector.shape_cast %swap3A_602 : vector<1x16xf32> to vector<16xf32>
      %swap3A_604 = vector.shape_cast %select_n3A_599 : vector<16xf32> to vector<1x16xf32>
      tpu.vector_store %arg8[%swap3A_600, %swap3A_601], %swap3A_604 {strides = array<i32>} : memref<82x128xf32, #tpu.memory_space<vmem>>, vector<1x16xf32>,
      %get3A_605 = arith.index_cast %scan3A_392 : i32 to index
      %get3A_606 = arith.constant 96 : index
      %get3A_607 = tpu.vector_load %arg5[%get3A_605, %get3A_606] {strides = array<i32>} : memref<82x128xi32, #tpu.memory_space<vmem>>, vector<1x16xi32>,
      %get3A_608 = vector.shape_cast %get3A_607 : vector<1x16xi32> to vector<16xi32>
      %sub3A_609 = vector.broadcast %mul3A_8 : i32 to vector<16xi32>
      %sub3A_610 = arith.subi %get3A_608, %sub3A_609 : vector<16xi32>
      %ge3A_611 = arith.constant 0 : i32
      %ge3A_612 = vector.broadcast %ge3A_611 : i32 to vector<16xi32>
      %ge3A_613 = arith.cmpi sge, %sub3A_610, %ge3A_612 : vector<16xi32>
      %lt3A_614 = arith.constant 1048576 : i32
      %lt3A_615 = vector.broadcast %lt3A_614 : i32 to vector<16xi32>
      %lt3A_616 = arith.cmpi slt, %sub3A_610, %lt3A_615 : vector<16xi32>
      %and3A_617 = arith.andi %ge3A_613, %lt3A_616 : vector<16xi1>
      %add3A_618 = arith.constant 96 : i32
      %add3A_619 = arith.addi %add3A_397, %add3A_618 : i32
      %iota3A_620 = tpu.iota {dimensions = array<i32: 0>} : vector<16xi32>
      %add3A_621 = vector.broadcast %add3A_619 : i32 to vector<16xi32>
      %add3A_622 = arith.addi %add3A_621, %iota3A_620 : vector<16xi32>
      %select_n3A_623 = arith.select %and3A_617, %sub3A_610, %add3A_622 : vector<16xi1>, vector<16xi32>
      %swap3A_624 = arith.index_cast %scan3A_392 : i32 to index
      %swap3A_625 = arith.constant 96 : index
      %swap3A_626 = tpu.vector_load %arg7[%swap3A_624, %swap3A_625] {strides = array<i32>} : memref<82x128xi32, #tpu.memory_space<vmem>>, vector<1x16xi32>,
      %swap3A_627 = vector.shape_cast %swap3A_626 : vector<1x16xi32> to vector<16xi32>
      %swap3A_628 = vector.shape_cast %select_n3A_623 : vector<16xi32> to vector<1x16xi32>
      tpu.vector_store %arg7[%swap3A_624, %swap3A_625], %swap3A_628 {strides = array<i32>} : memref<82x128xi32, #tpu.memory_space<vmem>>, vector<1x16xi32>,
      %get3A_629 = arith.index_cast %scan3A_392 : i32 to index
      %get3A_630 = arith.constant 96 : index
      %get3A_631 = tpu.vector_load %arg6[%get3A_629, %get3A_630] {strides = array<i32>} : memref<82x128xf32, #tpu.memory_space<vmem>>, vector<1x16xf32>,
      %get3A_632 = vector.shape_cast %get3A_631 : vector<1x16xf32> to vector<16xf32>
      %jit3A_633 = arith.constant 0.000000e+00 : f32
      %broadcast_in_dim3A_634 = vector.broadcast %jit3A_633 : f32 to vector<16xf32>
      %select_n3A_635 = arith.select %and3A_617, %get3A_632, %broadcast_in_dim3A_634 : vector<16xi1>, vector<16xf32>
      %swap3A_636 = arith.index_cast %scan3A_392 : i32 to index
      %swap3A_637 = arith.constant 96 : index
      %swap3A_638 = tpu.vector_load %arg8[%swap3A_636, %swap3A_637] {strides = array<i32>} : memref<82x128xf32, #tpu.memory_space<vmem>>, vector<1x16xf32>,
      %swap3A_639 = vector.shape_cast %swap3A_638 : vector<1x16xf32> to vector<16xf32>
      %swap3A_640 = vector.shape_cast %select_n3A_635 : vector<16xf32> to vector<1x16xf32>
      tpu.vector_store %arg8[%swap3A_636, %swap3A_637], %swap3A_640 {strides = array<i32>} : memref<82x128xf32, #tpu.memory_space<vmem>>, vector<1x16xf32>,
      %get3A_641 = arith.index_cast %scan3A_392 : i32 to index
      %get3A_642 = arith.constant 112 : index
      %get3A_643 = tpu.vector_load %arg5[%get3A_641, %get3A_642] {strides = array<i32>} : memref<82x128xi32, #tpu.memory_space<vmem>>, vector<1x16xi32>,
      %get3A_644 = vector.shape_cast %get3A_643 : vector<1x16xi32> to vector<16xi32>
      %sub3A_645 = vector.broadcast %mul3A_8 : i32 to vector<16xi32>
      %sub3A_646 = arith.subi %get3A_644, %sub3A_645 : vector<16xi32>
      %ge3A_647 = arith.constant 0 : i32
      %ge3A_648 = vector.broadcast %ge3A_647 : i32 to vector<16xi32>
      %ge3A_649 = arith.cmpi sge, %sub3A_646, %ge3A_648 : vector<16xi32>
      %lt3A_650 = arith.constant 1048576 : i32
      %lt3A_651 = vector.broadcast %lt3A_650 : i32 to vector<16xi32>
      %lt3A_652 = arith.cmpi slt, %sub3A_646, %lt3A_651 : vector<16xi32>
      %and3A_653 = arith.andi %ge3A_649, %lt3A_652 : vector<16xi1>
      %add3A_654 = arith.constant 112 : i32
      %add3A_655 = arith.addi %add3A_397, %add3A_654 : i32
      %iota3A_656 = tpu.iota {dimensions = array<i32: 0>} : vector<16xi32>
      %add3A_657 = vector.broadcast %add3A_655 : i32 to vector<16xi32>
      %add3A_658 = arith.addi %add3A_657, %iota3A_656 : vector<16xi32>
      %select_n3A_659 = arith.select %and3A_653, %sub3A_646, %add3A_658 : vector<16xi1>, vector<16xi32>
      %swap3A_660 = arith.index_cast %scan3A_392 : i32 to index
      %swap3A_661 = arith.constant 112 : index
      %swap3A_662 = tpu.vector_load %arg7[%swap3A_660, %swap3A_661] {strides = array<i32>} : memref<82x128xi32, #tpu.memory_space<vmem>>, vector<1x16xi32>,
      %swap3A_663 = vector.shape_cast %swap3A_662 : vector<1x16xi32> to vector<16xi32>
      %swap3A_664 = vector.shape_cast %select_n3A_659 : vector<16xi32> to vector<1x16xi32>
      tpu.vector_store %arg7[%swap3A_660, %swap3A_661], %swap3A_664 {strides = array<i32>} : memref<82x128xi32, #tpu.memory_space<vmem>>, vector<1x16xi32>,
      %get3A_665 = arith.index_cast %scan3A_392 : i32 to index
      %get3A_666 = arith.constant 112 : index
      %get3A_667 = tpu.vector_load %arg6[%get3A_665, %get3A_666] {strides = array<i32>} : memref<82x128xf32, #tpu.memory_space<vmem>>, vector<1x16xf32>,
      %get3A_668 = vector.shape_cast %get3A_667 : vector<1x16xf32> to vector<16xf32>
      %jit3A_669 = arith.constant 0.000000e+00 : f32
      %broadcast_in_dim3A_670 = vector.broadcast %jit3A_669 : f32 to vector<16xf32>
      %select_n3A_671 = arith.select %and3A_653, %get3A_668, %broadcast_in_dim3A_670 : vector<16xi1>, vector<16xf32>
      %swap3A_672 = arith.index_cast %scan3A_392 : i32 to index
      %swap3A_673 = arith.constant 112 : index
      %swap3A_674 = tpu.vector_load %arg8[%swap3A_672, %swap3A_673] {strides = array<i32>} : memref<82x128xf32, #tpu.memory_space<vmem>>, vector<1x16xf32>,
      %swap3A_675 = vector.shape_cast %swap3A_674 : vector<1x16xf32> to vector<16xf32>
      %swap3A_676 = vector.shape_cast %select_n3A_671 : vector<16xf32> to vector<1x16xf32>
      tpu.vector_store %arg8[%swap3A_672, %swap3A_673], %swap3A_676 {strides = array<i32>} : memref<82x128xf32, #tpu.memory_space<vmem>>, vector<1x16xf32>,
      %dma_start3A = arith.constant 0 : i32
      %dma_start3A_677 = tpu.memref_slice %arg8[%scan3A_392, %dma_start3A] : memref<82x128xf32, #tpu.memory_space<vmem>> -> memref<1x128xf32, #tpu.memory_space<vmem>>
      %dma_start3A_678 = tpu.memref_squeeze %dma_start3A_677 : memref<1x128xf32, #tpu.memory_space<vmem>> -> memref<128xf32, #tpu.memory_space<vmem>>
      %dma_start3A_679 = arith.constant 0 : i32
      %dma_start3A_680 = tpu.memref_slice %arg7[%scan3A_392, %dma_start3A_679] : memref<82x128xi32, #tpu.memory_space<vmem>> -> memref<1x128xi32, #tpu.memory_space<vmem>>
      %dma_start3A_681 = tpu.memref_squeeze %dma_start3A_680 : memref<1x128xi32, #tpu.memory_space<vmem>> -> memref<128xi32, #tpu.memory_space<vmem>>
      %dma_start3A_682 = arith.constant 0 : i32
      %dma_start3A_683 = tpu.memref_slice %arg11[%dma_start3A_682] : memref<1050624xf32, #tpu.memory_space<vmem_shared>> -> memref<1050624xf32, #tpu.memory_space<vmem_shared>>
      tpu.enqueue_indirect_dma source(%dma_start3A_678 : memref<128xf32, #tpu.memory_space<vmem>>) target(%dma_start3A_683 : memref<1050624xf32, #tpu.memory_space<vmem_shared>>) offsets(%dma_start3A_681 : memref<128xi32, #tpu.memory_space<vmem>>) semaphore(%arg12 : memref<!tpu.dma_semaphore, #tpu.memory_space<semaphore_mem>>) {add = true}
    }
    %scan3A_30 = arith.constant 82 : i32
    %dma_wait3A = arith.constant 0 : i32
    %dma_wait3A_31 = arith.constant 0 : i32
    %dma_wait3A_32 = tpu.memref_slice %arg3[%arg1, %dma_wait3A, %dma_wait3A_31] : memref<16x82x128xf32, #tpu.memory_space<hbm>> -> memref<1x82x128xf32, #tpu.memory_space<hbm>>
    %dma_wait3A_33 = tpu.memref_squeeze %dma_wait3A_32 : memref<1x82x128xf32, #tpu.memory_space<hbm>> -> memref<82x128xf32, #tpu.memory_space<hbm>>
    %dma_wait3A_34 = arith.constant 0 : i32
    %dma_wait3A_35 = arith.constant 0 : i32
    %dma_wait3A_36 = tpu.memref_slice %arg3[%arg1, %dma_wait3A_34, %dma_wait3A_35] : memref<16x82x128xf32, #tpu.memory_space<hbm>> -> memref<1x82x128xf32, #tpu.memory_space<hbm>>
    %dma_wait3A_37 = tpu.memref_squeeze %dma_wait3A_36 : memref<1x82x128xf32, #tpu.memory_space<hbm>> -> memref<82x128xf32, #tpu.memory_space<hbm>>
    tpu.wait_dma2 semaphore(%arg12 : memref<!tpu.dma_semaphore, #tpu.memory_space<semaphore_mem>>) src(%dma_wait3A_37 : memref<82x128xf32, #tpu.memory_space<hbm>>) dst(%arg8 : memref<82x128xf32, #tpu.memory_space<vmem>>)
    %run_scoped3A = arith.constant 81 : i32
    "tpu.region"() ({
      %run_scoped3A_392 = tpu.sem_alloc : memref<!tpu.dma_semaphore, #tpu.memory_space<semaphore_mem>>
      %dma_start3A = arith.constant 0 : i32
      %dma_start3A_393 = tpu.memref_slice %arg7[%run_scoped3A, %dma_start3A] : memref<82x128xi32, #tpu.memory_space<vmem>> -> memref<1x128xi32, #tpu.memory_space<vmem>>
      %dma_start3A_394 = tpu.memref_squeeze %dma_start3A_393 : memref<1x128xi32, #tpu.memory_space<vmem>> -> memref<128xi32, #tpu.memory_space<vmem>>
      %dma_start3A_395 = arith.constant 0 : i32
      %dma_start3A_396 = tpu.memref_slice %arg11[%dma_start3A_395] : memref<1050624xf32, #tpu.memory_space<vmem_shared>> -> memref<1050624xf32, #tpu.memory_space<vmem_shared>>
      tpu.enqueue_indirect_dma source(%dma_start3A_396 : memref<1050624xf32, #tpu.memory_space<vmem_shared>>) target(%arg10 : memref<128xf32, #tpu.memory_space<vmem>>) offsets(%dma_start3A_394 : memref<128xi32, #tpu.memory_space<vmem>>) semaphore(%run_scoped3A_392 : memref<!tpu.dma_semaphore, #tpu.memory_space<semaphore_mem>>)
      %dma_wait3A_397 = arith.constant 0 : i32
      %dma_wait3A_398 = tpu.memref_slice %arg7[%run_scoped3A, %dma_wait3A_397] : memref<82x128xi32, #tpu.memory_space<vmem>> -> memref<1x128xi32, #tpu.memory_space<vmem>>
      %dma_wait3A_399 = tpu.memref_squeeze %dma_wait3A_398 : memref<1x128xi32, #tpu.memory_space<vmem>> -> memref<128xi32, #tpu.memory_space<vmem>>
      %dma_wait3A_400 = arith.constant 0 : i32
      %dma_wait3A_401 = tpu.memref_slice %arg11[%dma_wait3A_400] : memref<1050624xf32, #tpu.memory_space<vmem_shared>> -> memref<1050624xf32, #tpu.memory_space<vmem_shared>>
      tpu.wait_indirect_dma semaphore(%run_scoped3A_392 : memref<!tpu.dma_semaphore, #tpu.memory_space<semaphore_mem>>) src(%dma_wait3A_401 : memref<1050624xf32, #tpu.memory_space<vmem_shared>>) dst(%arg10 : memref<128xf32, #tpu.memory_space<vmem>>)
      tpu.yield
    }) : () -> ()
    %run_scoped3A_38 = arith.constant 80 : i32
    "tpu.region"() ({
      %run_scoped3A_392 = tpu.sem_alloc : memref<!tpu.dma_semaphore, #tpu.memory_space<semaphore_mem>>
      %dma_start3A = arith.constant 0 : i32
      %dma_start3A_393 = tpu.memref_slice %arg7[%run_scoped3A_38, %dma_start3A] : memref<82x128xi32, #tpu.memory_space<vmem>> -> memref<1x128xi32, #tpu.memory_space<vmem>>
      %dma_start3A_394 = tpu.memref_squeeze %dma_start3A_393 : memref<1x128xi32, #tpu.memory_space<vmem>> -> memref<128xi32, #tpu.memory_space<vmem>>
      %dma_start3A_395 = arith.constant 0 : i32
      %dma_start3A_396 = tpu.memref_slice %arg11[%dma_start3A_395] : memref<1050624xf32, #tpu.memory_space<vmem_shared>> -> memref<1050624xf32, #tpu.memory_space<vmem_shared>>
      tpu.enqueue_indirect_dma source(%dma_start3A_396 : memref<1050624xf32, #tpu.memory_space<vmem_shared>>) target(%arg10 : memref<128xf32, #tpu.memory_space<vmem>>) offsets(%dma_start3A_394 : memref<128xi32, #tpu.memory_space<vmem>>) semaphore(%run_scoped3A_392 : memref<!tpu.dma_semaphore, #tpu.memory_space<semaphore_mem>>)
      %dma_wait3A_397 = arith.constant 0 : i32
      %dma_wait3A_398 = tpu.memref_slice %arg7[%run_scoped3A_38, %dma_wait3A_397] : memref<82x128xi32, #tpu.memory_space<vmem>> -> memref<1x128xi32, #tpu.memory_space<vmem>>
      %dma_wait3A_399 = tpu.memref_squeeze %dma_wait3A_398 : memref<1x128xi32, #tpu.memory_space<vmem>> -> memref<128xi32, #tpu.memory_space<vmem>>
      %dma_wait3A_400 = arith.constant 0 : i32
      %dma_wait3A_401 = tpu.memref_slice %arg11[%dma_wait3A_400] : memref<1050624xf32, #tpu.memory_space<vmem_shared>> -> memref<1050624xf32, #tpu.memory_space<vmem_shared>>
      tpu.wait_indirect_dma semaphore(%run_scoped3A_392 : memref<!tpu.dma_semaphore, #tpu.memory_space<semaphore_mem>>) src(%dma_wait3A_401 : memref<1050624xf32, #tpu.memory_space<vmem_shared>>) dst(%arg10 : memref<128xf32, #tpu.memory_space<vmem>>)
      tpu.yield
    }) : () -> ()
    %run_scoped3A_39 = arith.constant 79 : i32
    "tpu.region"() ({
      %run_scoped3A_392 = tpu.sem_alloc : memref<!tpu.dma_semaphore, #tpu.memory_space<semaphore_mem>>
      %dma_start3A = arith.constant 0 : i32
      %dma_start3A_393 = tpu.memref_slice %arg7[%run_scoped3A_39, %dma_start3A] : memref<82x128xi32, #tpu.memory_space<vmem>> -> memref<1x128xi32, #tpu.memory_space<vmem>>
      %dma_start3A_394 = tpu.memref_squeeze %dma_start3A_393 : memref<1x128xi32, #tpu.memory_space<vmem>> -> memref<128xi32, #tpu.memory_space<vmem>>
      %dma_start3A_395 = arith.constant 0 : i32
      %dma_start3A_396 = tpu.memref_slice %arg11[%dma_start3A_395] : memref<1050624xf32, #tpu.memory_space<vmem_shared>> -> memref<1050624xf32, #tpu.memory_space<vmem_shared>>
      tpu.enqueue_indirect_dma source(%dma_start3A_396 : memref<1050624xf32, #tpu.memory_space<vmem_shared>>) target(%arg10 : memref<128xf32, #tpu.memory_space<vmem>>) offsets(%dma_start3A_394 : memref<128xi32, #tpu.memory_space<vmem>>) semaphore(%run_scoped3A_392 : memref<!tpu.dma_semaphore, #tpu.memory_space<semaphore_mem>>)
      %dma_wait3A_397 = arith.constant 0 : i32
      %dma_wait3A_398 = tpu.memref_slice %arg7[%run_scoped3A_39, %dma_wait3A_397] : memref<82x128xi32, #tpu.memory_space<vmem>> -> memref<1x128xi32, #tpu.memory_space<vmem>>
      %dma_wait3A_399 = tpu.memref_squeeze %dma_wait3A_398 : memref<1x128xi32, #tpu.memory_space<vmem>> -> memref<128xi32, #tpu.memory_space<vmem>>
      %dma_wait3A_400 = arith.constant 0 : i32
      %dma_wait3A_401 = tpu.memref_slice %arg11[%dma_wait3A_400] : memref<1050624xf32, #tpu.memory_space<vmem_shared>> -> memref<1050624xf32, #tpu.memory_space<vmem_shared>>
      tpu.wait_indirect_dma semaphore(%run_scoped3A_392 : memref<!tpu.dma_semaphore, #tpu.memory_space<semaphore_mem>>) src(%dma_wait3A_401 : memref<1050624xf32, #tpu.memory_space<vmem_shared>>) dst(%arg10 : memref<128xf32, #tpu.memory_space<vmem>>)
      tpu.yield
    }) : () -> ()
    %barrier3A_40 = arith.constant 0 : index
    tpu.barrier barrier_id(%barrier3A_40)
    %mul3A_41 = arith.constant 65536 : i32
    %mul3A_42 = arith.muli %arg1, %mul3A_41 : i32
    %mul3A_43 = arith.constant 1048576 : i32
    %mul3A_44 = arith.muli %add3A_6, %mul3A_43 : i32
    %mul3A_45 = arith.constant 65536 : i32
    %mul3A_46 = arith.muli %arg1, %mul3A_45 : i32
    %add3A_47 = arith.addi %mul3A_44, %mul3A_46 : i32
    "tpu.region"() ({
      %run_scoped3A_392 = tpu.sem_alloc : memref<!tpu.dma_semaphore, #tpu.memory_space<semaphore_mem>>
      %dma_start3A = tpu.memref_slice %arg4[%add3A_47] : memref<16777216xf32, #tpu.memory_space<hbm>> -> memref<65536xf32, #tpu.memory_space<hbm>>
      %dma_start3A_393 = tpu.memref_slice %arg11[%mul3A_42] : memref<1050624xf32, #tpu.memory_space<vmem_shared>> -> memref<65536xf32, #tpu.memory_space<vmem_shared>>
      tpu.enqueue_dma source(%dma_start3A_393 : memref<65536xf32, #tpu.memory_space<vmem_shared>>) target(%dma_start3A : memref<65536xf32, #tpu.memory_space<hbm>>) target_semaphore(%run_scoped3A_392 : memref<!tpu.dma_semaphore, #tpu.memory_space<semaphore_mem>>)
      %dma_wait3A_394 = tpu.memref_slice %arg4[%add3A_47] : memref<16777216xf32, #tpu.memory_space<hbm>> -> memref<65536xf32, #tpu.memory_space<hbm>>
      %dma_wait3A_395 = tpu.memref_slice %arg11[%mul3A_42] : memref<1050624xf32, #tpu.memory_space<vmem_shared>> -> memref<65536xf32, #tpu.memory_space<vmem_shared>>
      tpu.wait_dma2 semaphore(%run_scoped3A_392 : memref<!tpu.dma_semaphore, #tpu.memory_space<semaphore_mem>>) src(%dma_wait3A_395 : memref<65536xf32, #tpu.memory_space<vmem_shared>>) dst(%dma_wait3A_394 : memref<65536xf32, #tpu.memory_space<hbm>>)
      tpu.yield
    }) : () -> ()
    %barrier3A_48 = arith.constant 0 : index
    tpu.barrier barrier_id(%barrier3A_48)
    %mul3A_49 = arith.constant 8 : i32
    %mul3A_50 = arith.muli %arg0, %mul3A_49 : i32
    %add3A_51 = arith.constant 1 : i32
    %add3A_52 = arith.addi %mul3A_50, %add3A_51 : i32
    %mul3A_53 = arith.constant 1048576 : i32
    %mul3A_54 = arith.muli %add3A_52, %mul3A_53 : i32
    %mul3A_55 = arith.constant 65536 : i32
    %mul3A_56 = arith.muli %arg1, %mul3A_55 : i32
    %add3A_57 = arith.constant 0 : i32
    %add3A_58 = arith.addi %mul3A_56, %add3A_57 : i32
    "tpu.region"() ({
      %run_scoped3A_392 = tpu.sem_alloc : memref<!tpu.dma_semaphore, #tpu.memory_space<semaphore_mem>>
      %dma_start3A = tpu.memref_slice %arg11[%add3A_58] : memref<1050624xf32, #tpu.memory_space<vmem_shared>> -> memref<16384xf32, #tpu.memory_space<vmem_shared>>
      %dma_start3A_393 = tpu.memref_slice %arg11[%add3A_58] : memref<1050624xf32, #tpu.memory_space<vmem_shared>> -> memref<16384xf32, #tpu.memory_space<vmem_shared>>
      tpu.enqueue_dma source(%arg9 : memref<16384xf32, #tpu.memory_space<vmem>>) target(%dma_start3A_393 : memref<16384xf32, #tpu.memory_space<vmem_shared>>) target_semaphore(%run_scoped3A_392 : memref<!tpu.dma_semaphore, #tpu.memory_space<semaphore_mem>>)
      %dma_wait3A_394 = tpu.memref_slice %arg11[%add3A_58] : memref<1050624xf32, #tpu.memory_space<vmem_shared>> -> memref<16384xf32, #tpu.memory_space<vmem_shared>>
      %dma_wait3A_395 = tpu.memref_slice %arg11[%add3A_58] : memref<1050624xf32, #tpu.memory_space<vmem_shared>> -> memref<16384xf32, #tpu.memory_space<vmem_shared>>
      tpu.wait_dma2 semaphore(%run_scoped3A_392 : memref<!tpu.dma_semaphore, #tpu.memory_space<semaphore_mem>>) src(%arg9 : memref<16384xf32, #tpu.memory_space<vmem>>) dst(%dma_wait3A_395 : memref<16384xf32, #tpu.memory_space<vmem_shared>>)
      tpu.yield
    }) : () -> ()
    %mul3A_59 = arith.constant 65536 : i32
    %mul3A_60 = arith.muli %arg1, %mul3A_59 : i32
    %add3A_61 = arith.constant 16384 : i32
    %add3A_62 = arith.addi %mul3A_60, %add3A_61 : i32
    "tpu.region"() ({
      %run_scoped3A_392 = tpu.sem_alloc : memref<!tpu.dma_semaphore, #tpu.memory_space<semaphore_mem>>
      %dma_start3A = tpu.memref_slice %arg11[%add3A_62] : memref<1050624xf32, #tpu.memory_space<vmem_shared>> -> memref<16384xf32, #tpu.memory_space<vmem_shared>>
      %dma_start3A_393 = tpu.memref_slice %arg11[%add3A_62] : memref<1050624xf32, #tpu.memory_space<vmem_shared>> -> memref<16384xf32, #tpu.memory_space<vmem_shared>>
      tpu.enqueue_dma source(%arg9 : memref<16384xf32, #tpu.memory_space<vmem>>) target(%dma_start3A_393 : memref<16384xf32, #tpu.memory_space<vmem_shared>>) target_semaphore(%run_scoped3A_392 : memref<!tpu.dma_semaphore, #tpu.memory_space<semaphore_mem>>)
      %dma_wait3A_394 = tpu.memref_slice %arg11[%add3A_62] : memref<1050624xf32, #tpu.memory_space<vmem_shared>> -> memref<16384xf32, #tpu.memory_space<vmem_shared>>
      %dma_wait3A_395 = tpu.memref_slice %arg11[%add3A_62] : memref<1050624xf32, #tpu.memory_space<vmem_shared>> -> memref<16384xf32, #tpu.memory_space<vmem_shared>>
      tpu.wait_dma2 semaphore(%run_scoped3A_392 : memref<!tpu.dma_semaphore, #tpu.memory_space<semaphore_mem>>) src(%arg9 : memref<16384xf32, #tpu.memory_space<vmem>>) dst(%dma_wait3A_395 : memref<16384xf32, #tpu.memory_space<vmem_shared>>)
      tpu.yield
    }) : () -> ()
    %mul3A_63 = arith.constant 65536 : i32
    %mul3A_64 = arith.muli %arg1, %mul3A_63 : i32
    %add3A_65 = arith.constant 32768 : i32
    %add3A_66 = arith.addi %mul3A_64, %add3A_65 : i32
    "tpu.region"() ({
      %run_scoped3A_392 = tpu.sem_alloc : memref<!tpu.dma_semaphore, #tpu.memory_space<semaphore_mem>>
      %dma_start3A = tpu.memref_slice %arg11[%add3A_66] : memref<1050624xf32, #tpu.memory_space<vmem_shared>> -> memref<16384xf32, #tpu.memory_space<vmem_shared>>
      %dma_start3A_393 = tpu.memref_slice %arg11[%add3A_66] : memref<1050624xf32, #tpu.memory_space<vmem_shared>> -> memref<16384xf32, #tpu.memory_space<vmem_shared>>
      tpu.enqueue_dma source(%arg9 : memref<16384xf32, #tpu.memory_space<vmem>>) target(%dma_start3A_393 : memref<16384xf32, #tpu.memory_space<vmem_shared>>) target_semaphore(%run_scoped3A_392 : memref<!tpu.dma_semaphore, #tpu.memory_space<semaphore_mem>>)
      %dma_wait3A_394 = tpu.memref_slice %arg11[%add3A_66] : memref<1050624xf32, #tpu.memory_space<vmem_shared>> -> memref<16384xf32, #tpu.memory_space<vmem_shared>>
      %dma_wait3A_395 = tpu.memref_slice %arg11[%add3A_66] : memref<1050624xf32, #tpu.memory_space<vmem_shared>> -> memref<16384xf32, #tpu.memory_space<vmem_shared>>
      tpu.wait_dma2 semaphore(%run_scoped3A_392 : memref<!tpu.dma_semaphore, #tpu.memory_space<semaphore_mem>>) src(%arg9 : memref<16384xf32, #tpu.memory_space<vmem>>) dst(%dma_wait3A_395 : memref<16384xf32, #tpu.memory_space<vmem_shared>>)
      tpu.yield
    }) : () -> ()
    %mul3A_67 = arith.constant 65536 : i32
    %mul3A_68 = arith.muli %arg1, %mul3A_67 : i32
    %add3A_69 = arith.constant 49152 : i32
    %add3A_70 = arith.addi %mul3A_68, %add3A_69 : i32
    "tpu.region"() ({
      %run_scoped3A_392 = tpu.sem_alloc : memref<!tpu.dma_semaphore, #tpu.memory_space<semaphore_mem>>
      %dma_start3A = tpu.memref_slice %arg11[%add3A_70] : memref<1050624xf32, #tpu.memory_space<vmem_shared>> -> memref<16384xf32, #tpu.memory_space<vmem_shared>>
      %dma_start3A_393 = tpu.memref_slice %arg11[%add3A_70] : memref<1050624xf32, #tpu.memory_space<vmem_shared>> -> memref<16384xf32, #tpu.memory_space<vmem_shared>>
      tpu.enqueue_dma source(%arg9 : memref<16384xf32, #tpu.memory_space<vmem>>) target(%dma_start3A_393 : memref<16384xf32, #tpu.memory_space<vmem_shared>>) target_semaphore(%run_scoped3A_392 : memref<!tpu.dma_semaphore, #tpu.memory_space<semaphore_mem>>)
      %dma_wait3A_394 = tpu.memref_slice %arg11[%add3A_70] : memref<1050624xf32, #tpu.memory_space<vmem_shared>> -> memref<16384xf32, #tpu.memory_space<vmem_shared>>
      %dma_wait3A_395 = tpu.memref_slice %arg11[%add3A_70] : memref<1050624xf32, #tpu.memory_space<vmem_shared>> -> memref<16384xf32, #tpu.memory_space<vmem_shared>>
      tpu.wait_dma2 semaphore(%run_scoped3A_392 : memref<!tpu.dma_semaphore, #tpu.memory_space<semaphore_mem>>) src(%arg9 : memref<16384xf32, #tpu.memory_space<vmem>>) dst(%dma_wait3A_395 : memref<16384xf32, #tpu.memory_space<vmem_shared>>)
      tpu.yield
    }) : () -> ()
    %barrier3A_71 = arith.constant 0 : index
    tpu.barrier barrier_id(%barrier3A_71)
    %scan3A_72 = arith.constant 0 : i32
    %scan3A_73 = arith.constant 0 : i32
    %scan3A_74 = arith.constant 82 : i32
    %scan3A_75 = arith.addi %scan3A_73, %scan3A_74 : i32
    %scan3A_76 = arith.constant 1 : i32
    scf.for %scan3A_392 = %scan3A_73 to %scan3A_75 step %scan3A_76  : i32 {
      %mul3A_393 = arith.constant 128 : i32
      %mul3A_394 = arith.muli %scan3A_392, %mul3A_393 : i32
      %and3A = arith.constant 2047 : i32
      %and3A_395 = arith.andi %mul3A_394, %and3A : i32
      %add3A_396 = arith.constant 1048576 : i32
      %add3A_397 = arith.addi %add3A_396, %and3A_395 : i32
      %get3A = arith.index_cast %scan3A_392 : i32 to index
      %get3A_398 = arith.constant 0 : index
      %get3A_399 = tpu.vector_load %arg5[%get3A, %get3A_398] {strides = array<i32>} : memref<82x128xi32, #tpu.memory_space<vmem>>, vector<1x16xi32>,
      %get3A_400 = vector.shape_cast %get3A_399 : vector<1x16xi32> to vector<16xi32>
      %sub3A = vector.broadcast %mul3A_54 : i32 to vector<16xi32>
      %sub3A_401 = arith.subi %get3A_400, %sub3A : vector<16xi32>
      %ge3A = arith.constant 0 : i32
      %ge3A_402 = vector.broadcast %ge3A : i32 to vector<16xi32>
      %ge3A_403 = arith.cmpi sge, %sub3A_401, %ge3A_402 : vector<16xi32>
      %lt3A = arith.constant 1048576 : i32
      %lt3A_404 = vector.broadcast %lt3A : i32 to vector<16xi32>
      %lt3A_405 = arith.cmpi slt, %sub3A_401, %lt3A_404 : vector<16xi32>
      %and3A_406 = arith.andi %ge3A_403, %lt3A_405 : vector<16xi1>
      %add3A_407 = arith.constant 0 : i32
      %add3A_408 = arith.addi %add3A_397, %add3A_407 : i32
      %iota3A = tpu.iota {dimensions = array<i32: 0>} : vector<16xi32>
      %add3A_409 = vector.broadcast %add3A_408 : i32 to vector<16xi32>
      %add3A_410 = arith.addi %add3A_409, %iota3A : vector<16xi32>
      %select_n3A = arith.select %and3A_406, %sub3A_401, %add3A_410 : vector<16xi1>, vector<16xi32>
      %swap3A = arith.index_cast %scan3A_392 : i32 to index
      %swap3A_411 = arith.constant 0 : index
      %swap3A_412 = tpu.vector_load %arg7[%swap3A, %swap3A_411] {strides = array<i32>} : memref<82x128xi32, #tpu.memory_space<vmem>>, vector<1x16xi32>,
      %swap3A_413 = vector.shape_cast %swap3A_412 : vector<1x16xi32> to vector<16xi32>
      %swap3A_414 = vector.shape_cast %select_n3A : vector<16xi32> to vector<1x16xi32>
      tpu.vector_store %arg7[%swap3A, %swap3A_411], %swap3A_414 {strides = array<i32>} : memref<82x128xi32, #tpu.memory_space<vmem>>, vector<1x16xi32>,
      %get3A_415 = arith.index_cast %scan3A_392 : i32 to index
      %get3A_416 = arith.constant 0 : index
      %get3A_417 = tpu.vector_load %arg6[%get3A_415, %get3A_416] {strides = array<i32>} : memref<82x128xf32, #tpu.memory_space<vmem>>, vector<1x16xf32>,
      %get3A_418 = vector.shape_cast %get3A_417 : vector<1x16xf32> to vector<16xf32>
      %jit3A = arith.constant 0.000000e+00 : f32
      %broadcast_in_dim3A = vector.broadcast %jit3A : f32 to vector<16xf32>
      %select_n3A_419 = arith.select %and3A_406, %get3A_418, %broadcast_in_dim3A : vector<16xi1>, vector<16xf32>
      %swap3A_420 = arith.index_cast %scan3A_392 : i32 to index
      %swap3A_421 = arith.constant 0 : index
      %swap3A_422 = tpu.vector_load %arg8[%swap3A_420, %swap3A_421] {strides = array<i32>} : memref<82x128xf32, #tpu.memory_space<vmem>>, vector<1x16xf32>,
      %swap3A_423 = vector.shape_cast %swap3A_422 : vector<1x16xf32> to vector<16xf32>
      %swap3A_424 = vector.shape_cast %select_n3A_419 : vector<16xf32> to vector<1x16xf32>
      tpu.vector_store %arg8[%swap3A_420, %swap3A_421], %swap3A_424 {strides = array<i32>} : memref<82x128xf32, #tpu.memory_space<vmem>>, vector<1x16xf32>,
      %get3A_425 = arith.index_cast %scan3A_392 : i32 to index
      %get3A_426 = arith.constant 16 : index
      %get3A_427 = tpu.vector_load %arg5[%get3A_425, %get3A_426] {strides = array<i32>} : memref<82x128xi32, #tpu.memory_space<vmem>>, vector<1x16xi32>,
      %get3A_428 = vector.shape_cast %get3A_427 : vector<1x16xi32> to vector<16xi32>
      %sub3A_429 = vector.broadcast %mul3A_54 : i32 to vector<16xi32>
      %sub3A_430 = arith.subi %get3A_428, %sub3A_429 : vector<16xi32>
      %ge3A_431 = arith.constant 0 : i32
      %ge3A_432 = vector.broadcast %ge3A_431 : i32 to vector<16xi32>
      %ge3A_433 = arith.cmpi sge, %sub3A_430, %ge3A_432 : vector<16xi32>
      %lt3A_434 = arith.constant 1048576 : i32
      %lt3A_435 = vector.broadcast %lt3A_434 : i32 to vector<16xi32>
      %lt3A_436 = arith.cmpi slt, %sub3A_430, %lt3A_435 : vector<16xi32>
      %and3A_437 = arith.andi %ge3A_433, %lt3A_436 : vector<16xi1>
      %add3A_438 = arith.constant 16 : i32
      %add3A_439 = arith.addi %add3A_397, %add3A_438 : i32
      %iota3A_440 = tpu.iota {dimensions = array<i32: 0>} : vector<16xi32>
      %add3A_441 = vector.broadcast %add3A_439 : i32 to vector<16xi32>
      %add3A_442 = arith.addi %add3A_441, %iota3A_440 : vector<16xi32>
      %select_n3A_443 = arith.select %and3A_437, %sub3A_430, %add3A_442 : vector<16xi1>, vector<16xi32>
      %swap3A_444 = arith.index_cast %scan3A_392 : i32 to index
      %swap3A_445 = arith.constant 16 : index
      %swap3A_446 = tpu.vector_load %arg7[%swap3A_444, %swap3A_445] {strides = array<i32>} : memref<82x128xi32, #tpu.memory_space<vmem>>, vector<1x16xi32>,
      %swap3A_447 = vector.shape_cast %swap3A_446 : vector<1x16xi32> to vector<16xi32>
      %swap3A_448 = vector.shape_cast %select_n3A_443 : vector<16xi32> to vector<1x16xi32>
      tpu.vector_store %arg7[%swap3A_444, %swap3A_445], %swap3A_448 {strides = array<i32>} : memref<82x128xi32, #tpu.memory_space<vmem>>, vector<1x16xi32>,
      %get3A_449 = arith.index_cast %scan3A_392 : i32 to index
      %get3A_450 = arith.constant 16 : index
      %get3A_451 = tpu.vector_load %arg6[%get3A_449, %get3A_450] {strides = array<i32>} : memref<82x128xf32, #tpu.memory_space<vmem>>, vector<1x16xf32>,
      %get3A_452 = vector.shape_cast %get3A_451 : vector<1x16xf32> to vector<16xf32>
      %jit3A_453 = arith.constant 0.000000e+00 : f32
      %broadcast_in_dim3A_454 = vector.broadcast %jit3A_453 : f32 to vector<16xf32>
      %select_n3A_455 = arith.select %and3A_437, %get3A_452, %broadcast_in_dim3A_454 : vector<16xi1>, vector<16xf32>
      %swap3A_456 = arith.index_cast %scan3A_392 : i32 to index
      %swap3A_457 = arith.constant 16 : index
      %swap3A_458 = tpu.vector_load %arg8[%swap3A_456, %swap3A_457] {strides = array<i32>} : memref<82x128xf32, #tpu.memory_space<vmem>>, vector<1x16xf32>,
      %swap3A_459 = vector.shape_cast %swap3A_458 : vector<1x16xf32> to vector<16xf32>
      %swap3A_460 = vector.shape_cast %select_n3A_455 : vector<16xf32> to vector<1x16xf32>
      tpu.vector_store %arg8[%swap3A_456, %swap3A_457], %swap3A_460 {strides = array<i32>} : memref<82x128xf32, #tpu.memory_space<vmem>>, vector<1x16xf32>,
      %get3A_461 = arith.index_cast %scan3A_392 : i32 to index
      %get3A_462 = arith.constant 32 : index
      %get3A_463 = tpu.vector_load %arg5[%get3A_461, %get3A_462] {strides = array<i32>} : memref<82x128xi32, #tpu.memory_space<vmem>>, vector<1x16xi32>,
      %get3A_464 = vector.shape_cast %get3A_463 : vector<1x16xi32> to vector<16xi32>
      %sub3A_465 = vector.broadcast %mul3A_54 : i32 to vector<16xi32>
      %sub3A_466 = arith.subi %get3A_464, %sub3A_465 : vector<16xi32>
      %ge3A_467 = arith.constant 0 : i32
      %ge3A_468 = vector.broadcast %ge3A_467 : i32 to vector<16xi32>
      %ge3A_469 = arith.cmpi sge, %sub3A_466, %ge3A_468 : vector<16xi32>
      %lt3A_470 = arith.constant 1048576 : i32
      %lt3A_471 = vector.broadcast %lt3A_470 : i32 to vector<16xi32>
      %lt3A_472 = arith.cmpi slt, %sub3A_466, %lt3A_471 : vector<16xi32>
      %and3A_473 = arith.andi %ge3A_469, %lt3A_472 : vector<16xi1>
      %add3A_474 = arith.constant 32 : i32
      %add3A_475 = arith.addi %add3A_397, %add3A_474 : i32
      %iota3A_476 = tpu.iota {dimensions = array<i32: 0>} : vector<16xi32>
      %add3A_477 = vector.broadcast %add3A_475 : i32 to vector<16xi32>
      %add3A_478 = arith.addi %add3A_477, %iota3A_476 : vector<16xi32>
      %select_n3A_479 = arith.select %and3A_473, %sub3A_466, %add3A_478 : vector<16xi1>, vector<16xi32>
      %swap3A_480 = arith.index_cast %scan3A_392 : i32 to index
      %swap3A_481 = arith.constant 32 : index
      %swap3A_482 = tpu.vector_load %arg7[%swap3A_480, %swap3A_481] {strides = array<i32>} : memref<82x128xi32, #tpu.memory_space<vmem>>, vector<1x16xi32>,
      %swap3A_483 = vector.shape_cast %swap3A_482 : vector<1x16xi32> to vector<16xi32>
      %swap3A_484 = vector.shape_cast %select_n3A_479 : vector<16xi32> to vector<1x16xi32>
      tpu.vector_store %arg7[%swap3A_480, %swap3A_481], %swap3A_484 {strides = array<i32>} : memref<82x128xi32, #tpu.memory_space<vmem>>, vector<1x16xi32>,
      %get3A_485 = arith.index_cast %scan3A_392 : i32 to index
      %get3A_486 = arith.constant 32 : index
      %get3A_487 = tpu.vector_load %arg6[%get3A_485, %get3A_486] {strides = array<i32>} : memref<82x128xf32, #tpu.memory_space<vmem>>, vector<1x16xf32>,
      %get3A_488 = vector.shape_cast %get3A_487 : vector<1x16xf32> to vector<16xf32>
      %jit3A_489 = arith.constant 0.000000e+00 : f32
      %broadcast_in_dim3A_490 = vector.broadcast %jit3A_489 : f32 to vector<16xf32>
      %select_n3A_491 = arith.select %and3A_473, %get3A_488, %broadcast_in_dim3A_490 : vector<16xi1>, vector<16xf32>
      %swap3A_492 = arith.index_cast %scan3A_392 : i32 to index
      %swap3A_493 = arith.constant 32 : index
      %swap3A_494 = tpu.vector_load %arg8[%swap3A_492, %swap3A_493] {strides = array<i32>} : memref<82x128xf32, #tpu.memory_space<vmem>>, vector<1x16xf32>,
      %swap3A_495 = vector.shape_cast %swap3A_494 : vector<1x16xf32> to vector<16xf32>
      %swap3A_496 = vector.shape_cast %select_n3A_491 : vector<16xf32> to vector<1x16xf32>
      tpu.vector_store %arg8[%swap3A_492, %swap3A_493], %swap3A_496 {strides = array<i32>} : memref<82x128xf32, #tpu.memory_space<vmem>>, vector<1x16xf32>,
      %get3A_497 = arith.index_cast %scan3A_392 : i32 to index
      %get3A_498 = arith.constant 48 : index
      %get3A_499 = tpu.vector_load %arg5[%get3A_497, %get3A_498] {strides = array<i32>} : memref<82x128xi32, #tpu.memory_space<vmem>>, vector<1x16xi32>,
      %get3A_500 = vector.shape_cast %get3A_499 : vector<1x16xi32> to vector<16xi32>
      %sub3A_501 = vector.broadcast %mul3A_54 : i32 to vector<16xi32>
      %sub3A_502 = arith.subi %get3A_500, %sub3A_501 : vector<16xi32>
      %ge3A_503 = arith.constant 0 : i32
      %ge3A_504 = vector.broadcast %ge3A_503 : i32 to vector<16xi32>
      %ge3A_505 = arith.cmpi sge, %sub3A_502, %ge3A_504 : vector<16xi32>
      %lt3A_506 = arith.constant 1048576 : i32
      %lt3A_507 = vector.broadcast %lt3A_506 : i32 to vector<16xi32>
      %lt3A_508 = arith.cmpi slt, %sub3A_502, %lt3A_507 : vector<16xi32>
      %and3A_509 = arith.andi %ge3A_505, %lt3A_508 : vector<16xi1>
      %add3A_510 = arith.constant 48 : i32
      %add3A_511 = arith.addi %add3A_397, %add3A_510 : i32
      %iota3A_512 = tpu.iota {dimensions = array<i32: 0>} : vector<16xi32>
      %add3A_513 = vector.broadcast %add3A_511 : i32 to vector<16xi32>
      %add3A_514 = arith.addi %add3A_513, %iota3A_512 : vector<16xi32>
      %select_n3A_515 = arith.select %and3A_509, %sub3A_502, %add3A_514 : vector<16xi1>, vector<16xi32>
      %swap3A_516 = arith.index_cast %scan3A_392 : i32 to index
      %swap3A_517 = arith.constant 48 : index
      %swap3A_518 = tpu.vector_load %arg7[%swap3A_516, %swap3A_517] {strides = array<i32>} : memref<82x128xi32, #tpu.memory_space<vmem>>, vector<1x16xi32>,
      %swap3A_519 = vector.shape_cast %swap3A_518 : vector<1x16xi32> to vector<16xi32>
      %swap3A_520 = vector.shape_cast %select_n3A_515 : vector<16xi32> to vector<1x16xi32>
      tpu.vector_store %arg7[%swap3A_516, %swap3A_517], %swap3A_520 {strides = array<i32>} : memref<82x128xi32, #tpu.memory_space<vmem>>, vector<1x16xi32>,
      %get3A_521 = arith.index_cast %scan3A_392 : i32 to index
      %get3A_522 = arith.constant 48 : index
      %get3A_523 = tpu.vector_load %arg6[%get3A_521, %get3A_522] {strides = array<i32>} : memref<82x128xf32, #tpu.memory_space<vmem>>, vector<1x16xf32>,
      %get3A_524 = vector.shape_cast %get3A_523 : vector<1x16xf32> to vector<16xf32>
      %jit3A_525 = arith.constant 0.000000e+00 : f32
      %broadcast_in_dim3A_526 = vector.broadcast %jit3A_525 : f32 to vector<16xf32>
      %select_n3A_527 = arith.select %and3A_509, %get3A_524, %broadcast_in_dim3A_526 : vector<16xi1>, vector<16xf32>
      %swap3A_528 = arith.index_cast %scan3A_392 : i32 to index
      %swap3A_529 = arith.constant 48 : index
      %swap3A_530 = tpu.vector_load %arg8[%swap3A_528, %swap3A_529] {strides = array<i32>} : memref<82x128xf32, #tpu.memory_space<vmem>>, vector<1x16xf32>,
      %swap3A_531 = vector.shape_cast %swap3A_530 : vector<1x16xf32> to vector<16xf32>
      %swap3A_532 = vector.shape_cast %select_n3A_527 : vector<16xf32> to vector<1x16xf32>
      tpu.vector_store %arg8[%swap3A_528, %swap3A_529], %swap3A_532 {strides = array<i32>} : memref<82x128xf32, #tpu.memory_space<vmem>>, vector<1x16xf32>,
      %get3A_533 = arith.index_cast %scan3A_392 : i32 to index
      %get3A_534 = arith.constant 64 : index
      %get3A_535 = tpu.vector_load %arg5[%get3A_533, %get3A_534] {strides = array<i32>} : memref<82x128xi32, #tpu.memory_space<vmem>>, vector<1x16xi32>,
      %get3A_536 = vector.shape_cast %get3A_535 : vector<1x16xi32> to vector<16xi32>
      %sub3A_537 = vector.broadcast %mul3A_54 : i32 to vector<16xi32>
      %sub3A_538 = arith.subi %get3A_536, %sub3A_537 : vector<16xi32>
      %ge3A_539 = arith.constant 0 : i32
      %ge3A_540 = vector.broadcast %ge3A_539 : i32 to vector<16xi32>
      %ge3A_541 = arith.cmpi sge, %sub3A_538, %ge3A_540 : vector<16xi32>
      %lt3A_542 = arith.constant 1048576 : i32
      %lt3A_543 = vector.broadcast %lt3A_542 : i32 to vector<16xi32>
      %lt3A_544 = arith.cmpi slt, %sub3A_538, %lt3A_543 : vector<16xi32>
      %and3A_545 = arith.andi %ge3A_541, %lt3A_544 : vector<16xi1>
      %add3A_546 = arith.constant 64 : i32
      %add3A_547 = arith.addi %add3A_397, %add3A_546 : i32
      %iota3A_548 = tpu.iota {dimensions = array<i32: 0>} : vector<16xi32>
      %add3A_549 = vector.broadcast %add3A_547 : i32 to vector<16xi32>
      %add3A_550 = arith.addi %add3A_549, %iota3A_548 : vector<16xi32>
      %select_n3A_551 = arith.select %and3A_545, %sub3A_538, %add3A_550 : vector<16xi1>, vector<16xi32>
      %swap3A_552 = arith.index_cast %scan3A_392 : i32 to index
      %swap3A_553 = arith.constant 64 : index
      %swap3A_554 = tpu.vector_load %arg7[%swap3A_552, %swap3A_553] {strides = array<i32>} : memref<82x128xi32, #tpu.memory_space<vmem>>, vector<1x16xi32>,
      %swap3A_555 = vector.shape_cast %swap3A_554 : vector<1x16xi32> to vector<16xi32>
      %swap3A_556 = vector.shape_cast %select_n3A_551 : vector<16xi32> to vector<1x16xi32>
      tpu.vector_store %arg7[%swap3A_552, %swap3A_553], %swap3A_556 {strides = array<i32>} : memref<82x128xi32, #tpu.memory_space<vmem>>, vector<1x16xi32>,
      %get3A_557 = arith.index_cast %scan3A_392 : i32 to index
      %get3A_558 = arith.constant 64 : index
      %get3A_559 = tpu.vector_load %arg6[%get3A_557, %get3A_558] {strides = array<i32>} : memref<82x128xf32, #tpu.memory_space<vmem>>, vector<1x16xf32>,
      %get3A_560 = vector.shape_cast %get3A_559 : vector<1x16xf32> to vector<16xf32>
      %jit3A_561 = arith.constant 0.000000e+00 : f32
      %broadcast_in_dim3A_562 = vector.broadcast %jit3A_561 : f32 to vector<16xf32>
      %select_n3A_563 = arith.select %and3A_545, %get3A_560, %broadcast_in_dim3A_562 : vector<16xi1>, vector<16xf32>
      %swap3A_564 = arith.index_cast %scan3A_392 : i32 to index
      %swap3A_565 = arith.constant 64 : index
      %swap3A_566 = tpu.vector_load %arg8[%swap3A_564, %swap3A_565] {strides = array<i32>} : memref<82x128xf32, #tpu.memory_space<vmem>>, vector<1x16xf32>,
      %swap3A_567 = vector.shape_cast %swap3A_566 : vector<1x16xf32> to vector<16xf32>
      %swap3A_568 = vector.shape_cast %select_n3A_563 : vector<16xf32> to vector<1x16xf32>
      tpu.vector_store %arg8[%swap3A_564, %swap3A_565], %swap3A_568 {strides = array<i32>} : memref<82x128xf32, #tpu.memory_space<vmem>>, vector<1x16xf32>,
      %get3A_569 = arith.index_cast %scan3A_392 : i32 to index
      %get3A_570 = arith.constant 80 : index
      %get3A_571 = tpu.vector_load %arg5[%get3A_569, %get3A_570] {strides = array<i32>} : memref<82x128xi32, #tpu.memory_space<vmem>>, vector<1x16xi32>,
      %get3A_572 = vector.shape_cast %get3A_571 : vector<1x16xi32> to vector<16xi32>
      %sub3A_573 = vector.broadcast %mul3A_54 : i32 to vector<16xi32>
      %sub3A_574 = arith.subi %get3A_572, %sub3A_573 : vector<16xi32>
      %ge3A_575 = arith.constant 0 : i32
      %ge3A_576 = vector.broadcast %ge3A_575 : i32 to vector<16xi32>
      %ge3A_577 = arith.cmpi sge, %sub3A_574, %ge3A_576 : vector<16xi32>
      %lt3A_578 = arith.constant 1048576 : i32
      %lt3A_579 = vector.broadcast %lt3A_578 : i32 to vector<16xi32>
      %lt3A_580 = arith.cmpi slt, %sub3A_574, %lt3A_579 : vector<16xi32>
      %and3A_581 = arith.andi %ge3A_577, %lt3A_580 : vector<16xi1>
      %add3A_582 = arith.constant 80 : i32
      %add3A_583 = arith.addi %add3A_397, %add3A_582 : i32
      %iota3A_584 = tpu.iota {dimensions = array<i32: 0>} : vector<16xi32>
      %add3A_585 = vector.broadcast %add3A_583 : i32 to vector<16xi32>
      %add3A_586 = arith.addi %add3A_585, %iota3A_584 : vector<16xi32>
      %select_n3A_587 = arith.select %and3A_581, %sub3A_574, %add3A_586 : vector<16xi1>, vector<16xi32>
      %swap3A_588 = arith.index_cast %scan3A_392 : i32 to index
      %swap3A_589 = arith.constant 80 : index
      %swap3A_590 = tpu.vector_load %arg7[%swap3A_588, %swap3A_589] {strides = array<i32>} : memref<82x128xi32, #tpu.memory_space<vmem>>, vector<1x16xi32>,
      %swap3A_591 = vector.shape_cast %swap3A_590 : vector<1x16xi32> to vector<16xi32>
      %swap3A_592 = vector.shape_cast %select_n3A_587 : vector<16xi32> to vector<1x16xi32>
      tpu.vector_store %arg7[%swap3A_588, %swap3A_589], %swap3A_592 {strides = array<i32>} : memref<82x128xi32, #tpu.memory_space<vmem>>, vector<1x16xi32>,
      %get3A_593 = arith.index_cast %scan3A_392 : i32 to index
      %get3A_594 = arith.constant 80 : index
      %get3A_595 = tpu.vector_load %arg6[%get3A_593, %get3A_594] {strides = array<i32>} : memref<82x128xf32, #tpu.memory_space<vmem>>, vector<1x16xf32>,
      %get3A_596 = vector.shape_cast %get3A_595 : vector<1x16xf32> to vector<16xf32>
      %jit3A_597 = arith.constant 0.000000e+00 : f32
      %broadcast_in_dim3A_598 = vector.broadcast %jit3A_597 : f32 to vector<16xf32>
      %select_n3A_599 = arith.select %and3A_581, %get3A_596, %broadcast_in_dim3A_598 : vector<16xi1>, vector<16xf32>
      %swap3A_600 = arith.index_cast %scan3A_392 : i32 to index
      %swap3A_601 = arith.constant 80 : index
      %swap3A_602 = tpu.vector_load %arg8[%swap3A_600, %swap3A_601] {strides = array<i32>} : memref<82x128xf32, #tpu.memory_space<vmem>>, vector<1x16xf32>,
      %swap3A_603 = vector.shape_cast %swap3A_602 : vector<1x16xf32> to vector<16xf32>
      %swap3A_604 = vector.shape_cast %select_n3A_599 : vector<16xf32> to vector<1x16xf32>
      tpu.vector_store %arg8[%swap3A_600, %swap3A_601], %swap3A_604 {strides = array<i32>} : memref<82x128xf32, #tpu.memory_space<vmem>>, vector<1x16xf32>,
      %get3A_605 = arith.index_cast %scan3A_392 : i32 to index
      %get3A_606 = arith.constant 96 : index
      %get3A_607 = tpu.vector_load %arg5[%get3A_605, %get3A_606] {strides = array<i32>} : memref<82x128xi32, #tpu.memory_space<vmem>>, vector<1x16xi32>,
      %get3A_608 = vector.shape_cast %get3A_607 : vector<1x16xi32> to vector<16xi32>
      %sub3A_609 = vector.broadcast %mul3A_54 : i32 to vector<16xi32>
      %sub3A_610 = arith.subi %get3A_608, %sub3A_609 : vector<16xi32>
      %ge3A_611 = arith.constant 0 : i32
      %ge3A_612 = vector.broadcast %ge3A_611 : i32 to vector<16xi32>
      %ge3A_613 = arith.cmpi sge, %sub3A_610, %ge3A_612 : vector<16xi32>
      %lt3A_614 = arith.constant 1048576 : i32
      %lt3A_615 = vector.broadcast %lt3A_614 : i32 to vector<16xi32>
      %lt3A_616 = arith.cmpi slt, %sub3A_610, %lt3A_615 : vector<16xi32>
      %and3A_617 = arith.andi %ge3A_613, %lt3A_616 : vector<16xi1>
      %add3A_618 = arith.constant 96 : i32
      %add3A_619 = arith.addi %add3A_397, %add3A_618 : i32
      %iota3A_620 = tpu.iota {dimensions = array<i32: 0>} : vector<16xi32>
      %add3A_621 = vector.broadcast %add3A_619 : i32 to vector<16xi32>
      %add3A_622 = arith.addi %add3A_621, %iota3A_620 : vector<16xi32>
      %select_n3A_623 = arith.select %and3A_617, %sub3A_610, %add3A_622 : vector<16xi1>, vector<16xi32>
      %swap3A_624 = arith.index_cast %scan3A_392 : i32 to index
      %swap3A_625 = arith.constant 96 : index
      %swap3A_626 = tpu.vector_load %arg7[%swap3A_624, %swap3A_625] {strides = array<i32>} : memref<82x128xi32, #tpu.memory_space<vmem>>, vector<1x16xi32>,
      %swap3A_627 = vector.shape_cast %swap3A_626 : vector<1x16xi32> to vector<16xi32>
      %swap3A_628 = vector.shape_cast %select_n3A_623 : vector<16xi32> to vector<1x16xi32>
      tpu.vector_store %arg7[%swap3A_624, %swap3A_625], %swap3A_628 {strides = array<i32>} : memref<82x128xi32, #tpu.memory_space<vmem>>, vector<1x16xi32>,
      %get3A_629 = arith.index_cast %scan3A_392 : i32 to index
      %get3A_630 = arith.constant 96 : index
      %get3A_631 = tpu.vector_load %arg6[%get3A_629, %get3A_630] {strides = array<i32>} : memref<82x128xf32, #tpu.memory_space<vmem>>, vector<1x16xf32>,
      %get3A_632 = vector.shape_cast %get3A_631 : vector<1x16xf32> to vector<16xf32>
      %jit3A_633 = arith.constant 0.000000e+00 : f32
      %broadcast_in_dim3A_634 = vector.broadcast %jit3A_633 : f32 to vector<16xf32>
      %select_n3A_635 = arith.select %and3A_617, %get3A_632, %broadcast_in_dim3A_634 : vector<16xi1>, vector<16xf32>
      %swap3A_636 = arith.index_cast %scan3A_392 : i32 to index
      %swap3A_637 = arith.constant 96 : index
      %swap3A_638 = tpu.vector_load %arg8[%swap3A_636, %swap3A_637] {strides = array<i32>} : memref<82x128xf32, #tpu.memory_space<vmem>>, vector<1x16xf32>,
      %swap3A_639 = vector.shape_cast %swap3A_638 : vector<1x16xf32> to vector<16xf32>
      %swap3A_640 = vector.shape_cast %select_n3A_635 : vector<16xf32> to vector<1x16xf32>
      tpu.vector_store %arg8[%swap3A_636, %swap3A_637], %swap3A_640 {strides = array<i32>} : memref<82x128xf32, #tpu.memory_space<vmem>>, vector<1x16xf32>,
      %get3A_641 = arith.index_cast %scan3A_392 : i32 to index
      %get3A_642 = arith.constant 112 : index
      %get3A_643 = tpu.vector_load %arg5[%get3A_641, %get3A_642] {strides = array<i32>} : memref<82x128xi32, #tpu.memory_space<vmem>>, vector<1x16xi32>,
      %get3A_644 = vector.shape_cast %get3A_643 : vector<1x16xi32> to vector<16xi32>
      %sub3A_645 = vector.broadcast %mul3A_54 : i32 to vector<16xi32>
      %sub3A_646 = arith.subi %get3A_644, %sub3A_645 : vector<16xi32>
      %ge3A_647 = arith.constant 0 : i32
      %ge3A_648 = vector.broadcast %ge3A_647 : i32 to vector<16xi32>
      %ge3A_649 = arith.cmpi sge, %sub3A_646, %ge3A_648 : vector<16xi32>
      %lt3A_650 = arith.constant 1048576 : i32
      %lt3A_651 = vector.broadcast %lt3A_650 : i32 to vector<16xi32>
      %lt3A_652 = arith.cmpi slt, %sub3A_646, %lt3A_651 : vector<16xi32>
      %and3A_653 = arith.andi %ge3A_649, %lt3A_652 : vector<16xi1>
      %add3A_654 = arith.constant 112 : i32
      %add3A_655 = arith.addi %add3A_397, %add3A_654 : i32
      %iota3A_656 = tpu.iota {dimensions = array<i32: 0>} : vector<16xi32>
      %add3A_657 = vector.broadcast %add3A_655 : i32 to vector<16xi32>
      %add3A_658 = arith.addi %add3A_657, %iota3A_656 : vector<16xi32>
      %select_n3A_659 = arith.select %and3A_653, %sub3A_646, %add3A_658 : vector<16xi1>, vector<16xi32>
      %swap3A_660 = arith.index_cast %scan3A_392 : i32 to index
      %swap3A_661 = arith.constant 112 : index
      %swap3A_662 = tpu.vector_load %arg7[%swap3A_660, %swap3A_661] {strides = array<i32>} : memref<82x128xi32, #tpu.memory_space<vmem>>, vector<1x16xi32>,
      %swap3A_663 = vector.shape_cast %swap3A_662 : vector<1x16xi32> to vector<16xi32>
      %swap3A_664 = vector.shape_cast %select_n3A_659 : vector<16xi32> to vector<1x16xi32>
      tpu.vector_store %arg7[%swap3A_660, %swap3A_661], %swap3A_664 {strides = array<i32>} : memref<82x128xi32, #tpu.memory_space<vmem>>, vector<1x16xi32>,
      %get3A_665 = arith.index_cast %scan3A_392 : i32 to index
      %get3A_666 = arith.constant 112 : index
      %get3A_667 = tpu.vector_load %arg6[%get3A_665, %get3A_666] {strides = array<i32>} : memref<82x128xf32, #tpu.memory_space<vmem>>, vector<1x16xf32>,
      %get3A_668 = vector.shape_cast %get3A_667 : vector<1x16xf32> to vector<16xf32>
      %jit3A_669 = arith.constant 0.000000e+00 : f32
      %broadcast_in_dim3A_670 = vector.broadcast %jit3A_669 : f32 to vector<16xf32>
      %select_n3A_671 = arith.select %and3A_653, %get3A_668, %broadcast_in_dim3A_670 : vector<16xi1>, vector<16xf32>
      %swap3A_672 = arith.index_cast %scan3A_392 : i32 to index
      %swap3A_673 = arith.constant 112 : index
      %swap3A_674 = tpu.vector_load %arg8[%swap3A_672, %swap3A_673] {strides = array<i32>} : memref<82x128xf32, #tpu.memory_space<vmem>>, vector<1x16xf32>,
      %swap3A_675 = vector.shape_cast %swap3A_674 : vector<1x16xf32> to vector<16xf32>
      %swap3A_676 = vector.shape_cast %select_n3A_671 : vector<16xf32> to vector<1x16xf32>
      tpu.vector_store %arg8[%swap3A_672, %swap3A_673], %swap3A_676 {strides = array<i32>} : memref<82x128xf32, #tpu.memory_space<vmem>>, vector<1x16xf32>,
      %dma_start3A = arith.constant 0 : i32
      %dma_start3A_677 = tpu.memref_slice %arg8[%scan3A_392, %dma_start3A] : memref<82x128xf32, #tpu.memory_space<vmem>> -> memref<1x128xf32, #tpu.memory_space<vmem>>
      %dma_start3A_678 = tpu.memref_squeeze %dma_start3A_677 : memref<1x128xf32, #tpu.memory_space<vmem>> -> memref<128xf32, #tpu.memory_space<vmem>>
      %dma_start3A_679 = arith.constant 0 : i32
      %dma_start3A_680 = tpu.memref_slice %arg7[%scan3A_392, %dma_start3A_679] : memref<82x128xi32, #tpu.memory_space<vmem>> -> memref<1x128xi32, #tpu.memory_space<vmem>>
      %dma_start3A_681 = tpu.memref_squeeze %dma_start3A_680 : memref<1x128xi32, #tpu.memory_space<vmem>> -> memref<128xi32, #tpu.memory_space<vmem>>
      %dma_start3A_682 = arith.constant 0 : i32
      %dma_start3A_683 = tpu.memref_slice %arg11[%dma_start3A_682] : memref<1050624xf32, #tpu.memory_space<vmem_shared>> -> memref<1050624xf32, #tpu.memory_space<vmem_shared>>
      tpu.enqueue_indirect_dma source(%dma_start3A_678 : memref<128xf32, #tpu.memory_space<vmem>>) target(%dma_start3A_683 : memref<1050624xf32, #tpu.memory_space<vmem_shared>>) offsets(%dma_start3A_681 : memref<128xi32, #tpu.memory_space<vmem>>) semaphore(%arg12 : memref<!tpu.dma_semaphore, #tpu.memory_space<semaphore_mem>>) {add = true}
    }
    %scan3A_77 = arith.constant 82 : i32
    %dma_wait3A_78 = arith.constant 0 : i32
    %dma_wait3A_79 = arith.constant 0 : i32
    %dma_wait3A_80 = tpu.memref_slice %arg3[%arg1, %dma_wait3A_78, %dma_wait3A_79] : memref<16x82x128xf32, #tpu.memory_space<hbm>> -> memref<1x82x128xf32, #tpu.memory_space<hbm>>
    %dma_wait3A_81 = tpu.memref_squeeze %dma_wait3A_80 : memref<1x82x128xf32, #tpu.memory_space<hbm>> -> memref<82x128xf32, #tpu.memory_space<hbm>>
    %dma_wait3A_82 = arith.constant 0 : i32
    %dma_wait3A_83 = arith.constant 0 : i32
    %dma_wait3A_84 = tpu.memref_slice %arg3[%arg1, %dma_wait3A_82, %dma_wait3A_83] : memref<16x82x128xf32, #tpu.memory_space<hbm>> -> memref<1x82x128xf32, #tpu.memory_space<hbm>>
    %dma_wait3A_85 = tpu.memref_squeeze %dma_wait3A_84 : memref<1x82x128xf32, #tpu.memory_space<hbm>> -> memref<82x128xf32, #tpu.memory_space<hbm>>
    tpu.wait_dma2 semaphore(%arg12 : memref<!tpu.dma_semaphore, #tpu.memory_space<semaphore_mem>>) src(%dma_wait3A_85 : memref<82x128xf32, #tpu.memory_space<hbm>>) dst(%arg8 : memref<82x128xf32, #tpu.memory_space<vmem>>)
    %run_scoped3A_86 = arith.constant 81 : i32
    "tpu.region"() ({
      %run_scoped3A_392 = tpu.sem_alloc : memref<!tpu.dma_semaphore, #tpu.memory_space<semaphore_mem>>
      %dma_start3A = arith.constant 0 : i32
      %dma_start3A_393 = tpu.memref_slice %arg7[%run_scoped3A_86, %dma_start3A] : memref<82x128xi32, #tpu.memory_space<vmem>> -> memref<1x128xi32, #tpu.memory_space<vmem>>
      %dma_start3A_394 = tpu.memref_squeeze %dma_start3A_393 : memref<1x128xi32, #tpu.memory_space<vmem>> -> memref<128xi32, #tpu.memory_space<vmem>>
      %dma_start3A_395 = arith.constant 0 : i32
      %dma_start3A_396 = tpu.memref_slice %arg11[%dma_start3A_395] : memref<1050624xf32, #tpu.memory_space<vmem_shared>> -> memref<1050624xf32, #tpu.memory_space<vmem_shared>>
      tpu.enqueue_indirect_dma source(%dma_start3A_396 : memref<1050624xf32, #tpu.memory_space<vmem_shared>>) target(%arg10 : memref<128xf32, #tpu.memory_space<vmem>>) offsets(%dma_start3A_394 : memref<128xi32, #tpu.memory_space<vmem>>) semaphore(%run_scoped3A_392 : memref<!tpu.dma_semaphore, #tpu.memory_space<semaphore_mem>>)
      %dma_wait3A_397 = arith.constant 0 : i32
      %dma_wait3A_398 = tpu.memref_slice %arg7[%run_scoped3A_86, %dma_wait3A_397] : memref<82x128xi32, #tpu.memory_space<vmem>> -> memref<1x128xi32, #tpu.memory_space<vmem>>
      %dma_wait3A_399 = tpu.memref_squeeze %dma_wait3A_398 : memref<1x128xi32, #tpu.memory_space<vmem>> -> memref<128xi32, #tpu.memory_space<vmem>>
      %dma_wait3A_400 = arith.constant 0 : i32
      %dma_wait3A_401 = tpu.memref_slice %arg11[%dma_wait3A_400] : memref<1050624xf32, #tpu.memory_space<vmem_shared>> -> memref<1050624xf32, #tpu.memory_space<vmem_shared>>
      tpu.wait_indirect_dma semaphore(%run_scoped3A_392 : memref<!tpu.dma_semaphore, #tpu.memory_space<semaphore_mem>>) src(%dma_wait3A_401 : memref<1050624xf32, #tpu.memory_space<vmem_shared>>) dst(%arg10 : memref<128xf32, #tpu.memory_space<vmem>>)
      tpu.yield
    }) : () -> ()
    %run_scoped3A_87 = arith.constant 80 : i32
    "tpu.region"() ({
      %run_scoped3A_392 = tpu.sem_alloc : memref<!tpu.dma_semaphore, #tpu.memory_space<semaphore_mem>>
      %dma_start3A = arith.constant 0 : i32
      %dma_start3A_393 = tpu.memref_slice %arg7[%run_scoped3A_87, %dma_start3A] : memref<82x128xi32, #tpu.memory_space<vmem>> -> memref<1x128xi32, #tpu.memory_space<vmem>>
      %dma_start3A_394 = tpu.memref_squeeze %dma_start3A_393 : memref<1x128xi32, #tpu.memory_space<vmem>> -> memref<128xi32, #tpu.memory_space<vmem>>
      %dma_start3A_395 = arith.constant 0 : i32
      %dma_start3A_396 = tpu.memref_slice %arg11[%dma_start3A_395] : memref<1050624xf32, #tpu.memory_space<vmem_shared>> -> memref<1050624xf32, #tpu.memory_space<vmem_shared>>
      tpu.enqueue_indirect_dma source(%dma_start3A_396 : memref<1050624xf32, #tpu.memory_space<vmem_shared>>) target(%arg10 : memref<128xf32, #tpu.memory_space<vmem>>) offsets(%dma_start3A_394 : memref<128xi32, #tpu.memory_space<vmem>>) semaphore(%run_scoped3A_392 : memref<!tpu.dma_semaphore, #tpu.memory_space<semaphore_mem>>)
      %dma_wait3A_397 = arith.constant 0 : i32
      %dma_wait3A_398 = tpu.memref_slice %arg7[%run_scoped3A_87, %dma_wait3A_397] : memref<82x128xi32, #tpu.memory_space<vmem>> -> memref<1x128xi32, #tpu.memory_space<vmem>>
      %dma_wait3A_399 = tpu.memref_squeeze %dma_wait3A_398 : memref<1x128xi32, #tpu.memory_space<vmem>> -> memref<128xi32, #tpu.memory_space<vmem>>
      %dma_wait3A_400 = arith.constant 0 : i32
      %dma_wait3A_401 = tpu.memref_slice %arg11[%dma_wait3A_400] : memref<1050624xf32, #tpu.memory_space<vmem_shared>> -> memref<1050624xf32, #tpu.memory_space<vmem_shared>>
      tpu.wait_indirect_dma semaphore(%run_scoped3A_392 : memref<!tpu.dma_semaphore, #tpu.memory_space<semaphore_mem>>) src(%dma_wait3A_401 : memref<1050624xf32, #tpu.memory_space<vmem_shared>>) dst(%arg10 : memref<128xf32, #tpu.memory_space<vmem>>)
      tpu.yield
    }) : () -> ()
    %run_scoped3A_88 = arith.constant 79 : i32
    "tpu.region"() ({
      %run_scoped3A_392 = tpu.sem_alloc : memref<!tpu.dma_semaphore, #tpu.memory_space<semaphore_mem>>
      %dma_start3A = arith.constant 0 : i32
      %dma_start3A_393 = tpu.memref_slice %arg7[%run_scoped3A_88, %dma_start3A] : memref<82x128xi32, #tpu.memory_space<vmem>> -> memref<1x128xi32, #tpu.memory_space<vmem>>
      %dma_start3A_394 = tpu.memref_squeeze %dma_start3A_393 : memref<1x128xi32, #tpu.memory_space<vmem>> -> memref<128xi32, #tpu.memory_space<vmem>>
      %dma_start3A_395 = arith.constant 0 : i32
      %dma_start3A_396 = tpu.memref_slice %arg11[%dma_start3A_395] : memref<1050624xf32, #tpu.memory_space<vmem_shared>> -> memref<1050624xf32, #tpu.memory_space<vmem_shared>>
      tpu.enqueue_indirect_dma source(%dma_start3A_396 : memref<1050624xf32, #tpu.memory_space<vmem_shared>>) target(%arg10 : memref<128xf32, #tpu.memory_space<vmem>>) offsets(%dma_start3A_394 : memref<128xi32, #tpu.memory_space<vmem>>) semaphore(%run_scoped3A_392 : memref<!tpu.dma_semaphore, #tpu.memory_space<semaphore_mem>>)
      %dma_wait3A_397 = arith.constant 0 : i32
      %dma_wait3A_398 = tpu.memref_slice %arg7[%run_scoped3A_88, %dma_wait3A_397] : memref<82x128xi32, #tpu.memory_space<vmem>> -> memref<1x128xi32, #tpu.memory_space<vmem>>
      %dma_wait3A_399 = tpu.memref_squeeze %dma_wait3A_398 : memref<1x128xi32, #tpu.memory_space<vmem>> -> memref<128xi32, #tpu.memory_space<vmem>>
      %dma_wait3A_400 = arith.constant 0 : i32
      %dma_wait3A_401 = tpu.memref_slice %arg11[%dma_wait3A_400] : memref<1050624xf32, #tpu.memory_space<vmem_shared>> -> memref<1050624xf32, #tpu.memory_space<vmem_shared>>
      tpu.wait_indirect_dma semaphore(%run_scoped3A_392 : memref<!tpu.dma_semaphore, #tpu.memory_space<semaphore_mem>>) src(%dma_wait3A_401 : memref<1050624xf32, #tpu.memory_space<vmem_shared>>) dst(%arg10 : memref<128xf32, #tpu.memory_space<vmem>>)
      tpu.yield
    }) : () -> ()
    %barrier3A_89 = arith.constant 0 : index
    tpu.barrier barrier_id(%barrier3A_89)
    %mul3A_90 = arith.constant 65536 : i32
    %mul3A_91 = arith.muli %arg1, %mul3A_90 : i32
    %mul3A_92 = arith.constant 1048576 : i32
    %mul3A_93 = arith.muli %add3A_52, %mul3A_92 : i32
    %mul3A_94 = arith.constant 65536 : i32
    %mul3A_95 = arith.muli %arg1, %mul3A_94 : i32
    %add3A_96 = arith.addi %mul3A_93, %mul3A_95 : i32
    "tpu.region"() ({
      %run_scoped3A_392 = tpu.sem_alloc : memref<!tpu.dma_semaphore, #tpu.memory_space<semaphore_mem>>
      %dma_start3A = tpu.memref_slice %arg4[%add3A_96] : memref<16777216xf32, #tpu.memory_space<hbm>> -> memref<65536xf32, #tpu.memory_space<hbm>>
      %dma_start3A_393 = tpu.memref_slice %arg11[%mul3A_91] : memref<1050624xf32, #tpu.memory_space<vmem_shared>> -> memref<65536xf32, #tpu.memory_space<vmem_shared>>
      tpu.enqueue_dma source(%dma_start3A_393 : memref<65536xf32, #tpu.memory_space<vmem_shared>>) target(%dma_start3A : memref<65536xf32, #tpu.memory_space<hbm>>) target_semaphore(%run_scoped3A_392 : memref<!tpu.dma_semaphore, #tpu.memory_space<semaphore_mem>>)
      %dma_wait3A_394 = tpu.memref_slice %arg4[%add3A_96] : memref<16777216xf32, #tpu.memory_space<hbm>> -> memref<65536xf32, #tpu.memory_space<hbm>>
      %dma_wait3A_395 = tpu.memref_slice %arg11[%mul3A_91] : memref<1050624xf32, #tpu.memory_space<vmem_shared>> -> memref<65536xf32, #tpu.memory_space<vmem_shared>>
      tpu.wait_dma2 semaphore(%run_scoped3A_392 : memref<!tpu.dma_semaphore, #tpu.memory_space<semaphore_mem>>) src(%dma_wait3A_395 : memref<65536xf32, #tpu.memory_space<vmem_shared>>) dst(%dma_wait3A_394 : memref<65536xf32, #tpu.memory_space<hbm>>)
      tpu.yield
    }) : () -> ()
    %barrier3A_97 = arith.constant 0 : index
    tpu.barrier barrier_id(%barrier3A_97)
    %mul3A_98 = arith.constant 8 : i32
    %mul3A_99 = arith.muli %arg0, %mul3A_98 : i32
    %add3A_100 = arith.constant 2 : i32
    %add3A_101 = arith.addi %mul3A_99, %add3A_100 : i32
    %mul3A_102 = arith.constant 1048576 : i32
    %mul3A_103 = arith.muli %add3A_101, %mul3A_102 : i32
    %mul3A_104 = arith.constant 65536 : i32
    %mul3A_105 = arith.muli %arg1, %mul3A_104 : i32
    %add3A_106 = arith.constant 0 : i32
    %add3A_107 = arith.addi %mul3A_105, %add3A_106 : i32
    "tpu.region"() ({
      %run_scoped3A_392 = tpu.sem_alloc : memref<!tpu.dma_semaphore, #tpu.memory_space<semaphore_mem>>
      %dma_start3A = tpu.memref_slice %arg11[%add3A_107] : memref<1050624xf32, #tpu.memory_space<vmem_shared>> -> memref<16384xf32, #tpu.memory_space<vmem_shared>>
      %dma_start3A_393 = tpu.memref_slice %arg11[%add3A_107] : memref<1050624xf32, #tpu.memory_space<vmem_shared>> -> memref<16384xf32, #tpu.memory_space<vmem_shared>>
      tpu.enqueue_dma source(%arg9 : memref<16384xf32, #tpu.memory_space<vmem>>) target(%dma_start3A_393 : memref<16384xf32, #tpu.memory_space<vmem_shared>>) target_semaphore(%run_scoped3A_392 : memref<!tpu.dma_semaphore, #tpu.memory_space<semaphore_mem>>)
      %dma_wait3A_394 = tpu.memref_slice %arg11[%add3A_107] : memref<1050624xf32, #tpu.memory_space<vmem_shared>> -> memref<16384xf32, #tpu.memory_space<vmem_shared>>
      %dma_wait3A_395 = tpu.memref_slice %arg11[%add3A_107] : memref<1050624xf32, #tpu.memory_space<vmem_shared>> -> memref<16384xf32, #tpu.memory_space<vmem_shared>>
      tpu.wait_dma2 semaphore(%run_scoped3A_392 : memref<!tpu.dma_semaphore, #tpu.memory_space<semaphore_mem>>) src(%arg9 : memref<16384xf32, #tpu.memory_space<vmem>>) dst(%dma_wait3A_395 : memref<16384xf32, #tpu.memory_space<vmem_shared>>)
      tpu.yield
    }) : () -> ()
    %mul3A_108 = arith.constant 65536 : i32
    %mul3A_109 = arith.muli %arg1, %mul3A_108 : i32
    %add3A_110 = arith.constant 16384 : i32
    %add3A_111 = arith.addi %mul3A_109, %add3A_110 : i32
    "tpu.region"() ({
      %run_scoped3A_392 = tpu.sem_alloc : memref<!tpu.dma_semaphore, #tpu.memory_space<semaphore_mem>>
      %dma_start3A = tpu.memref_slice %arg11[%add3A_111] : memref<1050624xf32, #tpu.memory_space<vmem_shared>> -> memref<16384xf32, #tpu.memory_space<vmem_shared>>
      %dma_start3A_393 = tpu.memref_slice %arg11[%add3A_111] : memref<1050624xf32, #tpu.memory_space<vmem_shared>> -> memref<16384xf32, #tpu.memory_space<vmem_shared>>
      tpu.enqueue_dma source(%arg9 : memref<16384xf32, #tpu.memory_space<vmem>>) target(%dma_start3A_393 : memref<16384xf32, #tpu.memory_space<vmem_shared>>) target_semaphore(%run_scoped3A_392 : memref<!tpu.dma_semaphore, #tpu.memory_space<semaphore_mem>>)
      %dma_wait3A_394 = tpu.memref_slice %arg11[%add3A_111] : memref<1050624xf32, #tpu.memory_space<vmem_shared>> -> memref<16384xf32, #tpu.memory_space<vmem_shared>>
      %dma_wait3A_395 = tpu.memref_slice %arg11[%add3A_111] : memref<1050624xf32, #tpu.memory_space<vmem_shared>> -> memref<16384xf32, #tpu.memory_space<vmem_shared>>
      tpu.wait_dma2 semaphore(%run_scoped3A_392 : memref<!tpu.dma_semaphore, #tpu.memory_space<semaphore_mem>>) src(%arg9 : memref<16384xf32, #tpu.memory_space<vmem>>) dst(%dma_wait3A_395 : memref<16384xf32, #tpu.memory_space<vmem_shared>>)
      tpu.yield
    }) : () -> ()
    %mul3A_112 = arith.constant 65536 : i32
    %mul3A_113 = arith.muli %arg1, %mul3A_112 : i32
    %add3A_114 = arith.constant 32768 : i32
    %add3A_115 = arith.addi %mul3A_113, %add3A_114 : i32
    "tpu.region"() ({
      %run_scoped3A_392 = tpu.sem_alloc : memref<!tpu.dma_semaphore, #tpu.memory_space<semaphore_mem>>
      %dma_start3A = tpu.memref_slice %arg11[%add3A_115] : memref<1050624xf32, #tpu.memory_space<vmem_shared>> -> memref<16384xf32, #tpu.memory_space<vmem_shared>>
      %dma_start3A_393 = tpu.memref_slice %arg11[%add3A_115] : memref<1050624xf32, #tpu.memory_space<vmem_shared>> -> memref<16384xf32, #tpu.memory_space<vmem_shared>>
      tpu.enqueue_dma source(%arg9 : memref<16384xf32, #tpu.memory_space<vmem>>) target(%dma_start3A_393 : memref<16384xf32, #tpu.memory_space<vmem_shared>>) target_semaphore(%run_scoped3A_392 : memref<!tpu.dma_semaphore, #tpu.memory_space<semaphore_mem>>)
      %dma_wait3A_394 = tpu.memref_slice %arg11[%add3A_115] : memref<1050624xf32, #tpu.memory_space<vmem_shared>> -> memref<16384xf32, #tpu.memory_space<vmem_shared>>
      %dma_wait3A_395 = tpu.memref_slice %arg11[%add3A_115] : memref<1050624xf32, #tpu.memory_space<vmem_shared>> -> memref<16384xf32, #tpu.memory_space<vmem_shared>>
      tpu.wait_dma2 semaphore(%run_scoped3A_392 : memref<!tpu.dma_semaphore, #tpu.memory_space<semaphore_mem>>) src(%arg9 : memref<16384xf32, #tpu.memory_space<vmem>>) dst(%dma_wait3A_395 : memref<16384xf32, #tpu.memory_space<vmem_shared>>)
      tpu.yield
    }) : () -> ()
    %mul3A_116 = arith.constant 65536 : i32
    %mul3A_117 = arith.muli %arg1, %mul3A_116 : i32
    %add3A_118 = arith.constant 49152 : i32
    %add3A_119 = arith.addi %mul3A_117, %add3A_118 : i32
    "tpu.region"() ({
      %run_scoped3A_392 = tpu.sem_alloc : memref<!tpu.dma_semaphore, #tpu.memory_space<semaphore_mem>>
      %dma_start3A = tpu.memref_slice %arg11[%add3A_119] : memref<1050624xf32, #tpu.memory_space<vmem_shared>> -> memref<16384xf32, #tpu.memory_space<vmem_shared>>
      %dma_start3A_393 = tpu.memref_slice %arg11[%add3A_119] : memref<1050624xf32, #tpu.memory_space<vmem_shared>> -> memref<16384xf32, #tpu.memory_space<vmem_shared>>
      tpu.enqueue_dma source(%arg9 : memref<16384xf32, #tpu.memory_space<vmem>>) target(%dma_start3A_393 : memref<16384xf32, #tpu.memory_space<vmem_shared>>) target_semaphore(%run_scoped3A_392 : memref<!tpu.dma_semaphore, #tpu.memory_space<semaphore_mem>>)
      %dma_wait3A_394 = tpu.memref_slice %arg11[%add3A_119] : memref<1050624xf32, #tpu.memory_space<vmem_shared>> -> memref<16384xf32, #tpu.memory_space<vmem_shared>>
      %dma_wait3A_395 = tpu.memref_slice %arg11[%add3A_119] : memref<1050624xf32, #tpu.memory_space<vmem_shared>> -> memref<16384xf32, #tpu.memory_space<vmem_shared>>
      tpu.wait_dma2 semaphore(%run_scoped3A_392 : memref<!tpu.dma_semaphore, #tpu.memory_space<semaphore_mem>>) src(%arg9 : memref<16384xf32, #tpu.memory_space<vmem>>) dst(%dma_wait3A_395 : memref<16384xf32, #tpu.memory_space<vmem_shared>>)
      tpu.yield
    }) : () -> ()
    %barrier3A_120 = arith.constant 0 : index
    tpu.barrier barrier_id(%barrier3A_120)
    %scan3A_121 = arith.constant 0 : i32
    %scan3A_122 = arith.constant 0 : i32
    %scan3A_123 = arith.constant 82 : i32
    %scan3A_124 = arith.addi %scan3A_122, %scan3A_123 : i32
    %scan3A_125 = arith.constant 1 : i32
    scf.for %scan3A_392 = %scan3A_122 to %scan3A_124 step %scan3A_125  : i32 {
      %mul3A_393 = arith.constant 128 : i32
      %mul3A_394 = arith.muli %scan3A_392, %mul3A_393 : i32
      %and3A = arith.constant 2047 : i32
      %and3A_395 = arith.andi %mul3A_394, %and3A : i32
      %add3A_396 = arith.constant 1048576 : i32
      %add3A_397 = arith.addi %add3A_396, %and3A_395 : i32
      %get3A = arith.index_cast %scan3A_392 : i32 to index
      %get3A_398 = arith.constant 0 : index
      %get3A_399 = tpu.vector_load %arg5[%get3A, %get3A_398] {strides = array<i32>} : memref<82x128xi32, #tpu.memory_space<vmem>>, vector<1x16xi32>,
      %get3A_400 = vector.shape_cast %get3A_399 : vector<1x16xi32> to vector<16xi32>
      %sub3A = vector.broadcast %mul3A_103 : i32 to vector<16xi32>
      %sub3A_401 = arith.subi %get3A_400, %sub3A : vector<16xi32>
      %ge3A = arith.constant 0 : i32
      %ge3A_402 = vector.broadcast %ge3A : i32 to vector<16xi32>
      %ge3A_403 = arith.cmpi sge, %sub3A_401, %ge3A_402 : vector<16xi32>
      %lt3A = arith.constant 1048576 : i32
      %lt3A_404 = vector.broadcast %lt3A : i32 to vector<16xi32>
      %lt3A_405 = arith.cmpi slt, %sub3A_401, %lt3A_404 : vector<16xi32>
      %and3A_406 = arith.andi %ge3A_403, %lt3A_405 : vector<16xi1>
      %add3A_407 = arith.constant 0 : i32
      %add3A_408 = arith.addi %add3A_397, %add3A_407 : i32
      %iota3A = tpu.iota {dimensions = array<i32: 0>} : vector<16xi32>
      %add3A_409 = vector.broadcast %add3A_408 : i32 to vector<16xi32>
      %add3A_410 = arith.addi %add3A_409, %iota3A : vector<16xi32>
      %select_n3A = arith.select %and3A_406, %sub3A_401, %add3A_410 : vector<16xi1>, vector<16xi32>
      %swap3A = arith.index_cast %scan3A_392 : i32 to index
      %swap3A_411 = arith.constant 0 : index
      %swap3A_412 = tpu.vector_load %arg7[%swap3A, %swap3A_411] {strides = array<i32>} : memref<82x128xi32, #tpu.memory_space<vmem>>, vector<1x16xi32>,
      %swap3A_413 = vector.shape_cast %swap3A_412 : vector<1x16xi32> to vector<16xi32>
      %swap3A_414 = vector.shape_cast %select_n3A : vector<16xi32> to vector<1x16xi32>
      tpu.vector_store %arg7[%swap3A, %swap3A_411], %swap3A_414 {strides = array<i32>} : memref<82x128xi32, #tpu.memory_space<vmem>>, vector<1x16xi32>,
      %get3A_415 = arith.index_cast %scan3A_392 : i32 to index
      %get3A_416 = arith.constant 0 : index
      %get3A_417 = tpu.vector_load %arg6[%get3A_415, %get3A_416] {strides = array<i32>} : memref<82x128xf32, #tpu.memory_space<vmem>>, vector<1x16xf32>,
      %get3A_418 = vector.shape_cast %get3A_417 : vector<1x16xf32> to vector<16xf32>
      %jit3A = arith.constant 0.000000e+00 : f32
      %broadcast_in_dim3A = vector.broadcast %jit3A : f32 to vector<16xf32>
      %select_n3A_419 = arith.select %and3A_406, %get3A_418, %broadcast_in_dim3A : vector<16xi1>, vector<16xf32>
      %swap3A_420 = arith.index_cast %scan3A_392 : i32 to index
      %swap3A_421 = arith.constant 0 : index
      %swap3A_422 = tpu.vector_load %arg8[%swap3A_420, %swap3A_421] {strides = array<i32>} : memref<82x128xf32, #tpu.memory_space<vmem>>, vector<1x16xf32>,
      %swap3A_423 = vector.shape_cast %swap3A_422 : vector<1x16xf32> to vector<16xf32>
      %swap3A_424 = vector.shape_cast %select_n3A_419 : vector<16xf32> to vector<1x16xf32>
      tpu.vector_store %arg8[%swap3A_420, %swap3A_421], %swap3A_424 {strides = array<i32>} : memref<82x128xf32, #tpu.memory_space<vmem>>, vector<1x16xf32>,
      %get3A_425 = arith.index_cast %scan3A_392 : i32 to index
      %get3A_426 = arith.constant 16 : index
      %get3A_427 = tpu.vector_load %arg5[%get3A_425, %get3A_426] {strides = array<i32>} : memref<82x128xi32, #tpu.memory_space<vmem>>, vector<1x16xi32>,
      %get3A_428 = vector.shape_cast %get3A_427 : vector<1x16xi32> to vector<16xi32>
      %sub3A_429 = vector.broadcast %mul3A_103 : i32 to vector<16xi32>
      %sub3A_430 = arith.subi %get3A_428, %sub3A_429 : vector<16xi32>
      %ge3A_431 = arith.constant 0 : i32
      %ge3A_432 = vector.broadcast %ge3A_431 : i32 to vector<16xi32>
      %ge3A_433 = arith.cmpi sge, %sub3A_430, %ge3A_432 : vector<16xi32>
      %lt3A_434 = arith.constant 1048576 : i32
      %lt3A_435 = vector.broadcast %lt3A_434 : i32 to vector<16xi32>
      %lt3A_436 = arith.cmpi slt, %sub3A_430, %lt3A_435 : vector<16xi32>
      %and3A_437 = arith.andi %ge3A_433, %lt3A_436 : vector<16xi1>
      %add3A_438 = arith.constant 16 : i32
      %add3A_439 = arith.addi %add3A_397, %add3A_438 : i32
      %iota3A_440 = tpu.iota {dimensions = array<i32: 0>} : vector<16xi32>
      %add3A_441 = vector.broadcast %add3A_439 : i32 to vector<16xi32>
      %add3A_442 = arith.addi %add3A_441, %iota3A_440 : vector<16xi32>
      %select_n3A_443 = arith.select %and3A_437, %sub3A_430, %add3A_442 : vector<16xi1>, vector<16xi32>
      %swap3A_444 = arith.index_cast %scan3A_392 : i32 to index
      %swap3A_445 = arith.constant 16 : index
      %swap3A_446 = tpu.vector_load %arg7[%swap3A_444, %swap3A_445] {strides = array<i32>} : memref<82x128xi32, #tpu.memory_space<vmem>>, vector<1x16xi32>,
      %swap3A_447 = vector.shape_cast %swap3A_446 : vector<1x16xi32> to vector<16xi32>
      %swap3A_448 = vector.shape_cast %select_n3A_443 : vector<16xi32> to vector<1x16xi32>
      tpu.vector_store %arg7[%swap3A_444, %swap3A_445], %swap3A_448 {strides = array<i32>} : memref<82x128xi32, #tpu.memory_space<vmem>>, vector<1x16xi32>,
      %get3A_449 = arith.index_cast %scan3A_392 : i32 to index
      %get3A_450 = arith.constant 16 : index
      %get3A_451 = tpu.vector_load %arg6[%get3A_449, %get3A_450] {strides = array<i32>} : memref<82x128xf32, #tpu.memory_space<vmem>>, vector<1x16xf32>,
      %get3A_452 = vector.shape_cast %get3A_451 : vector<1x16xf32> to vector<16xf32>
      %jit3A_453 = arith.constant 0.000000e+00 : f32
      %broadcast_in_dim3A_454 = vector.broadcast %jit3A_453 : f32 to vector<16xf32>
      %select_n3A_455 = arith.select %and3A_437, %get3A_452, %broadcast_in_dim3A_454 : vector<16xi1>, vector<16xf32>
      %swap3A_456 = arith.index_cast %scan3A_392 : i32 to index
      %swap3A_457 = arith.constant 16 : index
      %swap3A_458 = tpu.vector_load %arg8[%swap3A_456, %swap3A_457] {strides = array<i32>} : memref<82x128xf32, #tpu.memory_space<vmem>>, vector<1x16xf32>,
      %swap3A_459 = vector.shape_cast %swap3A_458 : vector<1x16xf32> to vector<16xf32>
      %swap3A_460 = vector.shape_cast %select_n3A_455 : vector<16xf32> to vector<1x16xf32>
      tpu.vector_store %arg8[%swap3A_456, %swap3A_457], %swap3A_460 {strides = array<i32>} : memref<82x128xf32, #tpu.memory_space<vmem>>, vector<1x16xf32>,
      %get3A_461 = arith.index_cast %scan3A_392 : i32 to index
      %get3A_462 = arith.constant 32 : index
      %get3A_463 = tpu.vector_load %arg5[%get3A_461, %get3A_462] {strides = array<i32>} : memref<82x128xi32, #tpu.memory_space<vmem>>, vector<1x16xi32>,
      %get3A_464 = vector.shape_cast %get3A_463 : vector<1x16xi32> to vector<16xi32>
      %sub3A_465 = vector.broadcast %mul3A_103 : i32 to vector<16xi32>
      %sub3A_466 = arith.subi %get3A_464, %sub3A_465 : vector<16xi32>
      %ge3A_467 = arith.constant 0 : i32
      %ge3A_468 = vector.broadcast %ge3A_467 : i32 to vector<16xi32>
      %ge3A_469 = arith.cmpi sge, %sub3A_466, %ge3A_468 : vector<16xi32>
      %lt3A_470 = arith.constant 1048576 : i32
      %lt3A_471 = vector.broadcast %lt3A_470 : i32 to vector<16xi32>
      %lt3A_472 = arith.cmpi slt, %sub3A_466, %lt3A_471 : vector<16xi32>
      %and3A_473 = arith.andi %ge3A_469, %lt3A_472 : vector<16xi1>
      %add3A_474 = arith.constant 32 : i32
      %add3A_475 = arith.addi %add3A_397, %add3A_474 : i32
      %iota3A_476 = tpu.iota {dimensions = array<i32: 0>} : vector<16xi32>
      %add3A_477 = vector.broadcast %add3A_475 : i32 to vector<16xi32>
      %add3A_478 = arith.addi %add3A_477, %iota3A_476 : vector<16xi32>
      %select_n3A_479 = arith.select %and3A_473, %sub3A_466, %add3A_478 : vector<16xi1>, vector<16xi32>
      %swap3A_480 = arith.index_cast %scan3A_392 : i32 to index
      %swap3A_481 = arith.constant 32 : index
      %swap3A_482 = tpu.vector_load %arg7[%swap3A_480, %swap3A_481] {strides = array<i32>} : memref<82x128xi32, #tpu.memory_space<vmem>>, vector<1x16xi32>,
      %swap3A_483 = vector.shape_cast %swap3A_482 : vector<1x16xi32> to vector<16xi32>
      %swap3A_484 = vector.shape_cast %select_n3A_479 : vector<16xi32> to vector<1x16xi32>
      tpu.vector_store %arg7[%swap3A_480, %swap3A_481], %swap3A_484 {strides = array<i32>} : memref<82x128xi32, #tpu.memory_space<vmem>>, vector<1x16xi32>,
      %get3A_485 = arith.index_cast %scan3A_392 : i32 to index
      %get3A_486 = arith.constant 32 : index
      %get3A_487 = tpu.vector_load %arg6[%get3A_485, %get3A_486] {strides = array<i32>} : memref<82x128xf32, #tpu.memory_space<vmem>>, vector<1x16xf32>,
      %get3A_488 = vector.shape_cast %get3A_487 : vector<1x16xf32> to vector<16xf32>
      %jit3A_489 = arith.constant 0.000000e+00 : f32
      %broadcast_in_dim3A_490 = vector.broadcast %jit3A_489 : f32 to vector<16xf32>
      %select_n3A_491 = arith.select %and3A_473, %get3A_488, %broadcast_in_dim3A_490 : vector<16xi1>, vector<16xf32>
      %swap3A_492 = arith.index_cast %scan3A_392 : i32 to index
      %swap3A_493 = arith.constant 32 : index
      %swap3A_494 = tpu.vector_load %arg8[%swap3A_492, %swap3A_493] {strides = array<i32>} : memref<82x128xf32, #tpu.memory_space<vmem>>, vector<1x16xf32>,
      %swap3A_495 = vector.shape_cast %swap3A_494 : vector<1x16xf32> to vector<16xf32>
      %swap3A_496 = vector.shape_cast %select_n3A_491 : vector<16xf32> to vector<1x16xf32>
      tpu.vector_store %arg8[%swap3A_492, %swap3A_493], %swap3A_496 {strides = array<i32>} : memref<82x128xf32, #tpu.memory_space<vmem>>, vector<1x16xf32>,
      %get3A_497 = arith.index_cast %scan3A_392 : i32 to index
      %get3A_498 = arith.constant 48 : index
      %get3A_499 = tpu.vector_load %arg5[%get3A_497, %get3A_498] {strides = array<i32>} : memref<82x128xi32, #tpu.memory_space<vmem>>, vector<1x16xi32>,
      %get3A_500 = vector.shape_cast %get3A_499 : vector<1x16xi32> to vector<16xi32>
      %sub3A_501 = vector.broadcast %mul3A_103 : i32 to vector<16xi32>
      %sub3A_502 = arith.subi %get3A_500, %sub3A_501 : vector<16xi32>
      %ge3A_503 = arith.constant 0 : i32
      %ge3A_504 = vector.broadcast %ge3A_503 : i32 to vector<16xi32>
      %ge3A_505 = arith.cmpi sge, %sub3A_502, %ge3A_504 : vector<16xi32>
      %lt3A_506 = arith.constant 1048576 : i32
      %lt3A_507 = vector.broadcast %lt3A_506 : i32 to vector<16xi32>
      %lt3A_508 = arith.cmpi slt, %sub3A_502, %lt3A_507 : vector<16xi32>
      %and3A_509 = arith.andi %ge3A_505, %lt3A_508 : vector<16xi1>
      %add3A_510 = arith.constant 48 : i32
      %add3A_511 = arith.addi %add3A_397, %add3A_510 : i32
      %iota3A_512 = tpu.iota {dimensions = array<i32: 0>} : vector<16xi32>
      %add3A_513 = vector.broadcast %add3A_511 : i32 to vector<16xi32>
      %add3A_514 = arith.addi %add3A_513, %iota3A_512 : vector<16xi32>
      %select_n3A_515 = arith.select %and3A_509, %sub3A_502, %add3A_514 : vector<16xi1>, vector<16xi32>
      %swap3A_516 = arith.index_cast %scan3A_392 : i32 to index
      %swap3A_517 = arith.constant 48 : index
      %swap3A_518 = tpu.vector_load %arg7[%swap3A_516, %swap3A_517] {strides = array<i32>} : memref<82x128xi32, #tpu.memory_space<vmem>>, vector<1x16xi32>,
      %swap3A_519 = vector.shape_cast %swap3A_518 : vector<1x16xi32> to vector<16xi32>
      %swap3A_520 = vector.shape_cast %select_n3A_515 : vector<16xi32> to vector<1x16xi32>
      tpu.vector_store %arg7[%swap3A_516, %swap3A_517], %swap3A_520 {strides = array<i32>} : memref<82x128xi32, #tpu.memory_space<vmem>>, vector<1x16xi32>,
      %get3A_521 = arith.index_cast %scan3A_392 : i32 to index
      %get3A_522 = arith.constant 48 : index
      %get3A_523 = tpu.vector_load %arg6[%get3A_521, %get3A_522] {strides = array<i32>} : memref<82x128xf32, #tpu.memory_space<vmem>>, vector<1x16xf32>,
      %get3A_524 = vector.shape_cast %get3A_523 : vector<1x16xf32> to vector<16xf32>
      %jit3A_525 = arith.constant 0.000000e+00 : f32
      %broadcast_in_dim3A_526 = vector.broadcast %jit3A_525 : f32 to vector<16xf32>
      %select_n3A_527 = arith.select %and3A_509, %get3A_524, %broadcast_in_dim3A_526 : vector<16xi1>, vector<16xf32>
      %swap3A_528 = arith.index_cast %scan3A_392 : i32 to index
      %swap3A_529 = arith.constant 48 : index
      %swap3A_530 = tpu.vector_load %arg8[%swap3A_528, %swap3A_529] {strides = array<i32>} : memref<82x128xf32, #tpu.memory_space<vmem>>, vector<1x16xf32>,
      %swap3A_531 = vector.shape_cast %swap3A_530 : vector<1x16xf32> to vector<16xf32>
      %swap3A_532 = vector.shape_cast %select_n3A_527 : vector<16xf32> to vector<1x16xf32>
      tpu.vector_store %arg8[%swap3A_528, %swap3A_529], %swap3A_532 {strides = array<i32>} : memref<82x128xf32, #tpu.memory_space<vmem>>, vector<1x16xf32>,
      %get3A_533 = arith.index_cast %scan3A_392 : i32 to index
      %get3A_534 = arith.constant 64 : index
      %get3A_535 = tpu.vector_load %arg5[%get3A_533, %get3A_534] {strides = array<i32>} : memref<82x128xi32, #tpu.memory_space<vmem>>, vector<1x16xi32>,
      %get3A_536 = vector.shape_cast %get3A_535 : vector<1x16xi32> to vector<16xi32>
      %sub3A_537 = vector.broadcast %mul3A_103 : i32 to vector<16xi32>
      %sub3A_538 = arith.subi %get3A_536, %sub3A_537 : vector<16xi32>
      %ge3A_539 = arith.constant 0 : i32
      %ge3A_540 = vector.broadcast %ge3A_539 : i32 to vector<16xi32>
      %ge3A_541 = arith.cmpi sge, %sub3A_538, %ge3A_540 : vector<16xi32>
      %lt3A_542 = arith.constant 1048576 : i32
      %lt3A_543 = vector.broadcast %lt3A_542 : i32 to vector<16xi32>
      %lt3A_544 = arith.cmpi slt, %sub3A_538, %lt3A_543 : vector<16xi32>
      %and3A_545 = arith.andi %ge3A_541, %lt3A_544 : vector<16xi1>
      %add3A_546 = arith.constant 64 : i32
      %add3A_547 = arith.addi %add3A_397, %add3A_546 : i32
      %iota3A_548 = tpu.iota {dimensions = array<i32: 0>} : vector<16xi32>
      %add3A_549 = vector.broadcast %add3A_547 : i32 to vector<16xi32>
      %add3A_550 = arith.addi %add3A_549, %iota3A_548 : vector<16xi32>
      %select_n3A_551 = arith.select %and3A_545, %sub3A_538, %add3A_550 : vector<16xi1>, vector<16xi32>
      %swap3A_552 = arith.index_cast %scan3A_392 : i32 to index
      %swap3A_553 = arith.constant 64 : index
      %swap3A_554 = tpu.vector_load %arg7[%swap3A_552, %swap3A_553] {strides = array<i32>} : memref<82x128xi32, #tpu.memory_space<vmem>>, vector<1x16xi32>,
      %swap3A_555 = vector.shape_cast %swap3A_554 : vector<1x16xi32> to vector<16xi32>
      %swap3A_556 = vector.shape_cast %select_n3A_551 : vector<16xi32> to vector<1x16xi32>
      tpu.vector_store %arg7[%swap3A_552, %swap3A_553], %swap3A_556 {strides = array<i32>} : memref<82x128xi32, #tpu.memory_space<vmem>>, vector<1x16xi32>,
      %get3A_557 = arith.index_cast %scan3A_392 : i32 to index
      %get3A_558 = arith.constant 64 : index
      %get3A_559 = tpu.vector_load %arg6[%get3A_557, %get3A_558] {strides = array<i32>} : memref<82x128xf32, #tpu.memory_space<vmem>>, vector<1x16xf32>,
      %get3A_560 = vector.shape_cast %get3A_559 : vector<1x16xf32> to vector<16xf32>
      %jit3A_561 = arith.constant 0.000000e+00 : f32
      %broadcast_in_dim3A_562 = vector.broadcast %jit3A_561 : f32 to vector<16xf32>
      %select_n3A_563 = arith.select %and3A_545, %get3A_560, %broadcast_in_dim3A_562 : vector<16xi1>, vector<16xf32>
      %swap3A_564 = arith.index_cast %scan3A_392 : i32 to index
      %swap3A_565 = arith.constant 64 : index
      %swap3A_566 = tpu.vector_load %arg8[%swap3A_564, %swap3A_565] {strides = array<i32>} : memref<82x128xf32, #tpu.memory_space<vmem>>, vector<1x16xf32>,
      %swap3A_567 = vector.shape_cast %swap3A_566 : vector<1x16xf32> to vector<16xf32>
      %swap3A_568 = vector.shape_cast %select_n3A_563 : vector<16xf32> to vector<1x16xf32>
      tpu.vector_store %arg8[%swap3A_564, %swap3A_565], %swap3A_568 {strides = array<i32>} : memref<82x128xf32, #tpu.memory_space<vmem>>, vector<1x16xf32>,
      %get3A_569 = arith.index_cast %scan3A_392 : i32 to index
      %get3A_570 = arith.constant 80 : index
      %get3A_571 = tpu.vector_load %arg5[%get3A_569, %get3A_570] {strides = array<i32>} : memref<82x128xi32, #tpu.memory_space<vmem>>, vector<1x16xi32>,
      %get3A_572 = vector.shape_cast %get3A_571 : vector<1x16xi32> to vector<16xi32>
      %sub3A_573 = vector.broadcast %mul3A_103 : i32 to vector<16xi32>
      %sub3A_574 = arith.subi %get3A_572, %sub3A_573 : vector<16xi32>
      %ge3A_575 = arith.constant 0 : i32
      %ge3A_576 = vector.broadcast %ge3A_575 : i32 to vector<16xi32>
      %ge3A_577 = arith.cmpi sge, %sub3A_574, %ge3A_576 : vector<16xi32>
      %lt3A_578 = arith.constant 1048576 : i32
      %lt3A_579 = vector.broadcast %lt3A_578 : i32 to vector<16xi32>
      %lt3A_580 = arith.cmpi slt, %sub3A_574, %lt3A_579 : vector<16xi32>
      %and3A_581 = arith.andi %ge3A_577, %lt3A_580 : vector<16xi1>
      %add3A_582 = arith.constant 80 : i32
      %add3A_583 = arith.addi %add3A_397, %add3A_582 : i32
      %iota3A_584 = tpu.iota {dimensions = array<i32: 0>} : vector<16xi32>
      %add3A_585 = vector.broadcast %add3A_583 : i32 to vector<16xi32>
      %add3A_586 = arith.addi %add3A_585, %iota3A_584 : vector<16xi32>
      %select_n3A_587 = arith.select %and3A_581, %sub3A_574, %add3A_586 : vector<16xi1>, vector<16xi32>
      %swap3A_588 = arith.index_cast %scan3A_392 : i32 to index
      %swap3A_589 = arith.constant 80 : index
      %swap3A_590 = tpu.vector_load %arg7[%swap3A_588, %swap3A_589] {strides = array<i32>} : memref<82x128xi32, #tpu.memory_space<vmem>>, vector<1x16xi32>,
      %swap3A_591 = vector.shape_cast %swap3A_590 : vector<1x16xi32> to vector<16xi32>
      %swap3A_592 = vector.shape_cast %select_n3A_587 : vector<16xi32> to vector<1x16xi32>
      tpu.vector_store %arg7[%swap3A_588, %swap3A_589], %swap3A_592 {strides = array<i32>} : memref<82x128xi32, #tpu.memory_space<vmem>>, vector<1x16xi32>,
      %get3A_593 = arith.index_cast %scan3A_392 : i32 to index
      %get3A_594 = arith.constant 80 : index
      %get3A_595 = tpu.vector_load %arg6[%get3A_593, %get3A_594] {strides = array<i32>} : memref<82x128xf32, #tpu.memory_space<vmem>>, vector<1x16xf32>,
      %get3A_596 = vector.shape_cast %get3A_595 : vector<1x16xf32> to vector<16xf32>
      %jit3A_597 = arith.constant 0.000000e+00 : f32
      %broadcast_in_dim3A_598 = vector.broadcast %jit3A_597 : f32 to vector<16xf32>
      %select_n3A_599 = arith.select %and3A_581, %get3A_596, %broadcast_in_dim3A_598 : vector<16xi1>, vector<16xf32>
      %swap3A_600 = arith.index_cast %scan3A_392 : i32 to index
      %swap3A_601 = arith.constant 80 : index
      %swap3A_602 = tpu.vector_load %arg8[%swap3A_600, %swap3A_601] {strides = array<i32>} : memref<82x128xf32, #tpu.memory_space<vmem>>, vector<1x16xf32>,
      %swap3A_603 = vector.shape_cast %swap3A_602 : vector<1x16xf32> to vector<16xf32>
      %swap3A_604 = vector.shape_cast %select_n3A_599 : vector<16xf32> to vector<1x16xf32>
      tpu.vector_store %arg8[%swap3A_600, %swap3A_601], %swap3A_604 {strides = array<i32>} : memref<82x128xf32, #tpu.memory_space<vmem>>, vector<1x16xf32>,
      %get3A_605 = arith.index_cast %scan3A_392 : i32 to index
      %get3A_606 = arith.constant 96 : index
      %get3A_607 = tpu.vector_load %arg5[%get3A_605, %get3A_606] {strides = array<i32>} : memref<82x128xi32, #tpu.memory_space<vmem>>, vector<1x16xi32>,
      %get3A_608 = vector.shape_cast %get3A_607 : vector<1x16xi32> to vector<16xi32>
      %sub3A_609 = vector.broadcast %mul3A_103 : i32 to vector<16xi32>
      %sub3A_610 = arith.subi %get3A_608, %sub3A_609 : vector<16xi32>
      %ge3A_611 = arith.constant 0 : i32
      %ge3A_612 = vector.broadcast %ge3A_611 : i32 to vector<16xi32>
      %ge3A_613 = arith.cmpi sge, %sub3A_610, %ge3A_612 : vector<16xi32>
      %lt3A_614 = arith.constant 1048576 : i32
      %lt3A_615 = vector.broadcast %lt3A_614 : i32 to vector<16xi32>
      %lt3A_616 = arith.cmpi slt, %sub3A_610, %lt3A_615 : vector<16xi32>
      %and3A_617 = arith.andi %ge3A_613, %lt3A_616 : vector<16xi1>
      %add3A_618 = arith.constant 96 : i32
      %add3A_619 = arith.addi %add3A_397, %add3A_618 : i32
      %iota3A_620 = tpu.iota {dimensions = array<i32: 0>} : vector<16xi32>
      %add3A_621 = vector.broadcast %add3A_619 : i32 to vector<16xi32>
      %add3A_622 = arith.addi %add3A_621, %iota3A_620 : vector<16xi32>
      %select_n3A_623 = arith.select %and3A_617, %sub3A_610, %add3A_622 : vector<16xi1>, vector<16xi32>
      %swap3A_624 = arith.index_cast %scan3A_392 : i32 to index
      %swap3A_625 = arith.constant 96 : index
      %swap3A_626 = tpu.vector_load %arg7[%swap3A_624, %swap3A_625] {strides = array<i32>} : memref<82x128xi32, #tpu.memory_space<vmem>>, vector<1x16xi32>,
      %swap3A_627 = vector.shape_cast %swap3A_626 : vector<1x16xi32> to vector<16xi32>
      %swap3A_628 = vector.shape_cast %select_n3A_623 : vector<16xi32> to vector<1x16xi32>
      tpu.vector_store %arg7[%swap3A_624, %swap3A_625], %swap3A_628 {strides = array<i32>} : memref<82x128xi32, #tpu.memory_space<vmem>>, vector<1x16xi32>,
      %get3A_629 = arith.index_cast %scan3A_392 : i32 to index
      %get3A_630 = arith.constant 96 : index
      %get3A_631 = tpu.vector_load %arg6[%get3A_629, %get3A_630] {strides = array<i32>} : memref<82x128xf32, #tpu.memory_space<vmem>>, vector<1x16xf32>,
      %get3A_632 = vector.shape_cast %get3A_631 : vector<1x16xf32> to vector<16xf32>
      %jit3A_633 = arith.constant 0.000000e+00 : f32
      %broadcast_in_dim3A_634 = vector.broadcast %jit3A_633 : f32 to vector<16xf32>
      %select_n3A_635 = arith.select %and3A_617, %get3A_632, %broadcast_in_dim3A_634 : vector<16xi1>, vector<16xf32>
      %swap3A_636 = arith.index_cast %scan3A_392 : i32 to index
      %swap3A_637 = arith.constant 96 : index
      %swap3A_638 = tpu.vector_load %arg8[%swap3A_636, %swap3A_637] {strides = array<i32>} : memref<82x128xf32, #tpu.memory_space<vmem>>, vector<1x16xf32>,
      %swap3A_639 = vector.shape_cast %swap3A_638 : vector<1x16xf32> to vector<16xf32>
      %swap3A_640 = vector.shape_cast %select_n3A_635 : vector<16xf32> to vector<1x16xf32>
      tpu.vector_store %arg8[%swap3A_636, %swap3A_637], %swap3A_640 {strides = array<i32>} : memref<82x128xf32, #tpu.memory_space<vmem>>, vector<1x16xf32>,
      %get3A_641 = arith.index_cast %scan3A_392 : i32 to index
      %get3A_642 = arith.constant 112 : index
      %get3A_643 = tpu.vector_load %arg5[%get3A_641, %get3A_642] {strides = array<i32>} : memref<82x128xi32, #tpu.memory_space<vmem>>, vector<1x16xi32>,
      %get3A_644 = vector.shape_cast %get3A_643 : vector<1x16xi32> to vector<16xi32>
      %sub3A_645 = vector.broadcast %mul3A_103 : i32 to vector<16xi32>
      %sub3A_646 = arith.subi %get3A_644, %sub3A_645 : vector<16xi32>
      %ge3A_647 = arith.constant 0 : i32
      %ge3A_648 = vector.broadcast %ge3A_647 : i32 to vector<16xi32>
      %ge3A_649 = arith.cmpi sge, %sub3A_646, %ge3A_648 : vector<16xi32>
      %lt3A_650 = arith.constant 1048576 : i32
      %lt3A_651 = vector.broadcast %lt3A_650 : i32 to vector<16xi32>
      %lt3A_652 = arith.cmpi slt, %sub3A_646, %lt3A_651 : vector<16xi32>
      %and3A_653 = arith.andi %ge3A_649, %lt3A_652 : vector<16xi1>
      %add3A_654 = arith.constant 112 : i32
      %add3A_655 = arith.addi %add3A_397, %add3A_654 : i32
      %iota3A_656 = tpu.iota {dimensions = array<i32: 0>} : vector<16xi32>
      %add3A_657 = vector.broadcast %add3A_655 : i32 to vector<16xi32>
      %add3A_658 = arith.addi %add3A_657, %iota3A_656 : vector<16xi32>
      %select_n3A_659 = arith.select %and3A_653, %sub3A_646, %add3A_658 : vector<16xi1>, vector<16xi32>
      %swap3A_660 = arith.index_cast %scan3A_392 : i32 to index
      %swap3A_661 = arith.constant 112 : index
      %swap3A_662 = tpu.vector_load %arg7[%swap3A_660, %swap3A_661] {strides = array<i32>} : memref<82x128xi32, #tpu.memory_space<vmem>>, vector<1x16xi32>,
      %swap3A_663 = vector.shape_cast %swap3A_662 : vector<1x16xi32> to vector<16xi32>
      %swap3A_664 = vector.shape_cast %select_n3A_659 : vector<16xi32> to vector<1x16xi32>
      tpu.vector_store %arg7[%swap3A_660, %swap3A_661], %swap3A_664 {strides = array<i32>} : memref<82x128xi32, #tpu.memory_space<vmem>>, vector<1x16xi32>,
      %get3A_665 = arith.index_cast %scan3A_392 : i32 to index
      %get3A_666 = arith.constant 112 : index
      %get3A_667 = tpu.vector_load %arg6[%get3A_665, %get3A_666] {strides = array<i32>} : memref<82x128xf32, #tpu.memory_space<vmem>>, vector<1x16xf32>,
      %get3A_668 = vector.shape_cast %get3A_667 : vector<1x16xf32> to vector<16xf32>
      %jit3A_669 = arith.constant 0.000000e+00 : f32
      %broadcast_in_dim3A_670 = vector.broadcast %jit3A_669 : f32 to vector<16xf32>
      %select_n3A_671 = arith.select %and3A_653, %get3A_668, %broadcast_in_dim3A_670 : vector<16xi1>, vector<16xf32>
      %swap3A_672 = arith.index_cast %scan3A_392 : i32 to index
      %swap3A_673 = arith.constant 112 : index
      %swap3A_674 = tpu.vector_load %arg8[%swap3A_672, %swap3A_673] {strides = array<i32>} : memref<82x128xf32, #tpu.memory_space<vmem>>, vector<1x16xf32>,
      %swap3A_675 = vector.shape_cast %swap3A_674 : vector<1x16xf32> to vector<16xf32>
      %swap3A_676 = vector.shape_cast %select_n3A_671 : vector<16xf32> to vector<1x16xf32>
      tpu.vector_store %arg8[%swap3A_672, %swap3A_673], %swap3A_676 {strides = array<i32>} : memref<82x128xf32, #tpu.memory_space<vmem>>, vector<1x16xf32>,
      %dma_start3A = arith.constant 0 : i32
      %dma_start3A_677 = tpu.memref_slice %arg8[%scan3A_392, %dma_start3A] : memref<82x128xf32, #tpu.memory_space<vmem>> -> memref<1x128xf32, #tpu.memory_space<vmem>>
      %dma_start3A_678 = tpu.memref_squeeze %dma_start3A_677 : memref<1x128xf32, #tpu.memory_space<vmem>> -> memref<128xf32, #tpu.memory_space<vmem>>
      %dma_start3A_679 = arith.constant 0 : i32
      %dma_start3A_680 = tpu.memref_slice %arg7[%scan3A_392, %dma_start3A_679] : memref<82x128xi32, #tpu.memory_space<vmem>> -> memref<1x128xi32, #tpu.memory_space<vmem>>
      %dma_start3A_681 = tpu.memref_squeeze %dma_start3A_680 : memref<1x128xi32, #tpu.memory_space<vmem>> -> memref<128xi32, #tpu.memory_space<vmem>>
      %dma_start3A_682 = arith.constant 0 : i32
      %dma_start3A_683 = tpu.memref_slice %arg11[%dma_start3A_682] : memref<1050624xf32, #tpu.memory_space<vmem_shared>> -> memref<1050624xf32, #tpu.memory_space<vmem_shared>>
      tpu.enqueue_indirect_dma source(%dma_start3A_678 : memref<128xf32, #tpu.memory_space<vmem>>) target(%dma_start3A_683 : memref<1050624xf32, #tpu.memory_space<vmem_shared>>) offsets(%dma_start3A_681 : memref<128xi32, #tpu.memory_space<vmem>>) semaphore(%arg12 : memref<!tpu.dma_semaphore, #tpu.memory_space<semaphore_mem>>) {add = true}
    }
    %scan3A_126 = arith.constant 82 : i32
    %dma_wait3A_127 = arith.constant 0 : i32
    %dma_wait3A_128 = arith.constant 0 : i32
    %dma_wait3A_129 = tpu.memref_slice %arg3[%arg1, %dma_wait3A_127, %dma_wait3A_128] : memref<16x82x128xf32, #tpu.memory_space<hbm>> -> memref<1x82x128xf32, #tpu.memory_space<hbm>>
    %dma_wait3A_130 = tpu.memref_squeeze %dma_wait3A_129 : memref<1x82x128xf32, #tpu.memory_space<hbm>> -> memref<82x128xf32, #tpu.memory_space<hbm>>
    %dma_wait3A_131 = arith.constant 0 : i32
    %dma_wait3A_132 = arith.constant 0 : i32
    %dma_wait3A_133 = tpu.memref_slice %arg3[%arg1, %dma_wait3A_131, %dma_wait3A_132] : memref<16x82x128xf32, #tpu.memory_space<hbm>> -> memref<1x82x128xf32, #tpu.memory_space<hbm>>
    %dma_wait3A_134 = tpu.memref_squeeze %dma_wait3A_133 : memref<1x82x128xf32, #tpu.memory_space<hbm>> -> memref<82x128xf32, #tpu.memory_space<hbm>>
    tpu.wait_dma2 semaphore(%arg12 : memref<!tpu.dma_semaphore, #tpu.memory_space<semaphore_mem>>) src(%dma_wait3A_134 : memref<82x128xf32, #tpu.memory_space<hbm>>) dst(%arg8 : memref<82x128xf32, #tpu.memory_space<vmem>>)
    %run_scoped3A_135 = arith.constant 81 : i32
    "tpu.region"() ({
      %run_scoped3A_392 = tpu.sem_alloc : memref<!tpu.dma_semaphore, #tpu.memory_space<semaphore_mem>>
      %dma_start3A = arith.constant 0 : i32
      %dma_start3A_393 = tpu.memref_slice %arg7[%run_scoped3A_135, %dma_start3A] : memref<82x128xi32, #tpu.memory_space<vmem>> -> memref<1x128xi32, #tpu.memory_space<vmem>>
      %dma_start3A_394 = tpu.memref_squeeze %dma_start3A_393 : memref<1x128xi32, #tpu.memory_space<vmem>> -> memref<128xi32, #tpu.memory_space<vmem>>
      %dma_start3A_395 = arith.constant 0 : i32
      %dma_start3A_396 = tpu.memref_slice %arg11[%dma_start3A_395] : memref<1050624xf32, #tpu.memory_space<vmem_shared>> -> memref<1050624xf32, #tpu.memory_space<vmem_shared>>
      tpu.enqueue_indirect_dma source(%dma_start3A_396 : memref<1050624xf32, #tpu.memory_space<vmem_shared>>) target(%arg10 : memref<128xf32, #tpu.memory_space<vmem>>) offsets(%dma_start3A_394 : memref<128xi32, #tpu.memory_space<vmem>>) semaphore(%run_scoped3A_392 : memref<!tpu.dma_semaphore, #tpu.memory_space<semaphore_mem>>)
      %dma_wait3A_397 = arith.constant 0 : i32
      %dma_wait3A_398 = tpu.memref_slice %arg7[%run_scoped3A_135, %dma_wait3A_397] : memref<82x128xi32, #tpu.memory_space<vmem>> -> memref<1x128xi32, #tpu.memory_space<vmem>>
      %dma_wait3A_399 = tpu.memref_squeeze %dma_wait3A_398 : memref<1x128xi32, #tpu.memory_space<vmem>> -> memref<128xi32, #tpu.memory_space<vmem>>
      %dma_wait3A_400 = arith.constant 0 : i32
      %dma_wait3A_401 = tpu.memref_slice %arg11[%dma_wait3A_400] : memref<1050624xf32, #tpu.memory_space<vmem_shared>> -> memref<1050624xf32, #tpu.memory_space<vmem_shared>>
      tpu.wait_indirect_dma semaphore(%run_scoped3A_392 : memref<!tpu.dma_semaphore, #tpu.memory_space<semaphore_mem>>) src(%dma_wait3A_401 : memref<1050624xf32, #tpu.memory_space<vmem_shared>>) dst(%arg10 : memref<128xf32, #tpu.memory_space<vmem>>)
      tpu.yield
    }) : () -> ()
    %run_scoped3A_136 = arith.constant 80 : i32
    "tpu.region"() ({
      %run_scoped3A_392 = tpu.sem_alloc : memref<!tpu.dma_semaphore, #tpu.memory_space<semaphore_mem>>
      %dma_start3A = arith.constant 0 : i32
      %dma_start3A_393 = tpu.memref_slice %arg7[%run_scoped3A_136, %dma_start3A] : memref<82x128xi32, #tpu.memory_space<vmem>> -> memref<1x128xi32, #tpu.memory_space<vmem>>
      %dma_start3A_394 = tpu.memref_squeeze %dma_start3A_393 : memref<1x128xi32, #tpu.memory_space<vmem>> -> memref<128xi32, #tpu.memory_space<vmem>>
      %dma_start3A_395 = arith.constant 0 : i32
      %dma_start3A_396 = tpu.memref_slice %arg11[%dma_start3A_395] : memref<1050624xf32, #tpu.memory_space<vmem_shared>> -> memref<1050624xf32, #tpu.memory_space<vmem_shared>>
      tpu.enqueue_indirect_dma source(%dma_start3A_396 : memref<1050624xf32, #tpu.memory_space<vmem_shared>>) target(%arg10 : memref<128xf32, #tpu.memory_space<vmem>>) offsets(%dma_start3A_394 : memref<128xi32, #tpu.memory_space<vmem>>) semaphore(%run_scoped3A_392 : memref<!tpu.dma_semaphore, #tpu.memory_space<semaphore_mem>>)
      %dma_wait3A_397 = arith.constant 0 : i32
      %dma_wait3A_398 = tpu.memref_slice %arg7[%run_scoped3A_136, %dma_wait3A_397] : memref<82x128xi32, #tpu.memory_space<vmem>> -> memref<1x128xi32, #tpu.memory_space<vmem>>
      %dma_wait3A_399 = tpu.memref_squeeze %dma_wait3A_398 : memref<1x128xi32, #tpu.memory_space<vmem>> -> memref<128xi32, #tpu.memory_space<vmem>>
      %dma_wait3A_400 = arith.constant 0 : i32
      %dma_wait3A_401 = tpu.memref_slice %arg11[%dma_wait3A_400] : memref<1050624xf32, #tpu.memory_space<vmem_shared>> -> memref<1050624xf32, #tpu.memory_space<vmem_shared>>
      tpu.wait_indirect_dma semaphore(%run_scoped3A_392 : memref<!tpu.dma_semaphore, #tpu.memory_space<semaphore_mem>>) src(%dma_wait3A_401 : memref<1050624xf32, #tpu.memory_space<vmem_shared>>) dst(%arg10 : memref<128xf32, #tpu.memory_space<vmem>>)
      tpu.yield
    }) : () -> ()
    %run_scoped3A_137 = arith.constant 79 : i32
    "tpu.region"() ({
      %run_scoped3A_392 = tpu.sem_alloc : memref<!tpu.dma_semaphore, #tpu.memory_space<semaphore_mem>>
      %dma_start3A = arith.constant 0 : i32
      %dma_start3A_393 = tpu.memref_slice %arg7[%run_scoped3A_137, %dma_start3A] : memref<82x128xi32, #tpu.memory_space<vmem>> -> memref<1x128xi32, #tpu.memory_space<vmem>>
      %dma_start3A_394 = tpu.memref_squeeze %dma_start3A_393 : memref<1x128xi32, #tpu.memory_space<vmem>> -> memref<128xi32, #tpu.memory_space<vmem>>
      %dma_start3A_395 = arith.constant 0 : i32
      %dma_start3A_396 = tpu.memref_slice %arg11[%dma_start3A_395] : memref<1050624xf32, #tpu.memory_space<vmem_shared>> -> memref<1050624xf32, #tpu.memory_space<vmem_shared>>
      tpu.enqueue_indirect_dma source(%dma_start3A_396 : memref<1050624xf32, #tpu.memory_space<vmem_shared>>) target(%arg10 : memref<128xf32, #tpu.memory_space<vmem>>) offsets(%dma_start3A_394 : memref<128xi32, #tpu.memory_space<vmem>>) semaphore(%run_scoped3A_392 : memref<!tpu.dma_semaphore, #tpu.memory_space<semaphore_mem>>)
      %dma_wait3A_397 = arith.constant 0 : i32
      %dma_wait3A_398 = tpu.memref_slice %arg7[%run_scoped3A_137, %dma_wait3A_397] : memref<82x128xi32, #tpu.memory_space<vmem>> -> memref<1x128xi32, #tpu.memory_space<vmem>>
      %dma_wait3A_399 = tpu.memref_squeeze %dma_wait3A_398 : memref<1x128xi32, #tpu.memory_space<vmem>> -> memref<128xi32, #tpu.memory_space<vmem>>
      %dma_wait3A_400 = arith.constant 0 : i32
      %dma_wait3A_401 = tpu.memref_slice %arg11[%dma_wait3A_400] : memref<1050624xf32, #tpu.memory_space<vmem_shared>> -> memref<1050624xf32, #tpu.memory_space<vmem_shared>>
      tpu.wait_indirect_dma semaphore(%run_scoped3A_392 : memref<!tpu.dma_semaphore, #tpu.memory_space<semaphore_mem>>) src(%dma_wait3A_401 : memref<1050624xf32, #tpu.memory_space<vmem_shared>>) dst(%arg10 : memref<128xf32, #tpu.memory_space<vmem>>)
      tpu.yield
    }) : () -> ()
    %barrier3A_138 = arith.constant 0 : index
    tpu.barrier barrier_id(%barrier3A_138)
    %mul3A_139 = arith.constant 65536 : i32
    %mul3A_140 = arith.muli %arg1, %mul3A_139 : i32
    %mul3A_141 = arith.constant 1048576 : i32
    %mul3A_142 = arith.muli %add3A_101, %mul3A_141 : i32
    %mul3A_143 = arith.constant 65536 : i32
    %mul3A_144 = arith.muli %arg1, %mul3A_143 : i32
    %add3A_145 = arith.addi %mul3A_142, %mul3A_144 : i32
    "tpu.region"() ({
      %run_scoped3A_392 = tpu.sem_alloc : memref<!tpu.dma_semaphore, #tpu.memory_space<semaphore_mem>>
      %dma_start3A = tpu.memref_slice %arg4[%add3A_145] : memref<16777216xf32, #tpu.memory_space<hbm>> -> memref<65536xf32, #tpu.memory_space<hbm>>
      %dma_start3A_393 = tpu.memref_slice %arg11[%mul3A_140] : memref<1050624xf32, #tpu.memory_space<vmem_shared>> -> memref<65536xf32, #tpu.memory_space<vmem_shared>>
      tpu.enqueue_dma source(%dma_start3A_393 : memref<65536xf32, #tpu.memory_space<vmem_shared>>) target(%dma_start3A : memref<65536xf32, #tpu.memory_space<hbm>>) target_semaphore(%run_scoped3A_392 : memref<!tpu.dma_semaphore, #tpu.memory_space<semaphore_mem>>)
      %dma_wait3A_394 = tpu.memref_slice %arg4[%add3A_145] : memref<16777216xf32, #tpu.memory_space<hbm>> -> memref<65536xf32, #tpu.memory_space<hbm>>
      %dma_wait3A_395 = tpu.memref_slice %arg11[%mul3A_140] : memref<1050624xf32, #tpu.memory_space<vmem_shared>> -> memref<65536xf32, #tpu.memory_space<vmem_shared>>
      tpu.wait_dma2 semaphore(%run_scoped3A_392 : memref<!tpu.dma_semaphore, #tpu.memory_space<semaphore_mem>>) src(%dma_wait3A_395 : memref<65536xf32, #tpu.memory_space<vmem_shared>>) dst(%dma_wait3A_394 : memref<65536xf32, #tpu.memory_space<hbm>>)
      tpu.yield
    }) : () -> ()
    %barrier3A_146 = arith.constant 0 : index
    tpu.barrier barrier_id(%barrier3A_146)
    %mul3A_147 = arith.constant 8 : i32
    %mul3A_148 = arith.muli %arg0, %mul3A_147 : i32
    %add3A_149 = arith.constant 3 : i32
    %add3A_150 = arith.addi %mul3A_148, %add3A_149 : i32
    %mul3A_151 = arith.constant 1048576 : i32
    %mul3A_152 = arith.muli %add3A_150, %mul3A_151 : i32
    %mul3A_153 = arith.constant 65536 : i32
    %mul3A_154 = arith.muli %arg1, %mul3A_153 : i32
    %add3A_155 = arith.constant 0 : i32
    %add3A_156 = arith.addi %mul3A_154, %add3A_155 : i32
    "tpu.region"() ({
      %run_scoped3A_392 = tpu.sem_alloc : memref<!tpu.dma_semaphore, #tpu.memory_space<semaphore_mem>>
      %dma_start3A = tpu.memref_slice %arg11[%add3A_156] : memref<1050624xf32, #tpu.memory_space<vmem_shared>> -> memref<16384xf32, #tpu.memory_space<vmem_shared>>
      %dma_start3A_393 = tpu.memref_slice %arg11[%add3A_156] : memref<1050624xf32, #tpu.memory_space<vmem_shared>> -> memref<16384xf32, #tpu.memory_space<vmem_shared>>
      tpu.enqueue_dma source(%arg9 : memref<16384xf32, #tpu.memory_space<vmem>>) target(%dma_start3A_393 : memref<16384xf32, #tpu.memory_space<vmem_shared>>) target_semaphore(%run_scoped3A_392 : memref<!tpu.dma_semaphore, #tpu.memory_space<semaphore_mem>>)
      %dma_wait3A_394 = tpu.memref_slice %arg11[%add3A_156] : memref<1050624xf32, #tpu.memory_space<vmem_shared>> -> memref<16384xf32, #tpu.memory_space<vmem_shared>>
      %dma_wait3A_395 = tpu.memref_slice %arg11[%add3A_156] : memref<1050624xf32, #tpu.memory_space<vmem_shared>> -> memref<16384xf32, #tpu.memory_space<vmem_shared>>
      tpu.wait_dma2 semaphore(%run_scoped3A_392 : memref<!tpu.dma_semaphore, #tpu.memory_space<semaphore_mem>>) src(%arg9 : memref<16384xf32, #tpu.memory_space<vmem>>) dst(%dma_wait3A_395 : memref<16384xf32, #tpu.memory_space<vmem_shared>>)
      tpu.yield
    }) : () -> ()
    %mul3A_157 = arith.constant 65536 : i32
    %mul3A_158 = arith.muli %arg1, %mul3A_157 : i32
    %add3A_159 = arith.constant 16384 : i32
    %add3A_160 = arith.addi %mul3A_158, %add3A_159 : i32
    "tpu.region"() ({
      %run_scoped3A_392 = tpu.sem_alloc : memref<!tpu.dma_semaphore, #tpu.memory_space<semaphore_mem>>
      %dma_start3A = tpu.memref_slice %arg11[%add3A_160] : memref<1050624xf32, #tpu.memory_space<vmem_shared>> -> memref<16384xf32, #tpu.memory_space<vmem_shared>>
      %dma_start3A_393 = tpu.memref_slice %arg11[%add3A_160] : memref<1050624xf32, #tpu.memory_space<vmem_shared>> -> memref<16384xf32, #tpu.memory_space<vmem_shared>>
      tpu.enqueue_dma source(%arg9 : memref<16384xf32, #tpu.memory_space<vmem>>) target(%dma_start3A_393 : memref<16384xf32, #tpu.memory_space<vmem_shared>>) target_semaphore(%run_scoped3A_392 : memref<!tpu.dma_semaphore, #tpu.memory_space<semaphore_mem>>)
      %dma_wait3A_394 = tpu.memref_slice %arg11[%add3A_160] : memref<1050624xf32, #tpu.memory_space<vmem_shared>> -> memref<16384xf32, #tpu.memory_space<vmem_shared>>
      %dma_wait3A_395 = tpu.memref_slice %arg11[%add3A_160] : memref<1050624xf32, #tpu.memory_space<vmem_shared>> -> memref<16384xf32, #tpu.memory_space<vmem_shared>>
      tpu.wait_dma2 semaphore(%run_scoped3A_392 : memref<!tpu.dma_semaphore, #tpu.memory_space<semaphore_mem>>) src(%arg9 : memref<16384xf32, #tpu.memory_space<vmem>>) dst(%dma_wait3A_395 : memref<16384xf32, #tpu.memory_space<vmem_shared>>)
      tpu.yield
    }) : () -> ()
    %mul3A_161 = arith.constant 65536 : i32
    %mul3A_162 = arith.muli %arg1, %mul3A_161 : i32
    %add3A_163 = arith.constant 32768 : i32
    %add3A_164 = arith.addi %mul3A_162, %add3A_163 : i32
    "tpu.region"() ({
      %run_scoped3A_392 = tpu.sem_alloc : memref<!tpu.dma_semaphore, #tpu.memory_space<semaphore_mem>>
      %dma_start3A = tpu.memref_slice %arg11[%add3A_164] : memref<1050624xf32, #tpu.memory_space<vmem_shared>> -> memref<16384xf32, #tpu.memory_space<vmem_shared>>
      %dma_start3A_393 = tpu.memref_slice %arg11[%add3A_164] : memref<1050624xf32, #tpu.memory_space<vmem_shared>> -> memref<16384xf32, #tpu.memory_space<vmem_shared>>
      tpu.enqueue_dma source(%arg9 : memref<16384xf32, #tpu.memory_space<vmem>>) target(%dma_start3A_393 : memref<16384xf32, #tpu.memory_space<vmem_shared>>) target_semaphore(%run_scoped3A_392 : memref<!tpu.dma_semaphore, #tpu.memory_space<semaphore_mem>>)
      %dma_wait3A_394 = tpu.memref_slice %arg11[%add3A_164] : memref<1050624xf32, #tpu.memory_space<vmem_shared>> -> memref<16384xf32, #tpu.memory_space<vmem_shared>>
      %dma_wait3A_395 = tpu.memref_slice %arg11[%add3A_164] : memref<1050624xf32, #tpu.memory_space<vmem_shared>> -> memref<16384xf32, #tpu.memory_space<vmem_shared>>
      tpu.wait_dma2 semaphore(%run_scoped3A_392 : memref<!tpu.dma_semaphore, #tpu.memory_space<semaphore_mem>>) src(%arg9 : memref<16384xf32, #tpu.memory_space<vmem>>) dst(%dma_wait3A_395 : memref<16384xf32, #tpu.memory_space<vmem_shared>>)
      tpu.yield
    }) : () -> ()
    %mul3A_165 = arith.constant 65536 : i32
    %mul3A_166 = arith.muli %arg1, %mul3A_165 : i32
    %add3A_167 = arith.constant 49152 : i32
    %add3A_168 = arith.addi %mul3A_166, %add3A_167 : i32
    "tpu.region"() ({
      %run_scoped3A_392 = tpu.sem_alloc : memref<!tpu.dma_semaphore, #tpu.memory_space<semaphore_mem>>
      %dma_start3A = tpu.memref_slice %arg11[%add3A_168] : memref<1050624xf32, #tpu.memory_space<vmem_shared>> -> memref<16384xf32, #tpu.memory_space<vmem_shared>>
      %dma_start3A_393 = tpu.memref_slice %arg11[%add3A_168] : memref<1050624xf32, #tpu.memory_space<vmem_shared>> -> memref<16384xf32, #tpu.memory_space<vmem_shared>>
      tpu.enqueue_dma source(%arg9 : memref<16384xf32, #tpu.memory_space<vmem>>) target(%dma_start3A_393 : memref<16384xf32, #tpu.memory_space<vmem_shared>>) target_semaphore(%run_scoped3A_392 : memref<!tpu.dma_semaphore, #tpu.memory_space<semaphore_mem>>)
      %dma_wait3A_394 = tpu.memref_slice %arg11[%add3A_168] : memref<1050624xf32, #tpu.memory_space<vmem_shared>> -> memref<16384xf32, #tpu.memory_space<vmem_shared>>
      %dma_wait3A_395 = tpu.memref_slice %arg11[%add3A_168] : memref<1050624xf32, #tpu.memory_space<vmem_shared>> -> memref<16384xf32, #tpu.memory_space<vmem_shared>>
      tpu.wait_dma2 semaphore(%run_scoped3A_392 : memref<!tpu.dma_semaphore, #tpu.memory_space<semaphore_mem>>) src(%arg9 : memref<16384xf32, #tpu.memory_space<vmem>>) dst(%dma_wait3A_395 : memref<16384xf32, #tpu.memory_space<vmem_shared>>)
      tpu.yield
    }) : () -> ()
    %barrier3A_169 = arith.constant 0 : index
    tpu.barrier barrier_id(%barrier3A_169)
    %scan3A_170 = arith.constant 0 : i32
    %scan3A_171 = arith.constant 0 : i32
    %scan3A_172 = arith.constant 82 : i32
    %scan3A_173 = arith.addi %scan3A_171, %scan3A_172 : i32
    %scan3A_174 = arith.constant 1 : i32
    scf.for %scan3A_392 = %scan3A_171 to %scan3A_173 step %scan3A_174  : i32 {
      %mul3A_393 = arith.constant 128 : i32
      %mul3A_394 = arith.muli %scan3A_392, %mul3A_393 : i32
      %and3A = arith.constant 2047 : i32
      %and3A_395 = arith.andi %mul3A_394, %and3A : i32
      %add3A_396 = arith.constant 1048576 : i32
      %add3A_397 = arith.addi %add3A_396, %and3A_395 : i32
      %get3A = arith.index_cast %scan3A_392 : i32 to index
      %get3A_398 = arith.constant 0 : index
      %get3A_399 = tpu.vector_load %arg5[%get3A, %get3A_398] {strides = array<i32>} : memref<82x128xi32, #tpu.memory_space<vmem>>, vector<1x16xi32>,
      %get3A_400 = vector.shape_cast %get3A_399 : vector<1x16xi32> to vector<16xi32>
      %sub3A = vector.broadcast %mul3A_152 : i32 to vector<16xi32>
      %sub3A_401 = arith.subi %get3A_400, %sub3A : vector<16xi32>
      %ge3A = arith.constant 0 : i32
      %ge3A_402 = vector.broadcast %ge3A : i32 to vector<16xi32>
      %ge3A_403 = arith.cmpi sge, %sub3A_401, %ge3A_402 : vector<16xi32>
      %lt3A = arith.constant 1048576 : i32
      %lt3A_404 = vector.broadcast %lt3A : i32 to vector<16xi32>
      %lt3A_405 = arith.cmpi slt, %sub3A_401, %lt3A_404 : vector<16xi32>
      %and3A_406 = arith.andi %ge3A_403, %lt3A_405 : vector<16xi1>
      %add3A_407 = arith.constant 0 : i32
      %add3A_408 = arith.addi %add3A_397, %add3A_407 : i32
      %iota3A = tpu.iota {dimensions = array<i32: 0>} : vector<16xi32>
      %add3A_409 = vector.broadcast %add3A_408 : i32 to vector<16xi32>
      %add3A_410 = arith.addi %add3A_409, %iota3A : vector<16xi32>
      %select_n3A = arith.select %and3A_406, %sub3A_401, %add3A_410 : vector<16xi1>, vector<16xi32>
      %swap3A = arith.index_cast %scan3A_392 : i32 to index
      %swap3A_411 = arith.constant 0 : index
      %swap3A_412 = tpu.vector_load %arg7[%swap3A, %swap3A_411] {strides = array<i32>} : memref<82x128xi32, #tpu.memory_space<vmem>>, vector<1x16xi32>,
      %swap3A_413 = vector.shape_cast %swap3A_412 : vector<1x16xi32> to vector<16xi32>
      %swap3A_414 = vector.shape_cast %select_n3A : vector<16xi32> to vector<1x16xi32>
      tpu.vector_store %arg7[%swap3A, %swap3A_411], %swap3A_414 {strides = array<i32>} : memref<82x128xi32, #tpu.memory_space<vmem>>, vector<1x16xi32>,
      %get3A_415 = arith.index_cast %scan3A_392 : i32 to index
      %get3A_416 = arith.constant 0 : index
      %get3A_417 = tpu.vector_load %arg6[%get3A_415, %get3A_416] {strides = array<i32>} : memref<82x128xf32, #tpu.memory_space<vmem>>, vector<1x16xf32>,
      %get3A_418 = vector.shape_cast %get3A_417 : vector<1x16xf32> to vector<16xf32>
      %jit3A = arith.constant 0.000000e+00 : f32
      %broadcast_in_dim3A = vector.broadcast %jit3A : f32 to vector<16xf32>
      %select_n3A_419 = arith.select %and3A_406, %get3A_418, %broadcast_in_dim3A : vector<16xi1>, vector<16xf32>
      %swap3A_420 = arith.index_cast %scan3A_392 : i32 to index
      %swap3A_421 = arith.constant 0 : index
      %swap3A_422 = tpu.vector_load %arg8[%swap3A_420, %swap3A_421] {strides = array<i32>} : memref<82x128xf32, #tpu.memory_space<vmem>>, vector<1x16xf32>,
      %swap3A_423 = vector.shape_cast %swap3A_422 : vector<1x16xf32> to vector<16xf32>
      %swap3A_424 = vector.shape_cast %select_n3A_419 : vector<16xf32> to vector<1x16xf32>
      tpu.vector_store %arg8[%swap3A_420, %swap3A_421], %swap3A_424 {strides = array<i32>} : memref<82x128xf32, #tpu.memory_space<vmem>>, vector<1x16xf32>,
      %get3A_425 = arith.index_cast %scan3A_392 : i32 to index
      %get3A_426 = arith.constant 16 : index
      %get3A_427 = tpu.vector_load %arg5[%get3A_425, %get3A_426] {strides = array<i32>} : memref<82x128xi32, #tpu.memory_space<vmem>>, vector<1x16xi32>,
      %get3A_428 = vector.shape_cast %get3A_427 : vector<1x16xi32> to vector<16xi32>
      %sub3A_429 = vector.broadcast %mul3A_152 : i32 to vector<16xi32>
      %sub3A_430 = arith.subi %get3A_428, %sub3A_429 : vector<16xi32>
      %ge3A_431 = arith.constant 0 : i32
      %ge3A_432 = vector.broadcast %ge3A_431 : i32 to vector<16xi32>
      %ge3A_433 = arith.cmpi sge, %sub3A_430, %ge3A_432 : vector<16xi32>
      %lt3A_434 = arith.constant 1048576 : i32
      %lt3A_435 = vector.broadcast %lt3A_434 : i32 to vector<16xi32>
      %lt3A_436 = arith.cmpi slt, %sub3A_430, %lt3A_435 : vector<16xi32>
      %and3A_437 = arith.andi %ge3A_433, %lt3A_436 : vector<16xi1>
      %add3A_438 = arith.constant 16 : i32
      %add3A_439 = arith.addi %add3A_397, %add3A_438 : i32
      %iota3A_440 = tpu.iota {dimensions = array<i32: 0>} : vector<16xi32>
      %add3A_441 = vector.broadcast %add3A_439 : i32 to vector<16xi32>
      %add3A_442 = arith.addi %add3A_441, %iota3A_440 : vector<16xi32>
      %select_n3A_443 = arith.select %and3A_437, %sub3A_430, %add3A_442 : vector<16xi1>, vector<16xi32>
      %swap3A_444 = arith.index_cast %scan3A_392 : i32 to index
      %swap3A_445 = arith.constant 16 : index
      %swap3A_446 = tpu.vector_load %arg7[%swap3A_444, %swap3A_445] {strides = array<i32>} : memref<82x128xi32, #tpu.memory_space<vmem>>, vector<1x16xi32>,
      %swap3A_447 = vector.shape_cast %swap3A_446 : vector<1x16xi32> to vector<16xi32>
      %swap3A_448 = vector.shape_cast %select_n3A_443 : vector<16xi32> to vector<1x16xi32>
      tpu.vector_store %arg7[%swap3A_444, %swap3A_445], %swap3A_448 {strides = array<i32>} : memref<82x128xi32, #tpu.memory_space<vmem>>, vector<1x16xi32>,
      %get3A_449 = arith.index_cast %scan3A_392 : i32 to index
      %get3A_450 = arith.constant 16 : index
      %get3A_451 = tpu.vector_load %arg6[%get3A_449, %get3A_450] {strides = array<i32>} : memref<82x128xf32, #tpu.memory_space<vmem>>, vector<1x16xf32>,
      %get3A_452 = vector.shape_cast %get3A_451 : vector<1x16xf32> to vector<16xf32>
      %jit3A_453 = arith.constant 0.000000e+00 : f32
      %broadcast_in_dim3A_454 = vector.broadcast %jit3A_453 : f32 to vector<16xf32>
      %select_n3A_455 = arith.select %and3A_437, %get3A_452, %broadcast_in_dim3A_454 : vector<16xi1>, vector<16xf32>
      %swap3A_456 = arith.index_cast %scan3A_392 : i32 to index
      %swap3A_457 = arith.constant 16 : index
      %swap3A_458 = tpu.vector_load %arg8[%swap3A_456, %swap3A_457] {strides = array<i32>} : memref<82x128xf32, #tpu.memory_space<vmem>>, vector<1x16xf32>,
      %swap3A_459 = vector.shape_cast %swap3A_458 : vector<1x16xf32> to vector<16xf32>
      %swap3A_460 = vector.shape_cast %select_n3A_455 : vector<16xf32> to vector<1x16xf32>
      tpu.vector_store %arg8[%swap3A_456, %swap3A_457], %swap3A_460 {strides = array<i32>} : memref<82x128xf32, #tpu.memory_space<vmem>>, vector<1x16xf32>,
      %get3A_461 = arith.index_cast %scan3A_392 : i32 to index
      %get3A_462 = arith.constant 32 : index
      %get3A_463 = tpu.vector_load %arg5[%get3A_461, %get3A_462] {strides = array<i32>} : memref<82x128xi32, #tpu.memory_space<vmem>>, vector<1x16xi32>,
      %get3A_464 = vector.shape_cast %get3A_463 : vector<1x16xi32> to vector<16xi32>
      %sub3A_465 = vector.broadcast %mul3A_152 : i32 to vector<16xi32>
      %sub3A_466 = arith.subi %get3A_464, %sub3A_465 : vector<16xi32>
      %ge3A_467 = arith.constant 0 : i32
      %ge3A_468 = vector.broadcast %ge3A_467 : i32 to vector<16xi32>
      %ge3A_469 = arith.cmpi sge, %sub3A_466, %ge3A_468 : vector<16xi32>
      %lt3A_470 = arith.constant 1048576 : i32
      %lt3A_471 = vector.broadcast %lt3A_470 : i32 to vector<16xi32>
      %lt3A_472 = arith.cmpi slt, %sub3A_466, %lt3A_471 : vector<16xi32>
      %and3A_473 = arith.andi %ge3A_469, %lt3A_472 : vector<16xi1>
      %add3A_474 = arith.constant 32 : i32
      %add3A_475 = arith.addi %add3A_397, %add3A_474 : i32
      %iota3A_476 = tpu.iota {dimensions = array<i32: 0>} : vector<16xi32>
      %add3A_477 = vector.broadcast %add3A_475 : i32 to vector<16xi32>
      %add3A_478 = arith.addi %add3A_477, %iota3A_476 : vector<16xi32>
      %select_n3A_479 = arith.select %and3A_473, %sub3A_466, %add3A_478 : vector<16xi1>, vector<16xi32>
      %swap3A_480 = arith.index_cast %scan3A_392 : i32 to index
      %swap3A_481 = arith.constant 32 : index
      %swap3A_482 = tpu.vector_load %arg7[%swap3A_480, %swap3A_481] {strides = array<i32>} : memref<82x128xi32, #tpu.memory_space<vmem>>, vector<1x16xi32>,
      %swap3A_483 = vector.shape_cast %swap3A_482 : vector<1x16xi32> to vector<16xi32>
      %swap3A_484 = vector.shape_cast %select_n3A_479 : vector<16xi32> to vector<1x16xi32>
      tpu.vector_store %arg7[%swap3A_480, %swap3A_481], %swap3A_484 {strides = array<i32>} : memref<82x128xi32, #tpu.memory_space<vmem>>, vector<1x16xi32>,
      %get3A_485 = arith.index_cast %scan3A_392 : i32 to index
      %get3A_486 = arith.constant 32 : index
      %get3A_487 = tpu.vector_load %arg6[%get3A_485, %get3A_486] {strides = array<i32>} : memref<82x128xf32, #tpu.memory_space<vmem>>, vector<1x16xf32>,
      %get3A_488 = vector.shape_cast %get3A_487 : vector<1x16xf32> to vector<16xf32>
      %jit3A_489 = arith.constant 0.000000e+00 : f32
      %broadcast_in_dim3A_490 = vector.broadcast %jit3A_489 : f32 to vector<16xf32>
      %select_n3A_491 = arith.select %and3A_473, %get3A_488, %broadcast_in_dim3A_490 : vector<16xi1>, vector<16xf32>
      %swap3A_492 = arith.index_cast %scan3A_392 : i32 to index
      %swap3A_493 = arith.constant 32 : index
      %swap3A_494 = tpu.vector_load %arg8[%swap3A_492, %swap3A_493] {strides = array<i32>} : memref<82x128xf32, #tpu.memory_space<vmem>>, vector<1x16xf32>,
      %swap3A_495 = vector.shape_cast %swap3A_494 : vector<1x16xf32> to vector<16xf32>
      %swap3A_496 = vector.shape_cast %select_n3A_491 : vector<16xf32> to vector<1x16xf32>
      tpu.vector_store %arg8[%swap3A_492, %swap3A_493], %swap3A_496 {strides = array<i32>} : memref<82x128xf32, #tpu.memory_space<vmem>>, vector<1x16xf32>,
      %get3A_497 = arith.index_cast %scan3A_392 : i32 to index
      %get3A_498 = arith.constant 48 : index
      %get3A_499 = tpu.vector_load %arg5[%get3A_497, %get3A_498] {strides = array<i32>} : memref<82x128xi32, #tpu.memory_space<vmem>>, vector<1x16xi32>,
      %get3A_500 = vector.shape_cast %get3A_499 : vector<1x16xi32> to vector<16xi32>
      %sub3A_501 = vector.broadcast %mul3A_152 : i32 to vector<16xi32>
      %sub3A_502 = arith.subi %get3A_500, %sub3A_501 : vector<16xi32>
      %ge3A_503 = arith.constant 0 : i32
      %ge3A_504 = vector.broadcast %ge3A_503 : i32 to vector<16xi32>
      %ge3A_505 = arith.cmpi sge, %sub3A_502, %ge3A_504 : vector<16xi32>
      %lt3A_506 = arith.constant 1048576 : i32
      %lt3A_507 = vector.broadcast %lt3A_506 : i32 to vector<16xi32>
      %lt3A_508 = arith.cmpi slt, %sub3A_502, %lt3A_507 : vector<16xi32>
      %and3A_509 = arith.andi %ge3A_505, %lt3A_508 : vector<16xi1>
      %add3A_510 = arith.constant 48 : i32
      %add3A_511 = arith.addi %add3A_397, %add3A_510 : i32
      %iota3A_512 = tpu.iota {dimensions = array<i32: 0>} : vector<16xi32>
      %add3A_513 = vector.broadcast %add3A_511 : i32 to vector<16xi32>
      %add3A_514 = arith.addi %add3A_513, %iota3A_512 : vector<16xi32>
      %select_n3A_515 = arith.select %and3A_509, %sub3A_502, %add3A_514 : vector<16xi1>, vector<16xi32>
      %swap3A_516 = arith.index_cast %scan3A_392 : i32 to index
      %swap3A_517 = arith.constant 48 : index
      %swap3A_518 = tpu.vector_load %arg7[%swap3A_516, %swap3A_517] {strides = array<i32>} : memref<82x128xi32, #tpu.memory_space<vmem>>, vector<1x16xi32>,
      %swap3A_519 = vector.shape_cast %swap3A_518 : vector<1x16xi32> to vector<16xi32>
      %swap3A_520 = vector.shape_cast %select_n3A_515 : vector<16xi32> to vector<1x16xi32>
      tpu.vector_store %arg7[%swap3A_516, %swap3A_517], %swap3A_520 {strides = array<i32>} : memref<82x128xi32, #tpu.memory_space<vmem>>, vector<1x16xi32>,
      %get3A_521 = arith.index_cast %scan3A_392 : i32 to index
      %get3A_522 = arith.constant 48 : index
      %get3A_523 = tpu.vector_load %arg6[%get3A_521, %get3A_522] {strides = array<i32>} : memref<82x128xf32, #tpu.memory_space<vmem>>, vector<1x16xf32>,
      %get3A_524 = vector.shape_cast %get3A_523 : vector<1x16xf32> to vector<16xf32>
      %jit3A_525 = arith.constant 0.000000e+00 : f32
      %broadcast_in_dim3A_526 = vector.broadcast %jit3A_525 : f32 to vector<16xf32>
      %select_n3A_527 = arith.select %and3A_509, %get3A_524, %broadcast_in_dim3A_526 : vector<16xi1>, vector<16xf32>
      %swap3A_528 = arith.index_cast %scan3A_392 : i32 to index
      %swap3A_529 = arith.constant 48 : index
      %swap3A_530 = tpu.vector_load %arg8[%swap3A_528, %swap3A_529] {strides = array<i32>} : memref<82x128xf32, #tpu.memory_space<vmem>>, vector<1x16xf32>,
      %swap3A_531 = vector.shape_cast %swap3A_530 : vector<1x16xf32> to vector<16xf32>
      %swap3A_532 = vector.shape_cast %select_n3A_527 : vector<16xf32> to vector<1x16xf32>
      tpu.vector_store %arg8[%swap3A_528, %swap3A_529], %swap3A_532 {strides = array<i32>} : memref<82x128xf32, #tpu.memory_space<vmem>>, vector<1x16xf32>,
      %get3A_533 = arith.index_cast %scan3A_392 : i32 to index
      %get3A_534 = arith.constant 64 : index
      %get3A_535 = tpu.vector_load %arg5[%get3A_533, %get3A_534] {strides = array<i32>} : memref<82x128xi32, #tpu.memory_space<vmem>>, vector<1x16xi32>,
      %get3A_536 = vector.shape_cast %get3A_535 : vector<1x16xi32> to vector<16xi32>
      %sub3A_537 = vector.broadcast %mul3A_152 : i32 to vector<16xi32>
      %sub3A_538 = arith.subi %get3A_536, %sub3A_537 : vector<16xi32>
      %ge3A_539 = arith.constant 0 : i32
      %ge3A_540 = vector.broadcast %ge3A_539 : i32 to vector<16xi32>
      %ge3A_541 = arith.cmpi sge, %sub3A_538, %ge3A_540 : vector<16xi32>
      %lt3A_542 = arith.constant 1048576 : i32
      %lt3A_543 = vector.broadcast %lt3A_542 : i32 to vector<16xi32>
      %lt3A_544 = arith.cmpi slt, %sub3A_538, %lt3A_543 : vector<16xi32>
      %and3A_545 = arith.andi %ge3A_541, %lt3A_544 : vector<16xi1>
      %add3A_546 = arith.constant 64 : i32
      %add3A_547 = arith.addi %add3A_397, %add3A_546 : i32
      %iota3A_548 = tpu.iota {dimensions = array<i32: 0>} : vector<16xi32>
      %add3A_549 = vector.broadcast %add3A_547 : i32 to vector<16xi32>
      %add3A_550 = arith.addi %add3A_549, %iota3A_548 : vector<16xi32>
      %select_n3A_551 = arith.select %and3A_545, %sub3A_538, %add3A_550 : vector<16xi1>, vector<16xi32>
      %swap3A_552 = arith.index_cast %scan3A_392 : i32 to index
      %swap3A_553 = arith.constant 64 : index
      %swap3A_554 = tpu.vector_load %arg7[%swap3A_552, %swap3A_553] {strides = array<i32>} : memref<82x128xi32, #tpu.memory_space<vmem>>, vector<1x16xi32>,
      %swap3A_555 = vector.shape_cast %swap3A_554 : vector<1x16xi32> to vector<16xi32>
      %swap3A_556 = vector.shape_cast %select_n3A_551 : vector<16xi32> to vector<1x16xi32>
      tpu.vector_store %arg7[%swap3A_552, %swap3A_553], %swap3A_556 {strides = array<i32>} : memref<82x128xi32, #tpu.memory_space<vmem>>, vector<1x16xi32>,
      %get3A_557 = arith.index_cast %scan3A_392 : i32 to index
      %get3A_558 = arith.constant 64 : index
      %get3A_559 = tpu.vector_load %arg6[%get3A_557, %get3A_558] {strides = array<i32>} : memref<82x128xf32, #tpu.memory_space<vmem>>, vector<1x16xf32>,
      %get3A_560 = vector.shape_cast %get3A_559 : vector<1x16xf32> to vector<16xf32>
      %jit3A_561 = arith.constant 0.000000e+00 : f32
      %broadcast_in_dim3A_562 = vector.broadcast %jit3A_561 : f32 to vector<16xf32>
      %select_n3A_563 = arith.select %and3A_545, %get3A_560, %broadcast_in_dim3A_562 : vector<16xi1>, vector<16xf32>
      %swap3A_564 = arith.index_cast %scan3A_392 : i32 to index
      %swap3A_565 = arith.constant 64 : index
      %swap3A_566 = tpu.vector_load %arg8[%swap3A_564, %swap3A_565] {strides = array<i32>} : memref<82x128xf32, #tpu.memory_space<vmem>>, vector<1x16xf32>,
      %swap3A_567 = vector.shape_cast %swap3A_566 : vector<1x16xf32> to vector<16xf32>
      %swap3A_568 = vector.shape_cast %select_n3A_563 : vector<16xf32> to vector<1x16xf32>
      tpu.vector_store %arg8[%swap3A_564, %swap3A_565], %swap3A_568 {strides = array<i32>} : memref<82x128xf32, #tpu.memory_space<vmem>>, vector<1x16xf32>,
      %get3A_569 = arith.index_cast %scan3A_392 : i32 to index
      %get3A_570 = arith.constant 80 : index
      %get3A_571 = tpu.vector_load %arg5[%get3A_569, %get3A_570] {strides = array<i32>} : memref<82x128xi32, #tpu.memory_space<vmem>>, vector<1x16xi32>,
      %get3A_572 = vector.shape_cast %get3A_571 : vector<1x16xi32> to vector<16xi32>
      %sub3A_573 = vector.broadcast %mul3A_152 : i32 to vector<16xi32>
      %sub3A_574 = arith.subi %get3A_572, %sub3A_573 : vector<16xi32>
      %ge3A_575 = arith.constant 0 : i32
      %ge3A_576 = vector.broadcast %ge3A_575 : i32 to vector<16xi32>
      %ge3A_577 = arith.cmpi sge, %sub3A_574, %ge3A_576 : vector<16xi32>
      %lt3A_578 = arith.constant 1048576 : i32
      %lt3A_579 = vector.broadcast %lt3A_578 : i32 to vector<16xi32>
      %lt3A_580 = arith.cmpi slt, %sub3A_574, %lt3A_579 : vector<16xi32>
      %and3A_581 = arith.andi %ge3A_577, %lt3A_580 : vector<16xi1>
      %add3A_582 = arith.constant 80 : i32
      %add3A_583 = arith.addi %add3A_397, %add3A_582 : i32
      %iota3A_584 = tpu.iota {dimensions = array<i32: 0>} : vector<16xi32>
      %add3A_585 = vector.broadcast %add3A_583 : i32 to vector<16xi32>
      %add3A_586 = arith.addi %add3A_585, %iota3A_584 : vector<16xi32>
      %select_n3A_587 = arith.select %and3A_581, %sub3A_574, %add3A_586 : vector<16xi1>, vector<16xi32>
      %swap3A_588 = arith.index_cast %scan3A_392 : i32 to index
      %swap3A_589 = arith.constant 80 : index
      %swap3A_590 = tpu.vector_load %arg7[%swap3A_588, %swap3A_589] {strides = array<i32>} : memref<82x128xi32, #tpu.memory_space<vmem>>, vector<1x16xi32>,
      %swap3A_591 = vector.shape_cast %swap3A_590 : vector<1x16xi32> to vector<16xi32>
      %swap3A_592 = vector.shape_cast %select_n3A_587 : vector<16xi32> to vector<1x16xi32>
      tpu.vector_store %arg7[%swap3A_588, %swap3A_589], %swap3A_592 {strides = array<i32>} : memref<82x128xi32, #tpu.memory_space<vmem>>, vector<1x16xi32>,
      %get3A_593 = arith.index_cast %scan3A_392 : i32 to index
      %get3A_594 = arith.constant 80 : index
      %get3A_595 = tpu.vector_load %arg6[%get3A_593, %get3A_594] {strides = array<i32>} : memref<82x128xf32, #tpu.memory_space<vmem>>, vector<1x16xf32>,
      %get3A_596 = vector.shape_cast %get3A_595 : vector<1x16xf32> to vector<16xf32>
      %jit3A_597 = arith.constant 0.000000e+00 : f32
      %broadcast_in_dim3A_598 = vector.broadcast %jit3A_597 : f32 to vector<16xf32>
      %select_n3A_599 = arith.select %and3A_581, %get3A_596, %broadcast_in_dim3A_598 : vector<16xi1>, vector<16xf32>
      %swap3A_600 = arith.index_cast %scan3A_392 : i32 to index
      %swap3A_601 = arith.constant 80 : index
      %swap3A_602 = tpu.vector_load %arg8[%swap3A_600, %swap3A_601] {strides = array<i32>} : memref<82x128xf32, #tpu.memory_space<vmem>>, vector<1x16xf32>,
      %swap3A_603 = vector.shape_cast %swap3A_602 : vector<1x16xf32> to vector<16xf32>
      %swap3A_604 = vector.shape_cast %select_n3A_599 : vector<16xf32> to vector<1x16xf32>
      tpu.vector_store %arg8[%swap3A_600, %swap3A_601], %swap3A_604 {strides = array<i32>} : memref<82x128xf32, #tpu.memory_space<vmem>>, vector<1x16xf32>,
      %get3A_605 = arith.index_cast %scan3A_392 : i32 to index
      %get3A_606 = arith.constant 96 : index
      %get3A_607 = tpu.vector_load %arg5[%get3A_605, %get3A_606] {strides = array<i32>} : memref<82x128xi32, #tpu.memory_space<vmem>>, vector<1x16xi32>,
      %get3A_608 = vector.shape_cast %get3A_607 : vector<1x16xi32> to vector<16xi32>
      %sub3A_609 = vector.broadcast %mul3A_152 : i32 to vector<16xi32>
      %sub3A_610 = arith.subi %get3A_608, %sub3A_609 : vector<16xi32>
      %ge3A_611 = arith.constant 0 : i32
      %ge3A_612 = vector.broadcast %ge3A_611 : i32 to vector<16xi32>
      %ge3A_613 = arith.cmpi sge, %sub3A_610, %ge3A_612 : vector<16xi32>
      %lt3A_614 = arith.constant 1048576 : i32
      %lt3A_615 = vector.broadcast %lt3A_614 : i32 to vector<16xi32>
      %lt3A_616 = arith.cmpi slt, %sub3A_610, %lt3A_615 : vector<16xi32>
      %and3A_617 = arith.andi %ge3A_613, %lt3A_616 : vector<16xi1>
      %add3A_618 = arith.constant 96 : i32
      %add3A_619 = arith.addi %add3A_397, %add3A_618 : i32
      %iota3A_620 = tpu.iota {dimensions = array<i32: 0>} : vector<16xi32>
      %add3A_621 = vector.broadcast %add3A_619 : i32 to vector<16xi32>
      %add3A_622 = arith.addi %add3A_621, %iota3A_620 : vector<16xi32>
      %select_n3A_623 = arith.select %and3A_617, %sub3A_610, %add3A_622 : vector<16xi1>, vector<16xi32>
      %swap3A_624 = arith.index_cast %scan3A_392 : i32 to index
      %swap3A_625 = arith.constant 96 : index
      %swap3A_626 = tpu.vector_load %arg7[%swap3A_624, %swap3A_625] {strides = array<i32>} : memref<82x128xi32, #tpu.memory_space<vmem>>, vector<1x16xi32>,
      %swap3A_627 = vector.shape_cast %swap3A_626 : vector<1x16xi32> to vector<16xi32>
      %swap3A_628 = vector.shape_cast %select_n3A_623 : vector<16xi32> to vector<1x16xi32>
      tpu.vector_store %arg7[%swap3A_624, %swap3A_625], %swap3A_628 {strides = array<i32>} : memref<82x128xi32, #tpu.memory_space<vmem>>, vector<1x16xi32>,
      %get3A_629 = arith.index_cast %scan3A_392 : i32 to index
      %get3A_630 = arith.constant 96 : index
      %get3A_631 = tpu.vector_load %arg6[%get3A_629, %get3A_630] {strides = array<i32>} : memref<82x128xf32, #tpu.memory_space<vmem>>, vector<1x16xf32>,
      %get3A_632 = vector.shape_cast %get3A_631 : vector<1x16xf32> to vector<16xf32>
      %jit3A_633 = arith.constant 0.000000e+00 : f32
      %broadcast_in_dim3A_634 = vector.broadcast %jit3A_633 : f32 to vector<16xf32>
      %select_n3A_635 = arith.select %and3A_617, %get3A_632, %broadcast_in_dim3A_634 : vector<16xi1>, vector<16xf32>
      %swap3A_636 = arith.index_cast %scan3A_392 : i32 to index
      %swap3A_637 = arith.constant 96 : index
      %swap3A_638 = tpu.vector_load %arg8[%swap3A_636, %swap3A_637] {strides = array<i32>} : memref<82x128xf32, #tpu.memory_space<vmem>>, vector<1x16xf32>,
      %swap3A_639 = vector.shape_cast %swap3A_638 : vector<1x16xf32> to vector<16xf32>
      %swap3A_640 = vector.shape_cast %select_n3A_635 : vector<16xf32> to vector<1x16xf32>
      tpu.vector_store %arg8[%swap3A_636, %swap3A_637], %swap3A_640 {strides = array<i32>} : memref<82x128xf32, #tpu.memory_space<vmem>>, vector<1x16xf32>,
      %get3A_641 = arith.index_cast %scan3A_392 : i32 to index
      %get3A_642 = arith.constant 112 : index
      %get3A_643 = tpu.vector_load %arg5[%get3A_641, %get3A_642] {strides = array<i32>} : memref<82x128xi32, #tpu.memory_space<vmem>>, vector<1x16xi32>,
      %get3A_644 = vector.shape_cast %get3A_643 : vector<1x16xi32> to vector<16xi32>
      %sub3A_645 = vector.broadcast %mul3A_152 : i32 to vector<16xi32>
      %sub3A_646 = arith.subi %get3A_644, %sub3A_645 : vector<16xi32>
      %ge3A_647 = arith.constant 0 : i32
      %ge3A_648 = vector.broadcast %ge3A_647 : i32 to vector<16xi32>
      %ge3A_649 = arith.cmpi sge, %sub3A_646, %ge3A_648 : vector<16xi32>
      %lt3A_650 = arith.constant 1048576 : i32
      %lt3A_651 = vector.broadcast %lt3A_650 : i32 to vector<16xi32>
      %lt3A_652 = arith.cmpi slt, %sub3A_646, %lt3A_651 : vector<16xi32>
      %and3A_653 = arith.andi %ge3A_649, %lt3A_652 : vector<16xi1>
      %add3A_654 = arith.constant 112 : i32
      %add3A_655 = arith.addi %add3A_397, %add3A_654 : i32
      %iota3A_656 = tpu.iota {dimensions = array<i32: 0>} : vector<16xi32>
      %add3A_657 = vector.broadcast %add3A_655 : i32 to vector<16xi32>
      %add3A_658 = arith.addi %add3A_657, %iota3A_656 : vector<16xi32>
      %select_n3A_659 = arith.select %and3A_653, %sub3A_646, %add3A_658 : vector<16xi1>, vector<16xi32>
      %swap3A_660 = arith.index_cast %scan3A_392 : i32 to index
      %swap3A_661 = arith.constant 112 : index
      %swap3A_662 = tpu.vector_load %arg7[%swap3A_660, %swap3A_661] {strides = array<i32>} : memref<82x128xi32, #tpu.memory_space<vmem>>, vector<1x16xi32>,
      %swap3A_663 = vector.shape_cast %swap3A_662 : vector<1x16xi32> to vector<16xi32>
      %swap3A_664 = vector.shape_cast %select_n3A_659 : vector<16xi32> to vector<1x16xi32>
      tpu.vector_store %arg7[%swap3A_660, %swap3A_661], %swap3A_664 {strides = array<i32>} : memref<82x128xi32, #tpu.memory_space<vmem>>, vector<1x16xi32>,
      %get3A_665 = arith.index_cast %scan3A_392 : i32 to index
      %get3A_666 = arith.constant 112 : index
      %get3A_667 = tpu.vector_load %arg6[%get3A_665, %get3A_666] {strides = array<i32>} : memref<82x128xf32, #tpu.memory_space<vmem>>, vector<1x16xf32>,
      %get3A_668 = vector.shape_cast %get3A_667 : vector<1x16xf32> to vector<16xf32>
      %jit3A_669 = arith.constant 0.000000e+00 : f32
      %broadcast_in_dim3A_670 = vector.broadcast %jit3A_669 : f32 to vector<16xf32>
      %select_n3A_671 = arith.select %and3A_653, %get3A_668, %broadcast_in_dim3A_670 : vector<16xi1>, vector<16xf32>
      %swap3A_672 = arith.index_cast %scan3A_392 : i32 to index
      %swap3A_673 = arith.constant 112 : index
      %swap3A_674 = tpu.vector_load %arg8[%swap3A_672, %swap3A_673] {strides = array<i32>} : memref<82x128xf32, #tpu.memory_space<vmem>>, vector<1x16xf32>,
      %swap3A_675 = vector.shape_cast %swap3A_674 : vector<1x16xf32> to vector<16xf32>
      %swap3A_676 = vector.shape_cast %select_n3A_671 : vector<16xf32> to vector<1x16xf32>
      tpu.vector_store %arg8[%swap3A_672, %swap3A_673], %swap3A_676 {strides = array<i32>} : memref<82x128xf32, #tpu.memory_space<vmem>>, vector<1x16xf32>,
      %dma_start3A = arith.constant 0 : i32
      %dma_start3A_677 = tpu.memref_slice %arg8[%scan3A_392, %dma_start3A] : memref<82x128xf32, #tpu.memory_space<vmem>> -> memref<1x128xf32, #tpu.memory_space<vmem>>
      %dma_start3A_678 = tpu.memref_squeeze %dma_start3A_677 : memref<1x128xf32, #tpu.memory_space<vmem>> -> memref<128xf32, #tpu.memory_space<vmem>>
      %dma_start3A_679 = arith.constant 0 : i32
      %dma_start3A_680 = tpu.memref_slice %arg7[%scan3A_392, %dma_start3A_679] : memref<82x128xi32, #tpu.memory_space<vmem>> -> memref<1x128xi32, #tpu.memory_space<vmem>>
      %dma_start3A_681 = tpu.memref_squeeze %dma_start3A_680 : memref<1x128xi32, #tpu.memory_space<vmem>> -> memref<128xi32, #tpu.memory_space<vmem>>
      %dma_start3A_682 = arith.constant 0 : i32
      %dma_start3A_683 = tpu.memref_slice %arg11[%dma_start3A_682] : memref<1050624xf32, #tpu.memory_space<vmem_shared>> -> memref<1050624xf32, #tpu.memory_space<vmem_shared>>
      tpu.enqueue_indirect_dma source(%dma_start3A_678 : memref<128xf32, #tpu.memory_space<vmem>>) target(%dma_start3A_683 : memref<1050624xf32, #tpu.memory_space<vmem_shared>>) offsets(%dma_start3A_681 : memref<128xi32, #tpu.memory_space<vmem>>) semaphore(%arg12 : memref<!tpu.dma_semaphore, #tpu.memory_space<semaphore_mem>>) {add = true}
    }
    %scan3A_175 = arith.constant 82 : i32
    %dma_wait3A_176 = arith.constant 0 : i32
    %dma_wait3A_177 = arith.constant 0 : i32
    %dma_wait3A_178 = tpu.memref_slice %arg3[%arg1, %dma_wait3A_176, %dma_wait3A_177] : memref<16x82x128xf32, #tpu.memory_space<hbm>> -> memref<1x82x128xf32, #tpu.memory_space<hbm>>
    %dma_wait3A_179 = tpu.memref_squeeze %dma_wait3A_178 : memref<1x82x128xf32, #tpu.memory_space<hbm>> -> memref<82x128xf32, #tpu.memory_space<hbm>>
    %dma_wait3A_180 = arith.constant 0 : i32
    %dma_wait3A_181 = arith.constant 0 : i32
    %dma_wait3A_182 = tpu.memref_slice %arg3[%arg1, %dma_wait3A_180, %dma_wait3A_181] : memref<16x82x128xf32, #tpu.memory_space<hbm>> -> memref<1x82x128xf32, #tpu.memory_space<hbm>>
    %dma_wait3A_183 = tpu.memref_squeeze %dma_wait3A_182 : memref<1x82x128xf32, #tpu.memory_space<hbm>> -> memref<82x128xf32, #tpu.memory_space<hbm>>
    tpu.wait_dma2 semaphore(%arg12 : memref<!tpu.dma_semaphore, #tpu.memory_space<semaphore_mem>>) src(%dma_wait3A_183 : memref<82x128xf32, #tpu.memory_space<hbm>>) dst(%arg8 : memref<82x128xf32, #tpu.memory_space<vmem>>)
    %run_scoped3A_184 = arith.constant 81 : i32
    "tpu.region"() ({
      %run_scoped3A_392 = tpu.sem_alloc : memref<!tpu.dma_semaphore, #tpu.memory_space<semaphore_mem>>
      %dma_start3A = arith.constant 0 : i32
      %dma_start3A_393 = tpu.memref_slice %arg7[%run_scoped3A_184, %dma_start3A] : memref<82x128xi32, #tpu.memory_space<vmem>> -> memref<1x128xi32, #tpu.memory_space<vmem>>
      %dma_start3A_394 = tpu.memref_squeeze %dma_start3A_393 : memref<1x128xi32, #tpu.memory_space<vmem>> -> memref<128xi32, #tpu.memory_space<vmem>>
      %dma_start3A_395 = arith.constant 0 : i32
      %dma_start3A_396 = tpu.memref_slice %arg11[%dma_start3A_395] : memref<1050624xf32, #tpu.memory_space<vmem_shared>> -> memref<1050624xf32, #tpu.memory_space<vmem_shared>>
      tpu.enqueue_indirect_dma source(%dma_start3A_396 : memref<1050624xf32, #tpu.memory_space<vmem_shared>>) target(%arg10 : memref<128xf32, #tpu.memory_space<vmem>>) offsets(%dma_start3A_394 : memref<128xi32, #tpu.memory_space<vmem>>) semaphore(%run_scoped3A_392 : memref<!tpu.dma_semaphore, #tpu.memory_space<semaphore_mem>>)
      %dma_wait3A_397 = arith.constant 0 : i32
      %dma_wait3A_398 = tpu.memref_slice %arg7[%run_scoped3A_184, %dma_wait3A_397] : memref<82x128xi32, #tpu.memory_space<vmem>> -> memref<1x128xi32, #tpu.memory_space<vmem>>
      %dma_wait3A_399 = tpu.memref_squeeze %dma_wait3A_398 : memref<1x128xi32, #tpu.memory_space<vmem>> -> memref<128xi32, #tpu.memory_space<vmem>>
      %dma_wait3A_400 = arith.constant 0 : i32
      %dma_wait3A_401 = tpu.memref_slice %arg11[%dma_wait3A_400] : memref<1050624xf32, #tpu.memory_space<vmem_shared>> -> memref<1050624xf32, #tpu.memory_space<vmem_shared>>
      tpu.wait_indirect_dma semaphore(%run_scoped3A_392 : memref<!tpu.dma_semaphore, #tpu.memory_space<semaphore_mem>>) src(%dma_wait3A_401 : memref<1050624xf32, #tpu.memory_space<vmem_shared>>) dst(%arg10 : memref<128xf32, #tpu.memory_space<vmem>>)
      tpu.yield
    }) : () -> ()
    %run_scoped3A_185 = arith.constant 80 : i32
    "tpu.region"() ({
      %run_scoped3A_392 = tpu.sem_alloc : memref<!tpu.dma_semaphore, #tpu.memory_space<semaphore_mem>>
      %dma_start3A = arith.constant 0 : i32
      %dma_start3A_393 = tpu.memref_slice %arg7[%run_scoped3A_185, %dma_start3A] : memref<82x128xi32, #tpu.memory_space<vmem>> -> memref<1x128xi32, #tpu.memory_space<vmem>>
      %dma_start3A_394 = tpu.memref_squeeze %dma_start3A_393 : memref<1x128xi32, #tpu.memory_space<vmem>> -> memref<128xi32, #tpu.memory_space<vmem>>
      %dma_start3A_395 = arith.constant 0 : i32
      %dma_start3A_396 = tpu.memref_slice %arg11[%dma_start3A_395] : memref<1050624xf32, #tpu.memory_space<vmem_shared>> -> memref<1050624xf32, #tpu.memory_space<vmem_shared>>
      tpu.enqueue_indirect_dma source(%dma_start3A_396 : memref<1050624xf32, #tpu.memory_space<vmem_shared>>) target(%arg10 : memref<128xf32, #tpu.memory_space<vmem>>) offsets(%dma_start3A_394 : memref<128xi32, #tpu.memory_space<vmem>>) semaphore(%run_scoped3A_392 : memref<!tpu.dma_semaphore, #tpu.memory_space<semaphore_mem>>)
      %dma_wait3A_397 = arith.constant 0 : i32
      %dma_wait3A_398 = tpu.memref_slice %arg7[%run_scoped3A_185, %dma_wait3A_397] : memref<82x128xi32, #tpu.memory_space<vmem>> -> memref<1x128xi32, #tpu.memory_space<vmem>>
      %dma_wait3A_399 = tpu.memref_squeeze %dma_wait3A_398 : memref<1x128xi32, #tpu.memory_space<vmem>> -> memref<128xi32, #tpu.memory_space<vmem>>
      %dma_wait3A_400 = arith.constant 0 : i32
      %dma_wait3A_401 = tpu.memref_slice %arg11[%dma_wait3A_400] : memref<1050624xf32, #tpu.memory_space<vmem_shared>> -> memref<1050624xf32, #tpu.memory_space<vmem_shared>>
      tpu.wait_indirect_dma semaphore(%run_scoped3A_392 : memref<!tpu.dma_semaphore, #tpu.memory_space<semaphore_mem>>) src(%dma_wait3A_401 : memref<1050624xf32, #tpu.memory_space<vmem_shared>>) dst(%arg10 : memref<128xf32, #tpu.memory_space<vmem>>)
      tpu.yield
    }) : () -> ()
    %run_scoped3A_186 = arith.constant 79 : i32
    "tpu.region"() ({
      %run_scoped3A_392 = tpu.sem_alloc : memref<!tpu.dma_semaphore, #tpu.memory_space<semaphore_mem>>
      %dma_start3A = arith.constant 0 : i32
      %dma_start3A_393 = tpu.memref_slice %arg7[%run_scoped3A_186, %dma_start3A] : memref<82x128xi32, #tpu.memory_space<vmem>> -> memref<1x128xi32, #tpu.memory_space<vmem>>
      %dma_start3A_394 = tpu.memref_squeeze %dma_start3A_393 : memref<1x128xi32, #tpu.memory_space<vmem>> -> memref<128xi32, #tpu.memory_space<vmem>>
      %dma_start3A_395 = arith.constant 0 : i32
      %dma_start3A_396 = tpu.memref_slice %arg11[%dma_start3A_395] : memref<1050624xf32, #tpu.memory_space<vmem_shared>> -> memref<1050624xf32, #tpu.memory_space<vmem_shared>>
      tpu.enqueue_indirect_dma source(%dma_start3A_396 : memref<1050624xf32, #tpu.memory_space<vmem_shared>>) target(%arg10 : memref<128xf32, #tpu.memory_space<vmem>>) offsets(%dma_start3A_394 : memref<128xi32, #tpu.memory_space<vmem>>) semaphore(%run_scoped3A_392 : memref<!tpu.dma_semaphore, #tpu.memory_space<semaphore_mem>>)
      %dma_wait3A_397 = arith.constant 0 : i32
      %dma_wait3A_398 = tpu.memref_slice %arg7[%run_scoped3A_186, %dma_wait3A_397] : memref<82x128xi32, #tpu.memory_space<vmem>> -> memref<1x128xi32, #tpu.memory_space<vmem>>
      %dma_wait3A_399 = tpu.memref_squeeze %dma_wait3A_398 : memref<1x128xi32, #tpu.memory_space<vmem>> -> memref<128xi32, #tpu.memory_space<vmem>>
      %dma_wait3A_400 = arith.constant 0 : i32
      %dma_wait3A_401 = tpu.memref_slice %arg11[%dma_wait3A_400] : memref<1050624xf32, #tpu.memory_space<vmem_shared>> -> memref<1050624xf32, #tpu.memory_space<vmem_shared>>
      tpu.wait_indirect_dma semaphore(%run_scoped3A_392 : memref<!tpu.dma_semaphore, #tpu.memory_space<semaphore_mem>>) src(%dma_wait3A_401 : memref<1050624xf32, #tpu.memory_space<vmem_shared>>) dst(%arg10 : memref<128xf32, #tpu.memory_space<vmem>>)
      tpu.yield
    }) : () -> ()
    %barrier3A_187 = arith.constant 0 : index
    tpu.barrier barrier_id(%barrier3A_187)
    %mul3A_188 = arith.constant 65536 : i32
    %mul3A_189 = arith.muli %arg1, %mul3A_188 : i32
    %mul3A_190 = arith.constant 1048576 : i32
    %mul3A_191 = arith.muli %add3A_150, %mul3A_190 : i32
    %mul3A_192 = arith.constant 65536 : i32
    %mul3A_193 = arith.muli %arg1, %mul3A_192 : i32
    %add3A_194 = arith.addi %mul3A_191, %mul3A_193 : i32
    "tpu.region"() ({
      %run_scoped3A_392 = tpu.sem_alloc : memref<!tpu.dma_semaphore, #tpu.memory_space<semaphore_mem>>
      %dma_start3A = tpu.memref_slice %arg4[%add3A_194] : memref<16777216xf32, #tpu.memory_space<hbm>> -> memref<65536xf32, #tpu.memory_space<hbm>>
      %dma_start3A_393 = tpu.memref_slice %arg11[%mul3A_189] : memref<1050624xf32, #tpu.memory_space<vmem_shared>> -> memref<65536xf32, #tpu.memory_space<vmem_shared>>
      tpu.enqueue_dma source(%dma_start3A_393 : memref<65536xf32, #tpu.memory_space<vmem_shared>>) target(%dma_start3A : memref<65536xf32, #tpu.memory_space<hbm>>) target_semaphore(%run_scoped3A_392 : memref<!tpu.dma_semaphore, #tpu.memory_space<semaphore_mem>>)
      %dma_wait3A_394 = tpu.memref_slice %arg4[%add3A_194] : memref<16777216xf32, #tpu.memory_space<hbm>> -> memref<65536xf32, #tpu.memory_space<hbm>>
      %dma_wait3A_395 = tpu.memref_slice %arg11[%mul3A_189] : memref<1050624xf32, #tpu.memory_space<vmem_shared>> -> memref<65536xf32, #tpu.memory_space<vmem_shared>>
      tpu.wait_dma2 semaphore(%run_scoped3A_392 : memref<!tpu.dma_semaphore, #tpu.memory_space<semaphore_mem>>) src(%dma_wait3A_395 : memref<65536xf32, #tpu.memory_space<vmem_shared>>) dst(%dma_wait3A_394 : memref<65536xf32, #tpu.memory_space<hbm>>)
      tpu.yield
    }) : () -> ()
    %barrier3A_195 = arith.constant 0 : index
    tpu.barrier barrier_id(%barrier3A_195)
    %mul3A_196 = arith.constant 8 : i32
    %mul3A_197 = arith.muli %arg0, %mul3A_196 : i32
    %add3A_198 = arith.constant 4 : i32
    %add3A_199 = arith.addi %mul3A_197, %add3A_198 : i32
    %mul3A_200 = arith.constant 1048576 : i32
    %mul3A_201 = arith.muli %add3A_199, %mul3A_200 : i32
    %mul3A_202 = arith.constant 65536 : i32
    %mul3A_203 = arith.muli %arg1, %mul3A_202 : i32
    %add3A_204 = arith.constant 0 : i32
    %add3A_205 = arith.addi %mul3A_203, %add3A_204 : i32
    "tpu.region"() ({
      %run_scoped3A_392 = tpu.sem_alloc : memref<!tpu.dma_semaphore, #tpu.memory_space<semaphore_mem>>
      %dma_start3A = tpu.memref_slice %arg11[%add3A_205] : memref<1050624xf32, #tpu.memory_space<vmem_shared>> -> memref<16384xf32, #tpu.memory_space<vmem_shared>>
      %dma_start3A_393 = tpu.memref_slice %arg11[%add3A_205] : memref<1050624xf32, #tpu.memory_space<vmem_shared>> -> memref<16384xf32, #tpu.memory_space<vmem_shared>>
      tpu.enqueue_dma source(%arg9 : memref<16384xf32, #tpu.memory_space<vmem>>) target(%dma_start3A_393 : memref<16384xf32, #tpu.memory_space<vmem_shared>>) target_semaphore(%run_scoped3A_392 : memref<!tpu.dma_semaphore, #tpu.memory_space<semaphore_mem>>)
      %dma_wait3A_394 = tpu.memref_slice %arg11[%add3A_205] : memref<1050624xf32, #tpu.memory_space<vmem_shared>> -> memref<16384xf32, #tpu.memory_space<vmem_shared>>
      %dma_wait3A_395 = tpu.memref_slice %arg11[%add3A_205] : memref<1050624xf32, #tpu.memory_space<vmem_shared>> -> memref<16384xf32, #tpu.memory_space<vmem_shared>>
      tpu.wait_dma2 semaphore(%run_scoped3A_392 : memref<!tpu.dma_semaphore, #tpu.memory_space<semaphore_mem>>) src(%arg9 : memref<16384xf32, #tpu.memory_space<vmem>>) dst(%dma_wait3A_395 : memref<16384xf32, #tpu.memory_space<vmem_shared>>)
      tpu.yield
    }) : () -> ()
    %mul3A_206 = arith.constant 65536 : i32
    %mul3A_207 = arith.muli %arg1, %mul3A_206 : i32
    %add3A_208 = arith.constant 16384 : i32
    %add3A_209 = arith.addi %mul3A_207, %add3A_208 : i32
    "tpu.region"() ({
      %run_scoped3A_392 = tpu.sem_alloc : memref<!tpu.dma_semaphore, #tpu.memory_space<semaphore_mem>>
      %dma_start3A = tpu.memref_slice %arg11[%add3A_209] : memref<1050624xf32, #tpu.memory_space<vmem_shared>> -> memref<16384xf32, #tpu.memory_space<vmem_shared>>
      %dma_start3A_393 = tpu.memref_slice %arg11[%add3A_209] : memref<1050624xf32, #tpu.memory_space<vmem_shared>> -> memref<16384xf32, #tpu.memory_space<vmem_shared>>
      tpu.enqueue_dma source(%arg9 : memref<16384xf32, #tpu.memory_space<vmem>>) target(%dma_start3A_393 : memref<16384xf32, #tpu.memory_space<vmem_shared>>) target_semaphore(%run_scoped3A_392 : memref<!tpu.dma_semaphore, #tpu.memory_space<semaphore_mem>>)
      %dma_wait3A_394 = tpu.memref_slice %arg11[%add3A_209] : memref<1050624xf32, #tpu.memory_space<vmem_shared>> -> memref<16384xf32, #tpu.memory_space<vmem_shared>>
      %dma_wait3A_395 = tpu.memref_slice %arg11[%add3A_209] : memref<1050624xf32, #tpu.memory_space<vmem_shared>> -> memref<16384xf32, #tpu.memory_space<vmem_shared>>
      tpu.wait_dma2 semaphore(%run_scoped3A_392 : memref<!tpu.dma_semaphore, #tpu.memory_space<semaphore_mem>>) src(%arg9 : memref<16384xf32, #tpu.memory_space<vmem>>) dst(%dma_wait3A_395 : memref<16384xf32, #tpu.memory_space<vmem_shared>>)
      tpu.yield
    }) : () -> ()
    %mul3A_210 = arith.constant 65536 : i32
    %mul3A_211 = arith.muli %arg1, %mul3A_210 : i32
    %add3A_212 = arith.constant 32768 : i32
    %add3A_213 = arith.addi %mul3A_211, %add3A_212 : i32
    "tpu.region"() ({
      %run_scoped3A_392 = tpu.sem_alloc : memref<!tpu.dma_semaphore, #tpu.memory_space<semaphore_mem>>
      %dma_start3A = tpu.memref_slice %arg11[%add3A_213] : memref<1050624xf32, #tpu.memory_space<vmem_shared>> -> memref<16384xf32, #tpu.memory_space<vmem_shared>>
      %dma_start3A_393 = tpu.memref_slice %arg11[%add3A_213] : memref<1050624xf32, #tpu.memory_space<vmem_shared>> -> memref<16384xf32, #tpu.memory_space<vmem_shared>>
      tpu.enqueue_dma source(%arg9 : memref<16384xf32, #tpu.memory_space<vmem>>) target(%dma_start3A_393 : memref<16384xf32, #tpu.memory_space<vmem_shared>>) target_semaphore(%run_scoped3A_392 : memref<!tpu.dma_semaphore, #tpu.memory_space<semaphore_mem>>)
      %dma_wait3A_394 = tpu.memref_slice %arg11[%add3A_213] : memref<1050624xf32, #tpu.memory_space<vmem_shared>> -> memref<16384xf32, #tpu.memory_space<vmem_shared>>
      %dma_wait3A_395 = tpu.memref_slice %arg11[%add3A_213] : memref<1050624xf32, #tpu.memory_space<vmem_shared>> -> memref<16384xf32, #tpu.memory_space<vmem_shared>>
      tpu.wait_dma2 semaphore(%run_scoped3A_392 : memref<!tpu.dma_semaphore, #tpu.memory_space<semaphore_mem>>) src(%arg9 : memref<16384xf32, #tpu.memory_space<vmem>>) dst(%dma_wait3A_395 : memref<16384xf32, #tpu.memory_space<vmem_shared>>)
      tpu.yield
    }) : () -> ()
    %mul3A_214 = arith.constant 65536 : i32
    %mul3A_215 = arith.muli %arg1, %mul3A_214 : i32
    %add3A_216 = arith.constant 49152 : i32
    %add3A_217 = arith.addi %mul3A_215, %add3A_216 : i32
    "tpu.region"() ({
      %run_scoped3A_392 = tpu.sem_alloc : memref<!tpu.dma_semaphore, #tpu.memory_space<semaphore_mem>>
      %dma_start3A = tpu.memref_slice %arg11[%add3A_217] : memref<1050624xf32, #tpu.memory_space<vmem_shared>> -> memref<16384xf32, #tpu.memory_space<vmem_shared>>
      %dma_start3A_393 = tpu.memref_slice %arg11[%add3A_217] : memref<1050624xf32, #tpu.memory_space<vmem_shared>> -> memref<16384xf32, #tpu.memory_space<vmem_shared>>
      tpu.enqueue_dma source(%arg9 : memref<16384xf32, #tpu.memory_space<vmem>>) target(%dma_start3A_393 : memref<16384xf32, #tpu.memory_space<vmem_shared>>) target_semaphore(%run_scoped3A_392 : memref<!tpu.dma_semaphore, #tpu.memory_space<semaphore_mem>>)
      %dma_wait3A_394 = tpu.memref_slice %arg11[%add3A_217] : memref<1050624xf32, #tpu.memory_space<vmem_shared>> -> memref<16384xf32, #tpu.memory_space<vmem_shared>>
      %dma_wait3A_395 = tpu.memref_slice %arg11[%add3A_217] : memref<1050624xf32, #tpu.memory_space<vmem_shared>> -> memref<16384xf32, #tpu.memory_space<vmem_shared>>
      tpu.wait_dma2 semaphore(%run_scoped3A_392 : memref<!tpu.dma_semaphore, #tpu.memory_space<semaphore_mem>>) src(%arg9 : memref<16384xf32, #tpu.memory_space<vmem>>) dst(%dma_wait3A_395 : memref<16384xf32, #tpu.memory_space<vmem_shared>>)
      tpu.yield
    }) : () -> ()
    %barrier3A_218 = arith.constant 0 : index
    tpu.barrier barrier_id(%barrier3A_218)
    %scan3A_219 = arith.constant 0 : i32
    %scan3A_220 = arith.constant 0 : i32
    %scan3A_221 = arith.constant 82 : i32
    %scan3A_222 = arith.addi %scan3A_220, %scan3A_221 : i32
    %scan3A_223 = arith.constant 1 : i32
    scf.for %scan3A_392 = %scan3A_220 to %scan3A_222 step %scan3A_223  : i32 {
      %mul3A_393 = arith.constant 128 : i32
      %mul3A_394 = arith.muli %scan3A_392, %mul3A_393 : i32
      %and3A = arith.constant 2047 : i32
      %and3A_395 = arith.andi %mul3A_394, %and3A : i32
      %add3A_396 = arith.constant 1048576 : i32
      %add3A_397 = arith.addi %add3A_396, %and3A_395 : i32
      %get3A = arith.index_cast %scan3A_392 : i32 to index
      %get3A_398 = arith.constant 0 : index
      %get3A_399 = tpu.vector_load %arg5[%get3A, %get3A_398] {strides = array<i32>} : memref<82x128xi32, #tpu.memory_space<vmem>>, vector<1x16xi32>,
      %get3A_400 = vector.shape_cast %get3A_399 : vector<1x16xi32> to vector<16xi32>
      %sub3A = vector.broadcast %mul3A_201 : i32 to vector<16xi32>
      %sub3A_401 = arith.subi %get3A_400, %sub3A : vector<16xi32>
      %ge3A = arith.constant 0 : i32
      %ge3A_402 = vector.broadcast %ge3A : i32 to vector<16xi32>
      %ge3A_403 = arith.cmpi sge, %sub3A_401, %ge3A_402 : vector<16xi32>
      %lt3A = arith.constant 1048576 : i32
      %lt3A_404 = vector.broadcast %lt3A : i32 to vector<16xi32>
      %lt3A_405 = arith.cmpi slt, %sub3A_401, %lt3A_404 : vector<16xi32>
      %and3A_406 = arith.andi %ge3A_403, %lt3A_405 : vector<16xi1>
      %add3A_407 = arith.constant 0 : i32
      %add3A_408 = arith.addi %add3A_397, %add3A_407 : i32
      %iota3A = tpu.iota {dimensions = array<i32: 0>} : vector<16xi32>
      %add3A_409 = vector.broadcast %add3A_408 : i32 to vector<16xi32>
      %add3A_410 = arith.addi %add3A_409, %iota3A : vector<16xi32>
      %select_n3A = arith.select %and3A_406, %sub3A_401, %add3A_410 : vector<16xi1>, vector<16xi32>
      %swap3A = arith.index_cast %scan3A_392 : i32 to index
      %swap3A_411 = arith.constant 0 : index
      %swap3A_412 = tpu.vector_load %arg7[%swap3A, %swap3A_411] {strides = array<i32>} : memref<82x128xi32, #tpu.memory_space<vmem>>, vector<1x16xi32>,
      %swap3A_413 = vector.shape_cast %swap3A_412 : vector<1x16xi32> to vector<16xi32>
      %swap3A_414 = vector.shape_cast %select_n3A : vector<16xi32> to vector<1x16xi32>
      tpu.vector_store %arg7[%swap3A, %swap3A_411], %swap3A_414 {strides = array<i32>} : memref<82x128xi32, #tpu.memory_space<vmem>>, vector<1x16xi32>,
      %get3A_415 = arith.index_cast %scan3A_392 : i32 to index
      %get3A_416 = arith.constant 0 : index
      %get3A_417 = tpu.vector_load %arg6[%get3A_415, %get3A_416] {strides = array<i32>} : memref<82x128xf32, #tpu.memory_space<vmem>>, vector<1x16xf32>,
      %get3A_418 = vector.shape_cast %get3A_417 : vector<1x16xf32> to vector<16xf32>
      %jit3A = arith.constant 0.000000e+00 : f32
      %broadcast_in_dim3A = vector.broadcast %jit3A : f32 to vector<16xf32>
      %select_n3A_419 = arith.select %and3A_406, %get3A_418, %broadcast_in_dim3A : vector<16xi1>, vector<16xf32>
      %swap3A_420 = arith.index_cast %scan3A_392 : i32 to index
      %swap3A_421 = arith.constant 0 : index
      %swap3A_422 = tpu.vector_load %arg8[%swap3A_420, %swap3A_421] {strides = array<i32>} : memref<82x128xf32, #tpu.memory_space<vmem>>, vector<1x16xf32>,
      %swap3A_423 = vector.shape_cast %swap3A_422 : vector<1x16xf32> to vector<16xf32>
      %swap3A_424 = vector.shape_cast %select_n3A_419 : vector<16xf32> to vector<1x16xf32>
      tpu.vector_store %arg8[%swap3A_420, %swap3A_421], %swap3A_424 {strides = array<i32>} : memref<82x128xf32, #tpu.memory_space<vmem>>, vector<1x16xf32>,
      %get3A_425 = arith.index_cast %scan3A_392 : i32 to index
      %get3A_426 = arith.constant 16 : index
      %get3A_427 = tpu.vector_load %arg5[%get3A_425, %get3A_426] {strides = array<i32>} : memref<82x128xi32, #tpu.memory_space<vmem>>, vector<1x16xi32>,
      %get3A_428 = vector.shape_cast %get3A_427 : vector<1x16xi32> to vector<16xi32>
      %sub3A_429 = vector.broadcast %mul3A_201 : i32 to vector<16xi32>
      %sub3A_430 = arith.subi %get3A_428, %sub3A_429 : vector<16xi32>
      %ge3A_431 = arith.constant 0 : i32
      %ge3A_432 = vector.broadcast %ge3A_431 : i32 to vector<16xi32>
      %ge3A_433 = arith.cmpi sge, %sub3A_430, %ge3A_432 : vector<16xi32>
      %lt3A_434 = arith.constant 1048576 : i32
      %lt3A_435 = vector.broadcast %lt3A_434 : i32 to vector<16xi32>
      %lt3A_436 = arith.cmpi slt, %sub3A_430, %lt3A_435 : vector<16xi32>
      %and3A_437 = arith.andi %ge3A_433, %lt3A_436 : vector<16xi1>
      %add3A_438 = arith.constant 16 : i32
      %add3A_439 = arith.addi %add3A_397, %add3A_438 : i32
      %iota3A_440 = tpu.iota {dimensions = array<i32: 0>} : vector<16xi32>
      %add3A_441 = vector.broadcast %add3A_439 : i32 to vector<16xi32>
      %add3A_442 = arith.addi %add3A_441, %iota3A_440 : vector<16xi32>
      %select_n3A_443 = arith.select %and3A_437, %sub3A_430, %add3A_442 : vector<16xi1>, vector<16xi32>
      %swap3A_444 = arith.index_cast %scan3A_392 : i32 to index
      %swap3A_445 = arith.constant 16 : index
      %swap3A_446 = tpu.vector_load %arg7[%swap3A_444, %swap3A_445] {strides = array<i32>} : memref<82x128xi32, #tpu.memory_space<vmem>>, vector<1x16xi32>,
      %swap3A_447 = vector.shape_cast %swap3A_446 : vector<1x16xi32> to vector<16xi32>
      %swap3A_448 = vector.shape_cast %select_n3A_443 : vector<16xi32> to vector<1x16xi32>
      tpu.vector_store %arg7[%swap3A_444, %swap3A_445], %swap3A_448 {strides = array<i32>} : memref<82x128xi32, #tpu.memory_space<vmem>>, vector<1x16xi32>,
      %get3A_449 = arith.index_cast %scan3A_392 : i32 to index
      %get3A_450 = arith.constant 16 : index
      %get3A_451 = tpu.vector_load %arg6[%get3A_449, %get3A_450] {strides = array<i32>} : memref<82x128xf32, #tpu.memory_space<vmem>>, vector<1x16xf32>,
      %get3A_452 = vector.shape_cast %get3A_451 : vector<1x16xf32> to vector<16xf32>
      %jit3A_453 = arith.constant 0.000000e+00 : f32
      %broadcast_in_dim3A_454 = vector.broadcast %jit3A_453 : f32 to vector<16xf32>
      %select_n3A_455 = arith.select %and3A_437, %get3A_452, %broadcast_in_dim3A_454 : vector<16xi1>, vector<16xf32>
      %swap3A_456 = arith.index_cast %scan3A_392 : i32 to index
      %swap3A_457 = arith.constant 16 : index
      %swap3A_458 = tpu.vector_load %arg8[%swap3A_456, %swap3A_457] {strides = array<i32>} : memref<82x128xf32, #tpu.memory_space<vmem>>, vector<1x16xf32>,
      %swap3A_459 = vector.shape_cast %swap3A_458 : vector<1x16xf32> to vector<16xf32>
      %swap3A_460 = vector.shape_cast %select_n3A_455 : vector<16xf32> to vector<1x16xf32>
      tpu.vector_store %arg8[%swap3A_456, %swap3A_457], %swap3A_460 {strides = array<i32>} : memref<82x128xf32, #tpu.memory_space<vmem>>, vector<1x16xf32>,
      %get3A_461 = arith.index_cast %scan3A_392 : i32 to index
      %get3A_462 = arith.constant 32 : index
      %get3A_463 = tpu.vector_load %arg5[%get3A_461, %get3A_462] {strides = array<i32>} : memref<82x128xi32, #tpu.memory_space<vmem>>, vector<1x16xi32>,
      %get3A_464 = vector.shape_cast %get3A_463 : vector<1x16xi32> to vector<16xi32>
      %sub3A_465 = vector.broadcast %mul3A_201 : i32 to vector<16xi32>
      %sub3A_466 = arith.subi %get3A_464, %sub3A_465 : vector<16xi32>
      %ge3A_467 = arith.constant 0 : i32
      %ge3A_468 = vector.broadcast %ge3A_467 : i32 to vector<16xi32>
      %ge3A_469 = arith.cmpi sge, %sub3A_466, %ge3A_468 : vector<16xi32>
      %lt3A_470 = arith.constant 1048576 : i32
      %lt3A_471 = vector.broadcast %lt3A_470 : i32 to vector<16xi32>
      %lt3A_472 = arith.cmpi slt, %sub3A_466, %lt3A_471 : vector<16xi32>
      %and3A_473 = arith.andi %ge3A_469, %lt3A_472 : vector<16xi1>
      %add3A_474 = arith.constant 32 : i32
      %add3A_475 = arith.addi %add3A_397, %add3A_474 : i32
      %iota3A_476 = tpu.iota {dimensions = array<i32: 0>} : vector<16xi32>
      %add3A_477 = vector.broadcast %add3A_475 : i32 to vector<16xi32>
      %add3A_478 = arith.addi %add3A_477, %iota3A_476 : vector<16xi32>
      %select_n3A_479 = arith.select %and3A_473, %sub3A_466, %add3A_478 : vector<16xi1>, vector<16xi32>
      %swap3A_480 = arith.index_cast %scan3A_392 : i32 to index
      %swap3A_481 = arith.constant 32 : index
      %swap3A_482 = tpu.vector_load %arg7[%swap3A_480, %swap3A_481] {strides = array<i32>} : memref<82x128xi32, #tpu.memory_space<vmem>>, vector<1x16xi32>,
      %swap3A_483 = vector.shape_cast %swap3A_482 : vector<1x16xi32> to vector<16xi32>
      %swap3A_484 = vector.shape_cast %select_n3A_479 : vector<16xi32> to vector<1x16xi32>
      tpu.vector_store %arg7[%swap3A_480, %swap3A_481], %swap3A_484 {strides = array<i32>} : memref<82x128xi32, #tpu.memory_space<vmem>>, vector<1x16xi32>,
      %get3A_485 = arith.index_cast %scan3A_392 : i32 to index
      %get3A_486 = arith.constant 32 : index
      %get3A_487 = tpu.vector_load %arg6[%get3A_485, %get3A_486] {strides = array<i32>} : memref<82x128xf32, #tpu.memory_space<vmem>>, vector<1x16xf32>,
      %get3A_488 = vector.shape_cast %get3A_487 : vector<1x16xf32> to vector<16xf32>
      %jit3A_489 = arith.constant 0.000000e+00 : f32
      %broadcast_in_dim3A_490 = vector.broadcast %jit3A_489 : f32 to vector<16xf32>
      %select_n3A_491 = arith.select %and3A_473, %get3A_488, %broadcast_in_dim3A_490 : vector<16xi1>, vector<16xf32>
      %swap3A_492 = arith.index_cast %scan3A_392 : i32 to index
      %swap3A_493 = arith.constant 32 : index
      %swap3A_494 = tpu.vector_load %arg8[%swap3A_492, %swap3A_493] {strides = array<i32>} : memref<82x128xf32, #tpu.memory_space<vmem>>, vector<1x16xf32>,
      %swap3A_495 = vector.shape_cast %swap3A_494 : vector<1x16xf32> to vector<16xf32>
      %swap3A_496 = vector.shape_cast %select_n3A_491 : vector<16xf32> to vector<1x16xf32>
      tpu.vector_store %arg8[%swap3A_492, %swap3A_493], %swap3A_496 {strides = array<i32>} : memref<82x128xf32, #tpu.memory_space<vmem>>, vector<1x16xf32>,
      %get3A_497 = arith.index_cast %scan3A_392 : i32 to index
      %get3A_498 = arith.constant 48 : index
      %get3A_499 = tpu.vector_load %arg5[%get3A_497, %get3A_498] {strides = array<i32>} : memref<82x128xi32, #tpu.memory_space<vmem>>, vector<1x16xi32>,
      %get3A_500 = vector.shape_cast %get3A_499 : vector<1x16xi32> to vector<16xi32>
      %sub3A_501 = vector.broadcast %mul3A_201 : i32 to vector<16xi32>
      %sub3A_502 = arith.subi %get3A_500, %sub3A_501 : vector<16xi32>
      %ge3A_503 = arith.constant 0 : i32
      %ge3A_504 = vector.broadcast %ge3A_503 : i32 to vector<16xi32>
      %ge3A_505 = arith.cmpi sge, %sub3A_502, %ge3A_504 : vector<16xi32>
      %lt3A_506 = arith.constant 1048576 : i32
      %lt3A_507 = vector.broadcast %lt3A_506 : i32 to vector<16xi32>
      %lt3A_508 = arith.cmpi slt, %sub3A_502, %lt3A_507 : vector<16xi32>
      %and3A_509 = arith.andi %ge3A_505, %lt3A_508 : vector<16xi1>
      %add3A_510 = arith.constant 48 : i32
      %add3A_511 = arith.addi %add3A_397, %add3A_510 : i32
      %iota3A_512 = tpu.iota {dimensions = array<i32: 0>} : vector<16xi32>
      %add3A_513 = vector.broadcast %add3A_511 : i32 to vector<16xi32>
      %add3A_514 = arith.addi %add3A_513, %iota3A_512 : vector<16xi32>
      %select_n3A_515 = arith.select %and3A_509, %sub3A_502, %add3A_514 : vector<16xi1>, vector<16xi32>
      %swap3A_516 = arith.index_cast %scan3A_392 : i32 to index
      %swap3A_517 = arith.constant 48 : index
      %swap3A_518 = tpu.vector_load %arg7[%swap3A_516, %swap3A_517] {strides = array<i32>} : memref<82x128xi32, #tpu.memory_space<vmem>>, vector<1x16xi32>,
      %swap3A_519 = vector.shape_cast %swap3A_518 : vector<1x16xi32> to vector<16xi32>
      %swap3A_520 = vector.shape_cast %select_n3A_515 : vector<16xi32> to vector<1x16xi32>
      tpu.vector_store %arg7[%swap3A_516, %swap3A_517], %swap3A_520 {strides = array<i32>} : memref<82x128xi32, #tpu.memory_space<vmem>>, vector<1x16xi32>,
      %get3A_521 = arith.index_cast %scan3A_392 : i32 to index
      %get3A_522 = arith.constant 48 : index
      %get3A_523 = tpu.vector_load %arg6[%get3A_521, %get3A_522] {strides = array<i32>} : memref<82x128xf32, #tpu.memory_space<vmem>>, vector<1x16xf32>,
      %get3A_524 = vector.shape_cast %get3A_523 : vector<1x16xf32> to vector<16xf32>
      %jit3A_525 = arith.constant 0.000000e+00 : f32
      %broadcast_in_dim3A_526 = vector.broadcast %jit3A_525 : f32 to vector<16xf32>
      %select_n3A_527 = arith.select %and3A_509, %get3A_524, %broadcast_in_dim3A_526 : vector<16xi1>, vector<16xf32>
      %swap3A_528 = arith.index_cast %scan3A_392 : i32 to index
      %swap3A_529 = arith.constant 48 : index
      %swap3A_530 = tpu.vector_load %arg8[%swap3A_528, %swap3A_529] {strides = array<i32>} : memref<82x128xf32, #tpu.memory_space<vmem>>, vector<1x16xf32>,
      %swap3A_531 = vector.shape_cast %swap3A_530 : vector<1x16xf32> to vector<16xf32>
      %swap3A_532 = vector.shape_cast %select_n3A_527 : vector<16xf32> to vector<1x16xf32>
      tpu.vector_store %arg8[%swap3A_528, %swap3A_529], %swap3A_532 {strides = array<i32>} : memref<82x128xf32, #tpu.memory_space<vmem>>, vector<1x16xf32>,
      %get3A_533 = arith.index_cast %scan3A_392 : i32 to index
      %get3A_534 = arith.constant 64 : index
      %get3A_535 = tpu.vector_load %arg5[%get3A_533, %get3A_534] {strides = array<i32>} : memref<82x128xi32, #tpu.memory_space<vmem>>, vector<1x16xi32>,
      %get3A_536 = vector.shape_cast %get3A_535 : vector<1x16xi32> to vector<16xi32>
      %sub3A_537 = vector.broadcast %mul3A_201 : i32 to vector<16xi32>
      %sub3A_538 = arith.subi %get3A_536, %sub3A_537 : vector<16xi32>
      %ge3A_539 = arith.constant 0 : i32
      %ge3A_540 = vector.broadcast %ge3A_539 : i32 to vector<16xi32>
      %ge3A_541 = arith.cmpi sge, %sub3A_538, %ge3A_540 : vector<16xi32>
      %lt3A_542 = arith.constant 1048576 : i32
      %lt3A_543 = vector.broadcast %lt3A_542 : i32 to vector<16xi32>
      %lt3A_544 = arith.cmpi slt, %sub3A_538, %lt3A_543 : vector<16xi32>
      %and3A_545 = arith.andi %ge3A_541, %lt3A_544 : vector<16xi1>
      %add3A_546 = arith.constant 64 : i32
      %add3A_547 = arith.addi %add3A_397, %add3A_546 : i32
      %iota3A_548 = tpu.iota {dimensions = array<i32: 0>} : vector<16xi32>
      %add3A_549 = vector.broadcast %add3A_547 : i32 to vector<16xi32>
      %add3A_550 = arith.addi %add3A_549, %iota3A_548 : vector<16xi32>
      %select_n3A_551 = arith.select %and3A_545, %sub3A_538, %add3A_550 : vector<16xi1>, vector<16xi32>
      %swap3A_552 = arith.index_cast %scan3A_392 : i32 to index
      %swap3A_553 = arith.constant 64 : index
      %swap3A_554 = tpu.vector_load %arg7[%swap3A_552, %swap3A_553] {strides = array<i32>} : memref<82x128xi32, #tpu.memory_space<vmem>>, vector<1x16xi32>,
      %swap3A_555 = vector.shape_cast %swap3A_554 : vector<1x16xi32> to vector<16xi32>
      %swap3A_556 = vector.shape_cast %select_n3A_551 : vector<16xi32> to vector<1x16xi32>
      tpu.vector_store %arg7[%swap3A_552, %swap3A_553], %swap3A_556 {strides = array<i32>} : memref<82x128xi32, #tpu.memory_space<vmem>>, vector<1x16xi32>,
      %get3A_557 = arith.index_cast %scan3A_392 : i32 to index
      %get3A_558 = arith.constant 64 : index
      %get3A_559 = tpu.vector_load %arg6[%get3A_557, %get3A_558] {strides = array<i32>} : memref<82x128xf32, #tpu.memory_space<vmem>>, vector<1x16xf32>,
      %get3A_560 = vector.shape_cast %get3A_559 : vector<1x16xf32> to vector<16xf32>
      %jit3A_561 = arith.constant 0.000000e+00 : f32
      %broadcast_in_dim3A_562 = vector.broadcast %jit3A_561 : f32 to vector<16xf32>
      %select_n3A_563 = arith.select %and3A_545, %get3A_560, %broadcast_in_dim3A_562 : vector<16xi1>, vector<16xf32>
      %swap3A_564 = arith.index_cast %scan3A_392 : i32 to index
      %swap3A_565 = arith.constant 64 : index
      %swap3A_566 = tpu.vector_load %arg8[%swap3A_564, %swap3A_565] {strides = array<i32>} : memref<82x128xf32, #tpu.memory_space<vmem>>, vector<1x16xf32>,
      %swap3A_567 = vector.shape_cast %swap3A_566 : vector<1x16xf32> to vector<16xf32>
      %swap3A_568 = vector.shape_cast %select_n3A_563 : vector<16xf32> to vector<1x16xf32>
      tpu.vector_store %arg8[%swap3A_564, %swap3A_565], %swap3A_568 {strides = array<i32>} : memref<82x128xf32, #tpu.memory_space<vmem>>, vector<1x16xf32>,
      %get3A_569 = arith.index_cast %scan3A_392 : i32 to index
      %get3A_570 = arith.constant 80 : index
      %get3A_571 = tpu.vector_load %arg5[%get3A_569, %get3A_570] {strides = array<i32>} : memref<82x128xi32, #tpu.memory_space<vmem>>, vector<1x16xi32>,
      %get3A_572 = vector.shape_cast %get3A_571 : vector<1x16xi32> to vector<16xi32>
      %sub3A_573 = vector.broadcast %mul3A_201 : i32 to vector<16xi32>
      %sub3A_574 = arith.subi %get3A_572, %sub3A_573 : vector<16xi32>
      %ge3A_575 = arith.constant 0 : i32
      %ge3A_576 = vector.broadcast %ge3A_575 : i32 to vector<16xi32>
      %ge3A_577 = arith.cmpi sge, %sub3A_574, %ge3A_576 : vector<16xi32>
      %lt3A_578 = arith.constant 1048576 : i32
      %lt3A_579 = vector.broadcast %lt3A_578 : i32 to vector<16xi32>
      %lt3A_580 = arith.cmpi slt, %sub3A_574, %lt3A_579 : vector<16xi32>
      %and3A_581 = arith.andi %ge3A_577, %lt3A_580 : vector<16xi1>
      %add3A_582 = arith.constant 80 : i32
      %add3A_583 = arith.addi %add3A_397, %add3A_582 : i32
      %iota3A_584 = tpu.iota {dimensions = array<i32: 0>} : vector<16xi32>
      %add3A_585 = vector.broadcast %add3A_583 : i32 to vector<16xi32>
      %add3A_586 = arith.addi %add3A_585, %iota3A_584 : vector<16xi32>
      %select_n3A_587 = arith.select %and3A_581, %sub3A_574, %add3A_586 : vector<16xi1>, vector<16xi32>
      %swap3A_588 = arith.index_cast %scan3A_392 : i32 to index
      %swap3A_589 = arith.constant 80 : index
      %swap3A_590 = tpu.vector_load %arg7[%swap3A_588, %swap3A_589] {strides = array<i32>} : memref<82x128xi32, #tpu.memory_space<vmem>>, vector<1x16xi32>,
      %swap3A_591 = vector.shape_cast %swap3A_590 : vector<1x16xi32> to vector<16xi32>
      %swap3A_592 = vector.shape_cast %select_n3A_587 : vector<16xi32> to vector<1x16xi32>
      tpu.vector_store %arg7[%swap3A_588, %swap3A_589], %swap3A_592 {strides = array<i32>} : memref<82x128xi32, #tpu.memory_space<vmem>>, vector<1x16xi32>,
      %get3A_593 = arith.index_cast %scan3A_392 : i32 to index
      %get3A_594 = arith.constant 80 : index
      %get3A_595 = tpu.vector_load %arg6[%get3A_593, %get3A_594] {strides = array<i32>} : memref<82x128xf32, #tpu.memory_space<vmem>>, vector<1x16xf32>,
      %get3A_596 = vector.shape_cast %get3A_595 : vector<1x16xf32> to vector<16xf32>
      %jit3A_597 = arith.constant 0.000000e+00 : f32
      %broadcast_in_dim3A_598 = vector.broadcast %jit3A_597 : f32 to vector<16xf32>
      %select_n3A_599 = arith.select %and3A_581, %get3A_596, %broadcast_in_dim3A_598 : vector<16xi1>, vector<16xf32>
      %swap3A_600 = arith.index_cast %scan3A_392 : i32 to index
      %swap3A_601 = arith.constant 80 : index
      %swap3A_602 = tpu.vector_load %arg8[%swap3A_600, %swap3A_601] {strides = array<i32>} : memref<82x128xf32, #tpu.memory_space<vmem>>, vector<1x16xf32>,
      %swap3A_603 = vector.shape_cast %swap3A_602 : vector<1x16xf32> to vector<16xf32>
      %swap3A_604 = vector.shape_cast %select_n3A_599 : vector<16xf32> to vector<1x16xf32>
      tpu.vector_store %arg8[%swap3A_600, %swap3A_601], %swap3A_604 {strides = array<i32>} : memref<82x128xf32, #tpu.memory_space<vmem>>, vector<1x16xf32>,
      %get3A_605 = arith.index_cast %scan3A_392 : i32 to index
      %get3A_606 = arith.constant 96 : index
      %get3A_607 = tpu.vector_load %arg5[%get3A_605, %get3A_606] {strides = array<i32>} : memref<82x128xi32, #tpu.memory_space<vmem>>, vector<1x16xi32>,
      %get3A_608 = vector.shape_cast %get3A_607 : vector<1x16xi32> to vector<16xi32>
      %sub3A_609 = vector.broadcast %mul3A_201 : i32 to vector<16xi32>
      %sub3A_610 = arith.subi %get3A_608, %sub3A_609 : vector<16xi32>
      %ge3A_611 = arith.constant 0 : i32
      %ge3A_612 = vector.broadcast %ge3A_611 : i32 to vector<16xi32>
      %ge3A_613 = arith.cmpi sge, %sub3A_610, %ge3A_612 : vector<16xi32>
      %lt3A_614 = arith.constant 1048576 : i32
      %lt3A_615 = vector.broadcast %lt3A_614 : i32 to vector<16xi32>
      %lt3A_616 = arith.cmpi slt, %sub3A_610, %lt3A_615 : vector<16xi32>
      %and3A_617 = arith.andi %ge3A_613, %lt3A_616 : vector<16xi1>
      %add3A_618 = arith.constant 96 : i32
      %add3A_619 = arith.addi %add3A_397, %add3A_618 : i32
      %iota3A_620 = tpu.iota {dimensions = array<i32: 0>} : vector<16xi32>
      %add3A_621 = vector.broadcast %add3A_619 : i32 to vector<16xi32>
      %add3A_622 = arith.addi %add3A_621, %iota3A_620 : vector<16xi32>
      %select_n3A_623 = arith.select %and3A_617, %sub3A_610, %add3A_622 : vector<16xi1>, vector<16xi32>
      %swap3A_624 = arith.index_cast %scan3A_392 : i32 to index
      %swap3A_625 = arith.constant 96 : index
      %swap3A_626 = tpu.vector_load %arg7[%swap3A_624, %swap3A_625] {strides = array<i32>} : memref<82x128xi32, #tpu.memory_space<vmem>>, vector<1x16xi32>,
      %swap3A_627 = vector.shape_cast %swap3A_626 : vector<1x16xi32> to vector<16xi32>
      %swap3A_628 = vector.shape_cast %select_n3A_623 : vector<16xi32> to vector<1x16xi32>
      tpu.vector_store %arg7[%swap3A_624, %swap3A_625], %swap3A_628 {strides = array<i32>} : memref<82x128xi32, #tpu.memory_space<vmem>>, vector<1x16xi32>,
      %get3A_629 = arith.index_cast %scan3A_392 : i32 to index
      %get3A_630 = arith.constant 96 : index
      %get3A_631 = tpu.vector_load %arg6[%get3A_629, %get3A_630] {strides = array<i32>} : memref<82x128xf32, #tpu.memory_space<vmem>>, vector<1x16xf32>,
      %get3A_632 = vector.shape_cast %get3A_631 : vector<1x16xf32> to vector<16xf32>
      %jit3A_633 = arith.constant 0.000000e+00 : f32
      %broadcast_in_dim3A_634 = vector.broadcast %jit3A_633 : f32 to vector<16xf32>
      %select_n3A_635 = arith.select %and3A_617, %get3A_632, %broadcast_in_dim3A_634 : vector<16xi1>, vector<16xf32>
      %swap3A_636 = arith.index_cast %scan3A_392 : i32 to index
      %swap3A_637 = arith.constant 96 : index
      %swap3A_638 = tpu.vector_load %arg8[%swap3A_636, %swap3A_637] {strides = array<i32>} : memref<82x128xf32, #tpu.memory_space<vmem>>, vector<1x16xf32>,
      %swap3A_639 = vector.shape_cast %swap3A_638 : vector<1x16xf32> to vector<16xf32>
      %swap3A_640 = vector.shape_cast %select_n3A_635 : vector<16xf32> to vector<1x16xf32>
      tpu.vector_store %arg8[%swap3A_636, %swap3A_637], %swap3A_640 {strides = array<i32>} : memref<82x128xf32, #tpu.memory_space<vmem>>, vector<1x16xf32>,
      %get3A_641 = arith.index_cast %scan3A_392 : i32 to index
      %get3A_642 = arith.constant 112 : index
      %get3A_643 = tpu.vector_load %arg5[%get3A_641, %get3A_642] {strides = array<i32>} : memref<82x128xi32, #tpu.memory_space<vmem>>, vector<1x16xi32>,
      %get3A_644 = vector.shape_cast %get3A_643 : vector<1x16xi32> to vector<16xi32>
      %sub3A_645 = vector.broadcast %mul3A_201 : i32 to vector<16xi32>
      %sub3A_646 = arith.subi %get3A_644, %sub3A_645 : vector<16xi32>
      %ge3A_647 = arith.constant 0 : i32
      %ge3A_648 = vector.broadcast %ge3A_647 : i32 to vector<16xi32>
      %ge3A_649 = arith.cmpi sge, %sub3A_646, %ge3A_648 : vector<16xi32>
      %lt3A_650 = arith.constant 1048576 : i32
      %lt3A_651 = vector.broadcast %lt3A_650 : i32 to vector<16xi32>
      %lt3A_652 = arith.cmpi slt, %sub3A_646, %lt3A_651 : vector<16xi32>
      %and3A_653 = arith.andi %ge3A_649, %lt3A_652 : vector<16xi1>
      %add3A_654 = arith.constant 112 : i32
      %add3A_655 = arith.addi %add3A_397, %add3A_654 : i32
      %iota3A_656 = tpu.iota {dimensions = array<i32: 0>} : vector<16xi32>
      %add3A_657 = vector.broadcast %add3A_655 : i32 to vector<16xi32>
      %add3A_658 = arith.addi %add3A_657, %iota3A_656 : vector<16xi32>
      %select_n3A_659 = arith.select %and3A_653, %sub3A_646, %add3A_658 : vector<16xi1>, vector<16xi32>
      %swap3A_660 = arith.index_cast %scan3A_392 : i32 to index
      %swap3A_661 = arith.constant 112 : index
      %swap3A_662 = tpu.vector_load %arg7[%swap3A_660, %swap3A_661] {strides = array<i32>} : memref<82x128xi32, #tpu.memory_space<vmem>>, vector<1x16xi32>,
      %swap3A_663 = vector.shape_cast %swap3A_662 : vector<1x16xi32> to vector<16xi32>
      %swap3A_664 = vector.shape_cast %select_n3A_659 : vector<16xi32> to vector<1x16xi32>
      tpu.vector_store %arg7[%swap3A_660, %swap3A_661], %swap3A_664 {strides = array<i32>} : memref<82x128xi32, #tpu.memory_space<vmem>>, vector<1x16xi32>,
      %get3A_665 = arith.index_cast %scan3A_392 : i32 to index
      %get3A_666 = arith.constant 112 : index
      %get3A_667 = tpu.vector_load %arg6[%get3A_665, %get3A_666] {strides = array<i32>} : memref<82x128xf32, #tpu.memory_space<vmem>>, vector<1x16xf32>,
      %get3A_668 = vector.shape_cast %get3A_667 : vector<1x16xf32> to vector<16xf32>
      %jit3A_669 = arith.constant 0.000000e+00 : f32
      %broadcast_in_dim3A_670 = vector.broadcast %jit3A_669 : f32 to vector<16xf32>
      %select_n3A_671 = arith.select %and3A_653, %get3A_668, %broadcast_in_dim3A_670 : vector<16xi1>, vector<16xf32>
      %swap3A_672 = arith.index_cast %scan3A_392 : i32 to index
      %swap3A_673 = arith.constant 112 : index
      %swap3A_674 = tpu.vector_load %arg8[%swap3A_672, %swap3A_673] {strides = array<i32>} : memref<82x128xf32, #tpu.memory_space<vmem>>, vector<1x16xf32>,
      %swap3A_675 = vector.shape_cast %swap3A_674 : vector<1x16xf32> to vector<16xf32>
      %swap3A_676 = vector.shape_cast %select_n3A_671 : vector<16xf32> to vector<1x16xf32>
      tpu.vector_store %arg8[%swap3A_672, %swap3A_673], %swap3A_676 {strides = array<i32>} : memref<82x128xf32, #tpu.memory_space<vmem>>, vector<1x16xf32>,
      %dma_start3A = arith.constant 0 : i32
      %dma_start3A_677 = tpu.memref_slice %arg8[%scan3A_392, %dma_start3A] : memref<82x128xf32, #tpu.memory_space<vmem>> -> memref<1x128xf32, #tpu.memory_space<vmem>>
      %dma_start3A_678 = tpu.memref_squeeze %dma_start3A_677 : memref<1x128xf32, #tpu.memory_space<vmem>> -> memref<128xf32, #tpu.memory_space<vmem>>
      %dma_start3A_679 = arith.constant 0 : i32
      %dma_start3A_680 = tpu.memref_slice %arg7[%scan3A_392, %dma_start3A_679] : memref<82x128xi32, #tpu.memory_space<vmem>> -> memref<1x128xi32, #tpu.memory_space<vmem>>
      %dma_start3A_681 = tpu.memref_squeeze %dma_start3A_680 : memref<1x128xi32, #tpu.memory_space<vmem>> -> memref<128xi32, #tpu.memory_space<vmem>>
      %dma_start3A_682 = arith.constant 0 : i32
      %dma_start3A_683 = tpu.memref_slice %arg11[%dma_start3A_682] : memref<1050624xf32, #tpu.memory_space<vmem_shared>> -> memref<1050624xf32, #tpu.memory_space<vmem_shared>>
      tpu.enqueue_indirect_dma source(%dma_start3A_678 : memref<128xf32, #tpu.memory_space<vmem>>) target(%dma_start3A_683 : memref<1050624xf32, #tpu.memory_space<vmem_shared>>) offsets(%dma_start3A_681 : memref<128xi32, #tpu.memory_space<vmem>>) semaphore(%arg12 : memref<!tpu.dma_semaphore, #tpu.memory_space<semaphore_mem>>) {add = true}
    }
    %scan3A_224 = arith.constant 82 : i32
    %dma_wait3A_225 = arith.constant 0 : i32
    %dma_wait3A_226 = arith.constant 0 : i32
    %dma_wait3A_227 = tpu.memref_slice %arg3[%arg1, %dma_wait3A_225, %dma_wait3A_226] : memref<16x82x128xf32, #tpu.memory_space<hbm>> -> memref<1x82x128xf32, #tpu.memory_space<hbm>>
    %dma_wait3A_228 = tpu.memref_squeeze %dma_wait3A_227 : memref<1x82x128xf32, #tpu.memory_space<hbm>> -> memref<82x128xf32, #tpu.memory_space<hbm>>
    %dma_wait3A_229 = arith.constant 0 : i32
    %dma_wait3A_230 = arith.constant 0 : i32
    %dma_wait3A_231 = tpu.memref_slice %arg3[%arg1, %dma_wait3A_229, %dma_wait3A_230] : memref<16x82x128xf32, #tpu.memory_space<hbm>> -> memref<1x82x128xf32, #tpu.memory_space<hbm>>
    %dma_wait3A_232 = tpu.memref_squeeze %dma_wait3A_231 : memref<1x82x128xf32, #tpu.memory_space<hbm>> -> memref<82x128xf32, #tpu.memory_space<hbm>>
    tpu.wait_dma2 semaphore(%arg12 : memref<!tpu.dma_semaphore, #tpu.memory_space<semaphore_mem>>) src(%dma_wait3A_232 : memref<82x128xf32, #tpu.memory_space<hbm>>) dst(%arg8 : memref<82x128xf32, #tpu.memory_space<vmem>>)
    %run_scoped3A_233 = arith.constant 81 : i32
    "tpu.region"() ({
      %run_scoped3A_392 = tpu.sem_alloc : memref<!tpu.dma_semaphore, #tpu.memory_space<semaphore_mem>>
      %dma_start3A = arith.constant 0 : i32
      %dma_start3A_393 = tpu.memref_slice %arg7[%run_scoped3A_233, %dma_start3A] : memref<82x128xi32, #tpu.memory_space<vmem>> -> memref<1x128xi32, #tpu.memory_space<vmem>>
      %dma_start3A_394 = tpu.memref_squeeze %dma_start3A_393 : memref<1x128xi32, #tpu.memory_space<vmem>> -> memref<128xi32, #tpu.memory_space<vmem>>
      %dma_start3A_395 = arith.constant 0 : i32
      %dma_start3A_396 = tpu.memref_slice %arg11[%dma_start3A_395] : memref<1050624xf32, #tpu.memory_space<vmem_shared>> -> memref<1050624xf32, #tpu.memory_space<vmem_shared>>
      tpu.enqueue_indirect_dma source(%dma_start3A_396 : memref<1050624xf32, #tpu.memory_space<vmem_shared>>) target(%arg10 : memref<128xf32, #tpu.memory_space<vmem>>) offsets(%dma_start3A_394 : memref<128xi32, #tpu.memory_space<vmem>>) semaphore(%run_scoped3A_392 : memref<!tpu.dma_semaphore, #tpu.memory_space<semaphore_mem>>)
      %dma_wait3A_397 = arith.constant 0 : i32
      %dma_wait3A_398 = tpu.memref_slice %arg7[%run_scoped3A_233, %dma_wait3A_397] : memref<82x128xi32, #tpu.memory_space<vmem>> -> memref<1x128xi32, #tpu.memory_space<vmem>>
      %dma_wait3A_399 = tpu.memref_squeeze %dma_wait3A_398 : memref<1x128xi32, #tpu.memory_space<vmem>> -> memref<128xi32, #tpu.memory_space<vmem>>
      %dma_wait3A_400 = arith.constant 0 : i32
      %dma_wait3A_401 = tpu.memref_slice %arg11[%dma_wait3A_400] : memref<1050624xf32, #tpu.memory_space<vmem_shared>> -> memref<1050624xf32, #tpu.memory_space<vmem_shared>>
      tpu.wait_indirect_dma semaphore(%run_scoped3A_392 : memref<!tpu.dma_semaphore, #tpu.memory_space<semaphore_mem>>) src(%dma_wait3A_401 : memref<1050624xf32, #tpu.memory_space<vmem_shared>>) dst(%arg10 : memref<128xf32, #tpu.memory_space<vmem>>)
      tpu.yield
    }) : () -> ()
    %run_scoped3A_234 = arith.constant 80 : i32
    "tpu.region"() ({
      %run_scoped3A_392 = tpu.sem_alloc : memref<!tpu.dma_semaphore, #tpu.memory_space<semaphore_mem>>
      %dma_start3A = arith.constant 0 : i32
      %dma_start3A_393 = tpu.memref_slice %arg7[%run_scoped3A_234, %dma_start3A] : memref<82x128xi32, #tpu.memory_space<vmem>> -> memref<1x128xi32, #tpu.memory_space<vmem>>
      %dma_start3A_394 = tpu.memref_squeeze %dma_start3A_393 : memref<1x128xi32, #tpu.memory_space<vmem>> -> memref<128xi32, #tpu.memory_space<vmem>>
      %dma_start3A_395 = arith.constant 0 : i32
      %dma_start3A_396 = tpu.memref_slice %arg11[%dma_start3A_395] : memref<1050624xf32, #tpu.memory_space<vmem_shared>> -> memref<1050624xf32, #tpu.memory_space<vmem_shared>>
      tpu.enqueue_indirect_dma source(%dma_start3A_396 : memref<1050624xf32, #tpu.memory_space<vmem_shared>>) target(%arg10 : memref<128xf32, #tpu.memory_space<vmem>>) offsets(%dma_start3A_394 : memref<128xi32, #tpu.memory_space<vmem>>) semaphore(%run_scoped3A_392 : memref<!tpu.dma_semaphore, #tpu.memory_space<semaphore_mem>>)
      %dma_wait3A_397 = arith.constant 0 : i32
      %dma_wait3A_398 = tpu.memref_slice %arg7[%run_scoped3A_234, %dma_wait3A_397] : memref<82x128xi32, #tpu.memory_space<vmem>> -> memref<1x128xi32, #tpu.memory_space<vmem>>
      %dma_wait3A_399 = tpu.memref_squeeze %dma_wait3A_398 : memref<1x128xi32, #tpu.memory_space<vmem>> -> memref<128xi32, #tpu.memory_space<vmem>>
      %dma_wait3A_400 = arith.constant 0 : i32
      %dma_wait3A_401 = tpu.memref_slice %arg11[%dma_wait3A_400] : memref<1050624xf32, #tpu.memory_space<vmem_shared>> -> memref<1050624xf32, #tpu.memory_space<vmem_shared>>
      tpu.wait_indirect_dma semaphore(%run_scoped3A_392 : memref<!tpu.dma_semaphore, #tpu.memory_space<semaphore_mem>>) src(%dma_wait3A_401 : memref<1050624xf32, #tpu.memory_space<vmem_shared>>) dst(%arg10 : memref<128xf32, #tpu.memory_space<vmem>>)
      tpu.yield
    }) : () -> ()
    %run_scoped3A_235 = arith.constant 79 : i32
    "tpu.region"() ({
      %run_scoped3A_392 = tpu.sem_alloc : memref<!tpu.dma_semaphore, #tpu.memory_space<semaphore_mem>>
      %dma_start3A = arith.constant 0 : i32
      %dma_start3A_393 = tpu.memref_slice %arg7[%run_scoped3A_235, %dma_start3A] : memref<82x128xi32, #tpu.memory_space<vmem>> -> memref<1x128xi32, #tpu.memory_space<vmem>>
      %dma_start3A_394 = tpu.memref_squeeze %dma_start3A_393 : memref<1x128xi32, #tpu.memory_space<vmem>> -> memref<128xi32, #tpu.memory_space<vmem>>
      %dma_start3A_395 = arith.constant 0 : i32
      %dma_start3A_396 = tpu.memref_slice %arg11[%dma_start3A_395] : memref<1050624xf32, #tpu.memory_space<vmem_shared>> -> memref<1050624xf32, #tpu.memory_space<vmem_shared>>
      tpu.enqueue_indirect_dma source(%dma_start3A_396 : memref<1050624xf32, #tpu.memory_space<vmem_shared>>) target(%arg10 : memref<128xf32, #tpu.memory_space<vmem>>) offsets(%dma_start3A_394 : memref<128xi32, #tpu.memory_space<vmem>>) semaphore(%run_scoped3A_392 : memref<!tpu.dma_semaphore, #tpu.memory_space<semaphore_mem>>)
      %dma_wait3A_397 = arith.constant 0 : i32
      %dma_wait3A_398 = tpu.memref_slice %arg7[%run_scoped3A_235, %dma_wait3A_397] : memref<82x128xi32, #tpu.memory_space<vmem>> -> memref<1x128xi32, #tpu.memory_space<vmem>>
      %dma_wait3A_399 = tpu.memref_squeeze %dma_wait3A_398 : memref<1x128xi32, #tpu.memory_space<vmem>> -> memref<128xi32, #tpu.memory_space<vmem>>
      %dma_wait3A_400 = arith.constant 0 : i32
      %dma_wait3A_401 = tpu.memref_slice %arg11[%dma_wait3A_400] : memref<1050624xf32, #tpu.memory_space<vmem_shared>> -> memref<1050624xf32, #tpu.memory_space<vmem_shared>>
      tpu.wait_indirect_dma semaphore(%run_scoped3A_392 : memref<!tpu.dma_semaphore, #tpu.memory_space<semaphore_mem>>) src(%dma_wait3A_401 : memref<1050624xf32, #tpu.memory_space<vmem_shared>>) dst(%arg10 : memref<128xf32, #tpu.memory_space<vmem>>)
      tpu.yield
    }) : () -> ()
    %barrier3A_236 = arith.constant 0 : index
    tpu.barrier barrier_id(%barrier3A_236)
    %mul3A_237 = arith.constant 65536 : i32
    %mul3A_238 = arith.muli %arg1, %mul3A_237 : i32
    %mul3A_239 = arith.constant 1048576 : i32
    %mul3A_240 = arith.muli %add3A_199, %mul3A_239 : i32
    %mul3A_241 = arith.constant 65536 : i32
    %mul3A_242 = arith.muli %arg1, %mul3A_241 : i32
    %add3A_243 = arith.addi %mul3A_240, %mul3A_242 : i32
    "tpu.region"() ({
      %run_scoped3A_392 = tpu.sem_alloc : memref<!tpu.dma_semaphore, #tpu.memory_space<semaphore_mem>>
      %dma_start3A = tpu.memref_slice %arg4[%add3A_243] : memref<16777216xf32, #tpu.memory_space<hbm>> -> memref<65536xf32, #tpu.memory_space<hbm>>
      %dma_start3A_393 = tpu.memref_slice %arg11[%mul3A_238] : memref<1050624xf32, #tpu.memory_space<vmem_shared>> -> memref<65536xf32, #tpu.memory_space<vmem_shared>>
      tpu.enqueue_dma source(%dma_start3A_393 : memref<65536xf32, #tpu.memory_space<vmem_shared>>) target(%dma_start3A : memref<65536xf32, #tpu.memory_space<hbm>>) target_semaphore(%run_scoped3A_392 : memref<!tpu.dma_semaphore, #tpu.memory_space<semaphore_mem>>)
      %dma_wait3A_394 = tpu.memref_slice %arg4[%add3A_243] : memref<16777216xf32, #tpu.memory_space<hbm>> -> memref<65536xf32, #tpu.memory_space<hbm>>
      %dma_wait3A_395 = tpu.memref_slice %arg11[%mul3A_238] : memref<1050624xf32, #tpu.memory_space<vmem_shared>> -> memref<65536xf32, #tpu.memory_space<vmem_shared>>
      tpu.wait_dma2 semaphore(%run_scoped3A_392 : memref<!tpu.dma_semaphore, #tpu.memory_space<semaphore_mem>>) src(%dma_wait3A_395 : memref<65536xf32, #tpu.memory_space<vmem_shared>>) dst(%dma_wait3A_394 : memref<65536xf32, #tpu.memory_space<hbm>>)
      tpu.yield
    }) : () -> ()
    %barrier3A_244 = arith.constant 0 : index
    tpu.barrier barrier_id(%barrier3A_244)
    %mul3A_245 = arith.constant 8 : i32
    %mul3A_246 = arith.muli %arg0, %mul3A_245 : i32
    %add3A_247 = arith.constant 5 : i32
    %add3A_248 = arith.addi %mul3A_246, %add3A_247 : i32
    %mul3A_249 = arith.constant 1048576 : i32
    %mul3A_250 = arith.muli %add3A_248, %mul3A_249 : i32
    %mul3A_251 = arith.constant 65536 : i32
    %mul3A_252 = arith.muli %arg1, %mul3A_251 : i32
    %add3A_253 = arith.constant 0 : i32
    %add3A_254 = arith.addi %mul3A_252, %add3A_253 : i32
    "tpu.region"() ({
      %run_scoped3A_392 = tpu.sem_alloc : memref<!tpu.dma_semaphore, #tpu.memory_space<semaphore_mem>>
      %dma_start3A = tpu.memref_slice %arg11[%add3A_254] : memref<1050624xf32, #tpu.memory_space<vmem_shared>> -> memref<16384xf32, #tpu.memory_space<vmem_shared>>
      %dma_start3A_393 = tpu.memref_slice %arg11[%add3A_254] : memref<1050624xf32, #tpu.memory_space<vmem_shared>> -> memref<16384xf32, #tpu.memory_space<vmem_shared>>
      tpu.enqueue_dma source(%arg9 : memref<16384xf32, #tpu.memory_space<vmem>>) target(%dma_start3A_393 : memref<16384xf32, #tpu.memory_space<vmem_shared>>) target_semaphore(%run_scoped3A_392 : memref<!tpu.dma_semaphore, #tpu.memory_space<semaphore_mem>>)
      %dma_wait3A_394 = tpu.memref_slice %arg11[%add3A_254] : memref<1050624xf32, #tpu.memory_space<vmem_shared>> -> memref<16384xf32, #tpu.memory_space<vmem_shared>>
      %dma_wait3A_395 = tpu.memref_slice %arg11[%add3A_254] : memref<1050624xf32, #tpu.memory_space<vmem_shared>> -> memref<16384xf32, #tpu.memory_space<vmem_shared>>
      tpu.wait_dma2 semaphore(%run_scoped3A_392 : memref<!tpu.dma_semaphore, #tpu.memory_space<semaphore_mem>>) src(%arg9 : memref<16384xf32, #tpu.memory_space<vmem>>) dst(%dma_wait3A_395 : memref<16384xf32, #tpu.memory_space<vmem_shared>>)
      tpu.yield
    }) : () -> ()
    %mul3A_255 = arith.constant 65536 : i32
    %mul3A_256 = arith.muli %arg1, %mul3A_255 : i32
    %add3A_257 = arith.constant 16384 : i32
    %add3A_258 = arith.addi %mul3A_256, %add3A_257 : i32
    "tpu.region"() ({
      %run_scoped3A_392 = tpu.sem_alloc : memref<!tpu.dma_semaphore, #tpu.memory_space<semaphore_mem>>
      %dma_start3A = tpu.memref_slice %arg11[%add3A_258] : memref<1050624xf32, #tpu.memory_space<vmem_shared>> -> memref<16384xf32, #tpu.memory_space<vmem_shared>>
      %dma_start3A_393 = tpu.memref_slice %arg11[%add3A_258] : memref<1050624xf32, #tpu.memory_space<vmem_shared>> -> memref<16384xf32, #tpu.memory_space<vmem_shared>>
      tpu.enqueue_dma source(%arg9 : memref<16384xf32, #tpu.memory_space<vmem>>) target(%dma_start3A_393 : memref<16384xf32, #tpu.memory_space<vmem_shared>>) target_semaphore(%run_scoped3A_392 : memref<!tpu.dma_semaphore, #tpu.memory_space<semaphore_mem>>)
      %dma_wait3A_394 = tpu.memref_slice %arg11[%add3A_258] : memref<1050624xf32, #tpu.memory_space<vmem_shared>> -> memref<16384xf32, #tpu.memory_space<vmem_shared>>
      %dma_wait3A_395 = tpu.memref_slice %arg11[%add3A_258] : memref<1050624xf32, #tpu.memory_space<vmem_shared>> -> memref<16384xf32, #tpu.memory_space<vmem_shared>>
      tpu.wait_dma2 semaphore(%run_scoped3A_392 : memref<!tpu.dma_semaphore, #tpu.memory_space<semaphore_mem>>) src(%arg9 : memref<16384xf32, #tpu.memory_space<vmem>>) dst(%dma_wait3A_395 : memref<16384xf32, #tpu.memory_space<vmem_shared>>)
      tpu.yield
    }) : () -> ()
    %mul3A_259 = arith.constant 65536 : i32
    %mul3A_260 = arith.muli %arg1, %mul3A_259 : i32
    %add3A_261 = arith.constant 32768 : i32
    %add3A_262 = arith.addi %mul3A_260, %add3A_261 : i32
    "tpu.region"() ({
      %run_scoped3A_392 = tpu.sem_alloc : memref<!tpu.dma_semaphore, #tpu.memory_space<semaphore_mem>>
      %dma_start3A = tpu.memref_slice %arg11[%add3A_262] : memref<1050624xf32, #tpu.memory_space<vmem_shared>> -> memref<16384xf32, #tpu.memory_space<vmem_shared>>
      %dma_start3A_393 = tpu.memref_slice %arg11[%add3A_262] : memref<1050624xf32, #tpu.memory_space<vmem_shared>> -> memref<16384xf32, #tpu.memory_space<vmem_shared>>
      tpu.enqueue_dma source(%arg9 : memref<16384xf32, #tpu.memory_space<vmem>>) target(%dma_start3A_393 : memref<16384xf32, #tpu.memory_space<vmem_shared>>) target_semaphore(%run_scoped3A_392 : memref<!tpu.dma_semaphore, #tpu.memory_space<semaphore_mem>>)
      %dma_wait3A_394 = tpu.memref_slice %arg11[%add3A_262] : memref<1050624xf32, #tpu.memory_space<vmem_shared>> -> memref<16384xf32, #tpu.memory_space<vmem_shared>>
      %dma_wait3A_395 = tpu.memref_slice %arg11[%add3A_262] : memref<1050624xf32, #tpu.memory_space<vmem_shared>> -> memref<16384xf32, #tpu.memory_space<vmem_shared>>
      tpu.wait_dma2 semaphore(%run_scoped3A_392 : memref<!tpu.dma_semaphore, #tpu.memory_space<semaphore_mem>>) src(%arg9 : memref<16384xf32, #tpu.memory_space<vmem>>) dst(%dma_wait3A_395 : memref<16384xf32, #tpu.memory_space<vmem_shared>>)
      tpu.yield
    }) : () -> ()
    %mul3A_263 = arith.constant 65536 : i32
    %mul3A_264 = arith.muli %arg1, %mul3A_263 : i32
    %add3A_265 = arith.constant 49152 : i32
    %add3A_266 = arith.addi %mul3A_264, %add3A_265 : i32
    "tpu.region"() ({
      %run_scoped3A_392 = tpu.sem_alloc : memref<!tpu.dma_semaphore, #tpu.memory_space<semaphore_mem>>
      %dma_start3A = tpu.memref_slice %arg11[%add3A_266] : memref<1050624xf32, #tpu.memory_space<vmem_shared>> -> memref<16384xf32, #tpu.memory_space<vmem_shared>>
      %dma_start3A_393 = tpu.memref_slice %arg11[%add3A_266] : memref<1050624xf32, #tpu.memory_space<vmem_shared>> -> memref<16384xf32, #tpu.memory_space<vmem_shared>>
      tpu.enqueue_dma source(%arg9 : memref<16384xf32, #tpu.memory_space<vmem>>) target(%dma_start3A_393 : memref<16384xf32, #tpu.memory_space<vmem_shared>>) target_semaphore(%run_scoped3A_392 : memref<!tpu.dma_semaphore, #tpu.memory_space<semaphore_mem>>)
      %dma_wait3A_394 = tpu.memref_slice %arg11[%add3A_266] : memref<1050624xf32, #tpu.memory_space<vmem_shared>> -> memref<16384xf32, #tpu.memory_space<vmem_shared>>
      %dma_wait3A_395 = tpu.memref_slice %arg11[%add3A_266] : memref<1050624xf32, #tpu.memory_space<vmem_shared>> -> memref<16384xf32, #tpu.memory_space<vmem_shared>>
      tpu.wait_dma2 semaphore(%run_scoped3A_392 : memref<!tpu.dma_semaphore, #tpu.memory_space<semaphore_mem>>) src(%arg9 : memref<16384xf32, #tpu.memory_space<vmem>>) dst(%dma_wait3A_395 : memref<16384xf32, #tpu.memory_space<vmem_shared>>)
      tpu.yield
    }) : () -> ()
    %barrier3A_267 = arith.constant 0 : index
    tpu.barrier barrier_id(%barrier3A_267)
    %scan3A_268 = arith.constant 0 : i32
    %scan3A_269 = arith.constant 0 : i32
    %scan3A_270 = arith.constant 82 : i32
    %scan3A_271 = arith.addi %scan3A_269, %scan3A_270 : i32
    %scan3A_272 = arith.constant 1 : i32
    scf.for %scan3A_392 = %scan3A_269 to %scan3A_271 step %scan3A_272  : i32 {
      %mul3A_393 = arith.constant 128 : i32
      %mul3A_394 = arith.muli %scan3A_392, %mul3A_393 : i32
      %and3A = arith.constant 2047 : i32
      %and3A_395 = arith.andi %mul3A_394, %and3A : i32
      %add3A_396 = arith.constant 1048576 : i32
      %add3A_397 = arith.addi %add3A_396, %and3A_395 : i32
      %get3A = arith.index_cast %scan3A_392 : i32 to index
      %get3A_398 = arith.constant 0 : index
      %get3A_399 = tpu.vector_load %arg5[%get3A, %get3A_398] {strides = array<i32>} : memref<82x128xi32, #tpu.memory_space<vmem>>, vector<1x16xi32>,
      %get3A_400 = vector.shape_cast %get3A_399 : vector<1x16xi32> to vector<16xi32>
      %sub3A = vector.broadcast %mul3A_250 : i32 to vector<16xi32>
      %sub3A_401 = arith.subi %get3A_400, %sub3A : vector<16xi32>
      %ge3A = arith.constant 0 : i32
      %ge3A_402 = vector.broadcast %ge3A : i32 to vector<16xi32>
      %ge3A_403 = arith.cmpi sge, %sub3A_401, %ge3A_402 : vector<16xi32>
      %lt3A = arith.constant 1048576 : i32
      %lt3A_404 = vector.broadcast %lt3A : i32 to vector<16xi32>
      %lt3A_405 = arith.cmpi slt, %sub3A_401, %lt3A_404 : vector<16xi32>
      %and3A_406 = arith.andi %ge3A_403, %lt3A_405 : vector<16xi1>
      %add3A_407 = arith.constant 0 : i32
      %add3A_408 = arith.addi %add3A_397, %add3A_407 : i32
      %iota3A = tpu.iota {dimensions = array<i32: 0>} : vector<16xi32>
      %add3A_409 = vector.broadcast %add3A_408 : i32 to vector<16xi32>
      %add3A_410 = arith.addi %add3A_409, %iota3A : vector<16xi32>
      %select_n3A = arith.select %and3A_406, %sub3A_401, %add3A_410 : vector<16xi1>, vector<16xi32>
      %swap3A = arith.index_cast %scan3A_392 : i32 to index
      %swap3A_411 = arith.constant 0 : index
      %swap3A_412 = tpu.vector_load %arg7[%swap3A, %swap3A_411] {strides = array<i32>} : memref<82x128xi32, #tpu.memory_space<vmem>>, vector<1x16xi32>,
      %swap3A_413 = vector.shape_cast %swap3A_412 : vector<1x16xi32> to vector<16xi32>
      %swap3A_414 = vector.shape_cast %select_n3A : vector<16xi32> to vector<1x16xi32>
      tpu.vector_store %arg7[%swap3A, %swap3A_411], %swap3A_414 {strides = array<i32>} : memref<82x128xi32, #tpu.memory_space<vmem>>, vector<1x16xi32>,
      %get3A_415 = arith.index_cast %scan3A_392 : i32 to index
      %get3A_416 = arith.constant 0 : index
      %get3A_417 = tpu.vector_load %arg6[%get3A_415, %get3A_416] {strides = array<i32>} : memref<82x128xf32, #tpu.memory_space<vmem>>, vector<1x16xf32>,
      %get3A_418 = vector.shape_cast %get3A_417 : vector<1x16xf32> to vector<16xf32>
      %jit3A = arith.constant 0.000000e+00 : f32
      %broadcast_in_dim3A = vector.broadcast %jit3A : f32 to vector<16xf32>
      %select_n3A_419 = arith.select %and3A_406, %get3A_418, %broadcast_in_dim3A : vector<16xi1>, vector<16xf32>
      %swap3A_420 = arith.index_cast %scan3A_392 : i32 to index
      %swap3A_421 = arith.constant 0 : index
      %swap3A_422 = tpu.vector_load %arg8[%swap3A_420, %swap3A_421] {strides = array<i32>} : memref<82x128xf32, #tpu.memory_space<vmem>>, vector<1x16xf32>,
      %swap3A_423 = vector.shape_cast %swap3A_422 : vector<1x16xf32> to vector<16xf32>
      %swap3A_424 = vector.shape_cast %select_n3A_419 : vector<16xf32> to vector<1x16xf32>
      tpu.vector_store %arg8[%swap3A_420, %swap3A_421], %swap3A_424 {strides = array<i32>} : memref<82x128xf32, #tpu.memory_space<vmem>>, vector<1x16xf32>,
      %get3A_425 = arith.index_cast %scan3A_392 : i32 to index
      %get3A_426 = arith.constant 16 : index
      %get3A_427 = tpu.vector_load %arg5[%get3A_425, %get3A_426] {strides = array<i32>} : memref<82x128xi32, #tpu.memory_space<vmem>>, vector<1x16xi32>,
      %get3A_428 = vector.shape_cast %get3A_427 : vector<1x16xi32> to vector<16xi32>
      %sub3A_429 = vector.broadcast %mul3A_250 : i32 to vector<16xi32>
      %sub3A_430 = arith.subi %get3A_428, %sub3A_429 : vector<16xi32>
      %ge3A_431 = arith.constant 0 : i32
      %ge3A_432 = vector.broadcast %ge3A_431 : i32 to vector<16xi32>
      %ge3A_433 = arith.cmpi sge, %sub3A_430, %ge3A_432 : vector<16xi32>
      %lt3A_434 = arith.constant 1048576 : i32
      %lt3A_435 = vector.broadcast %lt3A_434 : i32 to vector<16xi32>
      %lt3A_436 = arith.cmpi slt, %sub3A_430, %lt3A_435 : vector<16xi32>
      %and3A_437 = arith.andi %ge3A_433, %lt3A_436 : vector<16xi1>
      %add3A_438 = arith.constant 16 : i32
      %add3A_439 = arith.addi %add3A_397, %add3A_438 : i32
      %iota3A_440 = tpu.iota {dimensions = array<i32: 0>} : vector<16xi32>
      %add3A_441 = vector.broadcast %add3A_439 : i32 to vector<16xi32>
      %add3A_442 = arith.addi %add3A_441, %iota3A_440 : vector<16xi32>
      %select_n3A_443 = arith.select %and3A_437, %sub3A_430, %add3A_442 : vector<16xi1>, vector<16xi32>
      %swap3A_444 = arith.index_cast %scan3A_392 : i32 to index
      %swap3A_445 = arith.constant 16 : index
      %swap3A_446 = tpu.vector_load %arg7[%swap3A_444, %swap3A_445] {strides = array<i32>} : memref<82x128xi32, #tpu.memory_space<vmem>>, vector<1x16xi32>,
      %swap3A_447 = vector.shape_cast %swap3A_446 : vector<1x16xi32> to vector<16xi32>
      %swap3A_448 = vector.shape_cast %select_n3A_443 : vector<16xi32> to vector<1x16xi32>
      tpu.vector_store %arg7[%swap3A_444, %swap3A_445], %swap3A_448 {strides = array<i32>} : memref<82x128xi32, #tpu.memory_space<vmem>>, vector<1x16xi32>,
      %get3A_449 = arith.index_cast %scan3A_392 : i32 to index
      %get3A_450 = arith.constant 16 : index
      %get3A_451 = tpu.vector_load %arg6[%get3A_449, %get3A_450] {strides = array<i32>} : memref<82x128xf32, #tpu.memory_space<vmem>>, vector<1x16xf32>,
      %get3A_452 = vector.shape_cast %get3A_451 : vector<1x16xf32> to vector<16xf32>
      %jit3A_453 = arith.constant 0.000000e+00 : f32
      %broadcast_in_dim3A_454 = vector.broadcast %jit3A_453 : f32 to vector<16xf32>
      %select_n3A_455 = arith.select %and3A_437, %get3A_452, %broadcast_in_dim3A_454 : vector<16xi1>, vector<16xf32>
      %swap3A_456 = arith.index_cast %scan3A_392 : i32 to index
      %swap3A_457 = arith.constant 16 : index
      %swap3A_458 = tpu.vector_load %arg8[%swap3A_456, %swap3A_457] {strides = array<i32>} : memref<82x128xf32, #tpu.memory_space<vmem>>, vector<1x16xf32>,
      %swap3A_459 = vector.shape_cast %swap3A_458 : vector<1x16xf32> to vector<16xf32>
      %swap3A_460 = vector.shape_cast %select_n3A_455 : vector<16xf32> to vector<1x16xf32>
      tpu.vector_store %arg8[%swap3A_456, %swap3A_457], %swap3A_460 {strides = array<i32>} : memref<82x128xf32, #tpu.memory_space<vmem>>, vector<1x16xf32>,
      %get3A_461 = arith.index_cast %scan3A_392 : i32 to index
      %get3A_462 = arith.constant 32 : index
      %get3A_463 = tpu.vector_load %arg5[%get3A_461, %get3A_462] {strides = array<i32>} : memref<82x128xi32, #tpu.memory_space<vmem>>, vector<1x16xi32>,
      %get3A_464 = vector.shape_cast %get3A_463 : vector<1x16xi32> to vector<16xi32>
      %sub3A_465 = vector.broadcast %mul3A_250 : i32 to vector<16xi32>
      %sub3A_466 = arith.subi %get3A_464, %sub3A_465 : vector<16xi32>
      %ge3A_467 = arith.constant 0 : i32
      %ge3A_468 = vector.broadcast %ge3A_467 : i32 to vector<16xi32>
      %ge3A_469 = arith.cmpi sge, %sub3A_466, %ge3A_468 : vector<16xi32>
      %lt3A_470 = arith.constant 1048576 : i32
      %lt3A_471 = vector.broadcast %lt3A_470 : i32 to vector<16xi32>
      %lt3A_472 = arith.cmpi slt, %sub3A_466, %lt3A_471 : vector<16xi32>
      %and3A_473 = arith.andi %ge3A_469, %lt3A_472 : vector<16xi1>
      %add3A_474 = arith.constant 32 : i32
      %add3A_475 = arith.addi %add3A_397, %add3A_474 : i32
      %iota3A_476 = tpu.iota {dimensions = array<i32: 0>} : vector<16xi32>
      %add3A_477 = vector.broadcast %add3A_475 : i32 to vector<16xi32>
      %add3A_478 = arith.addi %add3A_477, %iota3A_476 : vector<16xi32>
      %select_n3A_479 = arith.select %and3A_473, %sub3A_466, %add3A_478 : vector<16xi1>, vector<16xi32>
      %swap3A_480 = arith.index_cast %scan3A_392 : i32 to index
      %swap3A_481 = arith.constant 32 : index
      %swap3A_482 = tpu.vector_load %arg7[%swap3A_480, %swap3A_481] {strides = array<i32>} : memref<82x128xi32, #tpu.memory_space<vmem>>, vector<1x16xi32>,
      %swap3A_483 = vector.shape_cast %swap3A_482 : vector<1x16xi32> to vector<16xi32>
      %swap3A_484 = vector.shape_cast %select_n3A_479 : vector<16xi32> to vector<1x16xi32>
      tpu.vector_store %arg7[%swap3A_480, %swap3A_481], %swap3A_484 {strides = array<i32>} : memref<82x128xi32, #tpu.memory_space<vmem>>, vector<1x16xi32>,
      %get3A_485 = arith.index_cast %scan3A_392 : i32 to index
      %get3A_486 = arith.constant 32 : index
      %get3A_487 = tpu.vector_load %arg6[%get3A_485, %get3A_486] {strides = array<i32>} : memref<82x128xf32, #tpu.memory_space<vmem>>, vector<1x16xf32>,
      %get3A_488 = vector.shape_cast %get3A_487 : vector<1x16xf32> to vector<16xf32>
      %jit3A_489 = arith.constant 0.000000e+00 : f32
      %broadcast_in_dim3A_490 = vector.broadcast %jit3A_489 : f32 to vector<16xf32>
      %select_n3A_491 = arith.select %and3A_473, %get3A_488, %broadcast_in_dim3A_490 : vector<16xi1>, vector<16xf32>
      %swap3A_492 = arith.index_cast %scan3A_392 : i32 to index
      %swap3A_493 = arith.constant 32 : index
      %swap3A_494 = tpu.vector_load %arg8[%swap3A_492, %swap3A_493] {strides = array<i32>} : memref<82x128xf32, #tpu.memory_space<vmem>>, vector<1x16xf32>,
      %swap3A_495 = vector.shape_cast %swap3A_494 : vector<1x16xf32> to vector<16xf32>
      %swap3A_496 = vector.shape_cast %select_n3A_491 : vector<16xf32> to vector<1x16xf32>
      tpu.vector_store %arg8[%swap3A_492, %swap3A_493], %swap3A_496 {strides = array<i32>} : memref<82x128xf32, #tpu.memory_space<vmem>>, vector<1x16xf32>,
      %get3A_497 = arith.index_cast %scan3A_392 : i32 to index
      %get3A_498 = arith.constant 48 : index
      %get3A_499 = tpu.vector_load %arg5[%get3A_497, %get3A_498] {strides = array<i32>} : memref<82x128xi32, #tpu.memory_space<vmem>>, vector<1x16xi32>,
      %get3A_500 = vector.shape_cast %get3A_499 : vector<1x16xi32> to vector<16xi32>
      %sub3A_501 = vector.broadcast %mul3A_250 : i32 to vector<16xi32>
      %sub3A_502 = arith.subi %get3A_500, %sub3A_501 : vector<16xi32>
      %ge3A_503 = arith.constant 0 : i32
      %ge3A_504 = vector.broadcast %ge3A_503 : i32 to vector<16xi32>
      %ge3A_505 = arith.cmpi sge, %sub3A_502, %ge3A_504 : vector<16xi32>
      %lt3A_506 = arith.constant 1048576 : i32
      %lt3A_507 = vector.broadcast %lt3A_506 : i32 to vector<16xi32>
      %lt3A_508 = arith.cmpi slt, %sub3A_502, %lt3A_507 : vector<16xi32>
      %and3A_509 = arith.andi %ge3A_505, %lt3A_508 : vector<16xi1>
      %add3A_510 = arith.constant 48 : i32
      %add3A_511 = arith.addi %add3A_397, %add3A_510 : i32
      %iota3A_512 = tpu.iota {dimensions = array<i32: 0>} : vector<16xi32>
      %add3A_513 = vector.broadcast %add3A_511 : i32 to vector<16xi32>
      %add3A_514 = arith.addi %add3A_513, %iota3A_512 : vector<16xi32>
      %select_n3A_515 = arith.select %and3A_509, %sub3A_502, %add3A_514 : vector<16xi1>, vector<16xi32>
      %swap3A_516 = arith.index_cast %scan3A_392 : i32 to index
      %swap3A_517 = arith.constant 48 : index
      %swap3A_518 = tpu.vector_load %arg7[%swap3A_516, %swap3A_517] {strides = array<i32>} : memref<82x128xi32, #tpu.memory_space<vmem>>, vector<1x16xi32>,
      %swap3A_519 = vector.shape_cast %swap3A_518 : vector<1x16xi32> to vector<16xi32>
      %swap3A_520 = vector.shape_cast %select_n3A_515 : vector<16xi32> to vector<1x16xi32>
      tpu.vector_store %arg7[%swap3A_516, %swap3A_517], %swap3A_520 {strides = array<i32>} : memref<82x128xi32, #tpu.memory_space<vmem>>, vector<1x16xi32>,
      %get3A_521 = arith.index_cast %scan3A_392 : i32 to index
      %get3A_522 = arith.constant 48 : index
      %get3A_523 = tpu.vector_load %arg6[%get3A_521, %get3A_522] {strides = array<i32>} : memref<82x128xf32, #tpu.memory_space<vmem>>, vector<1x16xf32>,
      %get3A_524 = vector.shape_cast %get3A_523 : vector<1x16xf32> to vector<16xf32>
      %jit3A_525 = arith.constant 0.000000e+00 : f32
      %broadcast_in_dim3A_526 = vector.broadcast %jit3A_525 : f32 to vector<16xf32>
      %select_n3A_527 = arith.select %and3A_509, %get3A_524, %broadcast_in_dim3A_526 : vector<16xi1>, vector<16xf32>
      %swap3A_528 = arith.index_cast %scan3A_392 : i32 to index
      %swap3A_529 = arith.constant 48 : index
      %swap3A_530 = tpu.vector_load %arg8[%swap3A_528, %swap3A_529] {strides = array<i32>} : memref<82x128xf32, #tpu.memory_space<vmem>>, vector<1x16xf32>,
      %swap3A_531 = vector.shape_cast %swap3A_530 : vector<1x16xf32> to vector<16xf32>
      %swap3A_532 = vector.shape_cast %select_n3A_527 : vector<16xf32> to vector<1x16xf32>
      tpu.vector_store %arg8[%swap3A_528, %swap3A_529], %swap3A_532 {strides = array<i32>} : memref<82x128xf32, #tpu.memory_space<vmem>>, vector<1x16xf32>,
      %get3A_533 = arith.index_cast %scan3A_392 : i32 to index
      %get3A_534 = arith.constant 64 : index
      %get3A_535 = tpu.vector_load %arg5[%get3A_533, %get3A_534] {strides = array<i32>} : memref<82x128xi32, #tpu.memory_space<vmem>>, vector<1x16xi32>,
      %get3A_536 = vector.shape_cast %get3A_535 : vector<1x16xi32> to vector<16xi32>
      %sub3A_537 = vector.broadcast %mul3A_250 : i32 to vector<16xi32>
      %sub3A_538 = arith.subi %get3A_536, %sub3A_537 : vector<16xi32>
      %ge3A_539 = arith.constant 0 : i32
      %ge3A_540 = vector.broadcast %ge3A_539 : i32 to vector<16xi32>
      %ge3A_541 = arith.cmpi sge, %sub3A_538, %ge3A_540 : vector<16xi32>
      %lt3A_542 = arith.constant 1048576 : i32
      %lt3A_543 = vector.broadcast %lt3A_542 : i32 to vector<16xi32>
      %lt3A_544 = arith.cmpi slt, %sub3A_538, %lt3A_543 : vector<16xi32>
      %and3A_545 = arith.andi %ge3A_541, %lt3A_544 : vector<16xi1>
      %add3A_546 = arith.constant 64 : i32
      %add3A_547 = arith.addi %add3A_397, %add3A_546 : i32
      %iota3A_548 = tpu.iota {dimensions = array<i32: 0>} : vector<16xi32>
      %add3A_549 = vector.broadcast %add3A_547 : i32 to vector<16xi32>
      %add3A_550 = arith.addi %add3A_549, %iota3A_548 : vector<16xi32>
      %select_n3A_551 = arith.select %and3A_545, %sub3A_538, %add3A_550 : vector<16xi1>, vector<16xi32>
      %swap3A_552 = arith.index_cast %scan3A_392 : i32 to index
      %swap3A_553 = arith.constant 64 : index
      %swap3A_554 = tpu.vector_load %arg7[%swap3A_552, %swap3A_553] {strides = array<i32>} : memref<82x128xi32, #tpu.memory_space<vmem>>, vector<1x16xi32>,
      %swap3A_555 = vector.shape_cast %swap3A_554 : vector<1x16xi32> to vector<16xi32>
      %swap3A_556 = vector.shape_cast %select_n3A_551 : vector<16xi32> to vector<1x16xi32>
      tpu.vector_store %arg7[%swap3A_552, %swap3A_553], %swap3A_556 {strides = array<i32>} : memref<82x128xi32, #tpu.memory_space<vmem>>, vector<1x16xi32>,
      %get3A_557 = arith.index_cast %scan3A_392 : i32 to index
      %get3A_558 = arith.constant 64 : index
      %get3A_559 = tpu.vector_load %arg6[%get3A_557, %get3A_558] {strides = array<i32>} : memref<82x128xf32, #tpu.memory_space<vmem>>, vector<1x16xf32>,
      %get3A_560 = vector.shape_cast %get3A_559 : vector<1x16xf32> to vector<16xf32>
      %jit3A_561 = arith.constant 0.000000e+00 : f32
      %broadcast_in_dim3A_562 = vector.broadcast %jit3A_561 : f32 to vector<16xf32>
      %select_n3A_563 = arith.select %and3A_545, %get3A_560, %broadcast_in_dim3A_562 : vector<16xi1>, vector<16xf32>
      %swap3A_564 = arith.index_cast %scan3A_392 : i32 to index
      %swap3A_565 = arith.constant 64 : index
      %swap3A_566 = tpu.vector_load %arg8[%swap3A_564, %swap3A_565] {strides = array<i32>} : memref<82x128xf32, #tpu.memory_space<vmem>>, vector<1x16xf32>,
      %swap3A_567 = vector.shape_cast %swap3A_566 : vector<1x16xf32> to vector<16xf32>
      %swap3A_568 = vector.shape_cast %select_n3A_563 : vector<16xf32> to vector<1x16xf32>
      tpu.vector_store %arg8[%swap3A_564, %swap3A_565], %swap3A_568 {strides = array<i32>} : memref<82x128xf32, #tpu.memory_space<vmem>>, vector<1x16xf32>,
      %get3A_569 = arith.index_cast %scan3A_392 : i32 to index
      %get3A_570 = arith.constant 80 : index
      %get3A_571 = tpu.vector_load %arg5[%get3A_569, %get3A_570] {strides = array<i32>} : memref<82x128xi32, #tpu.memory_space<vmem>>, vector<1x16xi32>,
      %get3A_572 = vector.shape_cast %get3A_571 : vector<1x16xi32> to vector<16xi32>
      %sub3A_573 = vector.broadcast %mul3A_250 : i32 to vector<16xi32>
      %sub3A_574 = arith.subi %get3A_572, %sub3A_573 : vector<16xi32>
      %ge3A_575 = arith.constant 0 : i32
      %ge3A_576 = vector.broadcast %ge3A_575 : i32 to vector<16xi32>
      %ge3A_577 = arith.cmpi sge, %sub3A_574, %ge3A_576 : vector<16xi32>
      %lt3A_578 = arith.constant 1048576 : i32
      %lt3A_579 = vector.broadcast %lt3A_578 : i32 to vector<16xi32>
      %lt3A_580 = arith.cmpi slt, %sub3A_574, %lt3A_579 : vector<16xi32>
      %and3A_581 = arith.andi %ge3A_577, %lt3A_580 : vector<16xi1>
      %add3A_582 = arith.constant 80 : i32
      %add3A_583 = arith.addi %add3A_397, %add3A_582 : i32
      %iota3A_584 = tpu.iota {dimensions = array<i32: 0>} : vector<16xi32>
      %add3A_585 = vector.broadcast %add3A_583 : i32 to vector<16xi32>
      %add3A_586 = arith.addi %add3A_585, %iota3A_584 : vector<16xi32>
      %select_n3A_587 = arith.select %and3A_581, %sub3A_574, %add3A_586 : vector<16xi1>, vector<16xi32>
      %swap3A_588 = arith.index_cast %scan3A_392 : i32 to index
      %swap3A_589 = arith.constant 80 : index
      %swap3A_590 = tpu.vector_load %arg7[%swap3A_588, %swap3A_589] {strides = array<i32>} : memref<82x128xi32, #tpu.memory_space<vmem>>, vector<1x16xi32>,
      %swap3A_591 = vector.shape_cast %swap3A_590 : vector<1x16xi32> to vector<16xi32>
      %swap3A_592 = vector.shape_cast %select_n3A_587 : vector<16xi32> to vector<1x16xi32>
      tpu.vector_store %arg7[%swap3A_588, %swap3A_589], %swap3A_592 {strides = array<i32>} : memref<82x128xi32, #tpu.memory_space<vmem>>, vector<1x16xi32>,
      %get3A_593 = arith.index_cast %scan3A_392 : i32 to index
      %get3A_594 = arith.constant 80 : index
      %get3A_595 = tpu.vector_load %arg6[%get3A_593, %get3A_594] {strides = array<i32>} : memref<82x128xf32, #tpu.memory_space<vmem>>, vector<1x16xf32>,
      %get3A_596 = vector.shape_cast %get3A_595 : vector<1x16xf32> to vector<16xf32>
      %jit3A_597 = arith.constant 0.000000e+00 : f32
      %broadcast_in_dim3A_598 = vector.broadcast %jit3A_597 : f32 to vector<16xf32>
      %select_n3A_599 = arith.select %and3A_581, %get3A_596, %broadcast_in_dim3A_598 : vector<16xi1>, vector<16xf32>
      %swap3A_600 = arith.index_cast %scan3A_392 : i32 to index
      %swap3A_601 = arith.constant 80 : index
      %swap3A_602 = tpu.vector_load %arg8[%swap3A_600, %swap3A_601] {strides = array<i32>} : memref<82x128xf32, #tpu.memory_space<vmem>>, vector<1x16xf32>,
      %swap3A_603 = vector.shape_cast %swap3A_602 : vector<1x16xf32> to vector<16xf32>
      %swap3A_604 = vector.shape_cast %select_n3A_599 : vector<16xf32> to vector<1x16xf32>
      tpu.vector_store %arg8[%swap3A_600, %swap3A_601], %swap3A_604 {strides = array<i32>} : memref<82x128xf32, #tpu.memory_space<vmem>>, vector<1x16xf32>,
      %get3A_605 = arith.index_cast %scan3A_392 : i32 to index
      %get3A_606 = arith.constant 96 : index
      %get3A_607 = tpu.vector_load %arg5[%get3A_605, %get3A_606] {strides = array<i32>} : memref<82x128xi32, #tpu.memory_space<vmem>>, vector<1x16xi32>,
      %get3A_608 = vector.shape_cast %get3A_607 : vector<1x16xi32> to vector<16xi32>
      %sub3A_609 = vector.broadcast %mul3A_250 : i32 to vector<16xi32>
      %sub3A_610 = arith.subi %get3A_608, %sub3A_609 : vector<16xi32>
      %ge3A_611 = arith.constant 0 : i32
      %ge3A_612 = vector.broadcast %ge3A_611 : i32 to vector<16xi32>
      %ge3A_613 = arith.cmpi sge, %sub3A_610, %ge3A_612 : vector<16xi32>
      %lt3A_614 = arith.constant 1048576 : i32
      %lt3A_615 = vector.broadcast %lt3A_614 : i32 to vector<16xi32>
      %lt3A_616 = arith.cmpi slt, %sub3A_610, %lt3A_615 : vector<16xi32>
      %and3A_617 = arith.andi %ge3A_613, %lt3A_616 : vector<16xi1>
      %add3A_618 = arith.constant 96 : i32
      %add3A_619 = arith.addi %add3A_397, %add3A_618 : i32
      %iota3A_620 = tpu.iota {dimensions = array<i32: 0>} : vector<16xi32>
      %add3A_621 = vector.broadcast %add3A_619 : i32 to vector<16xi32>
      %add3A_622 = arith.addi %add3A_621, %iota3A_620 : vector<16xi32>
      %select_n3A_623 = arith.select %and3A_617, %sub3A_610, %add3A_622 : vector<16xi1>, vector<16xi32>
      %swap3A_624 = arith.index_cast %scan3A_392 : i32 to index
      %swap3A_625 = arith.constant 96 : index
      %swap3A_626 = tpu.vector_load %arg7[%swap3A_624, %swap3A_625] {strides = array<i32>} : memref<82x128xi32, #tpu.memory_space<vmem>>, vector<1x16xi32>,
      %swap3A_627 = vector.shape_cast %swap3A_626 : vector<1x16xi32> to vector<16xi32>
      %swap3A_628 = vector.shape_cast %select_n3A_623 : vector<16xi32> to vector<1x16xi32>
      tpu.vector_store %arg7[%swap3A_624, %swap3A_625], %swap3A_628 {strides = array<i32>} : memref<82x128xi32, #tpu.memory_space<vmem>>, vector<1x16xi32>,
      %get3A_629 = arith.index_cast %scan3A_392 : i32 to index
      %get3A_630 = arith.constant 96 : index
      %get3A_631 = tpu.vector_load %arg6[%get3A_629, %get3A_630] {strides = array<i32>} : memref<82x128xf32, #tpu.memory_space<vmem>>, vector<1x16xf32>,
      %get3A_632 = vector.shape_cast %get3A_631 : vector<1x16xf32> to vector<16xf32>
      %jit3A_633 = arith.constant 0.000000e+00 : f32
      %broadcast_in_dim3A_634 = vector.broadcast %jit3A_633 : f32 to vector<16xf32>
      %select_n3A_635 = arith.select %and3A_617, %get3A_632, %broadcast_in_dim3A_634 : vector<16xi1>, vector<16xf32>
      %swap3A_636 = arith.index_cast %scan3A_392 : i32 to index
      %swap3A_637 = arith.constant 96 : index
      %swap3A_638 = tpu.vector_load %arg8[%swap3A_636, %swap3A_637] {strides = array<i32>} : memref<82x128xf32, #tpu.memory_space<vmem>>, vector<1x16xf32>,
      %swap3A_639 = vector.shape_cast %swap3A_638 : vector<1x16xf32> to vector<16xf32>
      %swap3A_640 = vector.shape_cast %select_n3A_635 : vector<16xf32> to vector<1x16xf32>
      tpu.vector_store %arg8[%swap3A_636, %swap3A_637], %swap3A_640 {strides = array<i32>} : memref<82x128xf32, #tpu.memory_space<vmem>>, vector<1x16xf32>,
      %get3A_641 = arith.index_cast %scan3A_392 : i32 to index
      %get3A_642 = arith.constant 112 : index
      %get3A_643 = tpu.vector_load %arg5[%get3A_641, %get3A_642] {strides = array<i32>} : memref<82x128xi32, #tpu.memory_space<vmem>>, vector<1x16xi32>,
      %get3A_644 = vector.shape_cast %get3A_643 : vector<1x16xi32> to vector<16xi32>
      %sub3A_645 = vector.broadcast %mul3A_250 : i32 to vector<16xi32>
      %sub3A_646 = arith.subi %get3A_644, %sub3A_645 : vector<16xi32>
      %ge3A_647 = arith.constant 0 : i32
      %ge3A_648 = vector.broadcast %ge3A_647 : i32 to vector<16xi32>
      %ge3A_649 = arith.cmpi sge, %sub3A_646, %ge3A_648 : vector<16xi32>
      %lt3A_650 = arith.constant 1048576 : i32
      %lt3A_651 = vector.broadcast %lt3A_650 : i32 to vector<16xi32>
      %lt3A_652 = arith.cmpi slt, %sub3A_646, %lt3A_651 : vector<16xi32>
      %and3A_653 = arith.andi %ge3A_649, %lt3A_652 : vector<16xi1>
      %add3A_654 = arith.constant 112 : i32
      %add3A_655 = arith.addi %add3A_397, %add3A_654 : i32
      %iota3A_656 = tpu.iota {dimensions = array<i32: 0>} : vector<16xi32>
      %add3A_657 = vector.broadcast %add3A_655 : i32 to vector<16xi32>
      %add3A_658 = arith.addi %add3A_657, %iota3A_656 : vector<16xi32>
      %select_n3A_659 = arith.select %and3A_653, %sub3A_646, %add3A_658 : vector<16xi1>, vector<16xi32>
      %swap3A_660 = arith.index_cast %scan3A_392 : i32 to index
      %swap3A_661 = arith.constant 112 : index
      %swap3A_662 = tpu.vector_load %arg7[%swap3A_660, %swap3A_661] {strides = array<i32>} : memref<82x128xi32, #tpu.memory_space<vmem>>, vector<1x16xi32>,
      %swap3A_663 = vector.shape_cast %swap3A_662 : vector<1x16xi32> to vector<16xi32>
      %swap3A_664 = vector.shape_cast %select_n3A_659 : vector<16xi32> to vector<1x16xi32>
      tpu.vector_store %arg7[%swap3A_660, %swap3A_661], %swap3A_664 {strides = array<i32>} : memref<82x128xi32, #tpu.memory_space<vmem>>, vector<1x16xi32>,
      %get3A_665 = arith.index_cast %scan3A_392 : i32 to index
      %get3A_666 = arith.constant 112 : index
      %get3A_667 = tpu.vector_load %arg6[%get3A_665, %get3A_666] {strides = array<i32>} : memref<82x128xf32, #tpu.memory_space<vmem>>, vector<1x16xf32>,
      %get3A_668 = vector.shape_cast %get3A_667 : vector<1x16xf32> to vector<16xf32>
      %jit3A_669 = arith.constant 0.000000e+00 : f32
      %broadcast_in_dim3A_670 = vector.broadcast %jit3A_669 : f32 to vector<16xf32>
      %select_n3A_671 = arith.select %and3A_653, %get3A_668, %broadcast_in_dim3A_670 : vector<16xi1>, vector<16xf32>
      %swap3A_672 = arith.index_cast %scan3A_392 : i32 to index
      %swap3A_673 = arith.constant 112 : index
      %swap3A_674 = tpu.vector_load %arg8[%swap3A_672, %swap3A_673] {strides = array<i32>} : memref<82x128xf32, #tpu.memory_space<vmem>>, vector<1x16xf32>,
      %swap3A_675 = vector.shape_cast %swap3A_674 : vector<1x16xf32> to vector<16xf32>
      %swap3A_676 = vector.shape_cast %select_n3A_671 : vector<16xf32> to vector<1x16xf32>
      tpu.vector_store %arg8[%swap3A_672, %swap3A_673], %swap3A_676 {strides = array<i32>} : memref<82x128xf32, #tpu.memory_space<vmem>>, vector<1x16xf32>,
      %dma_start3A = arith.constant 0 : i32
      %dma_start3A_677 = tpu.memref_slice %arg8[%scan3A_392, %dma_start3A] : memref<82x128xf32, #tpu.memory_space<vmem>> -> memref<1x128xf32, #tpu.memory_space<vmem>>
      %dma_start3A_678 = tpu.memref_squeeze %dma_start3A_677 : memref<1x128xf32, #tpu.memory_space<vmem>> -> memref<128xf32, #tpu.memory_space<vmem>>
      %dma_start3A_679 = arith.constant 0 : i32
      %dma_start3A_680 = tpu.memref_slice %arg7[%scan3A_392, %dma_start3A_679] : memref<82x128xi32, #tpu.memory_space<vmem>> -> memref<1x128xi32, #tpu.memory_space<vmem>>
      %dma_start3A_681 = tpu.memref_squeeze %dma_start3A_680 : memref<1x128xi32, #tpu.memory_space<vmem>> -> memref<128xi32, #tpu.memory_space<vmem>>
      %dma_start3A_682 = arith.constant 0 : i32
      %dma_start3A_683 = tpu.memref_slice %arg11[%dma_start3A_682] : memref<1050624xf32, #tpu.memory_space<vmem_shared>> -> memref<1050624xf32, #tpu.memory_space<vmem_shared>>
      tpu.enqueue_indirect_dma source(%dma_start3A_678 : memref<128xf32, #tpu.memory_space<vmem>>) target(%dma_start3A_683 : memref<1050624xf32, #tpu.memory_space<vmem_shared>>) offsets(%dma_start3A_681 : memref<128xi32, #tpu.memory_space<vmem>>) semaphore(%arg12 : memref<!tpu.dma_semaphore, #tpu.memory_space<semaphore_mem>>) {add = true}
    }
    %scan3A_273 = arith.constant 82 : i32
    %dma_wait3A_274 = arith.constant 0 : i32
    %dma_wait3A_275 = arith.constant 0 : i32
    %dma_wait3A_276 = tpu.memref_slice %arg3[%arg1, %dma_wait3A_274, %dma_wait3A_275] : memref<16x82x128xf32, #tpu.memory_space<hbm>> -> memref<1x82x128xf32, #tpu.memory_space<hbm>>
    %dma_wait3A_277 = tpu.memref_squeeze %dma_wait3A_276 : memref<1x82x128xf32, #tpu.memory_space<hbm>> -> memref<82x128xf32, #tpu.memory_space<hbm>>
    %dma_wait3A_278 = arith.constant 0 : i32
    %dma_wait3A_279 = arith.constant 0 : i32
    %dma_wait3A_280 = tpu.memref_slice %arg3[%arg1, %dma_wait3A_278, %dma_wait3A_279] : memref<16x82x128xf32, #tpu.memory_space<hbm>> -> memref<1x82x128xf32, #tpu.memory_space<hbm>>
    %dma_wait3A_281 = tpu.memref_squeeze %dma_wait3A_280 : memref<1x82x128xf32, #tpu.memory_space<hbm>> -> memref<82x128xf32, #tpu.memory_space<hbm>>
    tpu.wait_dma2 semaphore(%arg12 : memref<!tpu.dma_semaphore, #tpu.memory_space<semaphore_mem>>) src(%dma_wait3A_281 : memref<82x128xf32, #tpu.memory_space<hbm>>) dst(%arg8 : memref<82x128xf32, #tpu.memory_space<vmem>>)
    %run_scoped3A_282 = arith.constant 81 : i32
    "tpu.region"() ({
      %run_scoped3A_392 = tpu.sem_alloc : memref<!tpu.dma_semaphore, #tpu.memory_space<semaphore_mem>>
      %dma_start3A = arith.constant 0 : i32
      %dma_start3A_393 = tpu.memref_slice %arg7[%run_scoped3A_282, %dma_start3A] : memref<82x128xi32, #tpu.memory_space<vmem>> -> memref<1x128xi32, #tpu.memory_space<vmem>>
      %dma_start3A_394 = tpu.memref_squeeze %dma_start3A_393 : memref<1x128xi32, #tpu.memory_space<vmem>> -> memref<128xi32, #tpu.memory_space<vmem>>
      %dma_start3A_395 = arith.constant 0 : i32
      %dma_start3A_396 = tpu.memref_slice %arg11[%dma_start3A_395] : memref<1050624xf32, #tpu.memory_space<vmem_shared>> -> memref<1050624xf32, #tpu.memory_space<vmem_shared>>
      tpu.enqueue_indirect_dma source(%dma_start3A_396 : memref<1050624xf32, #tpu.memory_space<vmem_shared>>) target(%arg10 : memref<128xf32, #tpu.memory_space<vmem>>) offsets(%dma_start3A_394 : memref<128xi32, #tpu.memory_space<vmem>>) semaphore(%run_scoped3A_392 : memref<!tpu.dma_semaphore, #tpu.memory_space<semaphore_mem>>)
      %dma_wait3A_397 = arith.constant 0 : i32
      %dma_wait3A_398 = tpu.memref_slice %arg7[%run_scoped3A_282, %dma_wait3A_397] : memref<82x128xi32, #tpu.memory_space<vmem>> -> memref<1x128xi32, #tpu.memory_space<vmem>>
      %dma_wait3A_399 = tpu.memref_squeeze %dma_wait3A_398 : memref<1x128xi32, #tpu.memory_space<vmem>> -> memref<128xi32, #tpu.memory_space<vmem>>
      %dma_wait3A_400 = arith.constant 0 : i32
      %dma_wait3A_401 = tpu.memref_slice %arg11[%dma_wait3A_400] : memref<1050624xf32, #tpu.memory_space<vmem_shared>> -> memref<1050624xf32, #tpu.memory_space<vmem_shared>>
      tpu.wait_indirect_dma semaphore(%run_scoped3A_392 : memref<!tpu.dma_semaphore, #tpu.memory_space<semaphore_mem>>) src(%dma_wait3A_401 : memref<1050624xf32, #tpu.memory_space<vmem_shared>>) dst(%arg10 : memref<128xf32, #tpu.memory_space<vmem>>)
      tpu.yield
    }) : () -> ()
    %run_scoped3A_283 = arith.constant 80 : i32
    "tpu.region"() ({
      %run_scoped3A_392 = tpu.sem_alloc : memref<!tpu.dma_semaphore, #tpu.memory_space<semaphore_mem>>
      %dma_start3A = arith.constant 0 : i32
      %dma_start3A_393 = tpu.memref_slice %arg7[%run_scoped3A_283, %dma_start3A] : memref<82x128xi32, #tpu.memory_space<vmem>> -> memref<1x128xi32, #tpu.memory_space<vmem>>
      %dma_start3A_394 = tpu.memref_squeeze %dma_start3A_393 : memref<1x128xi32, #tpu.memory_space<vmem>> -> memref<128xi32, #tpu.memory_space<vmem>>
      %dma_start3A_395 = arith.constant 0 : i32
      %dma_start3A_396 = tpu.memref_slice %arg11[%dma_start3A_395] : memref<1050624xf32, #tpu.memory_space<vmem_shared>> -> memref<1050624xf32, #tpu.memory_space<vmem_shared>>
      tpu.enqueue_indirect_dma source(%dma_start3A_396 : memref<1050624xf32, #tpu.memory_space<vmem_shared>>) target(%arg10 : memref<128xf32, #tpu.memory_space<vmem>>) offsets(%dma_start3A_394 : memref<128xi32, #tpu.memory_space<vmem>>) semaphore(%run_scoped3A_392 : memref<!tpu.dma_semaphore, #tpu.memory_space<semaphore_mem>>)
      %dma_wait3A_397 = arith.constant 0 : i32
      %dma_wait3A_398 = tpu.memref_slice %arg7[%run_scoped3A_283, %dma_wait3A_397] : memref<82x128xi32, #tpu.memory_space<vmem>> -> memref<1x128xi32, #tpu.memory_space<vmem>>
      %dma_wait3A_399 = tpu.memref_squeeze %dma_wait3A_398 : memref<1x128xi32, #tpu.memory_space<vmem>> -> memref<128xi32, #tpu.memory_space<vmem>>
      %dma_wait3A_400 = arith.constant 0 : i32
      %dma_wait3A_401 = tpu.memref_slice %arg11[%dma_wait3A_400] : memref<1050624xf32, #tpu.memory_space<vmem_shared>> -> memref<1050624xf32, #tpu.memory_space<vmem_shared>>
      tpu.wait_indirect_dma semaphore(%run_scoped3A_392 : memref<!tpu.dma_semaphore, #tpu.memory_space<semaphore_mem>>) src(%dma_wait3A_401 : memref<1050624xf32, #tpu.memory_space<vmem_shared>>) dst(%arg10 : memref<128xf32, #tpu.memory_space<vmem>>)
      tpu.yield
    }) : () -> ()
    %run_scoped3A_284 = arith.constant 79 : i32
    "tpu.region"() ({
      %run_scoped3A_392 = tpu.sem_alloc : memref<!tpu.dma_semaphore, #tpu.memory_space<semaphore_mem>>
      %dma_start3A = arith.constant 0 : i32
      %dma_start3A_393 = tpu.memref_slice %arg7[%run_scoped3A_284, %dma_start3A] : memref<82x128xi32, #tpu.memory_space<vmem>> -> memref<1x128xi32, #tpu.memory_space<vmem>>
      %dma_start3A_394 = tpu.memref_squeeze %dma_start3A_393 : memref<1x128xi32, #tpu.memory_space<vmem>> -> memref<128xi32, #tpu.memory_space<vmem>>
      %dma_start3A_395 = arith.constant 0 : i32
      %dma_start3A_396 = tpu.memref_slice %arg11[%dma_start3A_395] : memref<1050624xf32, #tpu.memory_space<vmem_shared>> -> memref<1050624xf32, #tpu.memory_space<vmem_shared>>
      tpu.enqueue_indirect_dma source(%dma_start3A_396 : memref<1050624xf32, #tpu.memory_space<vmem_shared>>) target(%arg10 : memref<128xf32, #tpu.memory_space<vmem>>) offsets(%dma_start3A_394 : memref<128xi32, #tpu.memory_space<vmem>>) semaphore(%run_scoped3A_392 : memref<!tpu.dma_semaphore, #tpu.memory_space<semaphore_mem>>)
      %dma_wait3A_397 = arith.constant 0 : i32
      %dma_wait3A_398 = tpu.memref_slice %arg7[%run_scoped3A_284, %dma_wait3A_397] : memref<82x128xi32, #tpu.memory_space<vmem>> -> memref<1x128xi32, #tpu.memory_space<vmem>>
      %dma_wait3A_399 = tpu.memref_squeeze %dma_wait3A_398 : memref<1x128xi32, #tpu.memory_space<vmem>> -> memref<128xi32, #tpu.memory_space<vmem>>
      %dma_wait3A_400 = arith.constant 0 : i32
      %dma_wait3A_401 = tpu.memref_slice %arg11[%dma_wait3A_400] : memref<1050624xf32, #tpu.memory_space<vmem_shared>> -> memref<1050624xf32, #tpu.memory_space<vmem_shared>>
      tpu.wait_indirect_dma semaphore(%run_scoped3A_392 : memref<!tpu.dma_semaphore, #tpu.memory_space<semaphore_mem>>) src(%dma_wait3A_401 : memref<1050624xf32, #tpu.memory_space<vmem_shared>>) dst(%arg10 : memref<128xf32, #tpu.memory_space<vmem>>)
      tpu.yield
    }) : () -> ()
    %barrier3A_285 = arith.constant 0 : index
    tpu.barrier barrier_id(%barrier3A_285)
    %mul3A_286 = arith.constant 65536 : i32
    %mul3A_287 = arith.muli %arg1, %mul3A_286 : i32
    %mul3A_288 = arith.constant 1048576 : i32
    %mul3A_289 = arith.muli %add3A_248, %mul3A_288 : i32
    %mul3A_290 = arith.constant 65536 : i32
    %mul3A_291 = arith.muli %arg1, %mul3A_290 : i32
    %add3A_292 = arith.addi %mul3A_289, %mul3A_291 : i32
    "tpu.region"() ({
      %run_scoped3A_392 = tpu.sem_alloc : memref<!tpu.dma_semaphore, #tpu.memory_space<semaphore_mem>>
      %dma_start3A = tpu.memref_slice %arg4[%add3A_292] : memref<16777216xf32, #tpu.memory_space<hbm>> -> memref<65536xf32, #tpu.memory_space<hbm>>
      %dma_start3A_393 = tpu.memref_slice %arg11[%mul3A_287] : memref<1050624xf32, #tpu.memory_space<vmem_shared>> -> memref<65536xf32, #tpu.memory_space<vmem_shared>>
      tpu.enqueue_dma source(%dma_start3A_393 : memref<65536xf32, #tpu.memory_space<vmem_shared>>) target(%dma_start3A : memref<65536xf32, #tpu.memory_space<hbm>>) target_semaphore(%run_scoped3A_392 : memref<!tpu.dma_semaphore, #tpu.memory_space<semaphore_mem>>)
      %dma_wait3A_394 = tpu.memref_slice %arg4[%add3A_292] : memref<16777216xf32, #tpu.memory_space<hbm>> -> memref<65536xf32, #tpu.memory_space<hbm>>
      %dma_wait3A_395 = tpu.memref_slice %arg11[%mul3A_287] : memref<1050624xf32, #tpu.memory_space<vmem_shared>> -> memref<65536xf32, #tpu.memory_space<vmem_shared>>
      tpu.wait_dma2 semaphore(%run_scoped3A_392 : memref<!tpu.dma_semaphore, #tpu.memory_space<semaphore_mem>>) src(%dma_wait3A_395 : memref<65536xf32, #tpu.memory_space<vmem_shared>>) dst(%dma_wait3A_394 : memref<65536xf32, #tpu.memory_space<hbm>>)
      tpu.yield
    }) : () -> ()
    %barrier3A_293 = arith.constant 0 : index
    tpu.barrier barrier_id(%barrier3A_293)
    %mul3A_294 = arith.constant 8 : i32
    %mul3A_295 = arith.muli %arg0, %mul3A_294 : i32
    %add3A_296 = arith.constant 6 : i32
    %add3A_297 = arith.addi %mul3A_295, %add3A_296 : i32
    %mul3A_298 = arith.constant 1048576 : i32
    %mul3A_299 = arith.muli %add3A_297, %mul3A_298 : i32
    %mul3A_300 = arith.constant 65536 : i32
    %mul3A_301 = arith.muli %arg1, %mul3A_300 : i32
    %add3A_302 = arith.constant 0 : i32
    %add3A_303 = arith.addi %mul3A_301, %add3A_302 : i32
    "tpu.region"() ({
      %run_scoped3A_392 = tpu.sem_alloc : memref<!tpu.dma_semaphore, #tpu.memory_space<semaphore_mem>>
      %dma_start3A = tpu.memref_slice %arg11[%add3A_303] : memref<1050624xf32, #tpu.memory_space<vmem_shared>> -> memref<16384xf32, #tpu.memory_space<vmem_shared>>
      %dma_start3A_393 = tpu.memref_slice %arg11[%add3A_303] : memref<1050624xf32, #tpu.memory_space<vmem_shared>> -> memref<16384xf32, #tpu.memory_space<vmem_shared>>
      tpu.enqueue_dma source(%arg9 : memref<16384xf32, #tpu.memory_space<vmem>>) target(%dma_start3A_393 : memref<16384xf32, #tpu.memory_space<vmem_shared>>) target_semaphore(%run_scoped3A_392 : memref<!tpu.dma_semaphore, #tpu.memory_space<semaphore_mem>>)
      %dma_wait3A_394 = tpu.memref_slice %arg11[%add3A_303] : memref<1050624xf32, #tpu.memory_space<vmem_shared>> -> memref<16384xf32, #tpu.memory_space<vmem_shared>>
      %dma_wait3A_395 = tpu.memref_slice %arg11[%add3A_303] : memref<1050624xf32, #tpu.memory_space<vmem_shared>> -> memref<16384xf32, #tpu.memory_space<vmem_shared>>
      tpu.wait_dma2 semaphore(%run_scoped3A_392 : memref<!tpu.dma_semaphore, #tpu.memory_space<semaphore_mem>>) src(%arg9 : memref<16384xf32, #tpu.memory_space<vmem>>) dst(%dma_wait3A_395 : memref<16384xf32, #tpu.memory_space<vmem_shared>>)
      tpu.yield
    }) : () -> ()
    %mul3A_304 = arith.constant 65536 : i32
    %mul3A_305 = arith.muli %arg1, %mul3A_304 : i32
    %add3A_306 = arith.constant 16384 : i32
    %add3A_307 = arith.addi %mul3A_305, %add3A_306 : i32
    "tpu.region"() ({
      %run_scoped3A_392 = tpu.sem_alloc : memref<!tpu.dma_semaphore, #tpu.memory_space<semaphore_mem>>
      %dma_start3A = tpu.memref_slice %arg11[%add3A_307] : memref<1050624xf32, #tpu.memory_space<vmem_shared>> -> memref<16384xf32, #tpu.memory_space<vmem_shared>>
      %dma_start3A_393 = tpu.memref_slice %arg11[%add3A_307] : memref<1050624xf32, #tpu.memory_space<vmem_shared>> -> memref<16384xf32, #tpu.memory_space<vmem_shared>>
      tpu.enqueue_dma source(%arg9 : memref<16384xf32, #tpu.memory_space<vmem>>) target(%dma_start3A_393 : memref<16384xf32, #tpu.memory_space<vmem_shared>>) target_semaphore(%run_scoped3A_392 : memref<!tpu.dma_semaphore, #tpu.memory_space<semaphore_mem>>)
      %dma_wait3A_394 = tpu.memref_slice %arg11[%add3A_307] : memref<1050624xf32, #tpu.memory_space<vmem_shared>> -> memref<16384xf32, #tpu.memory_space<vmem_shared>>
      %dma_wait3A_395 = tpu.memref_slice %arg11[%add3A_307] : memref<1050624xf32, #tpu.memory_space<vmem_shared>> -> memref<16384xf32, #tpu.memory_space<vmem_shared>>
      tpu.wait_dma2 semaphore(%run_scoped3A_392 : memref<!tpu.dma_semaphore, #tpu.memory_space<semaphore_mem>>) src(%arg9 : memref<16384xf32, #tpu.memory_space<vmem>>) dst(%dma_wait3A_395 : memref<16384xf32, #tpu.memory_space<vmem_shared>>)
      tpu.yield
    }) : () -> ()
    %mul3A_308 = arith.constant 65536 : i32
    %mul3A_309 = arith.muli %arg1, %mul3A_308 : i32
    %add3A_310 = arith.constant 32768 : i32
    %add3A_311 = arith.addi %mul3A_309, %add3A_310 : i32
    "tpu.region"() ({
      %run_scoped3A_392 = tpu.sem_alloc : memref<!tpu.dma_semaphore, #tpu.memory_space<semaphore_mem>>
      %dma_start3A = tpu.memref_slice %arg11[%add3A_311] : memref<1050624xf32, #tpu.memory_space<vmem_shared>> -> memref<16384xf32, #tpu.memory_space<vmem_shared>>
      %dma_start3A_393 = tpu.memref_slice %arg11[%add3A_311] : memref<1050624xf32, #tpu.memory_space<vmem_shared>> -> memref<16384xf32, #tpu.memory_space<vmem_shared>>
      tpu.enqueue_dma source(%arg9 : memref<16384xf32, #tpu.memory_space<vmem>>) target(%dma_start3A_393 : memref<16384xf32, #tpu.memory_space<vmem_shared>>) target_semaphore(%run_scoped3A_392 : memref<!tpu.dma_semaphore, #tpu.memory_space<semaphore_mem>>)
      %dma_wait3A_394 = tpu.memref_slice %arg11[%add3A_311] : memref<1050624xf32, #tpu.memory_space<vmem_shared>> -> memref<16384xf32, #tpu.memory_space<vmem_shared>>
      %dma_wait3A_395 = tpu.memref_slice %arg11[%add3A_311] : memref<1050624xf32, #tpu.memory_space<vmem_shared>> -> memref<16384xf32, #tpu.memory_space<vmem_shared>>
      tpu.wait_dma2 semaphore(%run_scoped3A_392 : memref<!tpu.dma_semaphore, #tpu.memory_space<semaphore_mem>>) src(%arg9 : memref<16384xf32, #tpu.memory_space<vmem>>) dst(%dma_wait3A_395 : memref<16384xf32, #tpu.memory_space<vmem_shared>>)
      tpu.yield
    }) : () -> ()
    %mul3A_312 = arith.constant 65536 : i32
    %mul3A_313 = arith.muli %arg1, %mul3A_312 : i32
    %add3A_314 = arith.constant 49152 : i32
    %add3A_315 = arith.addi %mul3A_313, %add3A_314 : i32
    "tpu.region"() ({
      %run_scoped3A_392 = tpu.sem_alloc : memref<!tpu.dma_semaphore, #tpu.memory_space<semaphore_mem>>
      %dma_start3A = tpu.memref_slice %arg11[%add3A_315] : memref<1050624xf32, #tpu.memory_space<vmem_shared>> -> memref<16384xf32, #tpu.memory_space<vmem_shared>>
      %dma_start3A_393 = tpu.memref_slice %arg11[%add3A_315] : memref<1050624xf32, #tpu.memory_space<vmem_shared>> -> memref<16384xf32, #tpu.memory_space<vmem_shared>>
      tpu.enqueue_dma source(%arg9 : memref<16384xf32, #tpu.memory_space<vmem>>) target(%dma_start3A_393 : memref<16384xf32, #tpu.memory_space<vmem_shared>>) target_semaphore(%run_scoped3A_392 : memref<!tpu.dma_semaphore, #tpu.memory_space<semaphore_mem>>)
      %dma_wait3A_394 = tpu.memref_slice %arg11[%add3A_315] : memref<1050624xf32, #tpu.memory_space<vmem_shared>> -> memref<16384xf32, #tpu.memory_space<vmem_shared>>
      %dma_wait3A_395 = tpu.memref_slice %arg11[%add3A_315] : memref<1050624xf32, #tpu.memory_space<vmem_shared>> -> memref<16384xf32, #tpu.memory_space<vmem_shared>>
      tpu.wait_dma2 semaphore(%run_scoped3A_392 : memref<!tpu.dma_semaphore, #tpu.memory_space<semaphore_mem>>) src(%arg9 : memref<16384xf32, #tpu.memory_space<vmem>>) dst(%dma_wait3A_395 : memref<16384xf32, #tpu.memory_space<vmem_shared>>)
      tpu.yield
    }) : () -> ()
    %barrier3A_316 = arith.constant 0 : index
    tpu.barrier barrier_id(%barrier3A_316)
    %scan3A_317 = arith.constant 0 : i32
    %scan3A_318 = arith.constant 0 : i32
    %scan3A_319 = arith.constant 82 : i32
    %scan3A_320 = arith.addi %scan3A_318, %scan3A_319 : i32
    %scan3A_321 = arith.constant 1 : i32
    scf.for %scan3A_392 = %scan3A_318 to %scan3A_320 step %scan3A_321  : i32 {
      %mul3A_393 = arith.constant 128 : i32
      %mul3A_394 = arith.muli %scan3A_392, %mul3A_393 : i32
      %and3A = arith.constant 2047 : i32
      %and3A_395 = arith.andi %mul3A_394, %and3A : i32
      %add3A_396 = arith.constant 1048576 : i32
      %add3A_397 = arith.addi %add3A_396, %and3A_395 : i32
      %get3A = arith.index_cast %scan3A_392 : i32 to index
      %get3A_398 = arith.constant 0 : index
      %get3A_399 = tpu.vector_load %arg5[%get3A, %get3A_398] {strides = array<i32>} : memref<82x128xi32, #tpu.memory_space<vmem>>, vector<1x16xi32>,
      %get3A_400 = vector.shape_cast %get3A_399 : vector<1x16xi32> to vector<16xi32>
      %sub3A = vector.broadcast %mul3A_299 : i32 to vector<16xi32>
      %sub3A_401 = arith.subi %get3A_400, %sub3A : vector<16xi32>
      %ge3A = arith.constant 0 : i32
      %ge3A_402 = vector.broadcast %ge3A : i32 to vector<16xi32>
      %ge3A_403 = arith.cmpi sge, %sub3A_401, %ge3A_402 : vector<16xi32>
      %lt3A = arith.constant 1048576 : i32
      %lt3A_404 = vector.broadcast %lt3A : i32 to vector<16xi32>
      %lt3A_405 = arith.cmpi slt, %sub3A_401, %lt3A_404 : vector<16xi32>
      %and3A_406 = arith.andi %ge3A_403, %lt3A_405 : vector<16xi1>
      %add3A_407 = arith.constant 0 : i32
      %add3A_408 = arith.addi %add3A_397, %add3A_407 : i32
      %iota3A = tpu.iota {dimensions = array<i32: 0>} : vector<16xi32>
      %add3A_409 = vector.broadcast %add3A_408 : i32 to vector<16xi32>
      %add3A_410 = arith.addi %add3A_409, %iota3A : vector<16xi32>
      %select_n3A = arith.select %and3A_406, %sub3A_401, %add3A_410 : vector<16xi1>, vector<16xi32>
      %swap3A = arith.index_cast %scan3A_392 : i32 to index
      %swap3A_411 = arith.constant 0 : index
      %swap3A_412 = tpu.vector_load %arg7[%swap3A, %swap3A_411] {strides = array<i32>} : memref<82x128xi32, #tpu.memory_space<vmem>>, vector<1x16xi32>,
      %swap3A_413 = vector.shape_cast %swap3A_412 : vector<1x16xi32> to vector<16xi32>
      %swap3A_414 = vector.shape_cast %select_n3A : vector<16xi32> to vector<1x16xi32>
      tpu.vector_store %arg7[%swap3A, %swap3A_411], %swap3A_414 {strides = array<i32>} : memref<82x128xi32, #tpu.memory_space<vmem>>, vector<1x16xi32>,
      %get3A_415 = arith.index_cast %scan3A_392 : i32 to index
      %get3A_416 = arith.constant 0 : index
      %get3A_417 = tpu.vector_load %arg6[%get3A_415, %get3A_416] {strides = array<i32>} : memref<82x128xf32, #tpu.memory_space<vmem>>, vector<1x16xf32>,
      %get3A_418 = vector.shape_cast %get3A_417 : vector<1x16xf32> to vector<16xf32>
      %jit3A = arith.constant 0.000000e+00 : f32
      %broadcast_in_dim3A = vector.broadcast %jit3A : f32 to vector<16xf32>
      %select_n3A_419 = arith.select %and3A_406, %get3A_418, %broadcast_in_dim3A : vector<16xi1>, vector<16xf32>
      %swap3A_420 = arith.index_cast %scan3A_392 : i32 to index
      %swap3A_421 = arith.constant 0 : index
      %swap3A_422 = tpu.vector_load %arg8[%swap3A_420, %swap3A_421] {strides = array<i32>} : memref<82x128xf32, #tpu.memory_space<vmem>>, vector<1x16xf32>,
      %swap3A_423 = vector.shape_cast %swap3A_422 : vector<1x16xf32> to vector<16xf32>
      %swap3A_424 = vector.shape_cast %select_n3A_419 : vector<16xf32> to vector<1x16xf32>
      tpu.vector_store %arg8[%swap3A_420, %swap3A_421], %swap3A_424 {strides = array<i32>} : memref<82x128xf32, #tpu.memory_space<vmem>>, vector<1x16xf32>,
      %get3A_425 = arith.index_cast %scan3A_392 : i32 to index
      %get3A_426 = arith.constant 16 : index
      %get3A_427 = tpu.vector_load %arg5[%get3A_425, %get3A_426] {strides = array<i32>} : memref<82x128xi32, #tpu.memory_space<vmem>>, vector<1x16xi32>,
      %get3A_428 = vector.shape_cast %get3A_427 : vector<1x16xi32> to vector<16xi32>
      %sub3A_429 = vector.broadcast %mul3A_299 : i32 to vector<16xi32>
      %sub3A_430 = arith.subi %get3A_428, %sub3A_429 : vector<16xi32>
      %ge3A_431 = arith.constant 0 : i32
      %ge3A_432 = vector.broadcast %ge3A_431 : i32 to vector<16xi32>
      %ge3A_433 = arith.cmpi sge, %sub3A_430, %ge3A_432 : vector<16xi32>
      %lt3A_434 = arith.constant 1048576 : i32
      %lt3A_435 = vector.broadcast %lt3A_434 : i32 to vector<16xi32>
      %lt3A_436 = arith.cmpi slt, %sub3A_430, %lt3A_435 : vector<16xi32>
      %and3A_437 = arith.andi %ge3A_433, %lt3A_436 : vector<16xi1>
      %add3A_438 = arith.constant 16 : i32
      %add3A_439 = arith.addi %add3A_397, %add3A_438 : i32
      %iota3A_440 = tpu.iota {dimensions = array<i32: 0>} : vector<16xi32>
      %add3A_441 = vector.broadcast %add3A_439 : i32 to vector<16xi32>
      %add3A_442 = arith.addi %add3A_441, %iota3A_440 : vector<16xi32>
      %select_n3A_443 = arith.select %and3A_437, %sub3A_430, %add3A_442 : vector<16xi1>, vector<16xi32>
      %swap3A_444 = arith.index_cast %scan3A_392 : i32 to index
      %swap3A_445 = arith.constant 16 : index
      %swap3A_446 = tpu.vector_load %arg7[%swap3A_444, %swap3A_445] {strides = array<i32>} : memref<82x128xi32, #tpu.memory_space<vmem>>, vector<1x16xi32>,
      %swap3A_447 = vector.shape_cast %swap3A_446 : vector<1x16xi32> to vector<16xi32>
      %swap3A_448 = vector.shape_cast %select_n3A_443 : vector<16xi32> to vector<1x16xi32>
      tpu.vector_store %arg7[%swap3A_444, %swap3A_445], %swap3A_448 {strides = array<i32>} : memref<82x128xi32, #tpu.memory_space<vmem>>, vector<1x16xi32>,
      %get3A_449 = arith.index_cast %scan3A_392 : i32 to index
      %get3A_450 = arith.constant 16 : index
      %get3A_451 = tpu.vector_load %arg6[%get3A_449, %get3A_450] {strides = array<i32>} : memref<82x128xf32, #tpu.memory_space<vmem>>, vector<1x16xf32>,
      %get3A_452 = vector.shape_cast %get3A_451 : vector<1x16xf32> to vector<16xf32>
      %jit3A_453 = arith.constant 0.000000e+00 : f32
      %broadcast_in_dim3A_454 = vector.broadcast %jit3A_453 : f32 to vector<16xf32>
      %select_n3A_455 = arith.select %and3A_437, %get3A_452, %broadcast_in_dim3A_454 : vector<16xi1>, vector<16xf32>
      %swap3A_456 = arith.index_cast %scan3A_392 : i32 to index
      %swap3A_457 = arith.constant 16 : index
      %swap3A_458 = tpu.vector_load %arg8[%swap3A_456, %swap3A_457] {strides = array<i32>} : memref<82x128xf32, #tpu.memory_space<vmem>>, vector<1x16xf32>,
      %swap3A_459 = vector.shape_cast %swap3A_458 : vector<1x16xf32> to vector<16xf32>
      %swap3A_460 = vector.shape_cast %select_n3A_455 : vector<16xf32> to vector<1x16xf32>
      tpu.vector_store %arg8[%swap3A_456, %swap3A_457], %swap3A_460 {strides = array<i32>} : memref<82x128xf32, #tpu.memory_space<vmem>>, vector<1x16xf32>,
      %get3A_461 = arith.index_cast %scan3A_392 : i32 to index
      %get3A_462 = arith.constant 32 : index
      %get3A_463 = tpu.vector_load %arg5[%get3A_461, %get3A_462] {strides = array<i32>} : memref<82x128xi32, #tpu.memory_space<vmem>>, vector<1x16xi32>,
      %get3A_464 = vector.shape_cast %get3A_463 : vector<1x16xi32> to vector<16xi32>
      %sub3A_465 = vector.broadcast %mul3A_299 : i32 to vector<16xi32>
      %sub3A_466 = arith.subi %get3A_464, %sub3A_465 : vector<16xi32>
      %ge3A_467 = arith.constant 0 : i32
      %ge3A_468 = vector.broadcast %ge3A_467 : i32 to vector<16xi32>
      %ge3A_469 = arith.cmpi sge, %sub3A_466, %ge3A_468 : vector<16xi32>
      %lt3A_470 = arith.constant 1048576 : i32
      %lt3A_471 = vector.broadcast %lt3A_470 : i32 to vector<16xi32>
      %lt3A_472 = arith.cmpi slt, %sub3A_466, %lt3A_471 : vector<16xi32>
      %and3A_473 = arith.andi %ge3A_469, %lt3A_472 : vector<16xi1>
      %add3A_474 = arith.constant 32 : i32
      %add3A_475 = arith.addi %add3A_397, %add3A_474 : i32
      %iota3A_476 = tpu.iota {dimensions = array<i32: 0>} : vector<16xi32>
      %add3A_477 = vector.broadcast %add3A_475 : i32 to vector<16xi32>
      %add3A_478 = arith.addi %add3A_477, %iota3A_476 : vector<16xi32>
      %select_n3A_479 = arith.select %and3A_473, %sub3A_466, %add3A_478 : vector<16xi1>, vector<16xi32>
      %swap3A_480 = arith.index_cast %scan3A_392 : i32 to index
      %swap3A_481 = arith.constant 32 : index
      %swap3A_482 = tpu.vector_load %arg7[%swap3A_480, %swap3A_481] {strides = array<i32>} : memref<82x128xi32, #tpu.memory_space<vmem>>, vector<1x16xi32>,
      %swap3A_483 = vector.shape_cast %swap3A_482 : vector<1x16xi32> to vector<16xi32>
      %swap3A_484 = vector.shape_cast %select_n3A_479 : vector<16xi32> to vector<1x16xi32>
      tpu.vector_store %arg7[%swap3A_480, %swap3A_481], %swap3A_484 {strides = array<i32>} : memref<82x128xi32, #tpu.memory_space<vmem>>, vector<1x16xi32>,
      %get3A_485 = arith.index_cast %scan3A_392 : i32 to index
      %get3A_486 = arith.constant 32 : index
      %get3A_487 = tpu.vector_load %arg6[%get3A_485, %get3A_486] {strides = array<i32>} : memref<82x128xf32, #tpu.memory_space<vmem>>, vector<1x16xf32>,
      %get3A_488 = vector.shape_cast %get3A_487 : vector<1x16xf32> to vector<16xf32>
      %jit3A_489 = arith.constant 0.000000e+00 : f32
      %broadcast_in_dim3A_490 = vector.broadcast %jit3A_489 : f32 to vector<16xf32>
      %select_n3A_491 = arith.select %and3A_473, %get3A_488, %broadcast_in_dim3A_490 : vector<16xi1>, vector<16xf32>
      %swap3A_492 = arith.index_cast %scan3A_392 : i32 to index
      %swap3A_493 = arith.constant 32 : index
      %swap3A_494 = tpu.vector_load %arg8[%swap3A_492, %swap3A_493] {strides = array<i32>} : memref<82x128xf32, #tpu.memory_space<vmem>>, vector<1x16xf32>,
      %swap3A_495 = vector.shape_cast %swap3A_494 : vector<1x16xf32> to vector<16xf32>
      %swap3A_496 = vector.shape_cast %select_n3A_491 : vector<16xf32> to vector<1x16xf32>
      tpu.vector_store %arg8[%swap3A_492, %swap3A_493], %swap3A_496 {strides = array<i32>} : memref<82x128xf32, #tpu.memory_space<vmem>>, vector<1x16xf32>,
      %get3A_497 = arith.index_cast %scan3A_392 : i32 to index
      %get3A_498 = arith.constant 48 : index
      %get3A_499 = tpu.vector_load %arg5[%get3A_497, %get3A_498] {strides = array<i32>} : memref<82x128xi32, #tpu.memory_space<vmem>>, vector<1x16xi32>,
      %get3A_500 = vector.shape_cast %get3A_499 : vector<1x16xi32> to vector<16xi32>
      %sub3A_501 = vector.broadcast %mul3A_299 : i32 to vector<16xi32>
      %sub3A_502 = arith.subi %get3A_500, %sub3A_501 : vector<16xi32>
      %ge3A_503 = arith.constant 0 : i32
      %ge3A_504 = vector.broadcast %ge3A_503 : i32 to vector<16xi32>
      %ge3A_505 = arith.cmpi sge, %sub3A_502, %ge3A_504 : vector<16xi32>
      %lt3A_506 = arith.constant 1048576 : i32
      %lt3A_507 = vector.broadcast %lt3A_506 : i32 to vector<16xi32>
      %lt3A_508 = arith.cmpi slt, %sub3A_502, %lt3A_507 : vector<16xi32>
      %and3A_509 = arith.andi %ge3A_505, %lt3A_508 : vector<16xi1>
      %add3A_510 = arith.constant 48 : i32
      %add3A_511 = arith.addi %add3A_397, %add3A_510 : i32
      %iota3A_512 = tpu.iota {dimensions = array<i32: 0>} : vector<16xi32>
      %add3A_513 = vector.broadcast %add3A_511 : i32 to vector<16xi32>
      %add3A_514 = arith.addi %add3A_513, %iota3A_512 : vector<16xi32>
      %select_n3A_515 = arith.select %and3A_509, %sub3A_502, %add3A_514 : vector<16xi1>, vector<16xi32>
      %swap3A_516 = arith.index_cast %scan3A_392 : i32 to index
      %swap3A_517 = arith.constant 48 : index
      %swap3A_518 = tpu.vector_load %arg7[%swap3A_516, %swap3A_517] {strides = array<i32>} : memref<82x128xi32, #tpu.memory_space<vmem>>, vector<1x16xi32>,
      %swap3A_519 = vector.shape_cast %swap3A_518 : vector<1x16xi32> to vector<16xi32>
      %swap3A_520 = vector.shape_cast %select_n3A_515 : vector<16xi32> to vector<1x16xi32>
      tpu.vector_store %arg7[%swap3A_516, %swap3A_517], %swap3A_520 {strides = array<i32>} : memref<82x128xi32, #tpu.memory_space<vmem>>, vector<1x16xi32>,
      %get3A_521 = arith.index_cast %scan3A_392 : i32 to index
      %get3A_522 = arith.constant 48 : index
      %get3A_523 = tpu.vector_load %arg6[%get3A_521, %get3A_522] {strides = array<i32>} : memref<82x128xf32, #tpu.memory_space<vmem>>, vector<1x16xf32>,
      %get3A_524 = vector.shape_cast %get3A_523 : vector<1x16xf32> to vector<16xf32>
      %jit3A_525 = arith.constant 0.000000e+00 : f32
      %broadcast_in_dim3A_526 = vector.broadcast %jit3A_525 : f32 to vector<16xf32>
      %select_n3A_527 = arith.select %and3A_509, %get3A_524, %broadcast_in_dim3A_526 : vector<16xi1>, vector<16xf32>
      %swap3A_528 = arith.index_cast %scan3A_392 : i32 to index
      %swap3A_529 = arith.constant 48 : index
      %swap3A_530 = tpu.vector_load %arg8[%swap3A_528, %swap3A_529] {strides = array<i32>} : memref<82x128xf32, #tpu.memory_space<vmem>>, vector<1x16xf32>,
      %swap3A_531 = vector.shape_cast %swap3A_530 : vector<1x16xf32> to vector<16xf32>
      %swap3A_532 = vector.shape_cast %select_n3A_527 : vector<16xf32> to vector<1x16xf32>
      tpu.vector_store %arg8[%swap3A_528, %swap3A_529], %swap3A_532 {strides = array<i32>} : memref<82x128xf32, #tpu.memory_space<vmem>>, vector<1x16xf32>,
      %get3A_533 = arith.index_cast %scan3A_392 : i32 to index
      %get3A_534 = arith.constant 64 : index
      %get3A_535 = tpu.vector_load %arg5[%get3A_533, %get3A_534] {strides = array<i32>} : memref<82x128xi32, #tpu.memory_space<vmem>>, vector<1x16xi32>,
      %get3A_536 = vector.shape_cast %get3A_535 : vector<1x16xi32> to vector<16xi32>
      %sub3A_537 = vector.broadcast %mul3A_299 : i32 to vector<16xi32>
      %sub3A_538 = arith.subi %get3A_536, %sub3A_537 : vector<16xi32>
      %ge3A_539 = arith.constant 0 : i32
      %ge3A_540 = vector.broadcast %ge3A_539 : i32 to vector<16xi32>
      %ge3A_541 = arith.cmpi sge, %sub3A_538, %ge3A_540 : vector<16xi32>
      %lt3A_542 = arith.constant 1048576 : i32
      %lt3A_543 = vector.broadcast %lt3A_542 : i32 to vector<16xi32>
      %lt3A_544 = arith.cmpi slt, %sub3A_538, %lt3A_543 : vector<16xi32>
      %and3A_545 = arith.andi %ge3A_541, %lt3A_544 : vector<16xi1>
      %add3A_546 = arith.constant 64 : i32
      %add3A_547 = arith.addi %add3A_397, %add3A_546 : i32
      %iota3A_548 = tpu.iota {dimensions = array<i32: 0>} : vector<16xi32>
      %add3A_549 = vector.broadcast %add3A_547 : i32 to vector<16xi32>
      %add3A_550 = arith.addi %add3A_549, %iota3A_548 : vector<16xi32>
      %select_n3A_551 = arith.select %and3A_545, %sub3A_538, %add3A_550 : vector<16xi1>, vector<16xi32>
      %swap3A_552 = arith.index_cast %scan3A_392 : i32 to index
      %swap3A_553 = arith.constant 64 : index
      %swap3A_554 = tpu.vector_load %arg7[%swap3A_552, %swap3A_553] {strides = array<i32>} : memref<82x128xi32, #tpu.memory_space<vmem>>, vector<1x16xi32>,
      %swap3A_555 = vector.shape_cast %swap3A_554 : vector<1x16xi32> to vector<16xi32>
      %swap3A_556 = vector.shape_cast %select_n3A_551 : vector<16xi32> to vector<1x16xi32>
      tpu.vector_store %arg7[%swap3A_552, %swap3A_553], %swap3A_556 {strides = array<i32>} : memref<82x128xi32, #tpu.memory_space<vmem>>, vector<1x16xi32>,
      %get3A_557 = arith.index_cast %scan3A_392 : i32 to index
      %get3A_558 = arith.constant 64 : index
      %get3A_559 = tpu.vector_load %arg6[%get3A_557, %get3A_558] {strides = array<i32>} : memref<82x128xf32, #tpu.memory_space<vmem>>, vector<1x16xf32>,
      %get3A_560 = vector.shape_cast %get3A_559 : vector<1x16xf32> to vector<16xf32>
      %jit3A_561 = arith.constant 0.000000e+00 : f32
      %broadcast_in_dim3A_562 = vector.broadcast %jit3A_561 : f32 to vector<16xf32>
      %select_n3A_563 = arith.select %and3A_545, %get3A_560, %broadcast_in_dim3A_562 : vector<16xi1>, vector<16xf32>
      %swap3A_564 = arith.index_cast %scan3A_392 : i32 to index
      %swap3A_565 = arith.constant 64 : index
      %swap3A_566 = tpu.vector_load %arg8[%swap3A_564, %swap3A_565] {strides = array<i32>} : memref<82x128xf32, #tpu.memory_space<vmem>>, vector<1x16xf32>,
      %swap3A_567 = vector.shape_cast %swap3A_566 : vector<1x16xf32> to vector<16xf32>
      %swap3A_568 = vector.shape_cast %select_n3A_563 : vector<16xf32> to vector<1x16xf32>
      tpu.vector_store %arg8[%swap3A_564, %swap3A_565], %swap3A_568 {strides = array<i32>} : memref<82x128xf32, #tpu.memory_space<vmem>>, vector<1x16xf32>,
      %get3A_569 = arith.index_cast %scan3A_392 : i32 to index
      %get3A_570 = arith.constant 80 : index
      %get3A_571 = tpu.vector_load %arg5[%get3A_569, %get3A_570] {strides = array<i32>} : memref<82x128xi32, #tpu.memory_space<vmem>>, vector<1x16xi32>,
      %get3A_572 = vector.shape_cast %get3A_571 : vector<1x16xi32> to vector<16xi32>
      %sub3A_573 = vector.broadcast %mul3A_299 : i32 to vector<16xi32>
      %sub3A_574 = arith.subi %get3A_572, %sub3A_573 : vector<16xi32>
      %ge3A_575 = arith.constant 0 : i32
      %ge3A_576 = vector.broadcast %ge3A_575 : i32 to vector<16xi32>
      %ge3A_577 = arith.cmpi sge, %sub3A_574, %ge3A_576 : vector<16xi32>
      %lt3A_578 = arith.constant 1048576 : i32
      %lt3A_579 = vector.broadcast %lt3A_578 : i32 to vector<16xi32>
      %lt3A_580 = arith.cmpi slt, %sub3A_574, %lt3A_579 : vector<16xi32>
      %and3A_581 = arith.andi %ge3A_577, %lt3A_580 : vector<16xi1>
      %add3A_582 = arith.constant 80 : i32
      %add3A_583 = arith.addi %add3A_397, %add3A_582 : i32
      %iota3A_584 = tpu.iota {dimensions = array<i32: 0>} : vector<16xi32>
      %add3A_585 = vector.broadcast %add3A_583 : i32 to vector<16xi32>
      %add3A_586 = arith.addi %add3A_585, %iota3A_584 : vector<16xi32>
      %select_n3A_587 = arith.select %and3A_581, %sub3A_574, %add3A_586 : vector<16xi1>, vector<16xi32>
      %swap3A_588 = arith.index_cast %scan3A_392 : i32 to index
      %swap3A_589 = arith.constant 80 : index
      %swap3A_590 = tpu.vector_load %arg7[%swap3A_588, %swap3A_589] {strides = array<i32>} : memref<82x128xi32, #tpu.memory_space<vmem>>, vector<1x16xi32>,
      %swap3A_591 = vector.shape_cast %swap3A_590 : vector<1x16xi32> to vector<16xi32>
      %swap3A_592 = vector.shape_cast %select_n3A_587 : vector<16xi32> to vector<1x16xi32>
      tpu.vector_store %arg7[%swap3A_588, %swap3A_589], %swap3A_592 {strides = array<i32>} : memref<82x128xi32, #tpu.memory_space<vmem>>, vector<1x16xi32>,
      %get3A_593 = arith.index_cast %scan3A_392 : i32 to index
      %get3A_594 = arith.constant 80 : index
      %get3A_595 = tpu.vector_load %arg6[%get3A_593, %get3A_594] {strides = array<i32>} : memref<82x128xf32, #tpu.memory_space<vmem>>, vector<1x16xf32>,
      %get3A_596 = vector.shape_cast %get3A_595 : vector<1x16xf32> to vector<16xf32>
      %jit3A_597 = arith.constant 0.000000e+00 : f32
      %broadcast_in_dim3A_598 = vector.broadcast %jit3A_597 : f32 to vector<16xf32>
      %select_n3A_599 = arith.select %and3A_581, %get3A_596, %broadcast_in_dim3A_598 : vector<16xi1>, vector<16xf32>
      %swap3A_600 = arith.index_cast %scan3A_392 : i32 to index
      %swap3A_601 = arith.constant 80 : index
      %swap3A_602 = tpu.vector_load %arg8[%swap3A_600, %swap3A_601] {strides = array<i32>} : memref<82x128xf32, #tpu.memory_space<vmem>>, vector<1x16xf32>,
      %swap3A_603 = vector.shape_cast %swap3A_602 : vector<1x16xf32> to vector<16xf32>
      %swap3A_604 = vector.shape_cast %select_n3A_599 : vector<16xf32> to vector<1x16xf32>
      tpu.vector_store %arg8[%swap3A_600, %swap3A_601], %swap3A_604 {strides = array<i32>} : memref<82x128xf32, #tpu.memory_space<vmem>>, vector<1x16xf32>,
      %get3A_605 = arith.index_cast %scan3A_392 : i32 to index
      %get3A_606 = arith.constant 96 : index
      %get3A_607 = tpu.vector_load %arg5[%get3A_605, %get3A_606] {strides = array<i32>} : memref<82x128xi32, #tpu.memory_space<vmem>>, vector<1x16xi32>,
      %get3A_608 = vector.shape_cast %get3A_607 : vector<1x16xi32> to vector<16xi32>
      %sub3A_609 = vector.broadcast %mul3A_299 : i32 to vector<16xi32>
      %sub3A_610 = arith.subi %get3A_608, %sub3A_609 : vector<16xi32>
      %ge3A_611 = arith.constant 0 : i32
      %ge3A_612 = vector.broadcast %ge3A_611 : i32 to vector<16xi32>
      %ge3A_613 = arith.cmpi sge, %sub3A_610, %ge3A_612 : vector<16xi32>
      %lt3A_614 = arith.constant 1048576 : i32
      %lt3A_615 = vector.broadcast %lt3A_614 : i32 to vector<16xi32>
      %lt3A_616 = arith.cmpi slt, %sub3A_610, %lt3A_615 : vector<16xi32>
      %and3A_617 = arith.andi %ge3A_613, %lt3A_616 : vector<16xi1>
      %add3A_618 = arith.constant 96 : i32
      %add3A_619 = arith.addi %add3A_397, %add3A_618 : i32
      %iota3A_620 = tpu.iota {dimensions = array<i32: 0>} : vector<16xi32>
      %add3A_621 = vector.broadcast %add3A_619 : i32 to vector<16xi32>
      %add3A_622 = arith.addi %add3A_621, %iota3A_620 : vector<16xi32>
      %select_n3A_623 = arith.select %and3A_617, %sub3A_610, %add3A_622 : vector<16xi1>, vector<16xi32>
      %swap3A_624 = arith.index_cast %scan3A_392 : i32 to index
      %swap3A_625 = arith.constant 96 : index
      %swap3A_626 = tpu.vector_load %arg7[%swap3A_624, %swap3A_625] {strides = array<i32>} : memref<82x128xi32, #tpu.memory_space<vmem>>, vector<1x16xi32>,
      %swap3A_627 = vector.shape_cast %swap3A_626 : vector<1x16xi32> to vector<16xi32>
      %swap3A_628 = vector.shape_cast %select_n3A_623 : vector<16xi32> to vector<1x16xi32>
      tpu.vector_store %arg7[%swap3A_624, %swap3A_625], %swap3A_628 {strides = array<i32>} : memref<82x128xi32, #tpu.memory_space<vmem>>, vector<1x16xi32>,
      %get3A_629 = arith.index_cast %scan3A_392 : i32 to index
      %get3A_630 = arith.constant 96 : index
      %get3A_631 = tpu.vector_load %arg6[%get3A_629, %get3A_630] {strides = array<i32>} : memref<82x128xf32, #tpu.memory_space<vmem>>, vector<1x16xf32>,
      %get3A_632 = vector.shape_cast %get3A_631 : vector<1x16xf32> to vector<16xf32>
      %jit3A_633 = arith.constant 0.000000e+00 : f32
      %broadcast_in_dim3A_634 = vector.broadcast %jit3A_633 : f32 to vector<16xf32>
      %select_n3A_635 = arith.select %and3A_617, %get3A_632, %broadcast_in_dim3A_634 : vector<16xi1>, vector<16xf32>
      %swap3A_636 = arith.index_cast %scan3A_392 : i32 to index
      %swap3A_637 = arith.constant 96 : index
      %swap3A_638 = tpu.vector_load %arg8[%swap3A_636, %swap3A_637] {strides = array<i32>} : memref<82x128xf32, #tpu.memory_space<vmem>>, vector<1x16xf32>,
      %swap3A_639 = vector.shape_cast %swap3A_638 : vector<1x16xf32> to vector<16xf32>
      %swap3A_640 = vector.shape_cast %select_n3A_635 : vector<16xf32> to vector<1x16xf32>
      tpu.vector_store %arg8[%swap3A_636, %swap3A_637], %swap3A_640 {strides = array<i32>} : memref<82x128xf32, #tpu.memory_space<vmem>>, vector<1x16xf32>,
      %get3A_641 = arith.index_cast %scan3A_392 : i32 to index
      %get3A_642 = arith.constant 112 : index
      %get3A_643 = tpu.vector_load %arg5[%get3A_641, %get3A_642] {strides = array<i32>} : memref<82x128xi32, #tpu.memory_space<vmem>>, vector<1x16xi32>,
      %get3A_644 = vector.shape_cast %get3A_643 : vector<1x16xi32> to vector<16xi32>
      %sub3A_645 = vector.broadcast %mul3A_299 : i32 to vector<16xi32>
      %sub3A_646 = arith.subi %get3A_644, %sub3A_645 : vector<16xi32>
      %ge3A_647 = arith.constant 0 : i32
      %ge3A_648 = vector.broadcast %ge3A_647 : i32 to vector<16xi32>
      %ge3A_649 = arith.cmpi sge, %sub3A_646, %ge3A_648 : vector<16xi32>
      %lt3A_650 = arith.constant 1048576 : i32
      %lt3A_651 = vector.broadcast %lt3A_650 : i32 to vector<16xi32>
      %lt3A_652 = arith.cmpi slt, %sub3A_646, %lt3A_651 : vector<16xi32>
      %and3A_653 = arith.andi %ge3A_649, %lt3A_652 : vector<16xi1>
      %add3A_654 = arith.constant 112 : i32
      %add3A_655 = arith.addi %add3A_397, %add3A_654 : i32
      %iota3A_656 = tpu.iota {dimensions = array<i32: 0>} : vector<16xi32>
      %add3A_657 = vector.broadcast %add3A_655 : i32 to vector<16xi32>
      %add3A_658 = arith.addi %add3A_657, %iota3A_656 : vector<16xi32>
      %select_n3A_659 = arith.select %and3A_653, %sub3A_646, %add3A_658 : vector<16xi1>, vector<16xi32>
      %swap3A_660 = arith.index_cast %scan3A_392 : i32 to index
      %swap3A_661 = arith.constant 112 : index
      %swap3A_662 = tpu.vector_load %arg7[%swap3A_660, %swap3A_661] {strides = array<i32>} : memref<82x128xi32, #tpu.memory_space<vmem>>, vector<1x16xi32>,
      %swap3A_663 = vector.shape_cast %swap3A_662 : vector<1x16xi32> to vector<16xi32>
      %swap3A_664 = vector.shape_cast %select_n3A_659 : vector<16xi32> to vector<1x16xi32>
      tpu.vector_store %arg7[%swap3A_660, %swap3A_661], %swap3A_664 {strides = array<i32>} : memref<82x128xi32, #tpu.memory_space<vmem>>, vector<1x16xi32>,
      %get3A_665 = arith.index_cast %scan3A_392 : i32 to index
      %get3A_666 = arith.constant 112 : index
      %get3A_667 = tpu.vector_load %arg6[%get3A_665, %get3A_666] {strides = array<i32>} : memref<82x128xf32, #tpu.memory_space<vmem>>, vector<1x16xf32>,
      %get3A_668 = vector.shape_cast %get3A_667 : vector<1x16xf32> to vector<16xf32>
      %jit3A_669 = arith.constant 0.000000e+00 : f32
      %broadcast_in_dim3A_670 = vector.broadcast %jit3A_669 : f32 to vector<16xf32>
      %select_n3A_671 = arith.select %and3A_653, %get3A_668, %broadcast_in_dim3A_670 : vector<16xi1>, vector<16xf32>
      %swap3A_672 = arith.index_cast %scan3A_392 : i32 to index
      %swap3A_673 = arith.constant 112 : index
      %swap3A_674 = tpu.vector_load %arg8[%swap3A_672, %swap3A_673] {strides = array<i32>} : memref<82x128xf32, #tpu.memory_space<vmem>>, vector<1x16xf32>,
      %swap3A_675 = vector.shape_cast %swap3A_674 : vector<1x16xf32> to vector<16xf32>
      %swap3A_676 = vector.shape_cast %select_n3A_671 : vector<16xf32> to vector<1x16xf32>
      tpu.vector_store %arg8[%swap3A_672, %swap3A_673], %swap3A_676 {strides = array<i32>} : memref<82x128xf32, #tpu.memory_space<vmem>>, vector<1x16xf32>,
      %dma_start3A = arith.constant 0 : i32
      %dma_start3A_677 = tpu.memref_slice %arg8[%scan3A_392, %dma_start3A] : memref<82x128xf32, #tpu.memory_space<vmem>> -> memref<1x128xf32, #tpu.memory_space<vmem>>
      %dma_start3A_678 = tpu.memref_squeeze %dma_start3A_677 : memref<1x128xf32, #tpu.memory_space<vmem>> -> memref<128xf32, #tpu.memory_space<vmem>>
      %dma_start3A_679 = arith.constant 0 : i32
      %dma_start3A_680 = tpu.memref_slice %arg7[%scan3A_392, %dma_start3A_679] : memref<82x128xi32, #tpu.memory_space<vmem>> -> memref<1x128xi32, #tpu.memory_space<vmem>>
      %dma_start3A_681 = tpu.memref_squeeze %dma_start3A_680 : memref<1x128xi32, #tpu.memory_space<vmem>> -> memref<128xi32, #tpu.memory_space<vmem>>
      %dma_start3A_682 = arith.constant 0 : i32
      %dma_start3A_683 = tpu.memref_slice %arg11[%dma_start3A_682] : memref<1050624xf32, #tpu.memory_space<vmem_shared>> -> memref<1050624xf32, #tpu.memory_space<vmem_shared>>
      tpu.enqueue_indirect_dma source(%dma_start3A_678 : memref<128xf32, #tpu.memory_space<vmem>>) target(%dma_start3A_683 : memref<1050624xf32, #tpu.memory_space<vmem_shared>>) offsets(%dma_start3A_681 : memref<128xi32, #tpu.memory_space<vmem>>) semaphore(%arg12 : memref<!tpu.dma_semaphore, #tpu.memory_space<semaphore_mem>>) {add = true}
    }
    %scan3A_322 = arith.constant 82 : i32
    %dma_wait3A_323 = arith.constant 0 : i32
    %dma_wait3A_324 = arith.constant 0 : i32
    %dma_wait3A_325 = tpu.memref_slice %arg3[%arg1, %dma_wait3A_323, %dma_wait3A_324] : memref<16x82x128xf32, #tpu.memory_space<hbm>> -> memref<1x82x128xf32, #tpu.memory_space<hbm>>
    %dma_wait3A_326 = tpu.memref_squeeze %dma_wait3A_325 : memref<1x82x128xf32, #tpu.memory_space<hbm>> -> memref<82x128xf32, #tpu.memory_space<hbm>>
    %dma_wait3A_327 = arith.constant 0 : i32
    %dma_wait3A_328 = arith.constant 0 : i32
    %dma_wait3A_329 = tpu.memref_slice %arg3[%arg1, %dma_wait3A_327, %dma_wait3A_328] : memref<16x82x128xf32, #tpu.memory_space<hbm>> -> memref<1x82x128xf32, #tpu.memory_space<hbm>>
    %dma_wait3A_330 = tpu.memref_squeeze %dma_wait3A_329 : memref<1x82x128xf32, #tpu.memory_space<hbm>> -> memref<82x128xf32, #tpu.memory_space<hbm>>
    tpu.wait_dma2 semaphore(%arg12 : memref<!tpu.dma_semaphore, #tpu.memory_space<semaphore_mem>>) src(%dma_wait3A_330 : memref<82x128xf32, #tpu.memory_space<hbm>>) dst(%arg8 : memref<82x128xf32, #tpu.memory_space<vmem>>)
    %run_scoped3A_331 = arith.constant 81 : i32
    "tpu.region"() ({
      %run_scoped3A_392 = tpu.sem_alloc : memref<!tpu.dma_semaphore, #tpu.memory_space<semaphore_mem>>
      %dma_start3A = arith.constant 0 : i32
      %dma_start3A_393 = tpu.memref_slice %arg7[%run_scoped3A_331, %dma_start3A] : memref<82x128xi32, #tpu.memory_space<vmem>> -> memref<1x128xi32, #tpu.memory_space<vmem>>
      %dma_start3A_394 = tpu.memref_squeeze %dma_start3A_393 : memref<1x128xi32, #tpu.memory_space<vmem>> -> memref<128xi32, #tpu.memory_space<vmem>>
      %dma_start3A_395 = arith.constant 0 : i32
      %dma_start3A_396 = tpu.memref_slice %arg11[%dma_start3A_395] : memref<1050624xf32, #tpu.memory_space<vmem_shared>> -> memref<1050624xf32, #tpu.memory_space<vmem_shared>>
      tpu.enqueue_indirect_dma source(%dma_start3A_396 : memref<1050624xf32, #tpu.memory_space<vmem_shared>>) target(%arg10 : memref<128xf32, #tpu.memory_space<vmem>>) offsets(%dma_start3A_394 : memref<128xi32, #tpu.memory_space<vmem>>) semaphore(%run_scoped3A_392 : memref<!tpu.dma_semaphore, #tpu.memory_space<semaphore_mem>>)
      %dma_wait3A_397 = arith.constant 0 : i32
      %dma_wait3A_398 = tpu.memref_slice %arg7[%run_scoped3A_331, %dma_wait3A_397] : memref<82x128xi32, #tpu.memory_space<vmem>> -> memref<1x128xi32, #tpu.memory_space<vmem>>
      %dma_wait3A_399 = tpu.memref_squeeze %dma_wait3A_398 : memref<1x128xi32, #tpu.memory_space<vmem>> -> memref<128xi32, #tpu.memory_space<vmem>>
      %dma_wait3A_400 = arith.constant 0 : i32
      %dma_wait3A_401 = tpu.memref_slice %arg11[%dma_wait3A_400] : memref<1050624xf32, #tpu.memory_space<vmem_shared>> -> memref<1050624xf32, #tpu.memory_space<vmem_shared>>
      tpu.wait_indirect_dma semaphore(%run_scoped3A_392 : memref<!tpu.dma_semaphore, #tpu.memory_space<semaphore_mem>>) src(%dma_wait3A_401 : memref<1050624xf32, #tpu.memory_space<vmem_shared>>) dst(%arg10 : memref<128xf32, #tpu.memory_space<vmem>>)
      tpu.yield
    }) : () -> ()
    %run_scoped3A_332 = arith.constant 80 : i32
    "tpu.region"() ({
      %run_scoped3A_392 = tpu.sem_alloc : memref<!tpu.dma_semaphore, #tpu.memory_space<semaphore_mem>>
      %dma_start3A = arith.constant 0 : i32
      %dma_start3A_393 = tpu.memref_slice %arg7[%run_scoped3A_332, %dma_start3A] : memref<82x128xi32, #tpu.memory_space<vmem>> -> memref<1x128xi32, #tpu.memory_space<vmem>>
      %dma_start3A_394 = tpu.memref_squeeze %dma_start3A_393 : memref<1x128xi32, #tpu.memory_space<vmem>> -> memref<128xi32, #tpu.memory_space<vmem>>
      %dma_start3A_395 = arith.constant 0 : i32
      %dma_start3A_396 = tpu.memref_slice %arg11[%dma_start3A_395] : memref<1050624xf32, #tpu.memory_space<vmem_shared>> -> memref<1050624xf32, #tpu.memory_space<vmem_shared>>
      tpu.enqueue_indirect_dma source(%dma_start3A_396 : memref<1050624xf32, #tpu.memory_space<vmem_shared>>) target(%arg10 : memref<128xf32, #tpu.memory_space<vmem>>) offsets(%dma_start3A_394 : memref<128xi32, #tpu.memory_space<vmem>>) semaphore(%run_scoped3A_392 : memref<!tpu.dma_semaphore, #tpu.memory_space<semaphore_mem>>)
      %dma_wait3A_397 = arith.constant 0 : i32
      %dma_wait3A_398 = tpu.memref_slice %arg7[%run_scoped3A_332, %dma_wait3A_397] : memref<82x128xi32, #tpu.memory_space<vmem>> -> memref<1x128xi32, #tpu.memory_space<vmem>>
      %dma_wait3A_399 = tpu.memref_squeeze %dma_wait3A_398 : memref<1x128xi32, #tpu.memory_space<vmem>> -> memref<128xi32, #tpu.memory_space<vmem>>
      %dma_wait3A_400 = arith.constant 0 : i32
      %dma_wait3A_401 = tpu.memref_slice %arg11[%dma_wait3A_400] : memref<1050624xf32, #tpu.memory_space<vmem_shared>> -> memref<1050624xf32, #tpu.memory_space<vmem_shared>>
      tpu.wait_indirect_dma semaphore(%run_scoped3A_392 : memref<!tpu.dma_semaphore, #tpu.memory_space<semaphore_mem>>) src(%dma_wait3A_401 : memref<1050624xf32, #tpu.memory_space<vmem_shared>>) dst(%arg10 : memref<128xf32, #tpu.memory_space<vmem>>)
      tpu.yield
    }) : () -> ()
    %run_scoped3A_333 = arith.constant 79 : i32
    "tpu.region"() ({
      %run_scoped3A_392 = tpu.sem_alloc : memref<!tpu.dma_semaphore, #tpu.memory_space<semaphore_mem>>
      %dma_start3A = arith.constant 0 : i32
      %dma_start3A_393 = tpu.memref_slice %arg7[%run_scoped3A_333, %dma_start3A] : memref<82x128xi32, #tpu.memory_space<vmem>> -> memref<1x128xi32, #tpu.memory_space<vmem>>
      %dma_start3A_394 = tpu.memref_squeeze %dma_start3A_393 : memref<1x128xi32, #tpu.memory_space<vmem>> -> memref<128xi32, #tpu.memory_space<vmem>>
      %dma_start3A_395 = arith.constant 0 : i32
      %dma_start3A_396 = tpu.memref_slice %arg11[%dma_start3A_395] : memref<1050624xf32, #tpu.memory_space<vmem_shared>> -> memref<1050624xf32, #tpu.memory_space<vmem_shared>>
      tpu.enqueue_indirect_dma source(%dma_start3A_396 : memref<1050624xf32, #tpu.memory_space<vmem_shared>>) target(%arg10 : memref<128xf32, #tpu.memory_space<vmem>>) offsets(%dma_start3A_394 : memref<128xi32, #tpu.memory_space<vmem>>) semaphore(%run_scoped3A_392 : memref<!tpu.dma_semaphore, #tpu.memory_space<semaphore_mem>>)
      %dma_wait3A_397 = arith.constant 0 : i32
      %dma_wait3A_398 = tpu.memref_slice %arg7[%run_scoped3A_333, %dma_wait3A_397] : memref<82x128xi32, #tpu.memory_space<vmem>> -> memref<1x128xi32, #tpu.memory_space<vmem>>
      %dma_wait3A_399 = tpu.memref_squeeze %dma_wait3A_398 : memref<1x128xi32, #tpu.memory_space<vmem>> -> memref<128xi32, #tpu.memory_space<vmem>>
      %dma_wait3A_400 = arith.constant 0 : i32
      %dma_wait3A_401 = tpu.memref_slice %arg11[%dma_wait3A_400] : memref<1050624xf32, #tpu.memory_space<vmem_shared>> -> memref<1050624xf32, #tpu.memory_space<vmem_shared>>
      tpu.wait_indirect_dma semaphore(%run_scoped3A_392 : memref<!tpu.dma_semaphore, #tpu.memory_space<semaphore_mem>>) src(%dma_wait3A_401 : memref<1050624xf32, #tpu.memory_space<vmem_shared>>) dst(%arg10 : memref<128xf32, #tpu.memory_space<vmem>>)
      tpu.yield
    }) : () -> ()
    %barrier3A_334 = arith.constant 0 : index
    tpu.barrier barrier_id(%barrier3A_334)
    %mul3A_335 = arith.constant 65536 : i32
    %mul3A_336 = arith.muli %arg1, %mul3A_335 : i32
    %mul3A_337 = arith.constant 1048576 : i32
    %mul3A_338 = arith.muli %add3A_297, %mul3A_337 : i32
    %mul3A_339 = arith.constant 65536 : i32
    %mul3A_340 = arith.muli %arg1, %mul3A_339 : i32
    %add3A_341 = arith.addi %mul3A_338, %mul3A_340 : i32
    "tpu.region"() ({
      %run_scoped3A_392 = tpu.sem_alloc : memref<!tpu.dma_semaphore, #tpu.memory_space<semaphore_mem>>
      %dma_start3A = tpu.memref_slice %arg4[%add3A_341] : memref<16777216xf32, #tpu.memory_space<hbm>> -> memref<65536xf32, #tpu.memory_space<hbm>>
      %dma_start3A_393 = tpu.memref_slice %arg11[%mul3A_336] : memref<1050624xf32, #tpu.memory_space<vmem_shared>> -> memref<65536xf32, #tpu.memory_space<vmem_shared>>
      tpu.enqueue_dma source(%dma_start3A_393 : memref<65536xf32, #tpu.memory_space<vmem_shared>>) target(%dma_start3A : memref<65536xf32, #tpu.memory_space<hbm>>) target_semaphore(%run_scoped3A_392 : memref<!tpu.dma_semaphore, #tpu.memory_space<semaphore_mem>>)
      %dma_wait3A_394 = tpu.memref_slice %arg4[%add3A_341] : memref<16777216xf32, #tpu.memory_space<hbm>> -> memref<65536xf32, #tpu.memory_space<hbm>>
      %dma_wait3A_395 = tpu.memref_slice %arg11[%mul3A_336] : memref<1050624xf32, #tpu.memory_space<vmem_shared>> -> memref<65536xf32, #tpu.memory_space<vmem_shared>>
      tpu.wait_dma2 semaphore(%run_scoped3A_392 : memref<!tpu.dma_semaphore, #tpu.memory_space<semaphore_mem>>) src(%dma_wait3A_395 : memref<65536xf32, #tpu.memory_space<vmem_shared>>) dst(%dma_wait3A_394 : memref<65536xf32, #tpu.memory_space<hbm>>)
      tpu.yield
    }) : () -> ()
    %barrier3A_342 = arith.constant 0 : index
    tpu.barrier barrier_id(%barrier3A_342)
    %mul3A_343 = arith.constant 8 : i32
    %mul3A_344 = arith.muli %arg0, %mul3A_343 : i32
    %add3A_345 = arith.constant 7 : i32
    %add3A_346 = arith.addi %mul3A_344, %add3A_345 : i32
    %mul3A_347 = arith.constant 1048576 : i32
    %mul3A_348 = arith.muli %add3A_346, %mul3A_347 : i32
    %mul3A_349 = arith.constant 65536 : i32
    %mul3A_350 = arith.muli %arg1, %mul3A_349 : i32
    %add3A_351 = arith.constant 0 : i32
    %add3A_352 = arith.addi %mul3A_350, %add3A_351 : i32
    "tpu.region"() ({
      %run_scoped3A_392 = tpu.sem_alloc : memref<!tpu.dma_semaphore, #tpu.memory_space<semaphore_mem>>
      %dma_start3A = tpu.memref_slice %arg11[%add3A_352] : memref<1050624xf32, #tpu.memory_space<vmem_shared>> -> memref<16384xf32, #tpu.memory_space<vmem_shared>>
      %dma_start3A_393 = tpu.memref_slice %arg11[%add3A_352] : memref<1050624xf32, #tpu.memory_space<vmem_shared>> -> memref<16384xf32, #tpu.memory_space<vmem_shared>>
      tpu.enqueue_dma source(%arg9 : memref<16384xf32, #tpu.memory_space<vmem>>) target(%dma_start3A_393 : memref<16384xf32, #tpu.memory_space<vmem_shared>>) target_semaphore(%run_scoped3A_392 : memref<!tpu.dma_semaphore, #tpu.memory_space<semaphore_mem>>)
      %dma_wait3A_394 = tpu.memref_slice %arg11[%add3A_352] : memref<1050624xf32, #tpu.memory_space<vmem_shared>> -> memref<16384xf32, #tpu.memory_space<vmem_shared>>
      %dma_wait3A_395 = tpu.memref_slice %arg11[%add3A_352] : memref<1050624xf32, #tpu.memory_space<vmem_shared>> -> memref<16384xf32, #tpu.memory_space<vmem_shared>>
      tpu.wait_dma2 semaphore(%run_scoped3A_392 : memref<!tpu.dma_semaphore, #tpu.memory_space<semaphore_mem>>) src(%arg9 : memref<16384xf32, #tpu.memory_space<vmem>>) dst(%dma_wait3A_395 : memref<16384xf32, #tpu.memory_space<vmem_shared>>)
      tpu.yield
    }) : () -> ()
    %mul3A_353 = arith.constant 65536 : i32
    %mul3A_354 = arith.muli %arg1, %mul3A_353 : i32
    %add3A_355 = arith.constant 16384 : i32
    %add3A_356 = arith.addi %mul3A_354, %add3A_355 : i32
    "tpu.region"() ({
      %run_scoped3A_392 = tpu.sem_alloc : memref<!tpu.dma_semaphore, #tpu.memory_space<semaphore_mem>>
      %dma_start3A = tpu.memref_slice %arg11[%add3A_356] : memref<1050624xf32, #tpu.memory_space<vmem_shared>> -> memref<16384xf32, #tpu.memory_space<vmem_shared>>
      %dma_start3A_393 = tpu.memref_slice %arg11[%add3A_356] : memref<1050624xf32, #tpu.memory_space<vmem_shared>> -> memref<16384xf32, #tpu.memory_space<vmem_shared>>
      tpu.enqueue_dma source(%arg9 : memref<16384xf32, #tpu.memory_space<vmem>>) target(%dma_start3A_393 : memref<16384xf32, #tpu.memory_space<vmem_shared>>) target_semaphore(%run_scoped3A_392 : memref<!tpu.dma_semaphore, #tpu.memory_space<semaphore_mem>>)
      %dma_wait3A_394 = tpu.memref_slice %arg11[%add3A_356] : memref<1050624xf32, #tpu.memory_space<vmem_shared>> -> memref<16384xf32, #tpu.memory_space<vmem_shared>>
      %dma_wait3A_395 = tpu.memref_slice %arg11[%add3A_356] : memref<1050624xf32, #tpu.memory_space<vmem_shared>> -> memref<16384xf32, #tpu.memory_space<vmem_shared>>
      tpu.wait_dma2 semaphore(%run_scoped3A_392 : memref<!tpu.dma_semaphore, #tpu.memory_space<semaphore_mem>>) src(%arg9 : memref<16384xf32, #tpu.memory_space<vmem>>) dst(%dma_wait3A_395 : memref<16384xf32, #tpu.memory_space<vmem_shared>>)
      tpu.yield
    }) : () -> ()
    %mul3A_357 = arith.constant 65536 : i32
    %mul3A_358 = arith.muli %arg1, %mul3A_357 : i32
    %add3A_359 = arith.constant 32768 : i32
    %add3A_360 = arith.addi %mul3A_358, %add3A_359 : i32
    "tpu.region"() ({
      %run_scoped3A_392 = tpu.sem_alloc : memref<!tpu.dma_semaphore, #tpu.memory_space<semaphore_mem>>
      %dma_start3A = tpu.memref_slice %arg11[%add3A_360] : memref<1050624xf32, #tpu.memory_space<vmem_shared>> -> memref<16384xf32, #tpu.memory_space<vmem_shared>>
      %dma_start3A_393 = tpu.memref_slice %arg11[%add3A_360] : memref<1050624xf32, #tpu.memory_space<vmem_shared>> -> memref<16384xf32, #tpu.memory_space<vmem_shared>>
      tpu.enqueue_dma source(%arg9 : memref<16384xf32, #tpu.memory_space<vmem>>) target(%dma_start3A_393 : memref<16384xf32, #tpu.memory_space<vmem_shared>>) target_semaphore(%run_scoped3A_392 : memref<!tpu.dma_semaphore, #tpu.memory_space<semaphore_mem>>)
      %dma_wait3A_394 = tpu.memref_slice %arg11[%add3A_360] : memref<1050624xf32, #tpu.memory_space<vmem_shared>> -> memref<16384xf32, #tpu.memory_space<vmem_shared>>
      %dma_wait3A_395 = tpu.memref_slice %arg11[%add3A_360] : memref<1050624xf32, #tpu.memory_space<vmem_shared>> -> memref<16384xf32, #tpu.memory_space<vmem_shared>>
      tpu.wait_dma2 semaphore(%run_scoped3A_392 : memref<!tpu.dma_semaphore, #tpu.memory_space<semaphore_mem>>) src(%arg9 : memref<16384xf32, #tpu.memory_space<vmem>>) dst(%dma_wait3A_395 : memref<16384xf32, #tpu.memory_space<vmem_shared>>)
      tpu.yield
    }) : () -> ()
    %mul3A_361 = arith.constant 65536 : i32
    %mul3A_362 = arith.muli %arg1, %mul3A_361 : i32
    %add3A_363 = arith.constant 49152 : i32
    %add3A_364 = arith.addi %mul3A_362, %add3A_363 : i32
    "tpu.region"() ({
      %run_scoped3A_392 = tpu.sem_alloc : memref<!tpu.dma_semaphore, #tpu.memory_space<semaphore_mem>>
      %dma_start3A = tpu.memref_slice %arg11[%add3A_364] : memref<1050624xf32, #tpu.memory_space<vmem_shared>> -> memref<16384xf32, #tpu.memory_space<vmem_shared>>
      %dma_start3A_393 = tpu.memref_slice %arg11[%add3A_364] : memref<1050624xf32, #tpu.memory_space<vmem_shared>> -> memref<16384xf32, #tpu.memory_space<vmem_shared>>
      tpu.enqueue_dma source(%arg9 : memref<16384xf32, #tpu.memory_space<vmem>>) target(%dma_start3A_393 : memref<16384xf32, #tpu.memory_space<vmem_shared>>) target_semaphore(%run_scoped3A_392 : memref<!tpu.dma_semaphore, #tpu.memory_space<semaphore_mem>>)
      %dma_wait3A_394 = tpu.memref_slice %arg11[%add3A_364] : memref<1050624xf32, #tpu.memory_space<vmem_shared>> -> memref<16384xf32, #tpu.memory_space<vmem_shared>>
      %dma_wait3A_395 = tpu.memref_slice %arg11[%add3A_364] : memref<1050624xf32, #tpu.memory_space<vmem_shared>> -> memref<16384xf32, #tpu.memory_space<vmem_shared>>
      tpu.wait_dma2 semaphore(%run_scoped3A_392 : memref<!tpu.dma_semaphore, #tpu.memory_space<semaphore_mem>>) src(%arg9 : memref<16384xf32, #tpu.memory_space<vmem>>) dst(%dma_wait3A_395 : memref<16384xf32, #tpu.memory_space<vmem_shared>>)
      tpu.yield
    }) : () -> ()
    %barrier3A_365 = arith.constant 0 : index
    tpu.barrier barrier_id(%barrier3A_365)
    %scan3A_366 = arith.constant 0 : i32
    %scan3A_367 = arith.constant 0 : i32
    %scan3A_368 = arith.constant 82 : i32
    %scan3A_369 = arith.addi %scan3A_367, %scan3A_368 : i32
    %scan3A_370 = arith.constant 1 : i32
    scf.for %scan3A_392 = %scan3A_367 to %scan3A_369 step %scan3A_370  : i32 {
      %mul3A_393 = arith.constant 128 : i32
      %mul3A_394 = arith.muli %scan3A_392, %mul3A_393 : i32
      %and3A = arith.constant 2047 : i32
      %and3A_395 = arith.andi %mul3A_394, %and3A : i32
      %add3A_396 = arith.constant 1048576 : i32
      %add3A_397 = arith.addi %add3A_396, %and3A_395 : i32
      %get3A = arith.index_cast %scan3A_392 : i32 to index
      %get3A_398 = arith.constant 0 : index
      %get3A_399 = tpu.vector_load %arg5[%get3A, %get3A_398] {strides = array<i32>} : memref<82x128xi32, #tpu.memory_space<vmem>>, vector<1x16xi32>,
      %get3A_400 = vector.shape_cast %get3A_399 : vector<1x16xi32> to vector<16xi32>
      %sub3A = vector.broadcast %mul3A_348 : i32 to vector<16xi32>
      %sub3A_401 = arith.subi %get3A_400, %sub3A : vector<16xi32>
      %ge3A = arith.constant 0 : i32
      %ge3A_402 = vector.broadcast %ge3A : i32 to vector<16xi32>
      %ge3A_403 = arith.cmpi sge, %sub3A_401, %ge3A_402 : vector<16xi32>
      %lt3A = arith.constant 1048576 : i32
      %lt3A_404 = vector.broadcast %lt3A : i32 to vector<16xi32>
      %lt3A_405 = arith.cmpi slt, %sub3A_401, %lt3A_404 : vector<16xi32>
      %and3A_406 = arith.andi %ge3A_403, %lt3A_405 : vector<16xi1>
      %add3A_407 = arith.constant 0 : i32
      %add3A_408 = arith.addi %add3A_397, %add3A_407 : i32
      %iota3A = tpu.iota {dimensions = array<i32: 0>} : vector<16xi32>
      %add3A_409 = vector.broadcast %add3A_408 : i32 to vector<16xi32>
      %add3A_410 = arith.addi %add3A_409, %iota3A : vector<16xi32>
      %select_n3A = arith.select %and3A_406, %sub3A_401, %add3A_410 : vector<16xi1>, vector<16xi32>
      %swap3A = arith.index_cast %scan3A_392 : i32 to index
      %swap3A_411 = arith.constant 0 : index
      %swap3A_412 = tpu.vector_load %arg7[%swap3A, %swap3A_411] {strides = array<i32>} : memref<82x128xi32, #tpu.memory_space<vmem>>, vector<1x16xi32>,
      %swap3A_413 = vector.shape_cast %swap3A_412 : vector<1x16xi32> to vector<16xi32>
      %swap3A_414 = vector.shape_cast %select_n3A : vector<16xi32> to vector<1x16xi32>
      tpu.vector_store %arg7[%swap3A, %swap3A_411], %swap3A_414 {strides = array<i32>} : memref<82x128xi32, #tpu.memory_space<vmem>>, vector<1x16xi32>,
      %get3A_415 = arith.index_cast %scan3A_392 : i32 to index
      %get3A_416 = arith.constant 0 : index
      %get3A_417 = tpu.vector_load %arg6[%get3A_415, %get3A_416] {strides = array<i32>} : memref<82x128xf32, #tpu.memory_space<vmem>>, vector<1x16xf32>,
      %get3A_418 = vector.shape_cast %get3A_417 : vector<1x16xf32> to vector<16xf32>
      %jit3A = arith.constant 0.000000e+00 : f32
      %broadcast_in_dim3A = vector.broadcast %jit3A : f32 to vector<16xf32>
      %select_n3A_419 = arith.select %and3A_406, %get3A_418, %broadcast_in_dim3A : vector<16xi1>, vector<16xf32>
      %swap3A_420 = arith.index_cast %scan3A_392 : i32 to index
      %swap3A_421 = arith.constant 0 : index
      %swap3A_422 = tpu.vector_load %arg8[%swap3A_420, %swap3A_421] {strides = array<i32>} : memref<82x128xf32, #tpu.memory_space<vmem>>, vector<1x16xf32>,
      %swap3A_423 = vector.shape_cast %swap3A_422 : vector<1x16xf32> to vector<16xf32>
      %swap3A_424 = vector.shape_cast %select_n3A_419 : vector<16xf32> to vector<1x16xf32>
      tpu.vector_store %arg8[%swap3A_420, %swap3A_421], %swap3A_424 {strides = array<i32>} : memref<82x128xf32, #tpu.memory_space<vmem>>, vector<1x16xf32>,
      %get3A_425 = arith.index_cast %scan3A_392 : i32 to index
      %get3A_426 = arith.constant 16 : index
      %get3A_427 = tpu.vector_load %arg5[%get3A_425, %get3A_426] {strides = array<i32>} : memref<82x128xi32, #tpu.memory_space<vmem>>, vector<1x16xi32>,
      %get3A_428 = vector.shape_cast %get3A_427 : vector<1x16xi32> to vector<16xi32>
      %sub3A_429 = vector.broadcast %mul3A_348 : i32 to vector<16xi32>
      %sub3A_430 = arith.subi %get3A_428, %sub3A_429 : vector<16xi32>
      %ge3A_431 = arith.constant 0 : i32
      %ge3A_432 = vector.broadcast %ge3A_431 : i32 to vector<16xi32>
      %ge3A_433 = arith.cmpi sge, %sub3A_430, %ge3A_432 : vector<16xi32>
      %lt3A_434 = arith.constant 1048576 : i32
      %lt3A_435 = vector.broadcast %lt3A_434 : i32 to vector<16xi32>
      %lt3A_436 = arith.cmpi slt, %sub3A_430, %lt3A_435 : vector<16xi32>
      %and3A_437 = arith.andi %ge3A_433, %lt3A_436 : vector<16xi1>
      %add3A_438 = arith.constant 16 : i32
      %add3A_439 = arith.addi %add3A_397, %add3A_438 : i32
      %iota3A_440 = tpu.iota {dimensions = array<i32: 0>} : vector<16xi32>
      %add3A_441 = vector.broadcast %add3A_439 : i32 to vector<16xi32>
      %add3A_442 = arith.addi %add3A_441, %iota3A_440 : vector<16xi32>
      %select_n3A_443 = arith.select %and3A_437, %sub3A_430, %add3A_442 : vector<16xi1>, vector<16xi32>
      %swap3A_444 = arith.index_cast %scan3A_392 : i32 to index
      %swap3A_445 = arith.constant 16 : index
      %swap3A_446 = tpu.vector_load %arg7[%swap3A_444, %swap3A_445] {strides = array<i32>} : memref<82x128xi32, #tpu.memory_space<vmem>>, vector<1x16xi32>,
      %swap3A_447 = vector.shape_cast %swap3A_446 : vector<1x16xi32> to vector<16xi32>
      %swap3A_448 = vector.shape_cast %select_n3A_443 : vector<16xi32> to vector<1x16xi32>
      tpu.vector_store %arg7[%swap3A_444, %swap3A_445], %swap3A_448 {strides = array<i32>} : memref<82x128xi32, #tpu.memory_space<vmem>>, vector<1x16xi32>,
      %get3A_449 = arith.index_cast %scan3A_392 : i32 to index
      %get3A_450 = arith.constant 16 : index
      %get3A_451 = tpu.vector_load %arg6[%get3A_449, %get3A_450] {strides = array<i32>} : memref<82x128xf32, #tpu.memory_space<vmem>>, vector<1x16xf32>,
      %get3A_452 = vector.shape_cast %get3A_451 : vector<1x16xf32> to vector<16xf32>
      %jit3A_453 = arith.constant 0.000000e+00 : f32
      %broadcast_in_dim3A_454 = vector.broadcast %jit3A_453 : f32 to vector<16xf32>
      %select_n3A_455 = arith.select %and3A_437, %get3A_452, %broadcast_in_dim3A_454 : vector<16xi1>, vector<16xf32>
      %swap3A_456 = arith.index_cast %scan3A_392 : i32 to index
      %swap3A_457 = arith.constant 16 : index
      %swap3A_458 = tpu.vector_load %arg8[%swap3A_456, %swap3A_457] {strides = array<i32>} : memref<82x128xf32, #tpu.memory_space<vmem>>, vector<1x16xf32>,
      %swap3A_459 = vector.shape_cast %swap3A_458 : vector<1x16xf32> to vector<16xf32>
      %swap3A_460 = vector.shape_cast %select_n3A_455 : vector<16xf32> to vector<1x16xf32>
      tpu.vector_store %arg8[%swap3A_456, %swap3A_457], %swap3A_460 {strides = array<i32>} : memref<82x128xf32, #tpu.memory_space<vmem>>, vector<1x16xf32>,
      %get3A_461 = arith.index_cast %scan3A_392 : i32 to index
      %get3A_462 = arith.constant 32 : index
      %get3A_463 = tpu.vector_load %arg5[%get3A_461, %get3A_462] {strides = array<i32>} : memref<82x128xi32, #tpu.memory_space<vmem>>, vector<1x16xi32>,
      %get3A_464 = vector.shape_cast %get3A_463 : vector<1x16xi32> to vector<16xi32>
      %sub3A_465 = vector.broadcast %mul3A_348 : i32 to vector<16xi32>
      %sub3A_466 = arith.subi %get3A_464, %sub3A_465 : vector<16xi32>
      %ge3A_467 = arith.constant 0 : i32
      %ge3A_468 = vector.broadcast %ge3A_467 : i32 to vector<16xi32>
      %ge3A_469 = arith.cmpi sge, %sub3A_466, %ge3A_468 : vector<16xi32>
      %lt3A_470 = arith.constant 1048576 : i32
      %lt3A_471 = vector.broadcast %lt3A_470 : i32 to vector<16xi32>
      %lt3A_472 = arith.cmpi slt, %sub3A_466, %lt3A_471 : vector<16xi32>
      %and3A_473 = arith.andi %ge3A_469, %lt3A_472 : vector<16xi1>
      %add3A_474 = arith.constant 32 : i32
      %add3A_475 = arith.addi %add3A_397, %add3A_474 : i32
      %iota3A_476 = tpu.iota {dimensions = array<i32: 0>} : vector<16xi32>
      %add3A_477 = vector.broadcast %add3A_475 : i32 to vector<16xi32>
      %add3A_478 = arith.addi %add3A_477, %iota3A_476 : vector<16xi32>
      %select_n3A_479 = arith.select %and3A_473, %sub3A_466, %add3A_478 : vector<16xi1>, vector<16xi32>
      %swap3A_480 = arith.index_cast %scan3A_392 : i32 to index
      %swap3A_481 = arith.constant 32 : index
      %swap3A_482 = tpu.vector_load %arg7[%swap3A_480, %swap3A_481] {strides = array<i32>} : memref<82x128xi32, #tpu.memory_space<vmem>>, vector<1x16xi32>,
      %swap3A_483 = vector.shape_cast %swap3A_482 : vector<1x16xi32> to vector<16xi32>
      %swap3A_484 = vector.shape_cast %select_n3A_479 : vector<16xi32> to vector<1x16xi32>
      tpu.vector_store %arg7[%swap3A_480, %swap3A_481], %swap3A_484 {strides = array<i32>} : memref<82x128xi32, #tpu.memory_space<vmem>>, vector<1x16xi32>,
      %get3A_485 = arith.index_cast %scan3A_392 : i32 to index
      %get3A_486 = arith.constant 32 : index
      %get3A_487 = tpu.vector_load %arg6[%get3A_485, %get3A_486] {strides = array<i32>} : memref<82x128xf32, #tpu.memory_space<vmem>>, vector<1x16xf32>,
      %get3A_488 = vector.shape_cast %get3A_487 : vector<1x16xf32> to vector<16xf32>
      %jit3A_489 = arith.constant 0.000000e+00 : f32
      %broadcast_in_dim3A_490 = vector.broadcast %jit3A_489 : f32 to vector<16xf32>
      %select_n3A_491 = arith.select %and3A_473, %get3A_488, %broadcast_in_dim3A_490 : vector<16xi1>, vector<16xf32>
      %swap3A_492 = arith.index_cast %scan3A_392 : i32 to index
      %swap3A_493 = arith.constant 32 : index
      %swap3A_494 = tpu.vector_load %arg8[%swap3A_492, %swap3A_493] {strides = array<i32>} : memref<82x128xf32, #tpu.memory_space<vmem>>, vector<1x16xf32>,
      %swap3A_495 = vector.shape_cast %swap3A_494 : vector<1x16xf32> to vector<16xf32>
      %swap3A_496 = vector.shape_cast %select_n3A_491 : vector<16xf32> to vector<1x16xf32>
      tpu.vector_store %arg8[%swap3A_492, %swap3A_493], %swap3A_496 {strides = array<i32>} : memref<82x128xf32, #tpu.memory_space<vmem>>, vector<1x16xf32>,
      %get3A_497 = arith.index_cast %scan3A_392 : i32 to index
      %get3A_498 = arith.constant 48 : index
      %get3A_499 = tpu.vector_load %arg5[%get3A_497, %get3A_498] {strides = array<i32>} : memref<82x128xi32, #tpu.memory_space<vmem>>, vector<1x16xi32>,
      %get3A_500 = vector.shape_cast %get3A_499 : vector<1x16xi32> to vector<16xi32>
      %sub3A_501 = vector.broadcast %mul3A_348 : i32 to vector<16xi32>
      %sub3A_502 = arith.subi %get3A_500, %sub3A_501 : vector<16xi32>
      %ge3A_503 = arith.constant 0 : i32
      %ge3A_504 = vector.broadcast %ge3A_503 : i32 to vector<16xi32>
      %ge3A_505 = arith.cmpi sge, %sub3A_502, %ge3A_504 : vector<16xi32>
      %lt3A_506 = arith.constant 1048576 : i32
      %lt3A_507 = vector.broadcast %lt3A_506 : i32 to vector<16xi32>
      %lt3A_508 = arith.cmpi slt, %sub3A_502, %lt3A_507 : vector<16xi32>
      %and3A_509 = arith.andi %ge3A_505, %lt3A_508 : vector<16xi1>
      %add3A_510 = arith.constant 48 : i32
      %add3A_511 = arith.addi %add3A_397, %add3A_510 : i32
      %iota3A_512 = tpu.iota {dimensions = array<i32: 0>} : vector<16xi32>
      %add3A_513 = vector.broadcast %add3A_511 : i32 to vector<16xi32>
      %add3A_514 = arith.addi %add3A_513, %iota3A_512 : vector<16xi32>
      %select_n3A_515 = arith.select %and3A_509, %sub3A_502, %add3A_514 : vector<16xi1>, vector<16xi32>
      %swap3A_516 = arith.index_cast %scan3A_392 : i32 to index
      %swap3A_517 = arith.constant 48 : index
      %swap3A_518 = tpu.vector_load %arg7[%swap3A_516, %swap3A_517] {strides = array<i32>} : memref<82x128xi32, #tpu.memory_space<vmem>>, vector<1x16xi32>,
      %swap3A_519 = vector.shape_cast %swap3A_518 : vector<1x16xi32> to vector<16xi32>
      %swap3A_520 = vector.shape_cast %select_n3A_515 : vector<16xi32> to vector<1x16xi32>
      tpu.vector_store %arg7[%swap3A_516, %swap3A_517], %swap3A_520 {strides = array<i32>} : memref<82x128xi32, #tpu.memory_space<vmem>>, vector<1x16xi32>,
      %get3A_521 = arith.index_cast %scan3A_392 : i32 to index
      %get3A_522 = arith.constant 48 : index
      %get3A_523 = tpu.vector_load %arg6[%get3A_521, %get3A_522] {strides = array<i32>} : memref<82x128xf32, #tpu.memory_space<vmem>>, vector<1x16xf32>,
      %get3A_524 = vector.shape_cast %get3A_523 : vector<1x16xf32> to vector<16xf32>
      %jit3A_525 = arith.constant 0.000000e+00 : f32
      %broadcast_in_dim3A_526 = vector.broadcast %jit3A_525 : f32 to vector<16xf32>
      %select_n3A_527 = arith.select %and3A_509, %get3A_524, %broadcast_in_dim3A_526 : vector<16xi1>, vector<16xf32>
      %swap3A_528 = arith.index_cast %scan3A_392 : i32 to index
      %swap3A_529 = arith.constant 48 : index
      %swap3A_530 = tpu.vector_load %arg8[%swap3A_528, %swap3A_529] {strides = array<i32>} : memref<82x128xf32, #tpu.memory_space<vmem>>, vector<1x16xf32>,
      %swap3A_531 = vector.shape_cast %swap3A_530 : vector<1x16xf32> to vector<16xf32>
      %swap3A_532 = vector.shape_cast %select_n3A_527 : vector<16xf32> to vector<1x16xf32>
      tpu.vector_store %arg8[%swap3A_528, %swap3A_529], %swap3A_532 {strides = array<i32>} : memref<82x128xf32, #tpu.memory_space<vmem>>, vector<1x16xf32>,
      %get3A_533 = arith.index_cast %scan3A_392 : i32 to index
      %get3A_534 = arith.constant 64 : index
      %get3A_535 = tpu.vector_load %arg5[%get3A_533, %get3A_534] {strides = array<i32>} : memref<82x128xi32, #tpu.memory_space<vmem>>, vector<1x16xi32>,
      %get3A_536 = vector.shape_cast %get3A_535 : vector<1x16xi32> to vector<16xi32>
      %sub3A_537 = vector.broadcast %mul3A_348 : i32 to vector<16xi32>
      %sub3A_538 = arith.subi %get3A_536, %sub3A_537 : vector<16xi32>
      %ge3A_539 = arith.constant 0 : i32
      %ge3A_540 = vector.broadcast %ge3A_539 : i32 to vector<16xi32>
      %ge3A_541 = arith.cmpi sge, %sub3A_538, %ge3A_540 : vector<16xi32>
      %lt3A_542 = arith.constant 1048576 : i32
      %lt3A_543 = vector.broadcast %lt3A_542 : i32 to vector<16xi32>
      %lt3A_544 = arith.cmpi slt, %sub3A_538, %lt3A_543 : vector<16xi32>
      %and3A_545 = arith.andi %ge3A_541, %lt3A_544 : vector<16xi1>
      %add3A_546 = arith.constant 64 : i32
      %add3A_547 = arith.addi %add3A_397, %add3A_546 : i32
      %iota3A_548 = tpu.iota {dimensions = array<i32: 0>} : vector<16xi32>
      %add3A_549 = vector.broadcast %add3A_547 : i32 to vector<16xi32>
      %add3A_550 = arith.addi %add3A_549, %iota3A_548 : vector<16xi32>
      %select_n3A_551 = arith.select %and3A_545, %sub3A_538, %add3A_550 : vector<16xi1>, vector<16xi32>
      %swap3A_552 = arith.index_cast %scan3A_392 : i32 to index
      %swap3A_553 = arith.constant 64 : index
      %swap3A_554 = tpu.vector_load %arg7[%swap3A_552, %swap3A_553] {strides = array<i32>} : memref<82x128xi32, #tpu.memory_space<vmem>>, vector<1x16xi32>,
      %swap3A_555 = vector.shape_cast %swap3A_554 : vector<1x16xi32> to vector<16xi32>
      %swap3A_556 = vector.shape_cast %select_n3A_551 : vector<16xi32> to vector<1x16xi32>
      tpu.vector_store %arg7[%swap3A_552, %swap3A_553], %swap3A_556 {strides = array<i32>} : memref<82x128xi32, #tpu.memory_space<vmem>>, vector<1x16xi32>,
      %get3A_557 = arith.index_cast %scan3A_392 : i32 to index
      %get3A_558 = arith.constant 64 : index
      %get3A_559 = tpu.vector_load %arg6[%get3A_557, %get3A_558] {strides = array<i32>} : memref<82x128xf32, #tpu.memory_space<vmem>>, vector<1x16xf32>,
      %get3A_560 = vector.shape_cast %get3A_559 : vector<1x16xf32> to vector<16xf32>
      %jit3A_561 = arith.constant 0.000000e+00 : f32
      %broadcast_in_dim3A_562 = vector.broadcast %jit3A_561 : f32 to vector<16xf32>
      %select_n3A_563 = arith.select %and3A_545, %get3A_560, %broadcast_in_dim3A_562 : vector<16xi1>, vector<16xf32>
      %swap3A_564 = arith.index_cast %scan3A_392 : i32 to index
      %swap3A_565 = arith.constant 64 : index
      %swap3A_566 = tpu.vector_load %arg8[%swap3A_564, %swap3A_565] {strides = array<i32>} : memref<82x128xf32, #tpu.memory_space<vmem>>, vector<1x16xf32>,
      %swap3A_567 = vector.shape_cast %swap3A_566 : vector<1x16xf32> to vector<16xf32>
      %swap3A_568 = vector.shape_cast %select_n3A_563 : vector<16xf32> to vector<1x16xf32>
      tpu.vector_store %arg8[%swap3A_564, %swap3A_565], %swap3A_568 {strides = array<i32>} : memref<82x128xf32, #tpu.memory_space<vmem>>, vector<1x16xf32>,
      %get3A_569 = arith.index_cast %scan3A_392 : i32 to index
      %get3A_570 = arith.constant 80 : index
      %get3A_571 = tpu.vector_load %arg5[%get3A_569, %get3A_570] {strides = array<i32>} : memref<82x128xi32, #tpu.memory_space<vmem>>, vector<1x16xi32>,
      %get3A_572 = vector.shape_cast %get3A_571 : vector<1x16xi32> to vector<16xi32>
      %sub3A_573 = vector.broadcast %mul3A_348 : i32 to vector<16xi32>
      %sub3A_574 = arith.subi %get3A_572, %sub3A_573 : vector<16xi32>
      %ge3A_575 = arith.constant 0 : i32
      %ge3A_576 = vector.broadcast %ge3A_575 : i32 to vector<16xi32>
      %ge3A_577 = arith.cmpi sge, %sub3A_574, %ge3A_576 : vector<16xi32>
      %lt3A_578 = arith.constant 1048576 : i32
      %lt3A_579 = vector.broadcast %lt3A_578 : i32 to vector<16xi32>
      %lt3A_580 = arith.cmpi slt, %sub3A_574, %lt3A_579 : vector<16xi32>
      %and3A_581 = arith.andi %ge3A_577, %lt3A_580 : vector<16xi1>
      %add3A_582 = arith.constant 80 : i32
      %add3A_583 = arith.addi %add3A_397, %add3A_582 : i32
      %iota3A_584 = tpu.iota {dimensions = array<i32: 0>} : vector<16xi32>
      %add3A_585 = vector.broadcast %add3A_583 : i32 to vector<16xi32>
      %add3A_586 = arith.addi %add3A_585, %iota3A_584 : vector<16xi32>
      %select_n3A_587 = arith.select %and3A_581, %sub3A_574, %add3A_586 : vector<16xi1>, vector<16xi32>
      %swap3A_588 = arith.index_cast %scan3A_392 : i32 to index
      %swap3A_589 = arith.constant 80 : index
      %swap3A_590 = tpu.vector_load %arg7[%swap3A_588, %swap3A_589] {strides = array<i32>} : memref<82x128xi32, #tpu.memory_space<vmem>>, vector<1x16xi32>,
      %swap3A_591 = vector.shape_cast %swap3A_590 : vector<1x16xi32> to vector<16xi32>
      %swap3A_592 = vector.shape_cast %select_n3A_587 : vector<16xi32> to vector<1x16xi32>
      tpu.vector_store %arg7[%swap3A_588, %swap3A_589], %swap3A_592 {strides = array<i32>} : memref<82x128xi32, #tpu.memory_space<vmem>>, vector<1x16xi32>,
      %get3A_593 = arith.index_cast %scan3A_392 : i32 to index
      %get3A_594 = arith.constant 80 : index
      %get3A_595 = tpu.vector_load %arg6[%get3A_593, %get3A_594] {strides = array<i32>} : memref<82x128xf32, #tpu.memory_space<vmem>>, vector<1x16xf32>,
      %get3A_596 = vector.shape_cast %get3A_595 : vector<1x16xf32> to vector<16xf32>
      %jit3A_597 = arith.constant 0.000000e+00 : f32
      %broadcast_in_dim3A_598 = vector.broadcast %jit3A_597 : f32 to vector<16xf32>
      %select_n3A_599 = arith.select %and3A_581, %get3A_596, %broadcast_in_dim3A_598 : vector<16xi1>, vector<16xf32>
      %swap3A_600 = arith.index_cast %scan3A_392 : i32 to index
      %swap3A_601 = arith.constant 80 : index
      %swap3A_602 = tpu.vector_load %arg8[%swap3A_600, %swap3A_601] {strides = array<i32>} : memref<82x128xf32, #tpu.memory_space<vmem>>, vector<1x16xf32>,
      %swap3A_603 = vector.shape_cast %swap3A_602 : vector<1x16xf32> to vector<16xf32>
      %swap3A_604 = vector.shape_cast %select_n3A_599 : vector<16xf32> to vector<1x16xf32>
      tpu.vector_store %arg8[%swap3A_600, %swap3A_601], %swap3A_604 {strides = array<i32>} : memref<82x128xf32, #tpu.memory_space<vmem>>, vector<1x16xf32>,
      %get3A_605 = arith.index_cast %scan3A_392 : i32 to index
      %get3A_606 = arith.constant 96 : index
      %get3A_607 = tpu.vector_load %arg5[%get3A_605, %get3A_606] {strides = array<i32>} : memref<82x128xi32, #tpu.memory_space<vmem>>, vector<1x16xi32>,
      %get3A_608 = vector.shape_cast %get3A_607 : vector<1x16xi32> to vector<16xi32>
      %sub3A_609 = vector.broadcast %mul3A_348 : i32 to vector<16xi32>
      %sub3A_610 = arith.subi %get3A_608, %sub3A_609 : vector<16xi32>
      %ge3A_611 = arith.constant 0 : i32
      %ge3A_612 = vector.broadcast %ge3A_611 : i32 to vector<16xi32>
      %ge3A_613 = arith.cmpi sge, %sub3A_610, %ge3A_612 : vector<16xi32>
      %lt3A_614 = arith.constant 1048576 : i32
      %lt3A_615 = vector.broadcast %lt3A_614 : i32 to vector<16xi32>
      %lt3A_616 = arith.cmpi slt, %sub3A_610, %lt3A_615 : vector<16xi32>
      %and3A_617 = arith.andi %ge3A_613, %lt3A_616 : vector<16xi1>
      %add3A_618 = arith.constant 96 : i32
      %add3A_619 = arith.addi %add3A_397, %add3A_618 : i32
      %iota3A_620 = tpu.iota {dimensions = array<i32: 0>} : vector<16xi32>
      %add3A_621 = vector.broadcast %add3A_619 : i32 to vector<16xi32>
      %add3A_622 = arith.addi %add3A_621, %iota3A_620 : vector<16xi32>
      %select_n3A_623 = arith.select %and3A_617, %sub3A_610, %add3A_622 : vector<16xi1>, vector<16xi32>
      %swap3A_624 = arith.index_cast %scan3A_392 : i32 to index
      %swap3A_625 = arith.constant 96 : index
      %swap3A_626 = tpu.vector_load %arg7[%swap3A_624, %swap3A_625] {strides = array<i32>} : memref<82x128xi32, #tpu.memory_space<vmem>>, vector<1x16xi32>,
      %swap3A_627 = vector.shape_cast %swap3A_626 : vector<1x16xi32> to vector<16xi32>
      %swap3A_628 = vector.shape_cast %select_n3A_623 : vector<16xi32> to vector<1x16xi32>
      tpu.vector_store %arg7[%swap3A_624, %swap3A_625], %swap3A_628 {strides = array<i32>} : memref<82x128xi32, #tpu.memory_space<vmem>>, vector<1x16xi32>,
      %get3A_629 = arith.index_cast %scan3A_392 : i32 to index
      %get3A_630 = arith.constant 96 : index
      %get3A_631 = tpu.vector_load %arg6[%get3A_629, %get3A_630] {strides = array<i32>} : memref<82x128xf32, #tpu.memory_space<vmem>>, vector<1x16xf32>,
      %get3A_632 = vector.shape_cast %get3A_631 : vector<1x16xf32> to vector<16xf32>
      %jit3A_633 = arith.constant 0.000000e+00 : f32
      %broadcast_in_dim3A_634 = vector.broadcast %jit3A_633 : f32 to vector<16xf32>
      %select_n3A_635 = arith.select %and3A_617, %get3A_632, %broadcast_in_dim3A_634 : vector<16xi1>, vector<16xf32>
      %swap3A_636 = arith.index_cast %scan3A_392 : i32 to index
      %swap3A_637 = arith.constant 96 : index
      %swap3A_638 = tpu.vector_load %arg8[%swap3A_636, %swap3A_637] {strides = array<i32>} : memref<82x128xf32, #tpu.memory_space<vmem>>, vector<1x16xf32>,
      %swap3A_639 = vector.shape_cast %swap3A_638 : vector<1x16xf32> to vector<16xf32>
      %swap3A_640 = vector.shape_cast %select_n3A_635 : vector<16xf32> to vector<1x16xf32>
      tpu.vector_store %arg8[%swap3A_636, %swap3A_637], %swap3A_640 {strides = array<i32>} : memref<82x128xf32, #tpu.memory_space<vmem>>, vector<1x16xf32>,
      %get3A_641 = arith.index_cast %scan3A_392 : i32 to index
      %get3A_642 = arith.constant 112 : index
      %get3A_643 = tpu.vector_load %arg5[%get3A_641, %get3A_642] {strides = array<i32>} : memref<82x128xi32, #tpu.memory_space<vmem>>, vector<1x16xi32>,
      %get3A_644 = vector.shape_cast %get3A_643 : vector<1x16xi32> to vector<16xi32>
      %sub3A_645 = vector.broadcast %mul3A_348 : i32 to vector<16xi32>
      %sub3A_646 = arith.subi %get3A_644, %sub3A_645 : vector<16xi32>
      %ge3A_647 = arith.constant 0 : i32
      %ge3A_648 = vector.broadcast %ge3A_647 : i32 to vector<16xi32>
      %ge3A_649 = arith.cmpi sge, %sub3A_646, %ge3A_648 : vector<16xi32>
      %lt3A_650 = arith.constant 1048576 : i32
      %lt3A_651 = vector.broadcast %lt3A_650 : i32 to vector<16xi32>
      %lt3A_652 = arith.cmpi slt, %sub3A_646, %lt3A_651 : vector<16xi32>
      %and3A_653 = arith.andi %ge3A_649, %lt3A_652 : vector<16xi1>
      %add3A_654 = arith.constant 112 : i32
      %add3A_655 = arith.addi %add3A_397, %add3A_654 : i32
      %iota3A_656 = tpu.iota {dimensions = array<i32: 0>} : vector<16xi32>
      %add3A_657 = vector.broadcast %add3A_655 : i32 to vector<16xi32>
      %add3A_658 = arith.addi %add3A_657, %iota3A_656 : vector<16xi32>
      %select_n3A_659 = arith.select %and3A_653, %sub3A_646, %add3A_658 : vector<16xi1>, vector<16xi32>
      %swap3A_660 = arith.index_cast %scan3A_392 : i32 to index
      %swap3A_661 = arith.constant 112 : index
      %swap3A_662 = tpu.vector_load %arg7[%swap3A_660, %swap3A_661] {strides = array<i32>} : memref<82x128xi32, #tpu.memory_space<vmem>>, vector<1x16xi32>,
      %swap3A_663 = vector.shape_cast %swap3A_662 : vector<1x16xi32> to vector<16xi32>
      %swap3A_664 = vector.shape_cast %select_n3A_659 : vector<16xi32> to vector<1x16xi32>
      tpu.vector_store %arg7[%swap3A_660, %swap3A_661], %swap3A_664 {strides = array<i32>} : memref<82x128xi32, #tpu.memory_space<vmem>>, vector<1x16xi32>,
      %get3A_665 = arith.index_cast %scan3A_392 : i32 to index
      %get3A_666 = arith.constant 112 : index
      %get3A_667 = tpu.vector_load %arg6[%get3A_665, %get3A_666] {strides = array<i32>} : memref<82x128xf32, #tpu.memory_space<vmem>>, vector<1x16xf32>,
      %get3A_668 = vector.shape_cast %get3A_667 : vector<1x16xf32> to vector<16xf32>
      %jit3A_669 = arith.constant 0.000000e+00 : f32
      %broadcast_in_dim3A_670 = vector.broadcast %jit3A_669 : f32 to vector<16xf32>
      %select_n3A_671 = arith.select %and3A_653, %get3A_668, %broadcast_in_dim3A_670 : vector<16xi1>, vector<16xf32>
      %swap3A_672 = arith.index_cast %scan3A_392 : i32 to index
      %swap3A_673 = arith.constant 112 : index
      %swap3A_674 = tpu.vector_load %arg8[%swap3A_672, %swap3A_673] {strides = array<i32>} : memref<82x128xf32, #tpu.memory_space<vmem>>, vector<1x16xf32>,
      %swap3A_675 = vector.shape_cast %swap3A_674 : vector<1x16xf32> to vector<16xf32>
      %swap3A_676 = vector.shape_cast %select_n3A_671 : vector<16xf32> to vector<1x16xf32>
      tpu.vector_store %arg8[%swap3A_672, %swap3A_673], %swap3A_676 {strides = array<i32>} : memref<82x128xf32, #tpu.memory_space<vmem>>, vector<1x16xf32>,
      %dma_start3A = arith.constant 0 : i32
      %dma_start3A_677 = tpu.memref_slice %arg8[%scan3A_392, %dma_start3A] : memref<82x128xf32, #tpu.memory_space<vmem>> -> memref<1x128xf32, #tpu.memory_space<vmem>>
      %dma_start3A_678 = tpu.memref_squeeze %dma_start3A_677 : memref<1x128xf32, #tpu.memory_space<vmem>> -> memref<128xf32, #tpu.memory_space<vmem>>
      %dma_start3A_679 = arith.constant 0 : i32
      %dma_start3A_680 = tpu.memref_slice %arg7[%scan3A_392, %dma_start3A_679] : memref<82x128xi32, #tpu.memory_space<vmem>> -> memref<1x128xi32, #tpu.memory_space<vmem>>
      %dma_start3A_681 = tpu.memref_squeeze %dma_start3A_680 : memref<1x128xi32, #tpu.memory_space<vmem>> -> memref<128xi32, #tpu.memory_space<vmem>>
      %dma_start3A_682 = arith.constant 0 : i32
      %dma_start3A_683 = tpu.memref_slice %arg11[%dma_start3A_682] : memref<1050624xf32, #tpu.memory_space<vmem_shared>> -> memref<1050624xf32, #tpu.memory_space<vmem_shared>>
      tpu.enqueue_indirect_dma source(%dma_start3A_678 : memref<128xf32, #tpu.memory_space<vmem>>) target(%dma_start3A_683 : memref<1050624xf32, #tpu.memory_space<vmem_shared>>) offsets(%dma_start3A_681 : memref<128xi32, #tpu.memory_space<vmem>>) semaphore(%arg12 : memref<!tpu.dma_semaphore, #tpu.memory_space<semaphore_mem>>) {add = true}
    }
    %scan3A_371 = arith.constant 82 : i32
    %dma_wait3A_372 = arith.constant 0 : i32
    %dma_wait3A_373 = arith.constant 0 : i32
    %dma_wait3A_374 = tpu.memref_slice %arg3[%arg1, %dma_wait3A_372, %dma_wait3A_373] : memref<16x82x128xf32, #tpu.memory_space<hbm>> -> memref<1x82x128xf32, #tpu.memory_space<hbm>>
    %dma_wait3A_375 = tpu.memref_squeeze %dma_wait3A_374 : memref<1x82x128xf32, #tpu.memory_space<hbm>> -> memref<82x128xf32, #tpu.memory_space<hbm>>
    %dma_wait3A_376 = arith.constant 0 : i32
    %dma_wait3A_377 = arith.constant 0 : i32
    %dma_wait3A_378 = tpu.memref_slice %arg3[%arg1, %dma_wait3A_376, %dma_wait3A_377] : memref<16x82x128xf32, #tpu.memory_space<hbm>> -> memref<1x82x128xf32, #tpu.memory_space<hbm>>
    %dma_wait3A_379 = tpu.memref_squeeze %dma_wait3A_378 : memref<1x82x128xf32, #tpu.memory_space<hbm>> -> memref<82x128xf32, #tpu.memory_space<hbm>>
    tpu.wait_dma2 semaphore(%arg12 : memref<!tpu.dma_semaphore, #tpu.memory_space<semaphore_mem>>) src(%dma_wait3A_379 : memref<82x128xf32, #tpu.memory_space<hbm>>) dst(%arg8 : memref<82x128xf32, #tpu.memory_space<vmem>>)
    %run_scoped3A_380 = arith.constant 81 : i32
    "tpu.region"() ({
      %run_scoped3A_392 = tpu.sem_alloc : memref<!tpu.dma_semaphore, #tpu.memory_space<semaphore_mem>>
      %dma_start3A = arith.constant 0 : i32
      %dma_start3A_393 = tpu.memref_slice %arg7[%run_scoped3A_380, %dma_start3A] : memref<82x128xi32, #tpu.memory_space<vmem>> -> memref<1x128xi32, #tpu.memory_space<vmem>>
      %dma_start3A_394 = tpu.memref_squeeze %dma_start3A_393 : memref<1x128xi32, #tpu.memory_space<vmem>> -> memref<128xi32, #tpu.memory_space<vmem>>
      %dma_start3A_395 = arith.constant 0 : i32
      %dma_start3A_396 = tpu.memref_slice %arg11[%dma_start3A_395] : memref<1050624xf32, #tpu.memory_space<vmem_shared>> -> memref<1050624xf32, #tpu.memory_space<vmem_shared>>
      tpu.enqueue_indirect_dma source(%dma_start3A_396 : memref<1050624xf32, #tpu.memory_space<vmem_shared>>) target(%arg10 : memref<128xf32, #tpu.memory_space<vmem>>) offsets(%dma_start3A_394 : memref<128xi32, #tpu.memory_space<vmem>>) semaphore(%run_scoped3A_392 : memref<!tpu.dma_semaphore, #tpu.memory_space<semaphore_mem>>)
      %dma_wait3A_397 = arith.constant 0 : i32
      %dma_wait3A_398 = tpu.memref_slice %arg7[%run_scoped3A_380, %dma_wait3A_397] : memref<82x128xi32, #tpu.memory_space<vmem>> -> memref<1x128xi32, #tpu.memory_space<vmem>>
      %dma_wait3A_399 = tpu.memref_squeeze %dma_wait3A_398 : memref<1x128xi32, #tpu.memory_space<vmem>> -> memref<128xi32, #tpu.memory_space<vmem>>
      %dma_wait3A_400 = arith.constant 0 : i32
      %dma_wait3A_401 = tpu.memref_slice %arg11[%dma_wait3A_400] : memref<1050624xf32, #tpu.memory_space<vmem_shared>> -> memref<1050624xf32, #tpu.memory_space<vmem_shared>>
      tpu.wait_indirect_dma semaphore(%run_scoped3A_392 : memref<!tpu.dma_semaphore, #tpu.memory_space<semaphore_mem>>) src(%dma_wait3A_401 : memref<1050624xf32, #tpu.memory_space<vmem_shared>>) dst(%arg10 : memref<128xf32, #tpu.memory_space<vmem>>)
      tpu.yield
    }) : () -> ()
    %run_scoped3A_381 = arith.constant 80 : i32
    "tpu.region"() ({
      %run_scoped3A_392 = tpu.sem_alloc : memref<!tpu.dma_semaphore, #tpu.memory_space<semaphore_mem>>
      %dma_start3A = arith.constant 0 : i32
      %dma_start3A_393 = tpu.memref_slice %arg7[%run_scoped3A_381, %dma_start3A] : memref<82x128xi32, #tpu.memory_space<vmem>> -> memref<1x128xi32, #tpu.memory_space<vmem>>
      %dma_start3A_394 = tpu.memref_squeeze %dma_start3A_393 : memref<1x128xi32, #tpu.memory_space<vmem>> -> memref<128xi32, #tpu.memory_space<vmem>>
      %dma_start3A_395 = arith.constant 0 : i32
      %dma_start3A_396 = tpu.memref_slice %arg11[%dma_start3A_395] : memref<1050624xf32, #tpu.memory_space<vmem_shared>> -> memref<1050624xf32, #tpu.memory_space<vmem_shared>>
      tpu.enqueue_indirect_dma source(%dma_start3A_396 : memref<1050624xf32, #tpu.memory_space<vmem_shared>>) target(%arg10 : memref<128xf32, #tpu.memory_space<vmem>>) offsets(%dma_start3A_394 : memref<128xi32, #tpu.memory_space<vmem>>) semaphore(%run_scoped3A_392 : memref<!tpu.dma_semaphore, #tpu.memory_space<semaphore_mem>>)
      %dma_wait3A_397 = arith.constant 0 : i32
      %dma_wait3A_398 = tpu.memref_slice %arg7[%run_scoped3A_381, %dma_wait3A_397] : memref<82x128xi32, #tpu.memory_space<vmem>> -> memref<1x128xi32, #tpu.memory_space<vmem>>
      %dma_wait3A_399 = tpu.memref_squeeze %dma_wait3A_398 : memref<1x128xi32, #tpu.memory_space<vmem>> -> memref<128xi32, #tpu.memory_space<vmem>>
      %dma_wait3A_400 = arith.constant 0 : i32
      %dma_wait3A_401 = tpu.memref_slice %arg11[%dma_wait3A_400] : memref<1050624xf32, #tpu.memory_space<vmem_shared>> -> memref<1050624xf32, #tpu.memory_space<vmem_shared>>
      tpu.wait_indirect_dma semaphore(%run_scoped3A_392 : memref<!tpu.dma_semaphore, #tpu.memory_space<semaphore_mem>>) src(%dma_wait3A_401 : memref<1050624xf32, #tpu.memory_space<vmem_shared>>) dst(%arg10 : memref<128xf32, #tpu.memory_space<vmem>>)
      tpu.yield
    }) : () -> ()
    %run_scoped3A_382 = arith.constant 79 : i32
    "tpu.region"() ({
      %run_scoped3A_392 = tpu.sem_alloc : memref<!tpu.dma_semaphore, #tpu.memory_space<semaphore_mem>>
      %dma_start3A = arith.constant 0 : i32
      %dma_start3A_393 = tpu.memref_slice %arg7[%run_scoped3A_382, %dma_start3A] : memref<82x128xi32, #tpu.memory_space<vmem>> -> memref<1x128xi32, #tpu.memory_space<vmem>>
      %dma_start3A_394 = tpu.memref_squeeze %dma_start3A_393 : memref<1x128xi32, #tpu.memory_space<vmem>> -> memref<128xi32, #tpu.memory_space<vmem>>
      %dma_start3A_395 = arith.constant 0 : i32
      %dma_start3A_396 = tpu.memref_slice %arg11[%dma_start3A_395] : memref<1050624xf32, #tpu.memory_space<vmem_shared>> -> memref<1050624xf32, #tpu.memory_space<vmem_shared>>
      tpu.enqueue_indirect_dma source(%dma_start3A_396 : memref<1050624xf32, #tpu.memory_space<vmem_shared>>) target(%arg10 : memref<128xf32, #tpu.memory_space<vmem>>) offsets(%dma_start3A_394 : memref<128xi32, #tpu.memory_space<vmem>>) semaphore(%run_scoped3A_392 : memref<!tpu.dma_semaphore, #tpu.memory_space<semaphore_mem>>)
      %dma_wait3A_397 = arith.constant 0 : i32
      %dma_wait3A_398 = tpu.memref_slice %arg7[%run_scoped3A_382, %dma_wait3A_397] : memref<82x128xi32, #tpu.memory_space<vmem>> -> memref<1x128xi32, #tpu.memory_space<vmem>>
      %dma_wait3A_399 = tpu.memref_squeeze %dma_wait3A_398 : memref<1x128xi32, #tpu.memory_space<vmem>> -> memref<128xi32, #tpu.memory_space<vmem>>
      %dma_wait3A_400 = arith.constant 0 : i32
      %dma_wait3A_401 = tpu.memref_slice %arg11[%dma_wait3A_400] : memref<1050624xf32, #tpu.memory_space<vmem_shared>> -> memref<1050624xf32, #tpu.memory_space<vmem_shared>>
      tpu.wait_indirect_dma semaphore(%run_scoped3A_392 : memref<!tpu.dma_semaphore, #tpu.memory_space<semaphore_mem>>) src(%dma_wait3A_401 : memref<1050624xf32, #tpu.memory_space<vmem_shared>>) dst(%arg10 : memref<128xf32, #tpu.memory_space<vmem>>)
      tpu.yield
    }) : () -> ()
    %barrier3A_383 = arith.constant 0 : index
    tpu.barrier barrier_id(%barrier3A_383)
    %mul3A_384 = arith.constant 65536 : i32
    %mul3A_385 = arith.muli %arg1, %mul3A_384 : i32
    %mul3A_386 = arith.constant 1048576 : i32
    %mul3A_387 = arith.muli %add3A_346, %mul3A_386 : i32
    %mul3A_388 = arith.constant 65536 : i32
    %mul3A_389 = arith.muli %arg1, %mul3A_388 : i32
    %add3A_390 = arith.addi %mul3A_387, %mul3A_389 : i32
    "tpu.region"() ({
      %run_scoped3A_392 = tpu.sem_alloc : memref<!tpu.dma_semaphore, #tpu.memory_space<semaphore_mem>>
      %dma_start3A = tpu.memref_slice %arg4[%add3A_390] : memref<16777216xf32, #tpu.memory_space<hbm>> -> memref<65536xf32, #tpu.memory_space<hbm>>
      %dma_start3A_393 = tpu.memref_slice %arg11[%mul3A_385] : memref<1050624xf32, #tpu.memory_space<vmem_shared>> -> memref<65536xf32, #tpu.memory_space<vmem_shared>>
      tpu.enqueue_dma source(%dma_start3A_393 : memref<65536xf32, #tpu.memory_space<vmem_shared>>) target(%dma_start3A : memref<65536xf32, #tpu.memory_space<hbm>>) target_semaphore(%run_scoped3A_392 : memref<!tpu.dma_semaphore, #tpu.memory_space<semaphore_mem>>)
      %dma_wait3A_394 = tpu.memref_slice %arg4[%add3A_390] : memref<16777216xf32, #tpu.memory_space<hbm>> -> memref<65536xf32, #tpu.memory_space<hbm>>
      %dma_wait3A_395 = tpu.memref_slice %arg11[%mul3A_385] : memref<1050624xf32, #tpu.memory_space<vmem_shared>> -> memref<65536xf32, #tpu.memory_space<vmem_shared>>
      tpu.wait_dma2 semaphore(%run_scoped3A_392 : memref<!tpu.dma_semaphore, #tpu.memory_space<semaphore_mem>>) src(%dma_wait3A_395 : memref<65536xf32, #tpu.memory_space<vmem_shared>>) dst(%dma_wait3A_394 : memref<65536xf32, #tpu.memory_space<hbm>>)
      tpu.yield
    }) : () -> ()
    %barrier3A_391 = arith.constant 0 : index
    tpu.barrier barrier_id(%barrier3A_391)
    return
  }
}

module attributes {stable_mosaic.version = 14 : i64} {
  func.func @_mm_body(%arg0: i32, %arg1: memref<1024x4096xf32, #tpu.memory_space<vmem>>, %arg2: memref<4096x512xf32, #tpu.memory_space<vmem>>, %arg3: memref<1024x512xf32, #tpu.memory_space<vmem>>) attributes {dimension_semantics = [#tpu.dimension_semantics<arbitrary>], iteration_bounds = array<i64: 16>, scalar_prefetch = 0 : i64, scratch_operands = 0 : i64, tpu.core_type = #tpu.core_type<tc>, window_params = [{pipeline_mode = #tpu.pipeline_mode<synchronous>, transform_indices = @transform_0, window_bounds = array<i64: 1024, 4096>}, {transform_indices = @transform_1, window_bounds = array<i64: 4096, 512>}, {transform_indices = @transform_2, window_bounds = array<i64: 1024, 512>}]} {
    %lt3A = arith.constant 8 : i32
    %lt3A_0 = arith.cmpi slt, %arg0, %lt3A : i32
    %convert_element_type3A = arith.extui %lt3A_0 : i1 to i32
    %cond3A = arith.constant 0 : i32
    %cond3A_1 = arith.cmpi ne, %convert_element_type3A, %cond3A : i32
    scf.if %cond3A_1 {
      %mul3A = arith.constant 512 : i32
      %mul3A_6 = arith.muli %arg0, %mul3A : i32
      %get3A = arith.constant 0 : index
      %get3A_7 = arith.index_cast %mul3A_6 : i32 to index
      %get3A_8 = vector.load %arg1[%get3A, %get3A_7] : memref<1024x4096xf32, #tpu.memory_space<vmem>>, vector<1024x512xf32>
      %swap3A = arith.constant 0 : index
      %swap3A_9 = arith.constant 0 : index
      %swap3A_10 = vector.load %arg3[%swap3A, %swap3A_9] : memref<1024x512xf32, #tpu.memory_space<vmem>>, vector<1024x512xf32>
      tpu.vector_store %arg3[%swap3A, %swap3A_9], %get3A_8 {strides = array<i32>} : memref<1024x512xf32, #tpu.memory_space<vmem>>, vector<1024x512xf32>,
    } else {
    }
    %ge3A = arith.constant 8 : i32
    %ge3A_2 = arith.cmpi sge, %arg0, %ge3A : i32
    %convert_element_type3A_3 = arith.extui %ge3A_2 : i1 to i32
    %cond3A_4 = arith.constant 0 : i32
    %cond3A_5 = arith.cmpi ne, %convert_element_type3A_3, %cond3A_4 : i32
    scf.if %cond3A_5 {
      %get3A = arith.constant 0 : index
      %get3A_6 = arith.constant 0 : index
      %get3A_7 = vector.load %arg1[%get3A, %get3A_6] : memref<1024x4096xf32, #tpu.memory_space<vmem>>, vector<1024x4096xf32>
      %get3A_8 = arith.constant 0 : index
      %get3A_9 = arith.constant 0 : index
      %get3A_10 = vector.load %arg2[%get3A_8, %get3A_9] : memref<4096x512xf32, #tpu.memory_space<vmem>>, vector<4096x512xf32>
      %dot_general3A = arith.constant dense<0.000000e+00> : vector<1024x512xf32>
      %dot_general3A_11 = tpu.matmul %get3A_7, %get3A_10, %dot_general3A {dimension_numbers = #tpu.dot_dimension_numbers<[1], [0], [0], [1], [0, 0, 1, 1], [], []>, transpose_lhs_hint = false} : vector<1024x4096xf32>, vector<4096x512xf32>, vector<1024x512xf32> -> vector<1024x512xf32>
      %max3A = arith.constant 0.000000e+00 : f32
      %max3A_12 = vector.broadcast %max3A : f32 to vector<1024x512xf32>
      %max3A_13 = arith.maximumf %dot_general3A_11, %max3A_12 : vector<1024x512xf32>
      %swap3A = arith.constant 0 : index
      %swap3A_14 = arith.constant 0 : index
      %swap3A_15 = vector.load %arg3[%swap3A, %swap3A_14] : memref<1024x512xf32, #tpu.memory_space<vmem>>, vector<1024x512xf32>
      tpu.vector_store %arg3[%swap3A, %swap3A_14], %max3A_13 {strides = array<i32>} : memref<1024x512xf32, #tpu.memory_space<vmem>>, vector<1024x512xf32>,
    } else {
    }
    return
  }
  func.func @transform_0(%arg0: i32) -> (i32, i32) {
    %c0_i32 = arith.constant 0 : i32
    %c0_i32_0 = arith.constant 0 : i32
    %c0_i32_1 = arith.constant 0 : i32
    return %c0_i32, %c0_i32_0 : i32, i32
  }
  func.func @transform_1(%arg0: i32) -> (i32, i32) {
    %sub3A = arith.constant 8 : i32
    %sub3A_0 = arith.subi %arg0, %sub3A : i32
    %max3A = arith.constant 0 : i32
    %max3A_1 = arith.maxsi %sub3A_0, %max3A : i32
    %c0_i32 = arith.constant 0 : i32
    %c0_i32_2 = arith.constant 0 : i32
    return %c0_i32, %max3A_1 : i32, i32
  }
  func.func @transform_2(%arg0: i32) -> (i32, i32) {
    %c0_i32 = arith.constant 0 : i32
    %c0_i32_0 = arith.constant 0 : i32
    return %c0_i32, %arg0 : i32, i32
  }
}

</mosaic_0001>

<sc_bundles>
// kernel: kernel.4.cloned.1.call-start
scs
__scs_entry_jumppad:
0x0: {  	(pc) =	sbr.rel $0x88, $3  }
0x1: {  	(tag) =	ssettag $0x0;
	lr =	simm.s32 $0x1  }
0x2: {  	[smem:$0x3F9E] =	sst lr;
	_ =	strace $0xD0000000  }
0x3: {  	_ = 	snop  }
0x4: {  	_ = 	snop  }
0x5: {  	_ = 	snop  }
0x6: {  	_ = 	snop  }
0x7: {  	_ = 	snop  }
__scs_overlays_trampoline_lowered:
0x8: {  	[smem:$0x3FAD] =	sst s0  }
0x9: {  	[smem:$0x3FAE] =	sst s1  }
0xa: {  	[smem:$0x3FAF] =	sst s2  }
0xb: {  	[smem:$0x3FB0] =	sst s3  }
0xc: {  	[smem:$0x3FB1] =	sst s4  }
0xd: {  	[smem:$0x3FB2] =	sst s5  }
0xe: {  	[smem:$0x3FB3] =	sst s6  }
0xf: {  	[smem:$0x3FB4] =	sst s7  }
0x10: {  	[smem:$0x3FB5] =	sst s8  }
0x11: {  	[smem:$0x3FB6] =	sst s9;
	s0 =	simm.s32 @!p0 $0x0  }
0x12: {  	s1 =	sld [smem:$0x3F9C];
	s0 =	simm.s32 @p0 $0x1  }
0x13: {  	[smem:$0x3FB7] =	sst s0;
	s0 =	simm.s32 @!p1 $0x0  }
0x14: {  	s2 =	sld [smem:$0x3F9B];
	s0 =	simm.s32 @p1 $0x1  }
0x15: {  	[smem:$0x3FB8] =	sst s0;
	s0 =	simm.s32 @!p2 $0x0  }
0x16: {  	s3 =	sld [smem:$0x3FDB];
	s0 =	simm.s32 @p2 $0x1  }
0x17: {  	s4 =	simm.s32 $0x1BF5;
	[smem:$0x3FBA] =	sst s0  }
0x18: {  	s0 =	sld [smem:$0x3F9D];
	_ =	swait.ge [sflag:s4], $0x0  }
0x19: {  	s7 =	sld [smem:$0x3F9E]  }
0x1a: {  	s8 =	sadd.s32 $0xFFFFE003, lr  }
0x1b: {  	s9 =	sadd.s32 $0xFFFFFEF7, lr;
	s5 =	simm.s32 $0xFFFFFFFF;
	p2 =	slt.u32 s8, $0xFFFFF086  }
0x1c: {  	p1 =	slt.u32 s9, $0xF7A;
	s5 =	simm.s32 @!p2 $0x0  }
0x1d: {  	s5 =	simm.s32 @p1 $0x1;
	p0 =	seq.s32 s7, s2  }
0x1e: {  	s7 =	smul.u32 @!p0 $0xF7A, s2;
	p2 =	seq.s32 @!p0 s5, $0x0  }
0x1f: {  	s9 =	smul.u32 $0xF7A, s1;
	s8 =	simm.s32 @!p0 $0x1BF5;
	p2 =	por !p2, p0  }
0x20: {  	[sflag:s8] =	ssyncset.s32 @!p0 $0xFFFFF086;
	s6 =	sadd.s32 @!p0 s3, s7;
	s7 =	simm.s32 @!p0 $0x108  }
0x21: {  	s3 =	sadd.s32 s3, s9;
	s6 =	sadd.s32 @!p0 $0x88, s6;
	s7 =	simm.s32 @p2 $0x1082  }
0x22: {  	[simem:s7], [sflag:s8] =	dma.local @!p0 [hbm:s6], $0xF7A  }
0x23: {  	s9 =	sor.u32 $0xD0000000, s2;
	s6 =	simm.s32 $0x108;
	_ =	swait.ge @!p0 [sflag:s8], $0x0  }
0x24: {  	s3 =	sadd.s32 $0x88, s3;
	s6 =	simm.s32 @!p1 $0x1082;
	[sflag:s4] =	ssyncset.s32 $0xFFFFF086  }
0x25: {  	[simem:s6], [sflag:s4] =	dma.local [hbm:s3], $0xF7A  }
0x26: {  	[smem:$0x3F9E] =	sst s1;
	(tag) =	ssettag s2;
	_ =	strace s9  }
0x27: {  	s1 =	sld [smem:$0x3FAE]  }
0x28: {  	s2 =	sld [smem:$0x3FAF]  }
0x29: {  	s4 =	sld [smem:$0x3FB1]  }
0x2a: {  	p0 =	seq.s32 s5, $0x0;
	s5 =	sld [smem:$0x3FB2]  }
0x2b: {  	s6 =	sld [smem:$0x3FB3]  }
0x2c: {  	s7 =	sld [smem:$0x3FB4]  }
0x2d: {  	s3 =	simm.s32 $0x108;
	s8 =	sld [smem:$0x3FB5]  }
0x2e: {  	s3 =	simm.s32 @!p0 $0x1082;
	s9 =	sld [smem:$0x3FB6]  }
0x2f: {  	lr =	sadd.s32 s0, s3;
	s0 =	sld [smem:$0x3FAD]  }
0x30: {  	s3 =	sld [smem:$0x3FB0]  }
0x31: {  	[smem:$0x3FB9] =	sst s10  }
0x32: {  	s10 =	sld [smem:$0x3FB7];
	_ =	sdelay $0x3  }
0x33: {  	p0 =	seq.s32 s10, $0x1;
	s10 =	sld [smem:$0x3FB9];
	_ =	sdelay $0x3  }
0x34: {  	[smem:$0x3FB9] =	sst s10  }
0x35: {  	s10 =	sld [smem:$0x3FB8];
	_ =	sdelay $0x3  }
0x36: {  	p1 =	seq.s32 s10, $0x1;
	s10 =	sld [smem:$0x3FB9];
	_ =	sdelay $0x3  }
0x37: {  	[smem:$0x3FB9] =	sst s10  }
0x38: {  	s10 =	sld [smem:$0x3FBA]  }
0x39: {  	_ = 	snop;
	(pc) =	sbr.ind lr, $3  }
0x3a: {  	_ = 	snop  }
0x3b: {  	_ = 	snop  }
0x3c: {  	p2 =	seq.s32 s10, $0x1;
	s10 =	sld [smem:$0x3FB9]  }
0x3d: {  	_ =	shalt  }
0x3e: {  	_ =	shalt  }
0x3f: {  	_ =	shalt  }
0x40: {  	_ =	shalt  }
0x41: {  	_ =	shalt  }
0x42: {  	_ =	shalt  }
0x43: {  	_ =	shalt  }
0x44: {  	_ =	shalt  }
0x45: {  	_ =	shalt  }
0x46: {  	_ =	shalt  }
0x47: {  	_ =	shalt  }
0x48: {  	_ =	shalt  }
0x49: {  	_ =	shalt  }
0x4a: {  	_ =	shalt  }
0x4b: {  	_ =	shalt  }
0x4c: {  	_ =	shalt  }
0x4d: {  	_ =	shalt  }
0x4e: {  	_ =	shalt  }
0x4f: {  	_ =	shalt  }
0x50: {  	_ =	shalt  }
0x51: {  	_ =	shalt  }
0x52: {  	_ =	shalt  }
0x53: {  	_ =	shalt  }
0x54: {  	_ =	shalt  }
0x55: {  	_ =	shalt  }
0x56: {  	_ =	shalt  }
0x57: {  	_ =	shalt  }
0x58: {  	_ =	shalt  }
0x59: {  	_ =	shalt  }
0x5a: {  	_ =	shalt  }
0x5b: {  	_ =	shalt  }
0x5c: {  	_ =	shalt  }
0x5d: {  	_ =	shalt  }
0x5e: {  	_ =	shalt  }
0x5f: {  	_ =	shalt  }
0x60: {  	_ =	shalt  }
0x61: {  	_ =	shalt  }
0x62: {  	_ =	shalt  }
0x63: {  	_ =	shalt  }
0x64: {  	_ =	shalt  }
0x65: {  	_ =	shalt  }
0x66: {  	_ =	shalt  }
0x67: {  	_ =	shalt  }
0x68: {  	_ =	shalt  }
0x69: {  	_ =	shalt  }
0x6a: {  	_ =	shalt  }
0x6b: {  	_ =	shalt  }
0x6c: {  	_ =	shalt  }
0x6d: {  	_ =	shalt  }
0x6e: {  	_ =	shalt  }
0x6f: {  	_ =	shalt  }
0x70: {  	_ =	shalt  }
0x71: {  	_ =	shalt  }
0x72: {  	_ =	shalt  }
0x73: {  	_ =	shalt  }
0x74: {  	_ =	shalt  }
0x75: {  	_ =	shalt  }
0x76: {  	_ =	shalt  }
0x77: {  	_ =	shalt  }
0x78: {  	_ =	shalt  }
0x79: {  	_ =	shalt  }
0x7a: {  	_ =	shalt  }
0x7b: {  	_ =	shalt  }
0x7c: {  	_ =	shalt  }
0x7d: {  	_ =	shalt  }
0x7e: {  	_ =	shalt  }
0x7f: {  	_ =	shalt  }
0x80: {  	_ =	shalt  }
0x81: {  	_ =	shalt  }
0x82: {  	_ =	shalt  }
0x83: {  	_ =	shalt  }
0x84: {  	_ =	shalt  }
0x85: {  	_ =	shalt  }
0x86: {  	_ =	shalt  }
0x87: {  	_ =	shalt  }
.Lfunc_end0:
.L_simem_size_0:
called_computation_lowered:
.L_overlay_start_0:
0x88: {  	s2 =	sld [smem:$0x3FD9]  }
0x89: {  	s3 =	sld [smem:$0x3FFE];
	_ =	sdelay $0x1  }
0x8a: {  	s1 =	srdreg.scid  }
0x8b: {  	s0 =	sand.u32 $0x1, s1  }
0x8c: {  	s17 =	sshll.u32 s0, $0xA;
	s2 =	sadd.s32 s3, s2  }
0x8d: {  	s2 =	sadd.s32 s2, s17  }
0x8e: {  	[smem:$0x3FC5] =	sst s2  }
0x8f: {  	_ = 	snop  }
0x90: {  	s2 =	sld [smem:$0x3FD0];
	(tm) =	ssettm $0x1  }
0x91: {  	s18 =	sld [smem:$0x3FFB];
	_ =	sdelay $0x3  }
0x92: {  	_ =	strace s18  }
0x93: {  	s3 =	sld [smem:$0x3FFC];
	_ =	sdelay $0x3  }
0x94: {  	_ =	strace s3  }
0x95: {  	s3 =	sld [smem:$0x3FFD];
	_ =	sdelay $0x3  }
0x96: {  	_ =	strace s3  }
0x97: {  	_ =	strace $0x8FFFFFFF  }
0x98: {  	s19 =	sld [smem:$0x3FDB];
	_ =	sdelay $0x1  }
0x99: {  	s4 =	simm.s32 $_scs_section_size  }
0x9a: {  	s5 =	simm.s32 $_size__tile_overlayer_lowered;
	s6 =	simm.s32 $_tile_overlayer_lowered  }
0x9b: {  	s22 =	simm.s32 $0x1BFF;
	s21 =	sshll.u32 s6, $0x1;
	s3 =	sadd.s32 s4, s19  }
0x9c: {  	s7 =	simm.s32 $0x0;
	s20 =	sshll.u32 s5, $0x1;
	s5 =	sadd.s32 s21, s3  }
0x9d: {  	[timem:s7], [sflag:s22] =	dma.local [hbm:s5], s20  }
0x9e: {  	_ =	swait.ge [sflag:s22], s20  }
0x9f: {  	s4 =	ssub.s32 $0x0, s20;
	[sflag:s22] =	ssyncset.done $0x0  }
0xa0: {  	[sflag:s22] =	ssyncadd.s32 s4;
	_ =	sdelay $0x1  }
0xa1: {  	s23 =	simm.s32 $0x1B8B  }
0xa2: {  	_ =	swait.ge [sflag:s23], $0x1  }
0xa3: {  	[sflag:s23] =	ssyncset.done $0x0  }
0xa4: {  	s25 =	simm.s32 $0x1B8E;
	s24 =	sld [smem:$0x3FFE];
	[sflag:s23] =	ssyncadd.s32 $0xFFFFFFFF  }
0xa5: {  	s26 =	simm.s32 $execute0_lowered;
	[smem:$0x3FD2] =	sst s25  }
0xa6: {  	s5 =	sshll.u32 s26, $0x1;
	_ =	strace $0x80000046;
	[dreg:$0x1] =	wrdreg $0xFFFFFFFF  }
0xa7: {  	s28 =	simm.s32 $_size_execute0_lowered;
	s3 =	sadd.s32 s3, s5;
	[dreg:$0x0] =	wrdreg $0x0  }
0xa8: {  	s5 =	sshll.u32 s28, $0x1;
	[dreg:$0x2] =	wrdreg s3  }
0xa9: {  	[dreg:$0x3] =	wrdreg s5  }
0xaa: {  	[dreg:$0x4] =	wrdreg $0xC0  }
0xab: {  	_ =	task [dreg:s7], $0x5FFFF  }
0xac: {  	[dreg:$0x1] =	wrdreg $0xFFFFFFFF  }
0xad: {  	[dreg:$0x0] =	wrdreg $0x60  }
0xae: {  	[dreg:$0x2] =	wrdreg s2  }
0xaf: {  	[dreg:$0x3] =	wrdreg s24  }
0xb0: {  	[dreg:$0x4] =	wrdreg $0xF0800  }
0xb1: {  	[dreg:$0x5] =	wrdreg $0x9  }
0xb2: {  	_ =	task.clear_ibuf [dreg:s7], $0x6FFFF;
	_ =	strace $0x90000046  }
0xb3: {  	s29 =	simm.s32 $0x9;
	_ =	strace $0x80000048  }
0xb4: {  	_ =	swait.ge [sflag:s29], $0x1  }
0xb5: {  	[sflag:s29] =	ssyncadd.s32 $0xFFFFFFFF  }
0xb6: {  	_ =	strace $0x90000048  }
0xb7: {  	_ =	sfence  }
0xb8: {  	s30 =	sld [smem:$0x0];
	_ =	sdelay $0x2  }
0xb9: {  	s31 =	sshll.u32 s1, $0xD;
	s1 =	sshrl.u32 s1, $0x2  }
0xba: {  	s3 =	sand.u32 $0x4000, s31;
	s1 =	sadd.s32 s1, s30  }
0xbb: {  	s0 =	sor.u32 s3, s0;
	s1 =	sshll.u32 s1, $0x11  }
0xbc: {  	s0 =	sor.u32 s1, s0  }
0xbd: {  	s0 =	sadd.s32 $0x8F2B, s0  }
0xbe: {  	[sflag:s0] =	ssyncadd.remote.s32 $0x1  }
0xbf: {  	_ =	sfence.sel $0xFFFF  }
0xc0: {  	[dreg:$0x0] =	wrdreg $0xFFFFFFFF;
	(pc) =	sbr.abs _section_cstart, $3  }
0xc1: {  	[dreg:$0x1] =	wrdreg $0xFFFFFFFF  }
0xc2: {  	_ =	task.clear_ibuf [dreg:s7], $0x2FFFF;
	_ =	strace $0x9FFFFFFF  }
0xc3: {  	(tm) =	ssettm $0x7FFFFFFF  }
tec
execute0_lowered:
.L_overlay_start_1:
0x0: {  	(tag) =	ssettag $0x1  }
0x1: {  	s0 =	rddreg [dreg:$0x0]  }
0x2: {  	s1 =	rddreg [dreg:$0x1]  }
0x3: {  	s2 =	rddreg [dreg:$0x2]  }
0x4: {  	s4 =	simm.s32 $0x0;
	s8 =	stileid.u32;
	s3 =	srdreg.scid  }
0x5: {  	s28 =	simm.s32 $0x7F80;
	s29 =	simm.s32 $0x0;
	[smem:$0x7FF] =	sst s4  }
0x6: {  	s17 =	smul.u32 $0x580, s8;
	s3 =	sand.u32 $0x1, s3;
	s31 =	sshll.u32 s8, $0x10  }
0x7: {  	_ =	strace $0x80000047;
	s5 =	ssub.s32 $0x2, s3;
	s19 =	sshll.u32 s3, $0x17  }
0x8: {  	s6 =	sadd.s32 s17, s1;
	s1 =	sadd.s32 $0x6800, s1;
	s7 =	sshrl.u32 s5, $0x1  }
0x9: {  	s0 =	sadd.s32 s0, s17;
	s20 =	sor.u32 $0x100000, s19;
	s8 =	sor.u32 s31, s19  }
0xa: {  	s21 =	sor.u32 $0x200000, s19;
	s22 =	sor.u32 $0x300000, s19;
	s23 =	sor.u32 $0x400000, s19  }
0xb: {  	s24 =	sor.u32 $0x500000, s19;
	s25 =	sor.u32 $0x600000, s19;
	s26 =	sor.u32 $0x700000, s19  }
0xc: {  	v0 =	vmov s19;
	s19 =	simm.s32 $0x2;
	s18 =	ssub.s32 s5, s7;
	[dreg:$0x4] =	wrdreg s0  }
0xd: {  	s30 =	sadd.s32 $0x1000, s6;
	s6 =	sadd.s32 s31, s2;
	s9 =	sor.u32 s31, s20  }
0xe: {  	s8 =	sshrl.u32 s8, $0x3;
	s10 =	sor.u32 s31, s21;
	s11 =	sor.u32 s31, s22  }
0xf: {  	s12 =	sor.u32 s31, s23;
	s13 =	sor.u32 s31, s24;
	s14 =	sor.u32 s31, s25  }
0x10: {  	s3 =	sor.u32 s31, s26;
	v2 =	vmov s21;
	v3 =	vmov s22;
	s21 =	simm.s32 $0xB000;
	s22 =	simm.s32 $0x80  }
0x11: {  	v4 =	vmov s23;
	v5 =	vmov s24;
	v6 =	vmov s25;
	s23 =	simm.s32 $0x1;
	s24 =	simm.s32 $0x8080;
	s25 =	simm.s32 $0xF000  }
0x12: {  	v7 =	vmov s26;
	s26 =	simm.s32 $0x8000;
	[dreg:$0x5] =	wrdreg s30;
	s7 =	sadd.s32 $0x4000, s6  }
0x13: {  	s9 =	sshrl.u32 s9, $0x3;
	s8 =	sadd.s32 s1, s8;
	s10 =	sshrl.u32 s10, $0x3  }
0x14: {  	s11 =	sshrl.u32 s11, $0x3;
	s12 =	sshrl.u32 s12, $0x3;
	s13 =	sshrl.u32 s13, $0x3  }
0x15: {  	s14 =	sshrl.u32 s14, $0x3;
	s3 =	sshrl.u32 s3, $0x3;
	s16 =	sadd.s32 $0x8000, s6  }
0x16: {  	s17 =	sadd.s32 $0xC000, s6;
	s18 =	smax.u32 s18, $0x1;
	s9 =	sadd.s32 s1, s9  }
0x17: {  	s10 =	sadd.s32 s1, s10;
	s11 =	sadd.s32 s1, s11;
	s12 =	sadd.s32 s1, s12  }
0x18: {  	v8 =	vimm.f32 $0.0e+00;
	v9 =	vlaneseq.u32;
	v1 =	vmov s20;
	s13 =	sadd.s32 s1, s13;
	s14 =	sadd.s32 s1, s14;
	s15 =	sadd.s32 s1, s3  }
.LBB2_1:
0x19: {  	s0 =	simm.s32 $0x0;
	s1 =	rddreg [dreg:$0x4]  }
0x1a: {  	[tilespmem:s0], [sflag:$0x2] =	stream.linear.gather [hbm4b:s1+s0], $0x2900, $0x38;
	[tilespmem:$0x1F100] =	vst v63  }
0x1b: {  	_ =	swait.ge [sflag:s19], $0x2900  }
0x1c: {  	[sflag:s19] =	ssyncset.done $0x0  }
0x1d: {  	s3 =	simm.s32 $0x2C00;
	s31 =	rddreg [dreg:$0x5];
	[sflag:s19] =	ssyncadd.s32 $0xFFFFD700  }
0x1e: {  	[tilespmem:s3], [sflag:$0x2] =	stream.linear.gather [hbm4b:s31+s0], $0x2900, $0x38;
	[tilespmem:$0x1F100] =	vst v63  }
0x1f: {  	_ =	swait.ge [sflag:s19], $0x2900  }
0x20: {  	[sflag:s19] =	ssyncset.done $0x0  }
0x21: {  	s1 =	simm.s32 $0x0;
	s0 =	simm.s32 $0x40;
	[sflag:s19] =	ssyncadd.s32 $0xFFFFD700  }
.LBB2_2:
0x22: {  	p0 =	sne.s32 s0, $0xFFC0;
	[tilespmem:s1+$0xB000] =	vst v8;
	s1 =	smov.u32 s0;
	s0 =	sadd.s32 $0x40, s0  }
.Ltmp0:
0x23: {  	(pc) =	sbr.rel @p0 .LBB2_2-.Ltmp0, $2  }
0x24: {  	_ =	sdelay $0x2  }
0x25: {  	s1 =	sshra.s32 s1, $0x2  }
0x26: {  	[tilespmem:s1+$0xB000] =	vst v8  }
0x27: {  	[spmem:s6] =	stream.linear.scatter [tilespmem:s21], [sflag:$0x2], $0x4000, $0x38;
	[tilespmem:$0x1F100] =	vst v63  }
0x28: {  	_ =	swait.ge [sflag:s19], $0x4000  }
0x29: {  	[sflag:s19] =	ssyncset.done $0x0  }
0x2a: {  	[sflag:s19] =	ssyncadd.s32 $0xFFFFC000  }
0x2b: {  	[spmem:s7] =	stream.linear.scatter [tilespmem:s21], [sflag:$0x2], $0x4000, $0x38;
	[tilespmem:$0x1F100] =	vst v63  }
0x2c: {  	_ =	swait.ge [sflag:s19], $0x4000  }
0x2d: {  	[sflag:s19] =	ssyncset.done $0x0  }
0x2e: {  	[sflag:s19] =	ssyncadd.s32 $0xFFFFC000  }
0x2f: {  	[spmem:s16] =	stream.linear.scatter [tilespmem:s21], [sflag:$0x2], $0x4000, $0x38;
	[tilespmem:$0x1F100] =	vst v63  }
0x30: {  	_ =	swait.ge [sflag:s19], $0x4000  }
0x31: {  	[sflag:s19] =	ssyncset.done $0x0  }
0x32: {  	[sflag:s19] =	ssyncadd.s32 $0xFFFFC000  }
0x33: {  	[spmem:s17] =	stream.linear.scatter [tilespmem:s21], [sflag:$0x2], $0x4000, $0x38;
	[tilespmem:$0x1F100] =	vst v63  }
0x34: {  	_ =	swait.ge [sflag:s19], $0x4000  }
0x35: {  	[sflag:s19] =	ssyncset.done $0x0  }
0x36: {  	[sflag:s19] =	ssyncadd.s32 $0xFFFFC000  }
0x37: {  	s30 =	simm.s32 $0x0;
	[bflag:$0x0] =	sbarrier.arrive $0xFFFF  }
0x38: {  	v10 =	vld [tilespmem:s30+$0x0];
	_ =	sdelay $0x2  }
0x39: {  	s0 =	simm.s32 $0x0;
	v11 =	vld [tilespmem:s30+$0x10]  }
0x3a: {  	s20 =	sand.u32 $0x780, s0;
	v12 =	vld [tilespmem:s30+$0x2C00]  }
0x3b: {  	s31 =	sor.u32 $0x100000, s20;
	v13 =	vld [tilespmem:s30+$0x20];
	v10 =	vsub.s32 v10, v0  }
0x3c: {  	v15 =	vor.u32 s31, v9;
	v14 =	vld [tilespmem:s30+$0x2C10];
	vm0 =	vlt.u32 v10, $0x100000  }
0x3d: {  	v16 =	vld [tilespmem:s30+$0x30];
	v10 =	vsel vm0, v10, v15  }
0x3e: {  	s3 =	sor.u32 $0x100010, s20;
	v15 =	vld [tilespmem:s30+$0x2C20];
	[tilespmem:s30+$0x5800] =	vst v10;
	v10 =	vsub.s32 v11, v0  }
0x3f: {  	v17 =	vld [tilespmem:s30+$0x40];
	v11 =	vnsel vm0, $0x0, v12;
	v12 =	vor.u32 s3, v9;
	vm0 =	vlt.u32 v10, $0x100000  }
0x40: {  	s4 =	sor.u32 $0x100020, s20;
	v18 =	vld [tilespmem:s30+$0x2C30];
	[tilespmem:s30+$0x8400] =	vst v11;
	v11 =	vsub.s32 v13, v0;
	v10 =	vsel vm0, v10, v12  }
0x41: {  	v13 =	vor.u32 s4, v9;
	v12 =	vnsel vm0, $0x0, v14;
	vm0 =	vlt.u32 v11, $0x100000;
	[tilespmem:s30+$0x5810] =	vst v10;
	v10 =	vld [tilespmem:s30+$0x50]  }
0x42: {  	s5 =	sor.u32 $0x100030, s20;
	[tilespmem:s30+$0x8410] =	vst v12;
	v12 =	vsel vm0, v11, v13;
	v11 =	vld [tilespmem:s30+$0x2C40];
	v13 =	vsub.s32 v16, v0  }
0x43: {  	[tilespmem:s30+$0x5820] =	vst v12;
	v14 =	vnsel vm0, $0x0, v15;
	v12 =	vld [tilespmem:s30+$0x60];
	vm0 =	vlt.u32 v13, $0x100000;
	v15 =	vor.u32 s5, v9  }
0x44: {  	s31 =	sor.u32 $0x100040, s20;
	[tilespmem:s30+$0x8420] =	vst v14;
	v14 =	vsel vm0, v13, v15;
	v13 =	vld [tilespmem:s30+$0x2C50];
	v15 =	vsub.s32 v17, v0  }
0x45: {  	s1 =	simm.s32 $0x200;
	v16 =	vnsel vm0, $0x0, v18;
	v17 =	vor.u32 s31, v9;
	[tilespmem:s30+$0x5830] =	vst v14;
	vm0 =	vlt.u32 v15, $0x100000;
	v14 =	vld [tilespmem:s30+$0x70]  }
.LBB2_4:
0x46: {  	p0 =	sne.s32 s1, $0xA200;
	[tilespmem:s30+$0x8430] =	vst v16;
	v15 =	vsel vm0, v15, v17;
	v10 =	vsub.s32 v10, v0;
	s3 =	sor.u32 $0x100050, s20;
	v16 =	vld [tilespmem:s30+$0x2C60]  }
0x47: {  	[tilespmem:s30+$0x5840] =	vst v15;
	v11 =	vnsel vm0, $0x0, v11;
	vm0 =	vlt.u32 v10, $0x100000;
	v15 =	vor.u32 s3, v9  }
0x48: {  	s3 =	sor.u32 $0x100060, s20;
	[tilespmem:s30+$0x8440] =	vst v11;
	v10 =	vsel vm0, v10, v15;
	v11 =	vsub.s32 v12, v0;
	v12 =	vld [tilespmem:s30+$0x2C70]  }
0x49: {  	[tilespmem:s30+$0x5850] =	vst v10;
	v10 =	vnsel vm0, $0x0, v13;
	vm0 =	vlt.u32 v11, $0x100000;
	v13 =	vor.u32 s3, v9  }
0x4a: {  	s3 =	sor.u32 $0x100070, s20;
	[tilespmem:s30+$0x8450] =	vst v10;
	v10 =	vsel vm0, v11, v13;
	v11 =	vsub.s32 v14, v0  }
0x4b: {  	v13 =	vor.u32 s3, v9;
	[tilespmem:s30+$0x5860] =	vst v10;
	v10 =	vnsel vm0, $0x0, v16;
	vm0 =	vlt.u32 v11, $0x100000  }
0x4c: {  	[tilespmem:s30+$0x8460] =	vst v10;
	v10 =	vsel vm0, v11, v13  }
0x4d: {  	s31 =	sadd.s32 $0x8400, s30;
	s20 =	sadd.s32 $0x5800, s30;
	s3 =	sshra.s32 s1, $0x2;
	[tilespmem:s30+$0x5870] =	vst v10;
	v10 =	vnsel vm0, $0x0, v12  }
0x4e: {  	[tilespmem:s30+$0x8470] =	vst v10;
	[spmem:s2] =	stream.indirect.scatter.add.f32 [tilespmem:s31], [sflag:$0x1], $0x1, s20, s22, $0xb8  }
0x4f: {  	s30 =	smov.u32 s3;
	v10 =	vld [tilespmem:s3+$0x0];
	_ =	sdelay $0x1  }
0x50: {  	v11 =	vld [tilespmem:s30+$0x10]  }
0x51: {  	s0 =	sadd.s32 $0x80, s0;
	v12 =	vld [tilespmem:s30+$0x2C00]  }
0x52: {  	s20 =	sand.u32 $0x780, s0;
	v13 =	vld [tilespmem:s30+$0x20]  }
0x53: {  	s3 =	sor.u32 $0x100000, s20;
	v10 =	vsub.s32 v10, v0;
	v14 =	vld [tilespmem:s30+$0x2C10]  }
0x54: {  	v15 =	vor.u32 s3, v9;
	vm0 =	vlt.u32 v10, $0x100000;
	v16 =	vld [tilespmem:s30+$0x30]  }
0x55: {  	s3 =	sor.u32 $0x100010, s20;
	v10 =	vsel vm0, v10, v15;
	v11 =	vsub.s32 v11, v0;
	v15 =	vld [tilespmem:s30+$0x2C20]  }
0x56: {  	[tilespmem:s30+$0x5800] =	vst v10;
	v10 =	vnsel vm0, $0x0, v12;
	vm0 =	vlt.u32 v11, $0x100000;
	v12 =	vor.u32 s3, v9;
	v17 =	vld [tilespmem:s30+$0x40]  }
0x57: {  	s3 =	sor.u32 $0x100020, s20;
	[tilespmem:s30+$0x8400] =	vst v10;
	v10 =	vsel vm0, v11, v12;
	v11 =	vsub.s32 v13, v0;
	v18 =	vld [tilespmem:s30+$0x2C30]  }
.Ltmp1:
0x58: {  	v13 =	vor.u32 s3, v9;
	[tilespmem:s30+$0x5810] =	vst v10;
	v12 =	vnsel vm0, $0x0, v14;
	vm0 =	vlt.u32 v11, $0x100000;
	v10 =	vld [tilespmem:s30+$0x50];
	(pc) =	sbr.rel @p0 .LBB2_4-.Ltmp1, $4  }
0x59: {  	s3 =	sor.u32 $0x100030, s20;
	[tilespmem:s30+$0x8410] =	vst v12;
	v12 =	vsel vm0, v11, v13;
	v13 =	vsub.s32 v16, v0;
	v11 =	vld [tilespmem:s30+$0x2C40]  }
0x5a: {  	[tilespmem:s30+$0x5820] =	vst v12;
	v14 =	vnsel vm0, $0x0, v15;
	vm0 =	vlt.u32 v13, $0x100000;
	v15 =	vor.u32 s3, v9;
	v12 =	vld [tilespmem:s30+$0x60]  }
0x5b: {  	s3 =	sor.u32 $0x100040, s20;
	[tilespmem:s30+$0x8420] =	vst v14;
	v14 =	vsel vm0, v13, v15;
	v15 =	vsub.s32 v17, v0;
	v13 =	vld [tilespmem:s30+$0x2C50]  }
0x5c: {  	s1 =	sadd.s32 $0x200, s1;
	v17 =	vor.u32 s3, v9;
	[tilespmem:s30+$0x5830] =	vst v14;
	v16 =	vnsel vm0, $0x0, v18;
	vm0 =	vlt.u32 v15, $0x100000;
	v14 =	vld [tilespmem:s30+$0x70]  }
0x5d: {  	[tilespmem:s30+$0x8430] =	vst v16;
	v15 =	vsel vm0, v15, v17;
	v16 =	vld [tilespmem:s30+$0x2C60];
	v10 =	vsub.s32 v10, v0;
	s0 =	sor.u32 $0x100050, s20  }
0x5e: {  	[tilespmem:s30+$0x5840] =	vst v15;
	v11 =	vnsel vm0, $0x0, v11;
	vm0 =	vlt.u32 v10, $0x100000;
	v15 =	vor.u32 s0, v9  }
0x5f: {  	s4 =	sor.u32 $0x100060, s20;
	[tilespmem:s30+$0x8440] =	vst v11;
	v10 =	vsel vm0, v10, v15;
	v11 =	vsub.s32 v12, v0;
	v12 =	vld [tilespmem:s30+$0x2C70]  }
0x60: {  	[tilespmem:s30+$0x5850] =	vst v10;
	v10 =	vnsel vm0, $0x0, v13;
	vm0 =	vlt.u32 v11, $0x100000;
	v13 =	vor.u32 s4, v9  }
0x61: {  	s5 =	sor.u32 $0x100070, s20;
	[tilespmem:s30+$0x8450] =	vst v10;
	v10 =	vsel vm0, v11, v13;
	v11 =	vsub.s32 v14, v0  }
0x62: {  	v13 =	vor.u32 s5, v9;
	[tilespmem:s30+$0x5860] =	vst v10;
	v10 =	vnsel vm0, $0x0, v16;
	vm0 =	vlt.u32 v11, $0x100000  }
0x63: {  	[tilespmem:s30+$0x8460] =	vst v10;
	v10 =	vsel vm0, v11, v13  }
0x64: {  	[tilespmem:s30+$0x5870] =	vst v10;
	v10 =	vnsel vm0, $0x0, v12  }
0x65: {  	s20 =	sadd.s32 $0x5800, s30;
	s1 =	sadd.s32 $0x8400, s30;
	[tilespmem:s30+$0x8470] =	vst v10  }
0x66: {  	[spmem:s2] =	stream.indirect.scatter.add.f32 [tilespmem:s1], [sflag:$0x1], $0x1, s20, s22, $0xb8;
	[tilespmem:$0x1F100] =	vst v63  }
0x67: {  	_ =	swait.ge [sflag:s23], $0x2900  }
0x68: {  	[sflag:s23] =	ssyncset.done $0x0  }
0x69: {  	[sflag:s23] =	ssyncadd.s32 $0xFFFFD700  }
0x6a: {  	[tilespmem:s25], [sflag:$0x2] =	stream.indirect.gather [spmem:s2], $0x1, s24, s22, $0xb8;
	[tilespmem:$0x1F100] =	vst v63  }
0x6b: {  	_ =	swait.ge [sflag:s19], $0x80  }
0x6c: {  	[sflag:s19] =	ssyncset.done $0x0  }
0x6d: {  	[sflag:s19] =	ssyncadd.s32 $0xFFFFFF80  }
0x6e: {  	[tilespmem:s25], [sflag:$0x2] =	stream.indirect.gather [spmem:s2], $0x1, s26, s22, $0xb8;
	[tilespmem:$0x1F100] =	vst v63  }
0x6f: {  	_ =	swait.ge [sflag:s19], $0x80  }
0x70: {  	[sflag:s19] =	ssyncset.done $0x0  }
0x71: {  	[sflag:s19] =	ssyncadd.s32 $0xFFFFFF80  }
0x72: {  	[tilespmem:s25], [sflag:$0x2] =	stream.indirect.gather [spmem:s2], $0x1, s28, s22, $0xb8;
	[tilespmem:$0x1F100] =	vst v63  }
0x73: {  	_ =	swait.ge [sflag:s19], $0x80  }
0x74: {  	s3 =	stileid.u32;
	[sflag:s19] =	ssyncset.done $0x0  }
0x75: {  	s0 =	sshll.u32 s3, $0x6;
	[sflag:s19] =	ssyncadd.s32 $0xFFFFFF80  }
0x76: {  	s31 =	sshrl.u32 s6, $0x3;
	s30 =	sor.u32 $0x1C02, s0;
	[bflag:$0x0] =	sbarrier.arrive $0xFFFF  }
0x77: {  	[hbm:s8], [sflag:s30] =	dma.local [spmem:s31], $0x2000  }
0x78: {  	_ =	swait.ge [sflag:s19], $0x2000  }
0x79: {  	[sflag:s19] =	ssyncset.done $0x0  }
0x7a: {  	[sflag:s19] =	ssyncadd.s32 $0xFFFFE000  }
0x7b: {  	[bflag:$0x0] =	sbarrier.arrive $0xFFFF  }
0x7c: {  	[spmem:s6] =	stream.linear.scatter [tilespmem:s21], [sflag:$0x2], $0x4000, $0x38;
	[tilespmem:$0x1F100] =	vst v63  }
0x7d: {  	_ =	swait.ge [sflag:s19], $0x4000  }
0x7e: {  	[sflag:s19] =	ssyncset.done $0x0  }
0x7f: {  	[sflag:s19] =	ssyncadd.s32 $0xFFFFC000  }
0x80: {  	[spmem:s7] =	stream.linear.scatter [tilespmem:s21], [sflag:$0x2], $0x4000, $0x38;
	[tilespmem:$0x1F100] =	vst v63  }
0x81: {  	_ =	swait.ge [sflag:s19], $0x4000  }
0x82: {  	[sflag:s19] =	ssyncset.done $0x0  }
0x83: {  	[sflag:s19] =	ssyncadd.s32 $0xFFFFC000  }
0x84: {  	[spmem:s16] =	stream.linear.scatter [tilespmem:s21], [sflag:$0x2], $0x4000, $0x38;
	[tilespmem:$0x1F100] =	vst v63  }
0x85: {  	_ =	swait.ge [sflag:s19], $0x4000  }
0x86: {  	[sflag:s19] =	ssyncset.done $0x0  }
0x87: {  	[sflag:s19] =	ssyncadd.s32 $0xFFFFC000  }
0x88: {  	[spmem:s17] =	stream.linear.scatter [tilespmem:s21], [sflag:$0x2], $0x4000, $0x38;
	[tilespmem:$0x1F100] =	vst v63  }
0x89: {  	_ =	swait.ge [sflag:s19], $0x4000  }
0x8a: {  	[sflag:s19] =	ssyncset.done $0x0  }
0x8b: {  	[sflag:s19] =	ssyncadd.s32 $0xFFFFC000  }
0x8c: {  	s0 =	simm.s32 $0x0;
	[bflag:$0x0] =	sbarrier.arrive $0xFFFF  }
0x8d: {  	v10 =	vld [tilespmem:s0+$0x0];
	_ =	sdelay $0x2  }
0x8e: {  	s20 =	simm.s32 $0x0;
	v11 =	vld [tilespmem:s0+$0x10]  }
0x8f: {  	s1 =	sand.u32 $0x780, s20;
	v12 =	vld [tilespmem:s0+$0x2C00]  }
0x90: {  	s3 =	sor.u32 $0x100000, s1;
	v13 =	vld [tilespmem:s0+$0x20];
	v10 =	vsub.s32 v10, v1  }
0x91: {  	v15 =	vor.u32 s3, v9;
	v14 =	vld [tilespmem:s0+$0x2C10];
	vm0 =	vlt.u32 v10, $0x100000  }
0x92: {  	v16 =	vld [tilespmem:s0+$0x30];
	v10 =	vsel vm0, v10, v15  }
0x93: {  	s4 =	sor.u32 $0x100010, s1;
	v15 =	vld [tilespmem:s0+$0x2C20];
	[tilespmem:s0+$0x5800] =	vst v10;
	v10 =	vsub.s32 v11, v1  }
0x94: {  	v17 =	vld [tilespmem:s0+$0x40];
	v11 =	vnsel vm0, $0x0, v12;
	v12 =	vor.u32 s4, v9;
	vm0 =	vlt.u32 v10, $0x100000  }
0x95: {  	s5 =	sor.u32 $0x100020, s1;
	v18 =	vld [tilespmem:s0+$0x2C30];
	[tilespmem:s0+$0x8400] =	vst v11;
	v11 =	vsub.s32 v13, v1;
	v10 =	vsel vm0, v10, v12  }
0x96: {  	v13 =	vor.u32 s5, v9;
	v12 =	vnsel vm0, $0x0, v14;
	vm0 =	vlt.u32 v11, $0x100000;
	[tilespmem:s0+$0x5810] =	vst v10;
	v10 =	vld [tilespmem:s0+$0x50]  }
0x97: {  	s4 =	sor.u32 $0x100030, s1;
	[tilespmem:s0+$0x8410] =	vst v12;
	v12 =	vsel vm0, v11, v13;
	v11 =	vld [tilespmem:s0+$0x2C40];
	v13 =	vsub.s32 v16, v1  }
0x98: {  	[tilespmem:s0+$0x5820] =	vst v12;
	v14 =	vnsel vm0, $0x0, v15;
	v12 =	vld [tilespmem:s0+$0x60];
	vm0 =	vlt.u32 v13, $0x100000;
	v15 =	vor.u32 s4, v9  }
0x99: {  	s5 =	sor.u32 $0x100040, s1;
	[tilespmem:s0+$0x8420] =	vst v14;
	v14 =	vsel vm0, v13, v15;
	v13 =	vld [tilespmem:s0+$0x2C50];
	v15 =	vsub.s32 v17, v1  }
0x9a: {  	s3 =	simm.s32 $0x200;
	v16 =	vnsel vm0, $0x0, v18;
	v17 =	vor.u32 s5, v9;
	[tilespmem:s0+$0x5830] =	vst v14;
	vm0 =	vlt.u32 v15, $0x100000;
	v14 =	vld [tilespmem:s0+$0x70]  }
.LBB2_6:
0x9b: {  	p0 =	sne.s32 s3, $0xA200;
	[tilespmem:s0+$0x8430] =	vst v16;
	v15 =	vsel vm0, v15, v17;
	v10 =	vsub.s32 v10, v1;
	s4 =	sor.u32 $0x100050, s1;
	v16 =	vld [tilespmem:s0+$0x2C60]  }
0x9c: {  	[tilespmem:s0+$0x5840] =	vst v15;
	v11 =	vnsel vm0, $0x0, v11;
	vm0 =	vlt.u32 v10, $0x100000;
	v15 =	vor.u32 s4, v9  }
0x9d: {  	s4 =	sor.u32 $0x100060, s1;
	[tilespmem:s0+$0x8440] =	vst v11;
	v10 =	vsel vm0, v10, v15;
	v11 =	vsub.s32 v12, v1;
	v12 =	vld [tilespmem:s0+$0x2C70]  }
0x9e: {  	[tilespmem:s0+$0x5850] =	vst v10;
	v10 =	vnsel vm0, $0x0, v13;
	vm0 =	vlt.u32 v11, $0x100000;
	v13 =	vor.u32 s4, v9  }
0x9f: {  	s1 =	sor.u32 $0x100070, s1;
	[tilespmem:s0+$0x8450] =	vst v10;
	v10 =	vsel vm0, v11, v13;
	v11 =	vsub.s32 v14, v1  }
0xa0: {  	v13 =	vor.u32 s1, v9;
	[tilespmem:s0+$0x5860] =	vst v10;
	v10 =	vnsel vm0, $0x0, v16;
	vm0 =	vlt.u32 v11, $0x100000  }
0xa1: {  	[tilespmem:s0+$0x8460] =	vst v10;
	v10 =	vsel vm0, v11, v13  }
0xa2: {  	s5 =	sadd.s32 $0x8400, s0;
	s4 =	sadd.s32 $0x5800, s0;
	s1 =	sshra.s32 s3, $0x2;
	[tilespmem:s0+$0x5870] =	vst v10;
	v10 =	vnsel vm0, $0x0, v12  }
0xa3: {  	[tilespmem:s0+$0x8470] =	vst v10;
	[spmem:s2] =	stream.indirect.scatter.add.f32 [tilespmem:s5], [sflag:$0x1], $0x1, s4, s22, $0xb8  }
0xa4: {  	s0 =	smov.u32 s1;
	v10 =	vld [tilespmem:s1+$0x0];
	_ =	sdelay $0x1  }
0xa5: {  	v11 =	vld [tilespmem:s0+$0x10]  }
0xa6: {  	s20 =	sadd.s32 $0x80, s20;
	v12 =	vld [tilespmem:s0+$0x2C00]  }
0xa7: {  	s1 =	sand.u32 $0x780, s20;
	v13 =	vld [tilespmem:s0+$0x20]  }
0xa8: {  	s4 =	sor.u32 $0x100000, s1;
	v10 =	vsub.s32 v10, v1;
	v14 =	vld [tilespmem:s0+$0x2C10]  }
0xa9: {  	v15 =	vor.u32 s4, v9;
	vm0 =	vlt.u32 v10, $0x100000;
	v16 =	vld [tilespmem:s0+$0x30]  }
0xaa: {  	s4 =	sor.u32 $0x100010, s1;
	v10 =	vsel vm0, v10, v15;
	v11 =	vsub.s32 v11, v1;
	v15 =	vld [tilespmem:s0+$0x2C20]  }
0xab: {  	[tilespmem:s0+$0x5800] =	vst v10;
	v10 =	vnsel vm0, $0x0, v12;
	vm0 =	vlt.u32 v11, $0x100000;
	v12 =	vor.u32 s4, v9;
	v17 =	vld [tilespmem:s0+$0x40]  }
0xac: {  	s4 =	sor.u32 $0x100020, s1;
	[tilespmem:s0+$0x8400] =	vst v10;
	v10 =	vsel vm0, v11, v12;
	v11 =	vsub.s32 v13, v1;
	v18 =	vld [tilespmem:s0+$0x2C30]  }
.Ltmp2:
0xad: {  	v13 =	vor.u32 s4, v9;
	[tilespmem:s0+$0x5810] =	vst v10;
	v12 =	vnsel vm0, $0x0, v14;
	vm0 =	vlt.u32 v11, $0x100000;
	v10 =	vld [tilespmem:s0+$0x50];
	(pc) =	sbr.rel @p0 .LBB2_6-.Ltmp2, $4  }
0xae: {  	s4 =	sor.u32 $0x100030, s1;
	[tilespmem:s0+$0x8410] =	vst v12;
	v12 =	vsel vm0, v11, v13;
	v13 =	vsub.s32 v16, v1;
	v11 =	vld [tilespmem:s0+$0x2C40]  }
0xaf: {  	[tilespmem:s0+$0x5820] =	vst v12;
	v14 =	vnsel vm0, $0x0, v15;
	vm0 =	vlt.u32 v13, $0x100000;
	v15 =	vor.u32 s4, v9;
	v12 =	vld [tilespmem:s0+$0x60]  }
0xb0: {  	s4 =	sor.u32 $0x100040, s1;
	[tilespmem:s0+$0x8420] =	vst v14;
	v14 =	vsel vm0, v13, v15;
	v15 =	vsub.s32 v17, v1;
	v13 =	vld [tilespmem:s0+$0x2C50]  }
0xb1: {  	s3 =	sadd.s32 $0x200, s3;
	v17 =	vor.u32 s4, v9;
	[tilespmem:s0+$0x5830] =	vst v14;
	v16 =	vnsel vm0, $0x0, v18;
	vm0 =	vlt.u32 v15, $0x100000;
	v14 =	vld [tilespmem:s0+$0x70]  }
0xb2: {  	[tilespmem:s0+$0x8430] =	vst v16;
	v15 =	vsel vm0, v15, v17;
	v16 =	vld [tilespmem:s0+$0x2C60];
	v10 =	vsub.s32 v10, v1;
	s3 =	sor.u32 $0x100050, s1  }
0xb3: {  	[tilespmem:s0+$0x5840] =	vst v15;
	v11 =	vnsel vm0, $0x0, v11;
	vm0 =	vlt.u32 v10, $0x100000;
	v15 =	vor.u32 s3, v9  }
0xb4: {  	s5 =	sor.u32 $0x100060, s1;
	[tilespmem:s0+$0x8440] =	vst v11;
	v10 =	vsel vm0, v10, v15;
	v11 =	vsub.s32 v12, v1;
	v12 =	vld [tilespmem:s0+$0x2C70]  }
0xb5: {  	[tilespmem:s0+$0x5850] =	vst v10;
	v10 =	vnsel vm0, $0x0, v13;
	vm0 =	vlt.u32 v11, $0x100000;
	v13 =	vor.u32 s5, v9  }
0xb6: {  	s20 =	sor.u32 $0x100070, s1;
	[tilespmem:s0+$0x8450] =	vst v10;
	v10 =	vsel vm0, v11, v13;
	v11 =	vsub.s32 v14, v1  }
0xb7: {  	v13 =	vor.u32 s20, v9;
	[tilespmem:s0+$0x5860] =	vst v10;
	v10 =	vnsel vm0, $0x0, v16;
	vm0 =	vlt.u32 v11, $0x100000  }
0xb8: {  	[tilespmem:s0+$0x8460] =	vst v10;
	v10 =	vsel vm0, v11, v13  }
0xb9: {  	[tilespmem:s0+$0x5870] =	vst v10;
	v10 =	vnsel vm0, $0x0, v12  }
0xba: {  	s4 =	sadd.s32 $0x8400, s0;
	s3 =	sadd.s32 $0x5800, s0;
	[tilespmem:s0+$0x8470] =	vst v10  }
0xbb: {  	[spmem:s2] =	stream.indirect.scatter.add.f32 [tilespmem:s4], [sflag:$0x1], $0x1, s3, s22, $0xb8;
	[tilespmem:$0x1F100] =	vst v63  }
0xbc: {  	_ =	swait.ge [sflag:s23], $0x2900  }
0xbd: {  	[sflag:s23] =	ssyncset.done $0x0  }
0xbe: {  	[sflag:s23] =	ssyncadd.s32 $0xFFFFD700  }
0xbf: {  	[tilespmem:s25], [sflag:$0x2] =	stream.indirect.gather [spmem:s2], $0x1, s24, s22, $0xb8;
	[tilespmem:$0x1F100] =	vst v63  }
0xc0: {  	_ =	swait.ge [sflag:s19], $0x80  }
0xc1: {  	[sflag:s19] =	ssyncset.done $0x0  }
0xc2: {  	[sflag:s19] =	ssyncadd.s32 $0xFFFFFF80  }
0xc3: {  	[tilespmem:s25], [sflag:$0x2] =	stream.indirect.gather [spmem:s2], $0x1, s26, s22, $0xb8;
	[tilespmem:$0x1F100] =	vst v63  }
0xc4: {  	_ =	swait.ge [sflag:s19], $0x80  }
0xc5: {  	[sflag:s19] =	ssyncset.done $0x0  }
0xc6: {  	[sflag:s19] =	ssyncadd.s32 $0xFFFFFF80  }
0xc7: {  	[tilespmem:s25], [sflag:$0x2] =	stream.indirect.gather [spmem:s2], $0x1, s28, s22, $0xb8;
	[tilespmem:$0x1F100] =	vst v63  }
0xc8: {  	_ =	swait.ge [sflag:s19], $0x80  }
0xc9: {  	[sflag:s19] =	ssyncset.done $0x0  }
0xca: {  	[sflag:s19] =	ssyncadd.s32 $0xFFFFFF80  }
0xcb: {  	[bflag:$0x0] =	sbarrier.arrive $0xFFFF  }
0xcc: {  	[hbm:s9], [sflag:s30] =	dma.local [spmem:s31], $0x2000  }
0xcd: {  	_ =	swait.ge [sflag:s19], $0x2000  }
0xce: {  	[sflag:s19] =	ssyncset.done $0x0  }
0xcf: {  	[sflag:s19] =	ssyncadd.s32 $0xFFFFE000  }
0xd0: {  	[bflag:$0x0] =	sbarrier.arrive $0xFFFF  }
0xd1: {  	[spmem:s6] =	stream.linear.scatter [tilespmem:s21], [sflag:$0x2], $0x4000, $0x38;
	[tilespmem:$0x1F100] =	vst v63  }
0xd2: {  	_ =	swait.ge [sflag:s19], $0x4000  }
0xd3: {  	[sflag:s19] =	ssyncset.done $0x0  }
0xd4: {  	[sflag:s19] =	ssyncadd.s32 $0xFFFFC000  }
0xd5: {  	[spmem:s7] =	stream.linear.scatter [tilespmem:s21], [sflag:$0x2], $0x4000, $0x38;
	[tilespmem:$0x1F100] =	vst v63  }
0xd6: {  	_ =	swait.ge [sflag:s19], $0x4000  }
0xd7: {  	[sflag:s19] =	ssyncset.done $0x0  }
0xd8: {  	[sflag:s19] =	ssyncadd.s32 $0xFFFFC000  }
0xd9: {  	[spmem:s16] =	stream.linear.scatter [tilespmem:s21], [sflag:$0x2], $0x4000, $0x38;
	[tilespmem:$0x1F100] =	vst v63  }
0xda: {  	_ =	swait.ge [sflag:s19], $0x4000  }
0xdb: {  	[sflag:s19] =	ssyncset.done $0x0  }
0xdc: {  	[sflag:s19] =	ssyncadd.s32 $0xFFFFC000  }
0xdd: {  	[spmem:s17] =	stream.linear.scatter [tilespmem:s21], [sflag:$0x2], $0x4000, $0x38;
	[tilespmem:$0x1F100] =	vst v63  }
0xde: {  	_ =	swait.ge [sflag:s19], $0x4000  }
0xdf: {  	[sflag:s19] =	ssyncset.done $0x0  }
0xe0: {  	[sflag:s19] =	ssyncadd.s32 $0xFFFFC000  }
0xe1: {  	s0 =	simm.s32 $0x0;
	[bflag:$0x0] =	sbarrier.arrive $0xFFFF  }
0xe2: {  	v10 =	vld [tilespmem:s0+$0x0];
	_ =	sdelay $0x2  }
0xe3: {  	s20 =	simm.s32 $0x0;
	v11 =	vld [tilespmem:s0+$0x10]  }
0xe4: {  	s1 =	sand.u32 $0x780, s20;
	v12 =	vld [tilespmem:s0+$0x2C00]  }
0xe5: {  	s5 =	sor.u32 $0x100000, s1;
	v13 =	vld [tilespmem:s0+$0x20];
	v10 =	vsub.s32 v10, v2  }
0xe6: {  	v15 =	vor.u32 s5, v9;
	v14 =	vld [tilespmem:s0+$0x2C10];
	vm0 =	vlt.u32 v10, $0x100000  }
0xe7: {  	v16 =	vld [tilespmem:s0+$0x30];
	v10 =	vsel vm0, v10, v15  }
0xe8: {  	s4 =	sor.u32 $0x100010, s1;
	v15 =	vld [tilespmem:s0+$0x2C20];
	[tilespmem:s0+$0x5800] =	vst v10;
	v10 =	vsub.s32 v11, v2  }
0xe9: {  	v17 =	vld [tilespmem:s0+$0x40];
	v11 =	vnsel vm0, $0x0, v12;
	v12 =	vor.u32 s4, v9;
	vm0 =	vlt.u32 v10, $0x100000  }
0xea: {  	s5 =	sor.u32 $0x100020, s1;
	v18 =	vld [tilespmem:s0+$0x2C30];
	[tilespmem:s0+$0x8400] =	vst v11;
	v11 =	vsub.s32 v13, v2;
	v10 =	vsel vm0, v10, v12  }
0xeb: {  	v13 =	vor.u32 s5, v9;
	v12 =	vnsel vm0, $0x0, v14;
	vm0 =	vlt.u32 v11, $0x100000;
	[tilespmem:s0+$0x5810] =	vst v10;
	v10 =	vld [tilespmem:s0+$0x50]  }
0xec: {  	s4 =	sor.u32 $0x100030, s1;
	[tilespmem:s0+$0x8410] =	vst v12;
	v12 =	vsel vm0, v11, v13;
	v11 =	vld [tilespmem:s0+$0x2C40];
	v13 =	vsub.s32 v16, v2  }
0xed: {  	[tilespmem:s0+$0x5820] =	vst v12;
	v14 =	vnsel vm0, $0x0, v15;
	v12 =	vld [tilespmem:s0+$0x60];
	vm0 =	vlt.u32 v13, $0x100000;
	v15 =	vor.u32 s4, v9  }
0xee: {  	s5 =	sor.u32 $0x100040, s1;
	[tilespmem:s0+$0x8420] =	vst v14;
	v14 =	vsel vm0, v13, v15;
	v13 =	vld [tilespmem:s0+$0x2C50];
	v15 =	vsub.s32 v17, v2  }
0xef: {  	s3 =	simm.s32 $0x200;
	v16 =	vnsel vm0, $0x0, v18;
	v17 =	vor.u32 s5, v9;
	[tilespmem:s0+$0x5830] =	vst v14;
	vm0 =	vlt.u32 v15, $0x100000;
	v14 =	vld [tilespmem:s0+$0x70]  }
.LBB2_8:
0xf0: {  	p0 =	sne.s32 s3, $0xA200;
	[tilespmem:s0+$0x8430] =	vst v16;
	v15 =	vsel vm0, v15, v17;
	v10 =	vsub.s32 v10, v2;
	s4 =	sor.u32 $0x100050, s1;
	v16 =	vld [tilespmem:s0+$0x2C60]  }
0xf1: {  	[tilespmem:s0+$0x5840] =	vst v15;
	v11 =	vnsel vm0, $0x0, v11;
	vm0 =	vlt.u32 v10, $0x100000;
	v15 =	vor.u32 s4, v9  }
0xf2: {  	s4 =	sor.u32 $0x100060, s1;
	[tilespmem:s0+$0x8440] =	vst v11;
	v10 =	vsel vm0, v10, v15;
	v11 =	vsub.s32 v12, v2;
	v12 =	vld [tilespmem:s0+$0x2C70]  }
0xf3: {  	[tilespmem:s0+$0x5850] =	vst v10;
	v10 =	vnsel vm0, $0x0, v13;
	vm0 =	vlt.u32 v11, $0x100000;
	v13 =	vor.u32 s4, v9  }
0xf4: {  	s1 =	sor.u32 $0x100070, s1;
	[tilespmem:s0+$0x8450] =	vst v10;
	v10 =	vsel vm0, v11, v13;
	v11 =	vsub.s32 v14, v2  }
0xf5: {  	v13 =	vor.u32 s1, v9;
	[tilespmem:s0+$0x5860] =	vst v10;
	v10 =	vnsel vm0, $0x0, v16;
	vm0 =	vlt.u32 v11, $0x100000  }
0xf6: {  	[tilespmem:s0+$0x8460] =	vst v10;
	v10 =	vsel vm0, v11, v13  }
0xf7: {  	s5 =	sadd.s32 $0x8400, s0;
	s4 =	sadd.s32 $0x5800, s0;
	s1 =	sshra.s32 s3, $0x2;
	[tilespmem:s0+$0x5870] =	vst v10;
	v10 =	vnsel vm0, $0x0, v12  }
0xf8: {  	[tilespmem:s0+$0x8470] =	vst v10;
	[spmem:s2] =	stream.indirect.scatter.add.f32 [tilespmem:s5], [sflag:$0x1], $0x1, s4, s22, $0xb8  }
0xf9: {  	s0 =	smov.u32 s1;
	v10 =	vld [tilespmem:s1+$0x0];
	_ =	sdelay $0x1  }
0xfa: {  	v11 =	vld [tilespmem:s0+$0x10]  }
0xfb: {  	s20 =	sadd.s32 $0x80, s20;
	v12 =	vld [tilespmem:s0+$0x2C00]  }
0xfc: {  	s1 =	sand.u32 $0x780, s20;
	v13 =	vld [tilespmem:s0+$0x20]  }
0xfd: {  	s4 =	sor.u32 $0x100000, s1;
	v10 =	vsub.s32 v10, v2;
	v14 =	vld [tilespmem:s0+$0x2C10]  }
0xfe: {  	v15 =	vor.u32 s4, v9;
	vm0 =	vlt.u32 v10, $0x100000;
	v16 =	vld [tilespmem:s0+$0x30]  }
0xff: {  	s4 =	sor.u32 $0x100010, s1;
	v10 =	vsel vm0, v10, v15;
	v11 =	vsub.s32 v11, v2;
	v15 =	vld [tilespmem:s0+$0x2C20]  }
0x100: {  	[tilespmem:s0+$0x5800] =	vst v10;
	v10 =	vnsel vm0, $0x0, v12;
	vm0 =	vlt.u32 v11, $0x100000;
	v12 =	vor.u32 s4, v9;
	v17 =	vld [tilespmem:s0+$0x40]  }
0x101: {  	s4 =	sor.u32 $0x100020, s1;
	[tilespmem:s0+$0x8400] =	vst v10;
	v10 =	vsel vm0, v11, v12;
	v11 =	vsub.s32 v13, v2;
	v18 =	vld [tilespmem:s0+$0x2C30]  }
.Ltmp3:
0x102: {  	v13 =	vor.u32 s4, v9;
	[tilespmem:s0+$0x5810] =	vst v10;
	v12 =	vnsel vm0, $0x0, v14;
	vm0 =	vlt.u32 v11, $0x100000;
	v10 =	vld [tilespmem:s0+$0x50];
	(pc) =	sbr.rel @p0 .LBB2_8-.Ltmp3, $4  }
0x103: {  	s4 =	sor.u32 $0x100030, s1;
	[tilespmem:s0+$0x8410] =	vst v12;
	v12 =	vsel vm0, v11, v13;
	v13 =	vsub.s32 v16, v2;
	v11 =	vld [tilespmem:s0+$0x2C40]  }
0x104: {  	[tilespmem:s0+$0x5820] =	vst v12;
	v14 =	vnsel vm0, $0x0, v15;
	vm0 =	vlt.u32 v13, $0x100000;
	v15 =	vor.u32 s4, v9;
	v12 =	vld [tilespmem:s0+$0x60]  }
0x105: {  	s4 =	sor.u32 $0x100040, s1;
	[tilespmem:s0+$0x8420] =	vst v14;
	v14 =	vsel vm0, v13, v15;
	v15 =	vsub.s32 v17, v2;
	v13 =	vld [tilespmem:s0+$0x2C50]  }
0x106: {  	s3 =	sadd.s32 $0x200, s3;
	v17 =	vor.u32 s4, v9;
	[tilespmem:s0+$0x5830] =	vst v14;
	v16 =	vnsel vm0, $0x0, v18;
	vm0 =	vlt.u32 v15, $0x100000;
	v14 =	vld [tilespmem:s0+$0x70]  }
0x107: {  	[tilespmem:s0+$0x8430] =	vst v16;
	v15 =	vsel vm0, v15, v17;
	v16 =	vld [tilespmem:s0+$0x2C60];
	v10 =	vsub.s32 v10, v2;
	s3 =	sor.u32 $0x100050, s1  }
0x108: {  	[tilespmem:s0+$0x5840] =	vst v15;
	v11 =	vnsel vm0, $0x0, v11;
	vm0 =	vlt.u32 v10, $0x100000;
	v15 =	vor.u32 s3, v9  }
0x109: {  	s5 =	sor.u32 $0x100060, s1;
	[tilespmem:s0+$0x8440] =	vst v11;
	v10 =	vsel vm0, v10, v15;
	v11 =	vsub.s32 v12, v2;
	v12 =	vld [tilespmem:s0+$0x2C70]  }
0x10a: {  	[tilespmem:s0+$0x5850] =	vst v10;
	v10 =	vnsel vm0, $0x0, v13;
	vm0 =	vlt.u32 v11, $0x100000;
	v13 =	vor.u32 s5, v9  }
0x10b: {  	s20 =	sor.u32 $0x100070, s1;
	[tilespmem:s0+$0x8450] =	vst v10;
	v10 =	vsel vm0, v11, v13;
	v11 =	vsub.s32 v14, v2  }
0x10c: {  	v13 =	vor.u32 s20, v9;
	[tilespmem:s0+$0x5860] =	vst v10;
	v10 =	vnsel vm0, $0x0, v16;
	vm0 =	vlt.u32 v11, $0x100000  }
0x10d: {  	[tilespmem:s0+$0x8460] =	vst v10;
	v10 =	vsel vm0, v11, v13  }
0x10e: {  	[tilespmem:s0+$0x5870] =	vst v10;
	v10 =	vnsel vm0, $0x0, v12  }
0x10f: {  	s4 =	sadd.s32 $0x8400, s0;
	s3 =	sadd.s32 $0x5800, s0;
	[tilespmem:s0+$0x8470] =	vst v10  }
0x110: {  	[spmem:s2] =	stream.indirect.scatter.add.f32 [tilespmem:s4], [sflag:$0x1], $0x1, s3, s22, $0xb8;
	[tilespmem:$0x1F100] =	vst v63  }
0x111: {  	_ =	swait.ge [sflag:s23], $0x2900  }
0x112: {  	[sflag:s23] =	ssyncset.done $0x0  }
0x113: {  	[sflag:s23] =	ssyncadd.s32 $0xFFFFD700  }
0x114: {  	[tilespmem:s25], [sflag:$0x2] =	stream.indirect.gather [spmem:s2], $0x1, s24, s22, $0xb8;
	[tilespmem:$0x1F100] =	vst v63  }
0x115: {  	_ =	swait.ge [sflag:s19], $0x80  }
0x116: {  	[sflag:s19] =	ssyncset.done $0x0  }
0x117: {  	[sflag:s19] =	ssyncadd.s32 $0xFFFFFF80  }
0x118: {  	[tilespmem:s25], [sflag:$0x2] =	stream.indirect.gather [spmem:s2], $0x1, s26, s22, $0xb8;
	[tilespmem:$0x1F100] =	vst v63  }
0x119: {  	_ =	swait.ge [sflag:s19], $0x80  }
0x11a: {  	[sflag:s19] =	ssyncset.done $0x0  }
0x11b: {  	[sflag:s19] =	ssyncadd.s32 $0xFFFFFF80  }
0x11c: {  	[tilespmem:s25], [sflag:$0x2] =	stream.indirect.gather [spmem:s2], $0x1, s28, s22, $0xb8;
	[tilespmem:$0x1F100] =	vst v63  }
0x11d: {  	_ =	swait.ge [sflag:s19], $0x80  }
0x11e: {  	[sflag:s19] =	ssyncset.done $0x0  }
0x11f: {  	[sflag:s19] =	ssyncadd.s32 $0xFFFFFF80  }
0x120: {  	[bflag:$0x0] =	sbarrier.arrive $0xFFFF  }
0x121: {  	[hbm:s10], [sflag:s30] =	dma.local [spmem:s31], $0x2000  }
0x122: {  	_ =	swait.ge [sflag:s19], $0x2000  }
0x123: {  	[sflag:s19] =	ssyncset.done $0x0  }
0x124: {  	[sflag:s19] =	ssyncadd.s32 $0xFFFFE000  }
0x125: {  	[bflag:$0x0] =	sbarrier.arrive $0xFFFF  }
0x126: {  	[spmem:s6] =	stream.linear.scatter [tilespmem:s21], [sflag:$0x2], $0x4000, $0x38;
	[tilespmem:$0x1F100] =	vst v63  }
0x127: {  	_ =	swait.ge [sflag:s19], $0x4000  }
0x128: {  	[sflag:s19] =	ssyncset.done $0x0  }
0x129: {  	[sflag:s19] =	ssyncadd.s32 $0xFFFFC000  }
0x12a: {  	[spmem:s7] =	stream.linear.scatter [tilespmem:s21], [sflag:$0x2], $0x4000, $0x38;
	[tilespmem:$0x1F100] =	vst v63  }
0x12b: {  	_ =	swait.ge [sflag:s19], $0x4000  }
0x12c: {  	[sflag:s19] =	ssyncset.done $0x0  }
0x12d: {  	[sflag:s19] =	ssyncadd.s32 $0xFFFFC000  }
0x12e: {  	[spmem:s16] =	stream.linear.scatter [tilespmem:s21], [sflag:$0x2], $0x4000, $0x38;
	[tilespmem:$0x1F100] =	vst v63  }
0x12f: {  	_ =	swait.ge [sflag:s19], $0x4000  }
0x130: {  	[sflag:s19] =	ssyncset.done $0x0  }
0x131: {  	[sflag:s19] =	ssyncadd.s32 $0xFFFFC000  }
0x132: {  	[spmem:s17] =	stream.linear.scatter [tilespmem:s21], [sflag:$0x2], $0x4000, $0x38;
	[tilespmem:$0x1F100] =	vst v63  }
0x133: {  	_ =	swait.ge [sflag:s19], $0x4000  }
0x134: {  	[sflag:s19] =	ssyncset.done $0x0  }
0x135: {  	[sflag:s19] =	ssyncadd.s32 $0xFFFFC000  }
0x136: {  	s0 =	simm.s32 $0x0;
	[bflag:$0x0] =	sbarrier.arrive $0xFFFF  }
0x137: {  	v10 =	vld [tilespmem:s0+$0x0];
	_ =	sdelay $0x2  }
0x138: {  	s20 =	simm.s32 $0x0;
	v11 =	vld [tilespmem:s0+$0x10]  }
0x139: {  	s1 =	sand.u32 $0x780, s20;
	v12 =	vld [tilespmem:s0+$0x2C00]  }
0x13a: {  	s5 =	sor.u32 $0x100000, s1;
	v13 =	vld [tilespmem:s0+$0x20];
	v10 =	vsub.s32 v10, v3  }
0x13b: {  	v15 =	vor.u32 s5, v9;
	v14 =	vld [tilespmem:s0+$0x2C10];
	vm0 =	vlt.u32 v10, $0x100000  }
0x13c: {  	v16 =	vld [tilespmem:s0+$0x30];
	v10 =	vsel vm0, v10, v15  }
0x13d: {  	s4 =	sor.u32 $0x100010, s1;
	v15 =	vld [tilespmem:s0+$0x2C20];
	[tilespmem:s0+$0x5800] =	vst v10;
	v10 =	vsub.s32 v11, v3  }
0x13e: {  	v17 =	vld [tilespmem:s0+$0x40];
	v11 =	vnsel vm0, $0x0, v12;
	v12 =	vor.u32 s4, v9;
	vm0 =	vlt.u32 v10, $0x100000  }
0x13f: {  	s5 =	sor.u32 $0x100020, s1;
	v18 =	vld [tilespmem:s0+$0x2C30];
	[tilespmem:s0+$0x8400] =	vst v11;
	v11 =	vsub.s32 v13, v3;
	v10 =	vsel vm0, v10, v12  }
0x140: {  	v13 =	vor.u32 s5, v9;
	v12 =	vnsel vm0, $0x0, v14;
	vm0 =	vlt.u32 v11, $0x100000;
	[tilespmem:s0+$0x5810] =	vst v10;
	v10 =	vld [tilespmem:s0+$0x50]  }
0x141: {  	s4 =	sor.u32 $0x100030, s1;
	[tilespmem:s0+$0x8410] =	vst v12;
	v12 =	vsel vm0, v11, v13;
	v11 =	vld [tilespmem:s0+$0x2C40];
	v13 =	vsub.s32 v16, v3  }
0x142: {  	[tilespmem:s0+$0x5820] =	vst v12;
	v14 =	vnsel vm0, $0x0, v15;
	v12 =	vld [tilespmem:s0+$0x60];
	vm0 =	vlt.u32 v13, $0x100000;
	v15 =	vor.u32 s4, v9  }
0x143: {  	s5 =	sor.u32 $0x100040, s1;
	[tilespmem:s0+$0x8420] =	vst v14;
	v14 =	vsel vm0, v13, v15;
	v13 =	vld [tilespmem:s0+$0x2C50];
	v15 =	vsub.s32 v17, v3  }
0x144: {  	s3 =	simm.s32 $0x200;
	v16 =	vnsel vm0, $0x0, v18;
	v17 =	vor.u32 s5, v9;
	[tilespmem:s0+$0x5830] =	vst v14;
	vm0 =	vlt.u32 v15, $0x100000;
	v14 =	vld [tilespmem:s0+$0x70]  }
.LBB2_10:
0x145: {  	p0 =	sne.s32 s3, $0xA200;
	[tilespmem:s0+$0x8430] =	vst v16;
	v15 =	vsel vm0, v15, v17;
	v10 =	vsub.s32 v10, v3;
	s4 =	sor.u32 $0x100050, s1;
	v16 =	vld [tilespmem:s0+$0x2C60]  }
0x146: {  	[tilespmem:s0+$0x5840] =	vst v15;
	v11 =	vnsel vm0, $0x0, v11;
	vm0 =	vlt.u32 v10, $0x100000;
	v15 =	vor.u32 s4, v9  }
0x147: {  	s4 =	sor.u32 $0x100060, s1;
	[tilespmem:s0+$0x8440] =	vst v11;
	v10 =	vsel vm0, v10, v15;
	v11 =	vsub.s32 v12, v3;
	v12 =	vld [tilespmem:s0+$0x2C70]  }
0x148: {  	[tilespmem:s0+$0x5850] =	vst v10;
	v10 =	vnsel vm0, $0x0, v13;
	vm0 =	vlt.u32 v11, $0x100000;
	v13 =	vor.u32 s4, v9  }
0x149: {  	s1 =	sor.u32 $0x100070, s1;
	[tilespmem:s0+$0x8450] =	vst v10;
	v10 =	vsel vm0, v11, v13;
	v11 =	vsub.s32 v14, v3  }
0x14a: {  	v13 =	vor.u32 s1, v9;
	[tilespmem:s0+$0x5860] =	vst v10;
	v10 =	vnsel vm0, $0x0, v16;
	vm0 =	vlt.u32 v11, $0x100000  }
0x14b: {  	[tilespmem:s0+$0x8460] =	vst v10;
	v10 =	vsel vm0, v11, v13  }
0x14c: {  	s5 =	sadd.s32 $0x8400, s0;
	s4 =	sadd.s32 $0x5800, s0;
	s1 =	sshra.s32 s3, $0x2;
	[tilespmem:s0+$0x5870] =	vst v10;
	v10 =	vnsel vm0, $0x0, v12  }
0x14d: {  	[tilespmem:s0+$0x8470] =	vst v10;
	[spmem:s2] =	stream.indirect.scatter.add.f32 [tilespmem:s5], [sflag:$0x1], $0x1, s4, s22, $0xb8  }
0x14e: {  	s0 =	smov.u32 s1;
	v10 =	vld [tilespmem:s1+$0x0];
	_ =	sdelay $0x1  }
0x14f: {  	v11 =	vld [tilespmem:s0+$0x10]  }
0x150: {  	s20 =	sadd.s32 $0x80, s20;
	v12 =	vld [tilespmem:s0+$0x2C00]  }
0x151: {  	s1 =	sand.u32 $0x780, s20;
	v13 =	vld [tilespmem:s0+$0x20]  }
0x152: {  	s4 =	sor.u32 $0x100000, s1;
	v10 =	vsub.s32 v10, v3;
	v14 =	vld [tilespmem:s0+$0x2C10]  }
0x153: {  	v15 =	vor.u32 s4, v9;
	vm0 =	vlt.u32 v10, $0x100000;
	v16 =	vld [tilespmem:s0+$0x30]  }
0x154: {  	s4 =	sor.u32 $0x100010, s1;
	v10 =	vsel vm0, v10, v15;
	v11 =	vsub.s32 v11, v3;
	v15 =	vld [tilespmem:s0+$0x2C20]  }
0x155: {  	[tilespmem:s0+$0x5800] =	vst v10;
	v10 =	vnsel vm0, $0x0, v12;
	vm0 =	vlt.u32 v11, $0x100000;
	v12 =	vor.u32 s4, v9;
	v17 =	vld [tilespmem:s0+$0x40]  }
0x156: {  	s4 =	sor.u32 $0x100020, s1;
	[tilespmem:s0+$0x8400] =	vst v10;
	v10 =	vsel vm0, v11, v12;
	v11 =	vsub.s32 v13, v3;
	v18 =	vld [tilespmem:s0+$0x2C30]  }
.Ltmp4:
0x157: {  	v13 =	vor.u32 s4, v9;
	[tilespmem:s0+$0x5810] =	vst v10;
	v12 =	vnsel vm0, $0x0, v14;
	vm0 =	vlt.u32 v11, $0x100000;
	v10 =	vld [tilespmem:s0+$0x50];
	(pc) =	sbr.rel @p0 .LBB2_10-.Ltmp4, $4  }
0x158: {  	s4 =	sor.u32 $0x100030, s1;
	[tilespmem:s0+$0x8410] =	vst v12;
	v12 =	vsel vm0, v11, v13;
	v13 =	vsub.s32 v16, v3;
	v11 =	vld [tilespmem:s0+$0x2C40]  }
0x159: {  	[tilespmem:s0+$0x5820] =	vst v12;
	v14 =	vnsel vm0, $0x0, v15;
	vm0 =	vlt.u32 v13, $0x100000;
	v15 =	vor.u32 s4, v9;
	v12 =	vld [tilespmem:s0+$0x60]  }
0x15a: {  	s4 =	sor.u32 $0x100040, s1;
	[tilespmem:s0+$0x8420] =	vst v14;
	v14 =	vsel vm0, v13, v15;
	v15 =	vsub.s32 v17, v3;
	v13 =	vld [tilespmem:s0+$0x2C50]  }
0x15b: {  	s3 =	sadd.s32 $0x200, s3;
	v17 =	vor.u32 s4, v9;
	[tilespmem:s0+$0x5830] =	vst v14;
	v16 =	vnsel vm0, $0x0, v18;
	vm0 =	vlt.u32 v15, $0x100000;
	v14 =	vld [tilespmem:s0+$0x70]  }
0x15c: {  	[tilespmem:s0+$0x8430] =	vst v16;
	v15 =	vsel vm0, v15, v17;
	v16 =	vld [tilespmem:s0+$0x2C60];
	v10 =	vsub.s32 v10, v3;
	s3 =	sor.u32 $0x100050, s1  }
0x15d: {  	[tilespmem:s0+$0x5840] =	vst v15;
	v11 =	vnsel vm0, $0x0, v11;
	vm0 =	vlt.u32 v10, $0x100000;
	v15 =	vor.u32 s3, v9  }
0x15e: {  	s5 =	sor.u32 $0x100060, s1;
	[tilespmem:s0+$0x8440] =	vst v11;
	v10 =	vsel vm0, v10, v15;
	v11 =	vsub.s32 v12, v3;
	v12 =	vld [tilespmem:s0+$0x2C70]  }
0x15f: {  	[tilespmem:s0+$0x5850] =	vst v10;
	v10 =	vnsel vm0, $0x0, v13;
	vm0 =	vlt.u32 v11, $0x100000;
	v13 =	vor.u32 s5, v9  }
0x160: {  	s20 =	sor.u32 $0x100070, s1;
	[tilespmem:s0+$0x8450] =	vst v10;
	v10 =	vsel vm0, v11, v13;
	v11 =	vsub.s32 v14, v3  }
0x161: {  	v13 =	vor.u32 s20, v9;
	[tilespmem:s0+$0x5860] =	vst v10;
	v10 =	vnsel vm0, $0x0, v16;
	vm0 =	vlt.u32 v11, $0x100000  }
0x162: {  	[tilespmem:s0+$0x8460] =	vst v10;
	v10 =	vsel vm0, v11, v13  }
0x163: {  	[tilespmem:s0+$0x5870] =	vst v10;
	v10 =	vnsel vm0, $0x0, v12  }
0x164: {  	s4 =	sadd.s32 $0x8400, s0;
	s3 =	sadd.s32 $0x5800, s0;
	[tilespmem:s0+$0x8470] =	vst v10  }
0x165: {  	[spmem:s2] =	stream.indirect.scatter.add.f32 [tilespmem:s4], [sflag:$0x1], $0x1, s3, s22, $0xb8;
	[tilespmem:$0x1F100] =	vst v63  }
0x166: {  	_ =	swait.ge [sflag:s23], $0x2900  }
0x167: {  	[sflag:s23] =	ssyncset.done $0x0  }
0x168: {  	[sflag:s23] =	ssyncadd.s32 $0xFFFFD700  }
0x169: {  	[tilespmem:s25], [sflag:$0x2] =	stream.indirect.gather [spmem:s2], $0x1, s24, s22, $0xb8;
	[tilespmem:$0x1F100] =	vst v63  }
0x16a: {  	_ =	swait.ge [sflag:s19], $0x80  }
0x16b: {  	[sflag:s19] =	ssyncset.done $0x0  }
0x16c: {  	[sflag:s19] =	ssyncadd.s32 $0xFFFFFF80  }
0x16d: {  	[tilespmem:s25], [sflag:$0x2] =	stream.indirect.gather [spmem:s2], $0x1, s26, s22, $0xb8;
	[tilespmem:$0x1F100] =	vst v63  }
0x16e: {  	_ =	swait.ge [sflag:s19], $0x80  }
0x16f: {  	[sflag:s19] =	ssyncset.done $0x0  }
0x170: {  	[sflag:s19] =	ssyncadd.s32 $0xFFFFFF80  }
0x171: {  	[tilespmem:s25], [sflag:$0x2] =	stream.indirect.gather [spmem:s2], $0x1, s28, s22, $0xb8;
	[tilespmem:$0x1F100] =	vst v63  }
0x172: {  	_ =	swait.ge [sflag:s19], $0x80  }
0x173: {  	[sflag:s19] =	ssyncset.done $0x0  }
0x174: {  	[sflag:s19] =	ssyncadd.s32 $0xFFFFFF80  }
0x175: {  	[bflag:$0x0] =	sbarrier.arrive $0xFFFF  }
0x176: {  	[hbm:s11], [sflag:s30] =	dma.local [spmem:s31], $0x2000  }
0x177: {  	_ =	swait.ge [sflag:s19], $0x2000  }
0x178: {  	[sflag:s19] =	ssyncset.done $0x0  }
0x179: {  	[sflag:s19] =	ssyncadd.s32 $0xFFFFE000  }
0x17a: {  	[bflag:$0x0] =	sbarrier.arrive $0xFFFF  }
0x17b: {  	[spmem:s6] =	stream.linear.scatter [tilespmem:s21], [sflag:$0x2], $0x4000, $0x38;
	[tilespmem:$0x1F100] =	vst v63  }
0x17c: {  	_ =	swait.ge [sflag:s19], $0x4000  }
0x17d: {  	[sflag:s19] =	ssyncset.done $0x0  }
0x17e: {  	[sflag:s19] =	ssyncadd.s32 $0xFFFFC000  }
0x17f: {  	[spmem:s7] =	stream.linear.scatter [tilespmem:s21], [sflag:$0x2], $0x4000, $0x38;
	[tilespmem:$0x1F100] =	vst v63  }
0x180: {  	_ =	swait.ge [sflag:s19], $0x4000  }
0x181: {  	[sflag:s19] =	ssyncset.done $0x0  }
0x182: {  	[sflag:s19] =	ssyncadd.s32 $0xFFFFC000  }
0x183: {  	[spmem:s16] =	stream.linear.scatter [tilespmem:s21], [sflag:$0x2], $0x4000, $0x38;
	[tilespmem:$0x1F100] =	vst v63  }
0x184: {  	_ =	swait.ge [sflag:s19], $0x4000  }
0x185: {  	[sflag:s19] =	ssyncset.done $0x0  }
0x186: {  	[sflag:s19] =	ssyncadd.s32 $0xFFFFC000  }
0x187: {  	[spmem:s17] =	stream.linear.scatter [tilespmem:s21], [sflag:$0x2], $0x4000, $0x38;
	[tilespmem:$0x1F100] =	vst v63  }
0x188: {  	_ =	swait.ge [sflag:s19], $0x4000  }
0x189: {  	[sflag:s19] =	ssyncset.done $0x0  }
0x18a: {  	[sflag:s19] =	ssyncadd.s32 $0xFFFFC000  }
0x18b: {  	s0 =	simm.s32 $0x0;
	[bflag:$0x0] =	sbarrier.arrive $0xFFFF  }
0x18c: {  	v10 =	vld [tilespmem:s0+$0x0];
	_ =	sdelay $0x2  }
0x18d: {  	s20 =	simm.s32 $0x0;
	v11 =	vld [tilespmem:s0+$0x10]  }
0x18e: {  	s1 =	sand.u32 $0x780, s20;
	v12 =	vld [tilespmem:s0+$0x2C00]  }
0x18f: {  	s5 =	sor.u32 $0x100000, s1;
	v13 =	vld [tilespmem:s0+$0x20];
	v10 =	vsub.s32 v10, v4  }
0x190: {  	v15 =	vor.u32 s5, v9;
	v14 =	vld [tilespmem:s0+$0x2C10];
	vm0 =	vlt.u32 v10, $0x100000  }
0x191: {  	v16 =	vld [tilespmem:s0+$0x30];
	v10 =	vsel vm0, v10, v15  }
0x192: {  	s4 =	sor.u32 $0x100010, s1;
	v15 =	vld [tilespmem:s0+$0x2C20];
	[tilespmem:s0+$0x5800] =	vst v10;
	v10 =	vsub.s32 v11, v4  }
0x193: {  	v17 =	vld [tilespmem:s0+$0x40];
	v11 =	vnsel vm0, $0x0, v12;
	v12 =	vor.u32 s4, v9;
	vm0 =	vlt.u32 v10, $0x100000  }
0x194: {  	s5 =	sor.u32 $0x100020, s1;
	v18 =	vld [tilespmem:s0+$0x2C30];
	[tilespmem:s0+$0x8400] =	vst v11;
	v11 =	vsub.s32 v13, v4;
	v10 =	vsel vm0, v10, v12  }
0x195: {  	v13 =	vor.u32 s5, v9;
	v12 =	vnsel vm0, $0x0, v14;
	vm0 =	vlt.u32 v11, $0x100000;
	[tilespmem:s0+$0x5810] =	vst v10;
	v10 =	vld [tilespmem:s0+$0x50]  }
0x196: {  	s4 =	sor.u32 $0x100030, s1;
	[tilespmem:s0+$0x8410] =	vst v12;
	v12 =	vsel vm0, v11, v13;
	v11 =	vld [tilespmem:s0+$0x2C40];
	v13 =	vsub.s32 v16, v4  }
0x197: {  	[tilespmem:s0+$0x5820] =	vst v12;
	v14 =	vnsel vm0, $0x0, v15;
	v12 =	vld [tilespmem:s0+$0x60];
	vm0 =	vlt.u32 v13, $0x100000;
	v15 =	vor.u32 s4, v9  }
0x198: {  	s5 =	sor.u32 $0x100040, s1;
	[tilespmem:s0+$0x8420] =	vst v14;
	v14 =	vsel vm0, v13, v15;
	v13 =	vld [tilespmem:s0+$0x2C50];
	v15 =	vsub.s32 v17, v4  }
0x199: {  	s3 =	simm.s32 $0x200;
	v16 =	vnsel vm0, $0x0, v18;
	v17 =	vor.u32 s5, v9;
	[tilespmem:s0+$0x5830] =	vst v14;
	vm0 =	vlt.u32 v15, $0x100000;
	v14 =	vld [tilespmem:s0+$0x70]  }
.LBB2_12:
0x19a: {  	p0 =	sne.s32 s3, $0xA200;
	[tilespmem:s0+$0x8430] =	vst v16;
	v15 =	vsel vm0, v15, v17;
	v10 =	vsub.s32 v10, v4;
	s4 =	sor.u32 $0x100050, s1;
	v16 =	vld [tilespmem:s0+$0x2C60]  }
0x19b: {  	[tilespmem:s0+$0x5840] =	vst v15;
	v11 =	vnsel vm0, $0x0, v11;
	vm0 =	vlt.u32 v10, $0x100000;
	v15 =	vor.u32 s4, v9  }
0x19c: {  	s4 =	sor.u32 $0x100060, s1;
	[tilespmem:s0+$0x8440] =	vst v11;
	v10 =	vsel vm0, v10, v15;
	v11 =	vsub.s32 v12, v4;
	v12 =	vld [tilespmem:s0+$0x2C70]  }
0x19d: {  	[tilespmem:s0+$0x5850] =	vst v10;
	v10 =	vnsel vm0, $0x0, v13;
	vm0 =	vlt.u32 v11, $0x100000;
	v13 =	vor.u32 s4, v9  }
0x19e: {  	s1 =	sor.u32 $0x100070, s1;
	[tilespmem:s0+$0x8450] =	vst v10;
	v10 =	vsel vm0, v11, v13;
	v11 =	vsub.s32 v14, v4  }
0x19f: {  	v13 =	vor.u32 s1, v9;
	[tilespmem:s0+$0x5860] =	vst v10;
	v10 =	vnsel vm0, $0x0, v16;
	vm0 =	vlt.u32 v11, $0x100000  }
0x1a0: {  	[tilespmem:s0+$0x8460] =	vst v10;
	v10 =	vsel vm0, v11, v13  }
0x1a1: {  	s5 =	sadd.s32 $0x8400, s0;
	s4 =	sadd.s32 $0x5800, s0;
	s1 =	sshra.s32 s3, $0x2;
	[tilespmem:s0+$0x5870] =	vst v10;
	v10 =	vnsel vm0, $0x0, v12  }
0x1a2: {  	[tilespmem:s0+$0x8470] =	vst v10;
	[spmem:s2] =	stream.indirect.scatter.add.f32 [tilespmem:s5], [sflag:$0x1], $0x1, s4, s22, $0xb8  }
0x1a3: {  	s0 =	smov.u32 s1;
	v10 =	vld [tilespmem:s1+$0x0];
	_ =	sdelay $0x1  }
0x1a4: {  	v11 =	vld [tilespmem:s0+$0x10]  }
0x1a5: {  	s20 =	sadd.s32 $0x80, s20;
	v12 =	vld [tilespmem:s0+$0x2C00]  }
0x1a6: {  	s1 =	sand.u32 $0x780, s20;
	v13 =	vld [tilespmem:s0+$0x20]  }
0x1a7: {  	s4 =	sor.u32 $0x100000, s1;
	v10 =	vsub.s32 v10, v4;
	v14 =	vld [tilespmem:s0+$0x2C10]  }
0x1a8: {  	v15 =	vor.u32 s4, v9;
	vm0 =	vlt.u32 v10, $0x100000;
	v16 =	vld [tilespmem:s0+$0x30]  }
0x1a9: {  	s4 =	sor.u32 $0x100010, s1;
	v10 =	vsel vm0, v10, v15;
	v11 =	vsub.s32 v11, v4;
	v15 =	vld [tilespmem:s0+$0x2C20]  }
0x1aa: {  	[tilespmem:s0+$0x5800] =	vst v10;
	v10 =	vnsel vm0, $0x0, v12;
	vm0 =	vlt.u32 v11, $0x100000;
	v12 =	vor.u32 s4, v9;
	v17 =	vld [tilespmem:s0+$0x40]  }
0x1ab: {  	s4 =	sor.u32 $0x100020, s1;
	[tilespmem:s0+$0x8400] =	vst v10;
	v10 =	vsel vm0, v11, v12;
	v11 =	vsub.s32 v13, v4;
	v18 =	vld [tilespmem:s0+$0x2C30]  }
.Ltmp5:
0x1ac: {  	v13 =	vor.u32 s4, v9;
	[tilespmem:s0+$0x5810] =	vst v10;
	v12 =	vnsel vm0, $0x0, v14;
	vm0 =	vlt.u32 v11, $0x100000;
	v10 =	vld [tilespmem:s0+$0x50];
	(pc) =	sbr.rel @p0 .LBB2_12-.Ltmp5, $4  }
0x1ad: {  	s4 =	sor.u32 $0x100030, s1;
	[tilespmem:s0+$0x8410] =	vst v12;
	v12 =	vsel vm0, v11, v13;
	v13 =	vsub.s32 v16, v4;
	v11 =	vld [tilespmem:s0+$0x2C40]  }
0x1ae: {  	[tilespmem:s0+$0x5820] =	vst v12;
	v14 =	vnsel vm0, $0x0, v15;
	vm0 =	vlt.u32 v13, $0x100000;
	v15 =	vor.u32 s4, v9;
	v12 =	vld [tilespmem:s0+$0x60]  }
0x1af: {  	s4 =	sor.u32 $0x100040, s1;
	[tilespmem:s0+$0x8420] =	vst v14;
	v14 =	vsel vm0, v13, v15;
	v15 =	vsub.s32 v17, v4;
	v13 =	vld [tilespmem:s0+$0x2C50]  }
0x1b0: {  	s3 =	sadd.s32 $0x200, s3;
	v17 =	vor.u32 s4, v9;
	[tilespmem:s0+$0x5830] =	vst v14;
	v16 =	vnsel vm0, $0x0, v18;
	vm0 =	vlt.u32 v15, $0x100000;
	v14 =	vld [tilespmem:s0+$0x70]  }
0x1b1: {  	[tilespmem:s0+$0x8430] =	vst v16;
	v15 =	vsel vm0, v15, v17;
	v16 =	vld [tilespmem:s0+$0x2C60];
	v10 =	vsub.s32 v10, v4;
	s3 =	sor.u32 $0x100050, s1  }
0x1b2: {  	[tilespmem:s0+$0x5840] =	vst v15;
	v11 =	vnsel vm0, $0x0, v11;
	vm0 =	vlt.u32 v10, $0x100000;
	v15 =	vor.u32 s3, v9  }
0x1b3: {  	s5 =	sor.u32 $0x100060, s1;
	[tilespmem:s0+$0x8440] =	vst v11;
	v10 =	vsel vm0, v10, v15;
	v11 =	vsub.s32 v12, v4;
	v12 =	vld [tilespmem:s0+$0x2C70]  }
0x1b4: {  	[tilespmem:s0+$0x5850] =	vst v10;
	v10 =	vnsel vm0, $0x0, v13;
	vm0 =	vlt.u32 v11, $0x100000;
	v13 =	vor.u32 s5, v9  }
0x1b5: {  	s20 =	sor.u32 $0x100070, s1;
	[tilespmem:s0+$0x8450] =	vst v10;
	v10 =	vsel vm0, v11, v13;
	v11 =	vsub.s32 v14, v4  }
0x1b6: {  	v13 =	vor.u32 s20, v9;
	[tilespmem:s0+$0x5860] =	vst v10;
	v10 =	vnsel vm0, $0x0, v16;
	vm0 =	vlt.u32 v11, $0x100000  }
0x1b7: {  	[tilespmem:s0+$0x8460] =	vst v10;
	v10 =	vsel vm0, v11, v13  }
0x1b8: {  	[tilespmem:s0+$0x5870] =	vst v10;
	v10 =	vnsel vm0, $0x0, v12  }
0x1b9: {  	s4 =	sadd.s32 $0x8400, s0;
	s3 =	sadd.s32 $0x5800, s0;
	[tilespmem:s0+$0x8470] =	vst v10  }
0x1ba: {  	[spmem:s2] =	stream.indirect.scatter.add.f32 [tilespmem:s4], [sflag:$0x1], $0x1, s3, s22, $0xb8;
	[tilespmem:$0x1F100] =	vst v63  }
0x1bb: {  	_ =	swait.ge [sflag:s23], $0x2900  }
0x1bc: {  	[sflag:s23] =	ssyncset.done $0x0  }
0x1bd: {  	[sflag:s23] =	ssyncadd.s32 $0xFFFFD700  }
0x1be: {  	[tilespmem:s25], [sflag:$0x2] =	stream.indirect.gather [spmem:s2], $0x1, s24, s22, $0xb8;
	[tilespmem:$0x1F100] =	vst v63  }
0x1bf: {  	_ =	swait.ge [sflag:s19], $0x80  }
0x1c0: {  	[sflag:s19] =	ssyncset.done $0x0  }
0x1c1: {  	[sflag:s19] =	ssyncadd.s32 $0xFFFFFF80  }
0x1c2: {  	[tilespmem:s25], [sflag:$0x2] =	stream.indirect.gather [spmem:s2], $0x1, s26, s22, $0xb8;
	[tilespmem:$0x1F100] =	vst v63  }
0x1c3: {  	_ =	swait.ge [sflag:s19], $0x80  }
0x1c4: {  	[sflag:s19] =	ssyncset.done $0x0  }
0x1c5: {  	[sflag:s19] =	ssyncadd.s32 $0xFFFFFF80  }
0x1c6: {  	[tilespmem:s25], [sflag:$0x2] =	stream.indirect.gather [spmem:s2], $0x1, s28, s22, $0xb8;
	[tilespmem:$0x1F100] =	vst v63  }
0x1c7: {  	_ =	swait.ge [sflag:s19], $0x80  }
0x1c8: {  	[sflag:s19] =	ssyncset.done $0x0  }
0x1c9: {  	[sflag:s19] =	ssyncadd.s32 $0xFFFFFF80  }
0x1ca: {  	[bflag:$0x0] =	sbarrier.arrive $0xFFFF  }
0x1cb: {  	[hbm:s12], [sflag:s30] =	dma.local [spmem:s31], $0x2000  }
0x1cc: {  	_ =	swait.ge [sflag:s19], $0x2000  }
0x1cd: {  	[sflag:s19] =	ssyncset.done $0x0  }
0x1ce: {  	[sflag:s19] =	ssyncadd.s32 $0xFFFFE000  }
0x1cf: {  	[bflag:$0x0] =	sbarrier.arrive $0xFFFF  }
0x1d0: {  	[spmem:s6] =	stream.linear.scatter [tilespmem:s21], [sflag:$0x2], $0x4000, $0x38;
	[tilespmem:$0x1F100] =	vst v63  }
0x1d1: {  	_ =	swait.ge [sflag:s19], $0x4000  }
0x1d2: {  	[sflag:s19] =	ssyncset.done $0x0  }
0x1d3: {  	[sflag:s19] =	ssyncadd.s32 $0xFFFFC000  }
0x1d4: {  	[spmem:s7] =	stream.linear.scatter [tilespmem:s21], [sflag:$0x2], $0x4000, $0x38;
	[tilespmem:$0x1F100] =	vst v63  }
0x1d5: {  	_ =	swait.ge [sflag:s19], $0x4000  }
0x1d6: {  	[sflag:s19] =	ssyncset.done $0x0  }
0x1d7: {  	[sflag:s19] =	ssyncadd.s32 $0xFFFFC000  }
0x1d8: {  	[spmem:s16] =	stream.linear.scatter [tilespmem:s21], [sflag:$0x2], $0x4000, $0x38;
	[tilespmem:$0x1F100] =	vst v63  }
0x1d9: {  	_ =	swait.ge [sflag:s19], $0x4000  }
0x1da: {  	[sflag:s19] =	ssyncset.done $0x0  }
0x1db: {  	[sflag:s19] =	ssyncadd.s32 $0xFFFFC000  }
0x1dc: {  	[spmem:s17] =	stream.linear.scatter [tilespmem:s21], [sflag:$0x2], $0x4000, $0x38;
	[tilespmem:$0x1F100] =	vst v63  }
0x1dd: {  	_ =	swait.ge [sflag:s19], $0x4000  }
0x1de: {  	[sflag:s19] =	ssyncset.done $0x0  }
0x1df: {  	[sflag:s19] =	ssyncadd.s32 $0xFFFFC000  }
0x1e0: {  	s0 =	simm.s32 $0x0;
	[bflag:$0x0] =	sbarrier.arrive $0xFFFF  }
0x1e1: {  	v10 =	vld [tilespmem:s0+$0x0];
	_ =	sdelay $0x2  }
0x1e2: {  	s20 =	simm.s32 $0x0;
	v11 =	vld [tilespmem:s0+$0x10]  }
0x1e3: {  	s1 =	sand.u32 $0x780, s20;
	v12 =	vld [tilespmem:s0+$0x2C00]  }
0x1e4: {  	s5 =	sor.u32 $0x100000, s1;
	v13 =	vld [tilespmem:s0+$0x20];
	v10 =	vsub.s32 v10, v5  }
0x1e5: {  	v15 =	vor.u32 s5, v9;
	v14 =	vld [tilespmem:s0+$0x2C10];
	vm0 =	vlt.u32 v10, $0x100000  }
0x1e6: {  	v16 =	vld [tilespmem:s0+$0x30];
	v10 =	vsel vm0, v10, v15  }
0x1e7: {  	s4 =	sor.u32 $0x100010, s1;
	v15 =	vld [tilespmem:s0+$0x2C20];
	[tilespmem:s0+$0x5800] =	vst v10;
	v10 =	vsub.s32 v11, v5  }
0x1e8: {  	v17 =	vld [tilespmem:s0+$0x40];
	v11 =	vnsel vm0, $0x0, v12;
	v12 =	vor.u32 s4, v9;
	vm0 =	vlt.u32 v10, $0x100000  }
0x1e9: {  	s5 =	sor.u32 $0x100020, s1;
	v18 =	vld [tilespmem:s0+$0x2C30];
	[tilespmem:s0+$0x8400] =	vst v11;
	v11 =	vsub.s32 v13, v5;
	v10 =	vsel vm0, v10, v12  }
0x1ea: {  	v13 =	vor.u32 s5, v9;
	v12 =	vnsel vm0, $0x0, v14;
	vm0 =	vlt.u32 v11, $0x100000;
	[tilespmem:s0+$0x5810] =	vst v10;
	v10 =	vld [tilespmem:s0+$0x50]  }
0x1eb: {  	s4 =	sor.u32 $0x100030, s1;
	[tilespmem:s0+$0x8410] =	vst v12;
	v12 =	vsel vm0, v11, v13;
	v11 =	vld [tilespmem:s0+$0x2C40];
	v13 =	vsub.s32 v16, v5  }
0x1ec: {  	[tilespmem:s0+$0x5820] =	vst v12;
	v14 =	vnsel vm0, $0x0, v15;
	v12 =	vld [tilespmem:s0+$0x60];
	vm0 =	vlt.u32 v13, $0x100000;
	v15 =	vor.u32 s4, v9  }
0x1ed: {  	s5 =	sor.u32 $0x100040, s1;
	[tilespmem:s0+$0x8420] =	vst v14;
	v14 =	vsel vm0, v13, v15;
	v13 =	vld [tilespmem:s0+$0x2C50];
	v15 =	vsub.s32 v17, v5  }
0x1ee: {  	s3 =	simm.s32 $0x200;
	v16 =	vnsel vm0, $0x0, v18;
	v17 =	vor.u32 s5, v9;
	[tilespmem:s0+$0x5830] =	vst v14;
	vm0 =	vlt.u32 v15, $0x100000;
	v14 =	vld [tilespmem:s0+$0x70]  }
.LBB2_14:
0x1ef: {  	p0 =	sne.s32 s3, $0xA200;
	[tilespmem:s0+$0x8430] =	vst v16;
	v15 =	vsel vm0, v15, v17;
	v10 =	vsub.s32 v10, v5;
	s4 =	sor.u32 $0x100050, s1;
	v16 =	vld [tilespmem:s0+$0x2C60]  }
0x1f0: {  	[tilespmem:s0+$0x5840] =	vst v15;
	v11 =	vnsel vm0, $0x0, v11;
	vm0 =	vlt.u32 v10, $0x100000;
	v15 =	vor.u32 s4, v9  }
0x1f1: {  	s4 =	sor.u32 $0x100060, s1;
	[tilespmem:s0+$0x8440] =	vst v11;
	v10 =	vsel vm0, v10, v15;
	v11 =	vsub.s32 v12, v5;
	v12 =	vld [tilespmem:s0+$0x2C70]  }
0x1f2: {  	[tilespmem:s0+$0x5850] =	vst v10;
	v10 =	vnsel vm0, $0x0, v13;
	vm0 =	vlt.u32 v11, $0x100000;
	v13 =	vor.u32 s4, v9  }
0x1f3: {  	s1 =	sor.u32 $0x100070, s1;
	[tilespmem:s0+$0x8450] =	vst v10;
	v10 =	vsel vm0, v11, v13;
	v11 =	vsub.s32 v14, v5  }
0x1f4: {  	v13 =	vor.u32 s1, v9;
	[tilespmem:s0+$0x5860] =	vst v10;
	v10 =	vnsel vm0, $0x0, v16;
	vm0 =	vlt.u32 v11, $0x100000  }
0x1f5: {  	[tilespmem:s0+$0x8460] =	vst v10;
	v10 =	vsel vm0, v11, v13  }
0x1f6: {  	s5 =	sadd.s32 $0x8400, s0;
	s4 =	sadd.s32 $0x5800, s0;
	s1 =	sshra.s32 s3, $0x2;
	[tilespmem:s0+$0x5870] =	vst v10;
	v10 =	vnsel vm0, $0x0, v12  }
0x1f7: {  	[tilespmem:s0+$0x8470] =	vst v10;
	[spmem:s2] =	stream.indirect.scatter.add.f32 [tilespmem:s5], [sflag:$0x1], $0x1, s4, s22, $0xb8  }
0x1f8: {  	s0 =	smov.u32 s1;
	v10 =	vld [tilespmem:s1+$0x0];
	_ =	sdelay $0x1  }
0x1f9: {  	v11 =	vld [tilespmem:s0+$0x10]  }
0x1fa: {  	s20 =	sadd.s32 $0x80, s20;
	v12 =	vld [tilespmem:s0+$0x2C00]  }
0x1fb: {  	s1 =	sand.u32 $0x780, s20;
	v13 =	vld [tilespmem:s0+$0x20]  }
0x1fc: {  	s4 =	sor.u32 $0x100000, s1;
	v10 =	vsub.s32 v10, v5;
	v14 =	vld [tilespmem:s0+$0x2C10]  }
0x1fd: {  	v15 =	vor.u32 s4, v9;
	vm0 =	vlt.u32 v10, $0x100000;
	v16 =	vld [tilespmem:s0+$0x30]  }
0x1fe: {  	s4 =	sor.u32 $0x100010, s1;
	v10 =	vsel vm0, v10, v15;
	v11 =	vsub.s32 v11, v5;
	v15 =	vld [tilespmem:s0+$0x2C20]  }
0x1ff: {  	[tilespmem:s0+$0x5800] =	vst v10;
	v10 =	vnsel vm0, $0x0, v12;
	vm0 =	vlt.u32 v11, $0x100000;
	v12 =	vor.u32 s4, v9;
	v17 =	vld [tilespmem:s0+$0x40]  }
0x200: {  	s4 =	sor.u32 $0x100020, s1;
	[tilespmem:s0+$0x8400] =	vst v10;
	v10 =	vsel vm0, v11, v12;
	v11 =	vsub.s32 v13, v5;
	v18 =	vld [tilespmem:s0+$0x2C30]  }
.Ltmp6:
0x201: {  	v13 =	vor.u32 s4, v9;
	[tilespmem:s0+$0x5810] =	vst v10;
	v12 =	vnsel vm0, $0x0, v14;
	vm0 =	vlt.u32 v11, $0x100000;
	v10 =	vld [tilespmem:s0+$0x50];
	(pc) =	sbr.rel @p0 .LBB2_14-.Ltmp6, $4  }
0x202: {  	s4 =	sor.u32 $0x100030, s1;
	[tilespmem:s0+$0x8410] =	vst v12;
	v12 =	vsel vm0, v11, v13;
	v13 =	vsub.s32 v16, v5;
	v11 =	vld [tilespmem:s0+$0x2C40]  }
0x203: {  	[tilespmem:s0+$0x5820] =	vst v12;
	v14 =	vnsel vm0, $0x0, v15;
	vm0 =	vlt.u32 v13, $0x100000;
	v15 =	vor.u32 s4, v9;
	v12 =	vld [tilespmem:s0+$0x60]  }
0x204: {  	s4 =	sor.u32 $0x100040, s1;
	[tilespmem:s0+$0x8420] =	vst v14;
	v14 =	vsel vm0, v13, v15;
	v15 =	vsub.s32 v17, v5;
	v13 =	vld [tilespmem:s0+$0x2C50]  }
0x205: {  	s3 =	sadd.s32 $0x200, s3;
	v17 =	vor.u32 s4, v9;
	[tilespmem:s0+$0x5830] =	vst v14;
	v16 =	vnsel vm0, $0x0, v18;
	vm0 =	vlt.u32 v15, $0x100000;
	v14 =	vld [tilespmem:s0+$0x70]  }
0x206: {  	[tilespmem:s0+$0x8430] =	vst v16;
	v15 =	vsel vm0, v15, v17;
	v16 =	vld [tilespmem:s0+$0x2C60];
	v10 =	vsub.s32 v10, v5;
	s3 =	sor.u32 $0x100050, s1  }
0x207: {  	[tilespmem:s0+$0x5840] =	vst v15;
	v11 =	vnsel vm0, $0x0, v11;
	vm0 =	vlt.u32 v10, $0x100000;
	v15 =	vor.u32 s3, v9  }
0x208: {  	s5 =	sor.u32 $0x100060, s1;
	[tilespmem:s0+$0x8440] =	vst v11;
	v10 =	vsel vm0, v10, v15;
	v11 =	vsub.s32 v12, v5;
	v12 =	vld [tilespmem:s0+$0x2C70]  }
0x209: {  	[tilespmem:s0+$0x5850] =	vst v10;
	v10 =	vnsel vm0, $0x0, v13;
	vm0 =	vlt.u32 v11, $0x100000;
	v13 =	vor.u32 s5, v9  }
0x20a: {  	s20 =	sor.u32 $0x100070, s1;
	[tilespmem:s0+$0x8450] =	vst v10;
	v10 =	vsel vm0, v11, v13;
	v11 =	vsub.s32 v14, v5  }
0x20b: {  	v13 =	vor.u32 s20, v9;
	[tilespmem:s0+$0x5860] =	vst v10;
	v10 =	vnsel vm0, $0x0, v16;
	vm0 =	vlt.u32 v11, $0x100000  }
0x20c: {  	[tilespmem:s0+$0x8460] =	vst v10;
	v10 =	vsel vm0, v11, v13  }
0x20d: {  	[tilespmem:s0+$0x5870] =	vst v10;
	v10 =	vnsel vm0, $0x0, v12  }
0x20e: {  	s4 =	sadd.s32 $0x8400, s0;
	s3 =	sadd.s32 $0x5800, s0;
	[tilespmem:s0+$0x8470] =	vst v10  }
0x20f: {  	[spmem:s2] =	stream.indirect.scatter.add.f32 [tilespmem:s4], [sflag:$0x1], $0x1, s3, s22, $0xb8;
	[tilespmem:$0x1F100] =	vst v63  }
0x210: {  	_ =	swait.ge [sflag:s23], $0x2900  }
0x211: {  	[sflag:s23] =	ssyncset.done $0x0  }
0x212: {  	[sflag:s23] =	ssyncadd.s32 $0xFFFFD700  }
0x213: {  	[tilespmem:s25], [sflag:$0x2] =	stream.indirect.gather [spmem:s2], $0x1, s24, s22, $0xb8;
	[tilespmem:$0x1F100] =	vst v63  }
0x214: {  	_ =	swait.ge [sflag:s19], $0x80  }
0x215: {  	[sflag:s19] =	ssyncset.done $0x0  }
0x216: {  	[sflag:s19] =	ssyncadd.s32 $0xFFFFFF80  }
0x217: {  	[tilespmem:s25], [sflag:$0x2] =	stream.indirect.gather [spmem:s2], $0x1, s26, s22, $0xb8;
	[tilespmem:$0x1F100] =	vst v63  }
0x218: {  	_ =	swait.ge [sflag:s19], $0x80  }
0x219: {  	[sflag:s19] =	ssyncset.done $0x0  }
0x21a: {  	[sflag:s19] =	ssyncadd.s32 $0xFFFFFF80  }
0x21b: {  	[tilespmem:s25], [sflag:$0x2] =	stream.indirect.gather [spmem:s2], $0x1, s28, s22, $0xb8;
	[tilespmem:$0x1F100] =	vst v63  }
0x21c: {  	_ =	swait.ge [sflag:s19], $0x80  }
0x21d: {  	[sflag:s19] =	ssyncset.done $0x0  }
0x21e: {  	[sflag:s19] =	ssyncadd.s32 $0xFFFFFF80  }
0x21f: {  	[bflag:$0x0] =	sbarrier.arrive $0xFFFF  }
0x220: {  	[hbm:s13], [sflag:s30] =	dma.local [spmem:s31], $0x2000  }
0x221: {  	_ =	swait.ge [sflag:s19], $0x2000  }
0x222: {  	[sflag:s19] =	ssyncset.done $0x0  }
0x223: {  	[sflag:s19] =	ssyncadd.s32 $0xFFFFE000  }
0x224: {  	[bflag:$0x0] =	sbarrier.arrive $0xFFFF  }
0x225: {  	[spmem:s6] =	stream.linear.scatter [tilespmem:s21], [sflag:$0x2], $0x4000, $0x38;
	[tilespmem:$0x1F100] =	vst v63  }
0x226: {  	_ =	swait.ge [sflag:s19], $0x4000  }
0x227: {  	[sflag:s19] =	ssyncset.done $0x0  }
0x228: {  	[sflag:s19] =	ssyncadd.s32 $0xFFFFC000  }
0x229: {  	[spmem:s7] =	stream.linear.scatter [tilespmem:s21], [sflag:$0x2], $0x4000, $0x38;
	[tilespmem:$0x1F100] =	vst v63  }
0x22a: {  	_ =	swait.ge [sflag:s19], $0x4000  }
0x22b: {  	[sflag:s19] =	ssyncset.done $0x0  }
0x22c: {  	[sflag:s19] =	ssyncadd.s32 $0xFFFFC000  }
0x22d: {  	[spmem:s16] =	stream.linear.scatter [tilespmem:s21], [sflag:$0x2], $0x4000, $0x38;
	[tilespmem:$0x1F100] =	vst v63  }
0x22e: {  	_ =	swait.ge [sflag:s19], $0x4000  }
0x22f: {  	[sflag:s19] =	ssyncset.done $0x0  }
0x230: {  	[sflag:s19] =	ssyncadd.s32 $0xFFFFC000  }
0x231: {  	[spmem:s17] =	stream.linear.scatter [tilespmem:s21], [sflag:$0x2], $0x4000, $0x38;
	[tilespmem:$0x1F100] =	vst v63  }
0x232: {  	_ =	swait.ge [sflag:s19], $0x4000  }
0x233: {  	[sflag:s19] =	ssyncset.done $0x0  }
0x234: {  	[sflag:s19] =	ssyncadd.s32 $0xFFFFC000  }
0x235: {  	s0 =	simm.s32 $0x0;
	[bflag:$0x0] =	sbarrier.arrive $0xFFFF  }
0x236: {  	v10 =	vld [tilespmem:s0+$0x0];
	_ =	sdelay $0x2  }
0x237: {  	s20 =	simm.s32 $0x0;
	v11 =	vld [tilespmem:s0+$0x10]  }
0x238: {  	s1 =	sand.u32 $0x780, s20;
	v12 =	vld [tilespmem:s0+$0x2C00]  }
0x239: {  	s5 =	sor.u32 $0x100000, s1;
	v13 =	vld [tilespmem:s0+$0x20];
	v10 =	vsub.s32 v10, v6  }
0x23a: {  	v15 =	vor.u32 s5, v9;
	v14 =	vld [tilespmem:s0+$0x2C10];
	vm0 =	vlt.u32 v10, $0x100000  }
0x23b: {  	v16 =	vld [tilespmem:s0+$0x30];
	v10 =	vsel vm0, v10, v15  }
0x23c: {  	s4 =	sor.u32 $0x100010, s1;
	v15 =	vld [tilespmem:s0+$0x2C20];
	[tilespmem:s0+$0x5800] =	vst v10;
	v10 =	vsub.s32 v11, v6  }
0x23d: {  	v17 =	vld [tilespmem:s0+$0x40];
	v11 =	vnsel vm0, $0x0, v12;
	v12 =	vor.u32 s4, v9;
	vm0 =	vlt.u32 v10, $0x100000  }
0x23e: {  	s5 =	sor.u32 $0x100020, s1;
	v18 =	vld [tilespmem:s0+$0x2C30];
	[tilespmem:s0+$0x8400] =	vst v11;
	v11 =	vsub.s32 v13, v6;
	v10 =	vsel vm0, v10, v12  }
0x23f: {  	v13 =	vor.u32 s5, v9;
	v12 =	vnsel vm0, $0x0, v14;
	vm0 =	vlt.u32 v11, $0x100000;
	[tilespmem:s0+$0x5810] =	vst v10;
	v10 =	vld [tilespmem:s0+$0x50]  }
0x240: {  	s4 =	sor.u32 $0x100030, s1;
	[tilespmem:s0+$0x8410] =	vst v12;
	v12 =	vsel vm0, v11, v13;
	v11 =	vld [tilespmem:s0+$0x2C40];
	v13 =	vsub.s32 v16, v6  }
0x241: {  	[tilespmem:s0+$0x5820] =	vst v12;
	v14 =	vnsel vm0, $0x0, v15;
	v12 =	vld [tilespmem:s0+$0x60];
	vm0 =	vlt.u32 v13, $0x100000;
	v15 =	vor.u32 s4, v9  }
0x242: {  	s5 =	sor.u32 $0x100040, s1;
	[tilespmem:s0+$0x8420] =	vst v14;
	v14 =	vsel vm0, v13, v15;
	v13 =	vld [tilespmem:s0+$0x2C50];
	v15 =	vsub.s32 v17, v6  }
0x243: {  	s3 =	simm.s32 $0x200;
	v16 =	vnsel vm0, $0x0, v18;
	v17 =	vor.u32 s5, v9;
	[tilespmem:s0+$0x5830] =	vst v14;
	vm0 =	vlt.u32 v15, $0x100000;
	v14 =	vld [tilespmem:s0+$0x70]  }
.LBB2_16:
0x244: {  	p0 =	sne.s32 s3, $0xA200;
	[tilespmem:s0+$0x8430] =	vst v16;
	v15 =	vsel vm0, v15, v17;
	v10 =	vsub.s32 v10, v6;
	s4 =	sor.u32 $0x100050, s1;
	v16 =	vld [tilespmem:s0+$0x2C60]  }
0x245: {  	[tilespmem:s0+$0x5840] =	vst v15;
	v11 =	vnsel vm0, $0x0, v11;
	vm0 =	vlt.u32 v10, $0x100000;
	v15 =	vor.u32 s4, v9  }
0x246: {  	s4 =	sor.u32 $0x100060, s1;
	[tilespmem:s0+$0x8440] =	vst v11;
	v10 =	vsel vm0, v10, v15;
	v11 =	vsub.s32 v12, v6;
	v12 =	vld [tilespmem:s0+$0x2C70]  }
0x247: {  	[tilespmem:s0+$0x5850] =	vst v10;
	v10 =	vnsel vm0, $0x0, v13;
	vm0 =	vlt.u32 v11, $0x100000;
	v13 =	vor.u32 s4, v9  }
0x248: {  	s1 =	sor.u32 $0x100070, s1;
	[tilespmem:s0+$0x8450] =	vst v10;
	v10 =	vsel vm0, v11, v13;
	v11 =	vsub.s32 v14, v6  }
0x249: {  	v13 =	vor.u32 s1, v9;
	[tilespmem:s0+$0x5860] =	vst v10;
	v10 =	vnsel vm0, $0x0, v16;
	vm0 =	vlt.u32 v11, $0x100000  }
0x24a: {  	[tilespmem:s0+$0x8460] =	vst v10;
	v10 =	vsel vm0, v11, v13  }
0x24b: {  	s5 =	sadd.s32 $0x8400, s0;
	s4 =	sadd.s32 $0x5800, s0;
	s1 =	sshra.s32 s3, $0x2;
	[tilespmem:s0+$0x5870] =	vst v10;
	v10 =	vnsel vm0, $0x0, v12  }
0x24c: {  	[tilespmem:s0+$0x8470] =	vst v10;
	[spmem:s2] =	stream.indirect.scatter.add.f32 [tilespmem:s5], [sflag:$0x1], $0x1, s4, s22, $0xb8  }
0x24d: {  	s0 =	smov.u32 s1;
	v10 =	vld [tilespmem:s1+$0x0];
	_ =	sdelay $0x1  }
0x24e: {  	v11 =	vld [tilespmem:s0+$0x10]  }
0x24f: {  	s20 =	sadd.s32 $0x80, s20;
	v12 =	vld [tilespmem:s0+$0x2C00]  }
0x250: {  	s1 =	sand.u32 $0x780, s20;
	v13 =	vld [tilespmem:s0+$0x20]  }
0x251: {  	s4 =	sor.u32 $0x100000, s1;
	v10 =	vsub.s32 v10, v6;
	v14 =	vld [tilespmem:s0+$0x2C10]  }
0x252: {  	v15 =	vor.u32 s4, v9;
	vm0 =	vlt.u32 v10, $0x100000;
	v16 =	vld [tilespmem:s0+$0x30]  }
0x253: {  	s4 =	sor.u32 $0x100010, s1;
	v10 =	vsel vm0, v10, v15;
	v11 =	vsub.s32 v11, v6;
	v15 =	vld [tilespmem:s0+$0x2C20]  }
0x254: {  	[tilespmem:s0+$0x5800] =	vst v10;
	v10 =	vnsel vm0, $0x0, v12;
	vm0 =	vlt.u32 v11, $0x100000;
	v12 =	vor.u32 s4, v9;
	v17 =	vld [tilespmem:s0+$0x40]  }
0x255: {  	s4 =	sor.u32 $0x100020, s1;
	[tilespmem:s0+$0x8400] =	vst v10;
	v10 =	vsel vm0, v11, v12;
	v11 =	vsub.s32 v13, v6;
	v18 =	vld [tilespmem:s0+$0x2C30]  }
.Ltmp7:
0x256: {  	v13 =	vor.u32 s4, v9;
	[tilespmem:s0+$0x5810] =	vst v10;
	v12 =	vnsel vm0, $0x0, v14;
	vm0 =	vlt.u32 v11, $0x100000;
	v10 =	vld [tilespmem:s0+$0x50];
	(pc) =	sbr.rel @p0 .LBB2_16-.Ltmp7, $4  }
0x257: {  	s4 =	sor.u32 $0x100030, s1;
	[tilespmem:s0+$0x8410] =	vst v12;
	v12 =	vsel vm0, v11, v13;
	v13 =	vsub.s32 v16, v6;
	v11 =	vld [tilespmem:s0+$0x2C40]  }
0x258: {  	[tilespmem:s0+$0x5820] =	vst v12;
	v14 =	vnsel vm0, $0x0, v15;
	vm0 =	vlt.u32 v13, $0x100000;
	v15 =	vor.u32 s4, v9;
	v12 =	vld [tilespmem:s0+$0x60]  }
0x259: {  	s4 =	sor.u32 $0x100040, s1;
	[tilespmem:s0+$0x8420] =	vst v14;
	v14 =	vsel vm0, v13, v15;
	v15 =	vsub.s32 v17, v6;
	v13 =	vld [tilespmem:s0+$0x2C50]  }
0x25a: {  	s3 =	sadd.s32 $0x200, s3;
	v17 =	vor.u32 s4, v9;
	[tilespmem:s0+$0x5830] =	vst v14;
	v16 =	vnsel vm0, $0x0, v18;
	vm0 =	vlt.u32 v15, $0x100000;
	v14 =	vld [tilespmem:s0+$0x70]  }
0x25b: {  	[tilespmem:s0+$0x8430] =	vst v16;
	v15 =	vsel vm0, v15, v17;
	v16 =	vld [tilespmem:s0+$0x2C60];
	v10 =	vsub.s32 v10, v6;
	s3 =	sor.u32 $0x100050, s1  }
0x25c: {  	[tilespmem:s0+$0x5840] =	vst v15;
	v11 =	vnsel vm0, $0x0, v11;
	vm0 =	vlt.u32 v10, $0x100000;
	v15 =	vor.u32 s3, v9  }
0x25d: {  	s5 =	sor.u32 $0x100060, s1;
	[tilespmem:s0+$0x8440] =	vst v11;
	v10 =	vsel vm0, v10, v15;
	v11 =	vsub.s32 v12, v6;
	v12 =	vld [tilespmem:s0+$0x2C70]  }
0x25e: {  	[tilespmem:s0+$0x5850] =	vst v10;
	v10 =	vnsel vm0, $0x0, v13;
	vm0 =	vlt.u32 v11, $0x100000;
	v13 =	vor.u32 s5, v9  }
0x25f: {  	s20 =	sor.u32 $0x100070, s1;
	[tilespmem:s0+$0x8450] =	vst v10;
	v10 =	vsel vm0, v11, v13;
	v11 =	vsub.s32 v14, v6  }
0x260: {  	v13 =	vor.u32 s20, v9;
	[tilespmem:s0+$0x5860] =	vst v10;
	v10 =	vnsel vm0, $0x0, v16;
	vm0 =	vlt.u32 v11, $0x100000  }
0x261: {  	[tilespmem:s0+$0x8460] =	vst v10;
	v10 =	vsel vm0, v11, v13  }
0x262: {  	[tilespmem:s0+$0x5870] =	vst v10;
	v10 =	vnsel vm0, $0x0, v12  }
0x263: {  	s4 =	sadd.s32 $0x8400, s0;
	s3 =	sadd.s32 $0x5800, s0;
	[tilespmem:s0+$0x8470] =	vst v10  }
0x264: {  	[spmem:s2] =	stream.indirect.scatter.add.f32 [tilespmem:s4], [sflag:$0x1], $0x1, s3, s22, $0xb8;
	[tilespmem:$0x1F100] =	vst v63  }
0x265: {  	_ =	swait.ge [sflag:s23], $0x2900  }
0x266: {  	[sflag:s23] =	ssyncset.done $0x0  }
0x267: {  	[sflag:s23] =	ssyncadd.s32 $0xFFFFD700  }
0x268: {  	[tilespmem:s25], [sflag:$0x2] =	stream.indirect.gather [spmem:s2], $0x1, s24, s22, $0xb8;
	[tilespmem:$0x1F100] =	vst v63  }
0x269: {  	_ =	swait.ge [sflag:s19], $0x80  }
0x26a: {  	[sflag:s19] =	ssyncset.done $0x0  }
0x26b: {  	[sflag:s19] =	ssyncadd.s32 $0xFFFFFF80  }
0x26c: {  	[tilespmem:s25], [sflag:$0x2] =	stream.indirect.gather [spmem:s2], $0x1, s26, s22, $0xb8;
	[tilespmem:$0x1F100] =	vst v63  }
0x26d: {  	_ =	swait.ge [sflag:s19], $0x80  }
0x26e: {  	[sflag:s19] =	ssyncset.done $0x0  }
0x26f: {  	[sflag:s19] =	ssyncadd.s32 $0xFFFFFF80  }
0x270: {  	[tilespmem:s25], [sflag:$0x2] =	stream.indirect.gather [spmem:s2], $0x1, s28, s22, $0xb8;
	[tilespmem:$0x1F100] =	vst v63  }
0x271: {  	_ =	swait.ge [sflag:s19], $0x80  }
0x272: {  	[sflag:s19] =	ssyncset.done $0x0  }
0x273: {  	[sflag:s19] =	ssyncadd.s32 $0xFFFFFF80  }
0x274: {  	[bflag:$0x0] =	sbarrier.arrive $0xFFFF  }
0x275: {  	[hbm:s14], [sflag:s30] =	dma.local [spmem:s31], $0x2000  }
0x276: {  	_ =	swait.ge [sflag:s19], $0x2000  }
0x277: {  	[sflag:s19] =	ssyncset.done $0x0  }
0x278: {  	[sflag:s19] =	ssyncadd.s32 $0xFFFFE000  }
0x279: {  	[bflag:$0x0] =	sbarrier.arrive $0xFFFF  }
0x27a: {  	[spmem:s6] =	stream.linear.scatter [tilespmem:s21], [sflag:$0x2], $0x4000, $0x38;
	[tilespmem:$0x1F100] =	vst v63  }
0x27b: {  	_ =	swait.ge [sflag:s19], $0x4000  }
0x27c: {  	[sflag:s19] =	ssyncset.done $0x0  }
0x27d: {  	[sflag:s19] =	ssyncadd.s32 $0xFFFFC000  }
0x27e: {  	[spmem:s7] =	stream.linear.scatter [tilespmem:s21], [sflag:$0x2], $0x4000, $0x38;
	[tilespmem:$0x1F100] =	vst v63  }
0x27f: {  	_ =	swait.ge [sflag:s19], $0x4000  }
0x280: {  	[sflag:s19] =	ssyncset.done $0x0  }
0x281: {  	[sflag:s19] =	ssyncadd.s32 $0xFFFFC000  }
0x282: {  	[spmem:s16] =	stream.linear.scatter [tilespmem:s21], [sflag:$0x2], $0x4000, $0x38;
	[tilespmem:$0x1F100] =	vst v63  }
0x283: {  	_ =	swait.ge [sflag:s19], $0x4000  }
0x284: {  	[sflag:s19] =	ssyncset.done $0x0  }
0x285: {  	[sflag:s19] =	ssyncadd.s32 $0xFFFFC000  }
0x286: {  	[spmem:s17] =	stream.linear.scatter [tilespmem:s21], [sflag:$0x2], $0x4000, $0x38;
	[tilespmem:$0x1F100] =	vst v63  }
0x287: {  	_ =	swait.ge [sflag:s19], $0x4000  }
0x288: {  	[sflag:s19] =	ssyncset.done $0x0  }
0x289: {  	[sflag:s19] =	ssyncadd.s32 $0xFFFFC000  }
0x28a: {  	s0 =	simm.s32 $0x0;
	[bflag:$0x0] =	sbarrier.arrive $0xFFFF  }
0x28b: {  	v10 =	vld [tilespmem:s0+$0x0];
	_ =	sdelay $0x2  }
0x28c: {  	s20 =	simm.s32 $0x0;
	v11 =	vld [tilespmem:s0+$0x10]  }
0x28d: {  	s1 =	sand.u32 $0x780, s20;
	v12 =	vld [tilespmem:s0+$0x2C00]  }
0x28e: {  	s5 =	sor.u32 $0x100000, s1;
	v13 =	vld [tilespmem:s0+$0x20];
	v10 =	vsub.s32 v10, v7  }
0x28f: {  	v15 =	vor.u32 s5, v9;
	v14 =	vld [tilespmem:s0+$0x2C10];
	vm0 =	vlt.u32 v10, $0x100000  }
0x290: {  	v16 =	vld [tilespmem:s0+$0x30];
	v10 =	vsel vm0, v10, v15  }
0x291: {  	s4 =	sor.u32 $0x100010, s1;
	v15 =	vld [tilespmem:s0+$0x2C20];
	[tilespmem:s0+$0x5800] =	vst v10;
	v10 =	vsub.s32 v11, v7  }
0x292: {  	v17 =	vld [tilespmem:s0+$0x40];
	v11 =	vnsel vm0, $0x0, v12;
	v12 =	vor.u32 s4, v9;
	vm0 =	vlt.u32 v10, $0x100000  }
0x293: {  	s5 =	sor.u32 $0x100020, s1;
	v18 =	vld [tilespmem:s0+$0x2C30];
	[tilespmem:s0+$0x8400] =	vst v11;
	v11 =	vsub.s32 v13, v7;
	v10 =	vsel vm0, v10, v12  }
0x294: {  	v13 =	vor.u32 s5, v9;
	v12 =	vnsel vm0, $0x0, v14;
	vm0 =	vlt.u32 v11, $0x100000;
	[tilespmem:s0+$0x5810] =	vst v10;
	v10 =	vld [tilespmem:s0+$0x50]  }
0x295: {  	s4 =	sor.u32 $0x100030, s1;
	[tilespmem:s0+$0x8410] =	vst v12;
	v12 =	vsel vm0, v11, v13;
	v11 =	vld [tilespmem:s0+$0x2C40];
	v13 =	vsub.s32 v16, v7  }
0x296: {  	[tilespmem:s0+$0x5820] =	vst v12;
	v14 =	vnsel vm0, $0x0, v15;
	v12 =	vld [tilespmem:s0+$0x60];
	vm0 =	vlt.u32 v13, $0x100000;
	v15 =	vor.u32 s4, v9  }
0x297: {  	s5 =	sor.u32 $0x100040, s1;
	[tilespmem:s0+$0x8420] =	vst v14;
	v14 =	vsel vm0, v13, v15;
	v13 =	vld [tilespmem:s0+$0x2C50];
	v15 =	vsub.s32 v17, v7  }
0x298: {  	s3 =	simm.s32 $0x200;
	v16 =	vnsel vm0, $0x0, v18;
	v17 =	vor.u32 s5, v9;
	[tilespmem:s0+$0x5830] =	vst v14;
	vm0 =	vlt.u32 v15, $0x100000;
	v14 =	vld [tilespmem:s0+$0x70]  }
.LBB2_18:
0x299: {  	p0 =	sne.s32 s3, $0xA200;
	[tilespmem:s0+$0x8430] =	vst v16;
	v15 =	vsel vm0, v15, v17;
	v10 =	vsub.s32 v10, v7;
	s4 =	sor.u32 $0x100050, s1;
	v16 =	vld [tilespmem:s0+$0x2C60]  }
0x29a: {  	[tilespmem:s0+$0x5840] =	vst v15;
	v11 =	vnsel vm0, $0x0, v11;
	vm0 =	vlt.u32 v10, $0x100000;
	v15 =	vor.u32 s4, v9  }
0x29b: {  	s4 =	sor.u32 $0x100060, s1;
	[tilespmem:s0+$0x8440] =	vst v11;
	v10 =	vsel vm0, v10, v15;
	v11 =	vsub.s32 v12, v7;
	v12 =	vld [tilespmem:s0+$0x2C70]  }
0x29c: {  	[tilespmem:s0+$0x5850] =	vst v10;
	v10 =	vnsel vm0, $0x0, v13;
	vm0 =	vlt.u32 v11, $0x100000;
	v13 =	vor.u32 s4, v9  }
0x29d: {  	s1 =	sor.u32 $0x100070, s1;
	[tilespmem:s0+$0x8450] =	vst v10;
	v10 =	vsel vm0, v11, v13;
	v11 =	vsub.s32 v14, v7  }
0x29e: {  	v13 =	vor.u32 s1, v9;
	[tilespmem:s0+$0x5860] =	vst v10;
	v10 =	vnsel vm0, $0x0, v16;
	vm0 =	vlt.u32 v11, $0x100000  }
0x29f: {  	[tilespmem:s0+$0x8460] =	vst v10;
	v10 =	vsel vm0, v11, v13  }
0x2a0: {  	s5 =	sadd.s32 $0x8400, s0;
	s4 =	sadd.s32 $0x5800, s0;
	s1 =	sshra.s32 s3, $0x2;
	[tilespmem:s0+$0x5870] =	vst v10;
	v10 =	vnsel vm0, $0x0, v12  }
0x2a1: {  	[tilespmem:s0+$0x8470] =	vst v10;
	[spmem:s2] =	stream.indirect.scatter.add.f32 [tilespmem:s5], [sflag:$0x1], $0x1, s4, s22, $0xb8  }
0x2a2: {  	s0 =	smov.u32 s1;
	v10 =	vld [tilespmem:s1+$0x0];
	_ =	sdelay $0x1  }
0x2a3: {  	v11 =	vld [tilespmem:s0+$0x10]  }
0x2a4: {  	s20 =	sadd.s32 $0x80, s20;
	v12 =	vld [tilespmem:s0+$0x2C00]  }
0x2a5: {  	s1 =	sand.u32 $0x780, s20;
	v13 =	vld [tilespmem:s0+$0x20]  }
0x2a6: {  	s4 =	sor.u32 $0x100000, s1;
	v10 =	vsub.s32 v10, v7;
	v14 =	vld [tilespmem:s0+$0x2C10]  }
0x2a7: {  	v15 =	vor.u32 s4, v9;
	vm0 =	vlt.u32 v10, $0x100000;
	v16 =	vld [tilespmem:s0+$0x30]  }
0x2a8: {  	s4 =	sor.u32 $0x100010, s1;
	v10 =	vsel vm0, v10, v15;
	v11 =	vsub.s32 v11, v7;
	v15 =	vld [tilespmem:s0+$0x2C20]  }
0x2a9: {  	[tilespmem:s0+$0x5800] =	vst v10;
	v10 =	vnsel vm0, $0x0, v12;
	vm0 =	vlt.u32 v11, $0x100000;
	v12 =	vor.u32 s4, v9;
	v17 =	vld [tilespmem:s0+$0x40]  }
0x2aa: {  	s4 =	sor.u32 $0x100020, s1;
	[tilespmem:s0+$0x8400] =	vst v10;
	v10 =	vsel vm0, v11, v12;
	v11 =	vsub.s32 v13, v7;
	v18 =	vld [tilespmem:s0+$0x2C30]  }
.Ltmp8:
0x2ab: {  	v13 =	vor.u32 s4, v9;
	[tilespmem:s0+$0x5810] =	vst v10;
	v12 =	vnsel vm0, $0x0, v14;
	vm0 =	vlt.u32 v11, $0x100000;
	v10 =	vld [tilespmem:s0+$0x50];
	(pc) =	sbr.rel @p0 .LBB2_18-.Ltmp8, $4  }
0x2ac: {  	s4 =	sor.u32 $0x100030, s1;
	[tilespmem:s0+$0x8410] =	vst v12;
	v12 =	vsel vm0, v11, v13;
	v13 =	vsub.s32 v16, v7;
	v11 =	vld [tilespmem:s0+$0x2C40]  }
0x2ad: {  	[tilespmem:s0+$0x5820] =	vst v12;
	v14 =	vnsel vm0, $0x0, v15;
	vm0 =	vlt.u32 v13, $0x100000;
	v15 =	vor.u32 s4, v9;
	v12 =	vld [tilespmem:s0+$0x60]  }
0x2ae: {  	s4 =	sor.u32 $0x100040, s1;
	[tilespmem:s0+$0x8420] =	vst v14;
	v14 =	vsel vm0, v13, v15;
	v15 =	vsub.s32 v17, v7;
	v13 =	vld [tilespmem:s0+$0x2C50]  }
0x2af: {  	s3 =	sadd.s32 $0x200, s3;
	v17 =	vor.u32 s4, v9;
	[tilespmem:s0+$0x5830] =	vst v14;
	v16 =	vnsel vm0, $0x0, v18;
	vm0 =	vlt.u32 v15, $0x100000;
	v14 =	vld [tilespmem:s0+$0x70]  }
0x2b0: {  	[tilespmem:s0+$0x8430] =	vst v16;
	v15 =	vsel vm0, v15, v17;
	v59 =	vld [tilespmem:s0+$0x2C60];
	v10 =	vsub.s32 v10, v7;
	s3 =	sor.u32 $0x100050, s1  }
0x2b1: {  	[tilespmem:s0+$0x5840] =	vst v15;
	v11 =	vnsel vm0, $0x0, v11;
	vm13 =	vlt.u32 v10, $0x100000;
	v60 =	vor.u32 s3, v9  }
0x2b2: {  	s20 =	sor.u32 $0x100060, s1;
	v61 =	vld [tilespmem:s0+$0x2C70];
	[tilespmem:s0+$0x8440] =	vst v11;
	v10 =	vsel vm13, v10, v60;
	v11 =	vsub.s32 v12, v7  }
0x2b3: {  	v62 =	vor.u32 s20, v9;
	[tilespmem:s0+$0x5850] =	vst v10;
	v10 =	vnsel vm13, $0x0, v13;
	vm14 =	vlt.u32 v11, $0x100000  }
0x2b4: {  	s4 =	sor.u32 $0x100070, s1;
	[tilespmem:s0+$0x8450] =	vst v10;
	v10 =	vsel vm14, v11, v62;
	v11 =	vsub.s32 v14, v7  }
0x2b5: {  	v63 =	vor.u32 s4, v9;
	[tilespmem:s0+$0x5860] =	vst v10;
	v10 =	vnsel vm14, $0x0, v59;
	vm15 =	vlt.u32 v11, $0x100000  }
0x2b6: {  	[tilespmem:s0+$0x8460] =	vst v10;
	v10 =	vsel vm15, v11, v63  }
0x2b7: {  	[tilespmem:s0+$0x5870] =	vst v10;
	v10 =	vnsel vm15, $0x0, v61  }
0x2b8: {  	s5 =	sadd.s32 $0x5800, s0;
	s20 =	sadd.s32 $0x8400, s0;
	[tilespmem:s0+$0x8470] =	vst v10  }
0x2b9: {  	[spmem:s2] =	stream.indirect.scatter.add.f32 [tilespmem:s20], [sflag:$0x1], $0x1, s5, s22, $0xb8;
	[tilespmem:$0x1F100] =	vst v63  }
0x2ba: {  	_ =	swait.ge [sflag:s23], $0x2900  }
0x2bb: {  	[sflag:s23] =	ssyncset.done $0x0  }
0x2bc: {  	[sflag:s23] =	ssyncadd.s32 $0xFFFFD700  }
0x2bd: {  	[tilespmem:s25], [sflag:$0x2] =	stream.indirect.gather [spmem:s2], $0x1, s24, s22, $0xb8;
	[tilespmem:$0x1F100] =	vst v63  }
0x2be: {  	_ =	swait.ge [sflag:s19], $0x80  }
0x2bf: {  	[sflag:s19] =	ssyncset.done $0x0  }
0x2c0: {  	[sflag:s19] =	ssyncadd.s32 $0xFFFFFF80  }
0x2c1: {  	[tilespmem:s25], [sflag:$0x2] =	stream.indirect.gather [spmem:s2], $0x1, s26, s22, $0xb8;
	[tilespmem:$0x1F100] =	vst v63  }
0x2c2: {  	_ =	swait.ge [sflag:s19], $0x80  }
0x2c3: {  	[sflag:s19] =	ssyncset.done $0x0  }
0x2c4: {  	[sflag:s19] =	ssyncadd.s32 $0xFFFFFF80  }
0x2c5: {  	[tilespmem:s25], [sflag:$0x2] =	stream.indirect.gather [spmem:s2], $0x1, s28, s22, $0xb8;
	[tilespmem:$0x1F100] =	vst v63  }
0x2c6: {  	_ =	swait.ge [sflag:s19], $0x80  }
0x2c7: {  	[sflag:s19] =	ssyncset.done $0x0  }
0x2c8: {  	s29 =	sadd.s32 $0x1, s29;
	[sflag:s19] =	ssyncadd.s32 $0xFFFFFF80  }
0x2c9: {  	p0 =	sne.s32 s29, s18;
	[bflag:$0x0] =	sbarrier.arrive $0xFFFF  }
0x2ca: {  	[hbm:s15], [sflag:s30] =	dma.local [spmem:s31], $0x2000  }
.Ltmp9:
0x2cb: {  	_ =	swait.ge [sflag:s19], $0x2000;
	(pc) =	sbr.rel @p0 .LBB2_1-.Ltmp9, $3  }
0x2cc: {  	[sflag:s19] =	ssyncset.done $0x0  }
0x2cd: {  	[sflag:s19] =	ssyncadd.s32 $0xFFFFE000  }
0x2ce: {  	[bflag:$0x0] =	sbarrier.arrive $0xFFFF;
	_ =	sdelay $0x1  }
0x2cf: {  	_ =	sfence.sel $0x180000  }
0x2d0: {  	[bflag:$0x0] =	sbarrier.arrive $0xFFFF  }
0x2d1: {  	_ =	strace $0x90000047  }
0x2d2: {  	s0 =	stileid.u32;
	[bflag:$0x2] =	sbarrier.arrive $0xFFFF  }
0x2d3: {  	p0 =	sne.s32 s0, $0x0;
	s0 =	rddreg [dreg:$0x3]  }
0x2d4: {  	s0 =	sadd.s32 @!p0 $0x100000, s0  }
0x2d5: {  	[sflag:s0] =	ssyncadd.tile.s32 @!p0 $0x1;
	_ =	shalt  }
.Lfunc_end2:
_tile_overlayer_lowered:
.L_overlay_start_2:
0x2d6: {  	(tag) =	ssettag $0x2  }
0x2d7: {  	s0 =	rddreg [dreg:$0x0];
	s2 =	stileid.u32  }
0x2d8: {  	s1 =	rddreg [dreg:$0x1];
	p0 =	sne.s32 s2, $0x0  }
0x2d9: {  	s3 =	rddreg [dreg:$0x2];
	[bflag:$0x3] =	sbarrier.arrive $0xFFFF;
	s2 =	simm.s32 @!p0 $0x1C02  }
0x2da: {  	[timem:s3], [sflag:s2] =	dma.local @!p0 [hbm:s0], s1  }
0x2db: {  	s0 =	simm.s32 @!p0 $0x2  }
0x2dc: {  	_ =	swait.ge @!p0 [sflag:s0], s1  }
0x2dd: {  	s1 =	ssub.s32 @!p0 $0x0, s1;
	[sflag:s0] =	ssyncset.done @!p0 $0x0  }
0x2de: {  	[sflag:s0] =	ssyncadd.s32 @!p0 s1  }
0x2df: {  	[bflag:$0x3] =	sbarrier.arrive $0xFFFF  }
0x2e0: {  	_ =	shalt  }

</sc_bundles>
